<compile_context>
chip_gen: v7x
topology: tpu7x:2x2x1
jax: 0.10.2.dev20260603
libtpu: 0.0.44.dev20260713+nightly
codegen_flags: <defaults>
</compile_context>

<pallas_src>
import jax
import jax.numpy as jnp
from jax import lax
from jax.experimental import pallas as pl
from jax.experimental.pallas import tpu as pltpu
from jax.experimental.pallas import tpu_sc as plsc

_B, _H, _W, _C = 64, 128, 128, 4
_HW = _H * _W
_L = 16
_GPR = _W // _L
_BIG = 1 << 30
_W3, _W1 = 16, 32

_NC, _NS = 2, 16
_NW = _NC * _NS
_SPT = _B // _NW

_mesh = plsc.VectorSubcoreMesh(core_axis_name="c", subcore_axis_name="s",
                               num_cores=_NC, num_subcores=_NS)


def _oracle_body(x_hbm, out1, out2,
                 xb3a, xb1a, xb3b, xb1b, zbuf,
                 iw3a, iw1a, iw3b, iw1b, ifull,
                 s3a, s1a, s3b, s1b, so2a, so2b, so1):
    wid = lax.axis_index("s") * _NC + lax.axis_index("c")
    iota = lax.iota(jnp.int32, _L)
    zeros_v = jnp.zeros((_L,), jnp.float32)
    big_v = jnp.full((_L,), _BIG, jnp.int32)
    lane0 = iota == 0
    cvecs = [iota + 16 * j for j in range(_GPR)]

    b0 = wid * _SPT
    b1 = b0 + 1

    def write_idx(ref, b, ch, nrows):
        base = b * (_H * _C) + ch
        for g in range(nrows // _L):
            ref[pl.ds(_L * g, _L)] = base + 4 * (iota + _L * g)

    write_idx(iw3a, b0, 3, _W3)
    write_idx(iw1a, b0, 1, _W1)
    write_idx(iw3b, b1, 3, _W3)
    write_idx(iw1b, b1, 1, _W1)
    c3a = pltpu.async_copy(x_hbm.at[iw3a], xb3a.at[pl.ds(0, _W3)], s3a)
    c1a = pltpu.async_copy(x_hbm.at[iw1a], xb1a.at[pl.ds(0, _W1)], s1a)
    c3b = pltpu.async_copy(x_hbm.at[iw3b], xb3b.at[pl.ds(0, _W3)], s3b)
    c1b = pltpu.async_copy(x_hbm.at[iw1b], xb1b.at[pl.ds(0, _W1)], s1b)

    def zero_body(r, carry):
        for j in range(_GPR):
            zbuf[r, pl.ds(16 * j, _L)] = zeros_v
        return carry

    lax.fori_loop(0, _H, zero_body, 0)
    o2a = pltpu.async_copy(zbuf, out2.at[b0], so2a)
    o2b = pltpu.async_copy(zbuf, out2.at[b1], so2b)

    def phase1(buf, nchunks):
        def p1_body(r, acc):
            rb_v = jnp.broadcast_to(r * _W, (_L,))
            for j in range(_GPR):
                v = buf[r, pl.ds(16 * j, _L)]
                cand = jnp.where(v == 1.0, rb_v + cvecs[j], _BIG)
                acc = jnp.minimum(acc, cand)
            return acc

        def chunk_cond(c):
            k, mn = c
            return (k < nchunks) & (mn >= _BIG)

        def chunk_body(c):
            k, mn = c
            acc = lax.fori_loop(8 * k, 8 * k + 8, p1_body, big_v)
            return k + 1, jnp.minimum(mn, jnp.min(acc))

        _, mn = lax.while_loop(chunk_cond, chunk_body,
                               (jnp.int32(0), jnp.int32(_BIG)))
        return mn

    def phase2_scan(buf, opp_min, windowed):
        has_opp = opp_min < _BIG
        opp_flat = jnp.where(has_opp, opp_min, 0)
        opp_r = opp_flat >> 7
        opp_c = opp_flat & (_W - 1)
        oc_v = jnp.broadcast_to(opp_c, (_L,))
        keys_j = []
        for j in range(_GPR):
            dc = cvecs[j] - oc_v
            keys_j.append(dc * dc * _HW + cvecs[j])

        def scan_row(row, s_row, acc):
            s_v = jnp.broadcast_to(s_row, (_L,))
            for j in range(_GPR):
                v = buf[row, pl.ds(16 * j, _L)]
                acc = jnp.minimum(acc,
                                  jnp.where(v == 1.0, s_v + keys_j[j], _BIG))
            return acc

        def out_cond(c):
            d, best, bail = c
            return (d < _H) & (d * d * _HW <= best) & (~bail)

        def out_body(c):
            d, best, bail = c
            dd = d * d * _HW
            r_lo = opp_r - d
            r_hi = opp_r + d
            if windowed:
                bail = bail | ((r_hi < _H) & (r_hi >= _W1))
            s_lo = jnp.where(r_lo >= 0, dd + r_lo * _W, _BIG)
            s_hi = jnp.where(r_hi < _H, dd + r_hi * _W, _BIG)
            acc = scan_row(jnp.maximum(r_lo, 0), s_lo, big_v)
            acc = scan_row(jnp.minimum(r_hi, _H - 1), s_hi, acc)
            return d + 1, jnp.minimum(best, jnp.min(acc)), bail

        _, fkey, bail = lax.while_loop(
            out_cond, out_body,
            (jnp.int32(0), jnp.int32(_BIG), jnp.bool_(False)))
        return fkey, bail

    def full_logic(buf, opp_min):
        has_opp = opp_min < _BIG
        opp_flat = jnp.where(has_opp, opp_min, 0)
        fkey, _ = phase2_scan(buf, opp_min, windowed=False)
        tgt = jnp.where(fkey < _BIG, fkey & (_HW - 1), 0)
        opp_is_start = has_opp & (opp_flat == 3 * _W + 6)
        common = has_opp & (~opp_is_start)

        def count_food(_):
            def body(r, cnt):
                for j in range(_GPR):
                    m = buf[r, pl.ds(16 * j, _L)] == 1.0
                    cnt = cnt + m.astype(jnp.int32)
                return cnt

            return jnp.sum(lax.fori_loop(0, _H, body,
                                         jnp.zeros((_L,), jnp.int32)))

        n_food = lax.cond(common, lambda _: jnp.int32(2), count_food, 0)

        has_food = fkey < _BIG
        use_argmin = jnp.where(common, has_food, n_food == 1)
        target = jnp.where(use_argmin, tgt, 0)
        val = jnp.where(jnp.where(common, has_food, n_food > 0),
                        jnp.float32(1.0), jnp.float32(0.0))
        return target, val

    def sample(b, xb3, xb1, c3, c1, s3, s1):
        c3.wait()
        mnw = phase1(xb3, _W3 // 8)
        c1.wait()
        fkey_w, bail = phase2_scan(xb1, mnw, windowed=True)
        has_opp_w = mnw < _BIG
        opp_is_start = has_opp_w & (mnw == 3 * _W + 6)
        fast_ok = has_opp_w & (~opp_is_start) & (~bail)

        def fast(_):
            has_food = fkey_w < _BIG
            return (jnp.where(has_food, fkey_w & (_HW - 1), 0),
                    jnp.where(has_food, jnp.float32(1.0), jnp.float32(0.0)))

        def slow(_):
            base3 = b * (_H * _C) + 3
            for g in range(_H // _L):
                ifull[pl.ds(_L * g, _L)] = base3 + 4 * (iota + _L * g)
            pltpu.async_copy(x_hbm.at[ifull], xb3, s3).wait()
            base1 = b * (_H * _C) + 1
            for g in range(_H // _L):
                ifull[pl.ds(_L * g, _L)] = base1 + 4 * (iota + _L * g)
            pltpu.async_copy(x_hbm.at[ifull], xb1, s1).wait()
            opp = phase1(xb3, _H // 8)
            return full_logic(xb1, opp)

        return lax.cond(fast_ok, fast, slow, 0)

    def scatter(target, val):
        tr_v = jnp.broadcast_to(target >> 7, (_L,))
        tc_v = jnp.broadcast_to(target & (_W - 1), (_L,))
        plsc.store_scatter(zbuf, [tr_v, tc_v],
                           jnp.broadcast_to(val, (_L,)), mask=lane0)
        return tr_v, tc_v

    target0, val0 = sample(b0, xb3a, xb1a, c3a, c1a, s3a, s1a)
    o2a.wait()
    o2b.wait()
    tr0, tc0 = scatter(target0, val0)
    o1a = pltpu.async_copy(zbuf, out1.at[b0], so1)

    target1, val1 = sample(b1, xb3b, xb1b, c3b, c1b, s3b, s1b)
    o1a.wait()
    plsc.store_scatter(zbuf, [tr0, tc0], zeros_v, mask=lane0)
    scatter(target1, val1)
    pltpu.sync_copy(zbuf, out1.at[b1])


_oracle = pl.kernel(
    _oracle_body,
    out_type=[jax.ShapeDtypeStruct((_B, _H, _W), jnp.float32),
              jax.ShapeDtypeStruct((_B, _H, _W), jnp.float32)],
    mesh=_mesh,
    scratch_types=[pltpu.VMEM((_H, _W), jnp.float32),
                   pltpu.VMEM((_H, _W), jnp.float32),
                   pltpu.VMEM((_H, _W), jnp.float32),
                   pltpu.VMEM((_H, _W), jnp.float32),
                   pltpu.VMEM((_H, _W), jnp.float32),
                   pltpu.VMEM((_W3,), jnp.int32),
                   pltpu.VMEM((_W1,), jnp.int32),
                   pltpu.VMEM((_W3,), jnp.int32),
                   pltpu.VMEM((_W1,), jnp.int32),
                   pltpu.VMEM((_H,), jnp.int32),
                   pltpu.SemaphoreType.DMA,
                   pltpu.SemaphoreType.DMA,
                   pltpu.SemaphoreType.DMA,
                   pltpu.SemaphoreType.DMA,
                   pltpu.SemaphoreType.DMA,
                   pltpu.SemaphoreType.DMA,
                   pltpu.SemaphoreType.DMA],
    compiler_params=pltpu.CompilerParams(needs_layout_passes=False),
)


@jax.jit
def kernel(x, history):
    del history
    x_t = jnp.transpose(x, (0, 1, 3, 2)).reshape(_B * _H * _C, _W)
    out1, out2 = _oracle(x_t)
    return out1, out2

# --- scband reference (transcript-rebuilt; emitter-appended) ---
"""Pipeline reference for scband-opponent-model-oracle-45449343926475 (READ-ONLY COPY).

The authoritative reference and input builder live on the scoring server;
editing this copy changes nothing except your own understanding.
"""

import jax, jax.numpy as jnp
import numpy as np

B, H, W, C = 64, 128, 128, 4

def setup_inputs(seed: int = 0) -> dict:
    key = jax.random.key(seed)
    # binary feature grid: x[..., ch] == 1 marks food (ch=1) / opponent (ch=3) cells
    x = jax.random.randint(key, (B, H, W, C), 0, 2).astype(jnp.float32)
    return {"x": x, "history": 0}


def reference(x, history):
    # Faithful vectorized translation of the per-batch torch loop.
    # For each sample b:
    #   food cells  = x[b,:,:,1] == 1   (row-major order, like torch.nonzero)
    #   opponent    = first cell (row-major) with x[b,:,:,3] == 1
    #   if n_food > 1 and opp != (3,6): target = food cell nearest to opp
    #     (the tie-breaking `diff < 0.1` branch in the torch code is dead code:
    #      it is unconditionally overwritten by food_indices[argmin(dists)])
    #   elif n_food == 1: target = the single food cell
    #   else (n_food > 1 and opp == start): target stays (0,0)
    #   if n_food > 0: g_map[b, target] = 1.0
    Bs, Hs, Ws, _ = x.shape
    food = x[..., 1] == 1.0
    opp_mask = (x[..., 3] == 1.0).reshape(Bs, Hs * Ws)
    has_opp = opp_mask.any(axis=1)
    opp_flat = jnp.argmax(opp_mask, axis=1)  # first True in row-major order
    opp_r = (opp_flat // Ws).astype(jnp.float32)
    opp_c = (opp_flat % Ws).astype(jnp.float32)

    rows = jnp.arange(Hs, dtype=jnp.float32)[None, :, None]
    cols = jnp.arange(Ws, dtype=jnp.float32)[None, None, :]
    dist = jnp.sqrt((rows - opp_r[:, None, None]) ** 2 + (cols - opp_c[:, None, None]) ** 2)
    dist_masked = jnp.where(food, dist, jnp.inf)
    tgt_flat = jnp.argmin(dist_masked.reshape(Bs, Hs * Ws), axis=1)  # first min, row-major (matches torch.argmin over food order)
    t_r = tgt_flat // Ws
    t_c = tgt_flat % Ws

    n_food = food.reshape(Bs, -1).sum(axis=1)
    opp_is_start = (opp_r == 3.0) & (opp_c == 6.0) & has_opp
    use_argmin = ((n_food > 1) & has_opp & (~opp_is_start)) | (n_food == 1)

    target_r = jnp.where(use_argmin, t_r, 0)
    target_c = jnp.where(use_argmin, t_c, 0)
    vals = (n_food > 0).astype(jnp.float32)

    g_map = jnp.zeros((Bs, Hs, Ws), dtype=jnp.float32)
    g_map = g_map.at[jnp.arange(Bs), target_r, target_c].set(vals)
    return (g_map, jnp.zeros_like(g_map))

if __name__ == "__main__":
    import jax
    _d = setup_inputs()
    print(jax.jit(kernel)(*tuple(_d.values())))

</pallas_src>

<mosaic_0001>
#map = affine_map<(d0, d1) -> (0, 0)>
#map1 = affine_map<(d0, d1) -> (0, 0, 0)>
module attributes {stable_mosaic.version = 14 : i64} {
  func.func @_oracle_body(%arg0: i32, %arg1: i32, %arg2: memref<32768x128xf32, #tpu.memory_space<hbm>>, %arg3: memref<64x128x128xf32, #tpu.memory_space<hbm>>, %arg4: memref<64x128x128xf32, #tpu.memory_space<hbm>>, %arg5: memref<128x128xf32, #tpu.memory_space<vmem>>, %arg6: memref<128x128xf32, #tpu.memory_space<vmem>>, %arg7: memref<128x128xf32, #tpu.memory_space<vmem>>, %arg8: memref<128x128xf32, #tpu.memory_space<vmem>>, %arg9: memref<128x128xf32, #tpu.memory_space<vmem>>, %arg10: memref<16xi32, #tpu.memory_space<vmem>>, %arg11: memref<32xi32, #tpu.memory_space<vmem>>, %arg12: memref<16xi32, #tpu.memory_space<vmem>>, %arg13: memref<32xi32, #tpu.memory_space<vmem>>, %arg14: memref<128xi32, #tpu.memory_space<vmem>>, %arg15: memref<!tpu.dma_semaphore, #tpu.memory_space<semaphore_mem>>, %arg16: memref<!tpu.dma_semaphore, #tpu.memory_space<semaphore_mem>>, %arg17: memref<!tpu.dma_semaphore, #tpu.memory_space<semaphore_mem>>, %arg18: memref<!tpu.dma_semaphore, #tpu.memory_space<semaphore_mem>>, %arg19: memref<!tpu.dma_semaphore, #tpu.memory_space<semaphore_mem>>, %arg20: memref<!tpu.dma_semaphore, #tpu.memory_space<semaphore_mem>>, %arg21: memref<!tpu.dma_semaphore, #tpu.memory_space<semaphore_mem>>) attributes {dimension_semantics = [#tpu.dimension_semantics<core_parallel>, #tpu.dimension_semantics<subcore_parallel>], iteration_bounds = array<i64: 2, 16>, scalar_prefetch = 0 : i64, scratch_operands = 17 : i64, tpu.core_type = #tpu.core_type<sc_vector_subcore>, window_params = [{transform_indices = #map}, {transform_indices = #map1}, {transform_indices = #map1}]} {
    %mul3A = arith.constant 2 : i32
    %mul3A_0 = arith.muli %arg1, %mul3A : i32
    %add3A = arith.addi %mul3A_0, %arg0 : i32
    %iota3A = tpu.iota {dimensions = array<i32: 0>} : vector<16xi32>
    %broadcast_in_dim3A = arith.constant 0.000000e+00 : f32
    %broadcast_in_dim3A_1 = vector.broadcast %broadcast_in_dim3A : f32 to vector<16xf32>
    %broadcast_in_dim3A_2 = arith.constant 1073741824 : i32
    %broadcast_in_dim3A_3 = vector.broadcast %broadcast_in_dim3A_2 : i32 to vector<16xi32>
    %eq3A = arith.constant 0 : i32
    %eq3A_4 = vector.broadcast %eq3A : i32 to vector<16xi32>
    %eq3A_5 = arith.cmpi eq, %iota3A, %eq3A_4 : vector<16xi32>
    %add3A_6 = arith.constant 0 : i32
    %add3A_7 = vector.broadcast %add3A_6 : i32 to vector<16xi32>
    %add3A_8 = arith.addi %iota3A, %add3A_7 : vector<16xi32>
    %add3A_9 = arith.constant 16 : i32
    %add3A_10 = vector.broadcast %add3A_9 : i32 to vector<16xi32>
    %add3A_11 = arith.addi %iota3A, %add3A_10 : vector<16xi32>
    %add3A_12 = arith.constant 32 : i32
    %add3A_13 = vector.broadcast %add3A_12 : i32 to vector<16xi32>
    %add3A_14 = arith.addi %iota3A, %add3A_13 : vector<16xi32>
    %add3A_15 = arith.constant 48 : i32
    %add3A_16 = vector.broadcast %add3A_15 : i32 to vector<16xi32>
    %add3A_17 = arith.addi %iota3A, %add3A_16 : vector<16xi32>
    %add3A_18 = arith.constant 64 : i32
    %add3A_19 = vector.broadcast %add3A_18 : i32 to vector<16xi32>
    %add3A_20 = arith.addi %iota3A, %add3A_19 : vector<16xi32>
    %add3A_21 = arith.constant 80 : i32
    %add3A_22 = vector.broadcast %add3A_21 : i32 to vector<16xi32>
    %add3A_23 = arith.addi %iota3A, %add3A_22 : vector<16xi32>
    %add3A_24 = arith.constant 96 : i32
    %add3A_25 = vector.broadcast %add3A_24 : i32 to vector<16xi32>
    %add3A_26 = arith.addi %iota3A, %add3A_25 : vector<16xi32>
    %add3A_27 = arith.constant 112 : i32
    %add3A_28 = vector.broadcast %add3A_27 : i32 to vector<16xi32>
    %add3A_29 = arith.addi %iota3A, %add3A_28 : vector<16xi32>
    %mul3A_30 = arith.constant 2 : i32
    %mul3A_31 = arith.muli %add3A, %mul3A_30 : i32
    %add3A_32 = arith.constant 1 : i32
    %add3A_33 = arith.addi %mul3A_31, %add3A_32 : i32
    %mul3A_34 = arith.constant 512 : i32
    %mul3A_35 = arith.muli %mul3A_31, %mul3A_34 : i32
    %add3A_36 = arith.constant 3 : i32
    %add3A_37 = arith.addi %mul3A_35, %add3A_36 : i32
    %add3A_38 = arith.constant 0 : i32
    %add3A_39 = vector.broadcast %add3A_38 : i32 to vector<16xi32>
    %add3A_40 = arith.addi %iota3A, %add3A_39 : vector<16xi32>
    %mul3A_41 = arith.constant 4 : i32
    %mul3A_42 = vector.broadcast %mul3A_41 : i32 to vector<16xi32>
    %mul3A_43 = arith.muli %mul3A_42, %add3A_40 : vector<16xi32>
    %add3A_44 = vector.broadcast %add3A_37 : i32 to vector<16xi32>
    %add3A_45 = arith.addi %add3A_44, %mul3A_43 : vector<16xi32>
    %swap3A = arith.constant 0 : index
    %swap3A_46 = tpu.vector_load %arg10[%swap3A] {strides = array<i32>} : memref<16xi32, #tpu.memory_space<vmem>>, vector<16xi32>,
    tpu.vector_store %arg10[%swap3A], %add3A_45 {strides = array<i32>} : memref<16xi32, #tpu.memory_space<vmem>>, vector<16xi32>,
    %mul3A_47 = arith.constant 512 : i32
    %mul3A_48 = arith.muli %mul3A_31, %mul3A_47 : i32
    %add3A_49 = arith.constant 1 : i32
    %add3A_50 = arith.addi %mul3A_48, %add3A_49 : i32
    %add3A_51 = arith.constant 0 : i32
    %add3A_52 = vector.broadcast %add3A_51 : i32 to vector<16xi32>
    %add3A_53 = arith.addi %iota3A, %add3A_52 : vector<16xi32>
    %mul3A_54 = arith.constant 4 : i32
    %mul3A_55 = vector.broadcast %mul3A_54 : i32 to vector<16xi32>
    %mul3A_56 = arith.muli %mul3A_55, %add3A_53 : vector<16xi32>
    %add3A_57 = vector.broadcast %add3A_50 : i32 to vector<16xi32>
    %add3A_58 = arith.addi %add3A_57, %mul3A_56 : vector<16xi32>
    %swap3A_59 = arith.constant 0 : index
    %swap3A_60 = tpu.vector_load %arg11[%swap3A_59] {strides = array<i32>} : memref<32xi32, #tpu.memory_space<vmem>>, vector<16xi32>,
    tpu.vector_store %arg11[%swap3A_59], %add3A_58 {strides = array<i32>} : memref<32xi32, #tpu.memory_space<vmem>>, vector<16xi32>,
    %add3A_61 = arith.constant 16 : i32
    %add3A_62 = vector.broadcast %add3A_61 : i32 to vector<16xi32>
    %add3A_63 = arith.addi %iota3A, %add3A_62 : vector<16xi32>
    %mul3A_64 = arith.constant 4 : i32
    %mul3A_65 = vector.broadcast %mul3A_64 : i32 to vector<16xi32>
    %mul3A_66 = arith.muli %mul3A_65, %add3A_63 : vector<16xi32>
    %add3A_67 = vector.broadcast %add3A_50 : i32 to vector<16xi32>
    %add3A_68 = arith.addi %add3A_67, %mul3A_66 : vector<16xi32>
    %swap3A_69 = arith.constant 16 : index
    %swap3A_70 = tpu.vector_load %arg11[%swap3A_69] {strides = array<i32>} : memref<32xi32, #tpu.memory_space<vmem>>, vector<16xi32>,
    tpu.vector_store %arg11[%swap3A_69], %add3A_68 {strides = array<i32>} : memref<32xi32, #tpu.memory_space<vmem>>, vector<16xi32>,
    %mul3A_71 = arith.constant 512 : i32
    %mul3A_72 = arith.muli %add3A_33, %mul3A_71 : i32
    %add3A_73 = arith.constant 3 : i32
    %add3A_74 = arith.addi %mul3A_72, %add3A_73 : i32
    %add3A_75 = arith.constant 0 : i32
    %add3A_76 = vector.broadcast %add3A_75 : i32 to vector<16xi32>
    %add3A_77 = arith.addi %iota3A, %add3A_76 : vector<16xi32>
    %mul3A_78 = arith.constant 4 : i32
    %mul3A_79 = vector.broadcast %mul3A_78 : i32 to vector<16xi32>
    %mul3A_80 = arith.muli %mul3A_79, %add3A_77 : vector<16xi32>
    %add3A_81 = vector.broadcast %add3A_74 : i32 to vector<16xi32>
    %add3A_82 = arith.addi %add3A_81, %mul3A_80 : vector<16xi32>
    %swap3A_83 = arith.constant 0 : index
    %swap3A_84 = tpu.vector_load %arg12[%swap3A_83] {strides = array<i32>} : memref<16xi32, #tpu.memory_space<vmem>>, vector<16xi32>,
    tpu.vector_store %arg12[%swap3A_83], %add3A_82 {strides = array<i32>} : memref<16xi32, #tpu.memory_space<vmem>>, vector<16xi32>,
    %mul3A_85 = arith.constant 512 : i32
    %mul3A_86 = arith.muli %add3A_33, %mul3A_85 : i32
    %add3A_87 = arith.constant 1 : i32
    %add3A_88 = arith.addi %mul3A_86, %add3A_87 : i32
    %add3A_89 = arith.constant 0 : i32
    %add3A_90 = vector.broadcast %add3A_89 : i32 to vector<16xi32>
    %add3A_91 = arith.addi %iota3A, %add3A_90 : vector<16xi32>
    %mul3A_92 = arith.constant 4 : i32
    %mul3A_93 = vector.broadcast %mul3A_92 : i32 to vector<16xi32>
    %mul3A_94 = arith.muli %mul3A_93, %add3A_91 : vector<16xi32>
    %add3A_95 = vector.broadcast %add3A_88 : i32 to vector<16xi32>
    %add3A_96 = arith.addi %add3A_95, %mul3A_94 : vector<16xi32>
    %swap3A_97 = arith.constant 0 : index
    %swap3A_98 = tpu.vector_load %arg13[%swap3A_97] {strides = array<i32>} : memref<32xi32, #tpu.memory_space<vmem>>, vector<16xi32>,
    tpu.vector_store %arg13[%swap3A_97], %add3A_96 {strides = array<i32>} : memref<32xi32, #tpu.memory_space<vmem>>, vector<16xi32>,
    %add3A_99 = arith.constant 16 : i32
    %add3A_100 = vector.broadcast %add3A_99 : i32 to vector<16xi32>
    %add3A_101 = arith.addi %iota3A, %add3A_100 : vector<16xi32>
    %mul3A_102 = arith.constant 4 : i32
    %mul3A_103 = vector.broadcast %mul3A_102 : i32 to vector<16xi32>
    %mul3A_104 = arith.muli %mul3A_103, %add3A_101 : vector<16xi32>
    %add3A_105 = vector.broadcast %add3A_88 : i32 to vector<16xi32>
    %add3A_106 = arith.addi %add3A_105, %mul3A_104 : vector<16xi32>
    %swap3A_107 = arith.constant 16 : index
    %swap3A_108 = tpu.vector_load %arg13[%swap3A_107] {strides = array<i32>} : memref<32xi32, #tpu.memory_space<vmem>>, vector<16xi32>,
    tpu.vector_store %arg13[%swap3A_107], %add3A_106 {strides = array<i32>} : memref<32xi32, #tpu.memory_space<vmem>>, vector<16xi32>,
    %dma_start3A = arith.constant 0 : i32
    %dma_start3A_109 = arith.constant 0 : i32
    %dma_start3A_110 = tpu.memref_slice %arg5[%dma_start3A, %dma_start3A_109] : memref<128x128xf32, #tpu.memory_space<vmem>> -> memref<16x128xf32, #tpu.memory_space<vmem>>
    %dma_start3A_111 = arith.constant 0 : i32
    %dma_start3A_112 = arith.constant 0 : i32
    %dma_start3A_113 = tpu.memref_slice %arg2[%dma_start3A_111, %dma_start3A_112] : memref<32768x128xf32, #tpu.memory_space<hbm>> -> memref<32768x128xf32, #tpu.memory_space<hbm>>
    tpu.enqueue_indirect_dma source(%dma_start3A_113 : memref<32768x128xf32, #tpu.memory_space<hbm>>) target(%dma_start3A_110 : memref<16x128xf32, #tpu.memory_space<vmem>>) offsets(%arg10 : memref<16xi32, #tpu.memory_space<vmem>>) semaphore(%arg15 : memref<!tpu.dma_semaphore, #tpu.memory_space<semaphore_mem>>)
    %dma_start3A_114 = arith.constant 0 : i32
    %dma_start3A_115 = arith.constant 0 : i32
    %dma_start3A_116 = tpu.memref_slice %arg6[%dma_start3A_114, %dma_start3A_115] : memref<128x128xf32, #tpu.memory_space<vmem>> -> memref<32x128xf32, #tpu.memory_space<vmem>>
    %dma_start3A_117 = arith.constant 0 : i32
    %dma_start3A_118 = arith.constant 0 : i32
    %dma_start3A_119 = tpu.memref_slice %arg2[%dma_start3A_117, %dma_start3A_118] : memref<32768x128xf32, #tpu.memory_space<hbm>> -> memref<32768x128xf32, #tpu.memory_space<hbm>>
    tpu.enqueue_indirect_dma source(%dma_start3A_119 : memref<32768x128xf32, #tpu.memory_space<hbm>>) target(%dma_start3A_116 : memref<32x128xf32, #tpu.memory_space<vmem>>) offsets(%arg11 : memref<32xi32, #tpu.memory_space<vmem>>) semaphore(%arg16 : memref<!tpu.dma_semaphore, #tpu.memory_space<semaphore_mem>>)
    %dma_start3A_120 = arith.constant 0 : i32
    %dma_start3A_121 = arith.constant 0 : i32
    %dma_start3A_122 = tpu.memref_slice %arg7[%dma_start3A_120, %dma_start3A_121] : memref<128x128xf32, #tpu.memory_space<vmem>> -> memref<16x128xf32, #tpu.memory_space<vmem>>
    %dma_start3A_123 = arith.constant 0 : i32
    %dma_start3A_124 = arith.constant 0 : i32
    %dma_start3A_125 = tpu.memref_slice %arg2[%dma_start3A_123, %dma_start3A_124] : memref<32768x128xf32, #tpu.memory_space<hbm>> -> memref<32768x128xf32, #tpu.memory_space<hbm>>
    tpu.enqueue_indirect_dma source(%dma_start3A_125 : memref<32768x128xf32, #tpu.memory_space<hbm>>) target(%dma_start3A_122 : memref<16x128xf32, #tpu.memory_space<vmem>>) offsets(%arg12 : memref<16xi32, #tpu.memory_space<vmem>>) semaphore(%arg17 : memref<!tpu.dma_semaphore, #tpu.memory_space<semaphore_mem>>)
    %dma_start3A_126 = arith.constant 0 : i32
    %dma_start3A_127 = arith.constant 0 : i32
    %dma_start3A_128 = tpu.memref_slice %arg8[%dma_start3A_126, %dma_start3A_127] : memref<128x128xf32, #tpu.memory_space<vmem>> -> memref<32x128xf32, #tpu.memory_space<vmem>>
    %dma_start3A_129 = arith.constant 0 : i32
    %dma_start3A_130 = arith.constant 0 : i32
    %dma_start3A_131 = tpu.memref_slice %arg2[%dma_start3A_129, %dma_start3A_130] : memref<32768x128xf32, #tpu.memory_space<hbm>> -> memref<32768x128xf32, #tpu.memory_space<hbm>>
    tpu.enqueue_indirect_dma source(%dma_start3A_131 : memref<32768x128xf32, #tpu.memory_space<hbm>>) target(%dma_start3A_128 : memref<32x128xf32, #tpu.memory_space<vmem>>) offsets(%arg13 : memref<32xi32, #tpu.memory_space<vmem>>) semaphore(%arg18 : memref<!tpu.dma_semaphore, #tpu.memory_space<semaphore_mem>>)
    %scan3A = arith.constant 0 : i32
    %scan3A_132 = arith.constant 0 : i32
    %scan3A_133 = arith.constant 128 : i32
    %scan3A_134 = arith.addi %scan3A_132, %scan3A_133 : i32
    %scan3A_135 = arith.constant 1 : i32
    scf.for %scan3A_372 = %scan3A_132 to %scan3A_134 step %scan3A_135  : i32 {
      %swap3A_373 = arith.index_cast %scan3A_372 : i32 to index
      %swap3A_374 = arith.constant 0 : index
      %swap3A_375 = tpu.vector_load %arg9[%swap3A_373, %swap3A_374] {strides = array<i32>} : memref<128x128xf32, #tpu.memory_space<vmem>>, vector<16xf32>,
      tpu.vector_store %arg9[%swap3A_373, %swap3A_374], %broadcast_in_dim3A_1 {strides = array<i32>} : memref<128x128xf32, #tpu.memory_space<vmem>>, vector<16xf32>,
      %swap3A_376 = arith.index_cast %scan3A_372 : i32 to index
      %swap3A_377 = arith.constant 16 : index
      %swap3A_378 = tpu.vector_load %arg9[%swap3A_376, %swap3A_377] {strides = array<i32>} : memref<128x128xf32, #tpu.memory_space<vmem>>, vector<16xf32>,
      tpu.vector_store %arg9[%swap3A_376, %swap3A_377], %broadcast_in_dim3A_1 {strides = array<i32>} : memref<128x128xf32, #tpu.memory_space<vmem>>, vector<16xf32>,
      %swap3A_379 = arith.index_cast %scan3A_372 : i32 to index
      %swap3A_380 = arith.constant 32 : index
      %swap3A_381 = tpu.vector_load %arg9[%swap3A_379, %swap3A_380] {strides = array<i32>} : memref<128x128xf32, #tpu.memory_space<vmem>>, vector<16xf32>,
      tpu.vector_store %arg9[%swap3A_379, %swap3A_380], %broadcast_in_dim3A_1 {strides = array<i32>} : memref<128x128xf32, #tpu.memory_space<vmem>>, vector<16xf32>,
      %swap3A_382 = arith.index_cast %scan3A_372 : i32 to index
      %swap3A_383 = arith.constant 48 : index
      %swap3A_384 = tpu.vector_load %arg9[%swap3A_382, %swap3A_383] {strides = array<i32>} : memref<128x128xf32, #tpu.memory_space<vmem>>, vector<16xf32>,
      tpu.vector_store %arg9[%swap3A_382, %swap3A_383], %broadcast_in_dim3A_1 {strides = array<i32>} : memref<128x128xf32, #tpu.memory_space<vmem>>, vector<16xf32>,
      %swap3A_385 = arith.index_cast %scan3A_372 : i32 to index
      %swap3A_386 = arith.constant 64 : index
      %swap3A_387 = tpu.vector_load %arg9[%swap3A_385, %swap3A_386] {strides = array<i32>} : memref<128x128xf32, #tpu.memory_space<vmem>>, vector<16xf32>,
      tpu.vector_store %arg9[%swap3A_385, %swap3A_386], %broadcast_in_dim3A_1 {strides = array<i32>} : memref<128x128xf32, #tpu.memory_space<vmem>>, vector<16xf32>,
      %swap3A_388 = arith.index_cast %scan3A_372 : i32 to index
      %swap3A_389 = arith.constant 80 : index
      %swap3A_390 = tpu.vector_load %arg9[%swap3A_388, %swap3A_389] {strides = array<i32>} : memref<128x128xf32, #tpu.memory_space<vmem>>, vector<16xf32>,
      tpu.vector_store %arg9[%swap3A_388, %swap3A_389], %broadcast_in_dim3A_1 {strides = array<i32>} : memref<128x128xf32, #tpu.memory_space<vmem>>, vector<16xf32>,
      %swap3A_391 = arith.index_cast %scan3A_372 : i32 to index
      %swap3A_392 = arith.constant 96 : index
      %swap3A_393 = tpu.vector_load %arg9[%swap3A_391, %swap3A_392] {strides = array<i32>} : memref<128x128xf32, #tpu.memory_space<vmem>>, vector<16xf32>,
      tpu.vector_store %arg9[%swap3A_391, %swap3A_392], %broadcast_in_dim3A_1 {strides = array<i32>} : memref<128x128xf32, #tpu.memory_space<vmem>>, vector<16xf32>,
      %swap3A_394 = arith.index_cast %scan3A_372 : i32 to index
      %swap3A_395 = arith.constant 112 : index
      %swap3A_396 = tpu.vector_load %arg9[%swap3A_394, %swap3A_395] {strides = array<i32>} : memref<128x128xf32, #tpu.memory_space<vmem>>, vector<16xf32>,
      tpu.vector_store %arg9[%swap3A_394, %swap3A_395], %broadcast_in_dim3A_1 {strides = array<i32>} : memref<128x128xf32, #tpu.memory_space<vmem>>, vector<16xf32>,
    }
    %scan3A_136 = arith.constant 128 : i32
    %dma_start3A_137 = arith.constant 0 : i32
    %dma_start3A_138 = arith.constant 0 : i32
    %dma_start3A_139 = tpu.memref_slice %arg4[%mul3A_31, %dma_start3A_137, %dma_start3A_138] : memref<64x128x128xf32, #tpu.memory_space<hbm>> -> memref<1x128x128xf32, #tpu.memory_space<hbm>>
    %dma_start3A_140 = tpu.memref_squeeze %dma_start3A_139 : memref<1x128x128xf32, #tpu.memory_space<hbm>> -> memref<128x128xf32, #tpu.memory_space<hbm>>
    %dma_start3A_141 = arith.constant 0 : i32
    %dma_start3A_142 = arith.constant 0 : i32
    %dma_start3A_143 = tpu.memref_slice %arg4[%mul3A_31, %dma_start3A_141, %dma_start3A_142] : memref<64x128x128xf32, #tpu.memory_space<hbm>> -> memref<1x128x128xf32, #tpu.memory_space<hbm>>
    %dma_start3A_144 = tpu.memref_squeeze %dma_start3A_143 : memref<1x128x128xf32, #tpu.memory_space<hbm>> -> memref<128x128xf32, #tpu.memory_space<hbm>>
    tpu.enqueue_dma source(%arg9 : memref<128x128xf32, #tpu.memory_space<vmem>>) target(%dma_start3A_144 : memref<128x128xf32, #tpu.memory_space<hbm>>) target_semaphore(%arg19 : memref<!tpu.dma_semaphore, #tpu.memory_space<semaphore_mem>>)
    %dma_start3A_145 = arith.constant 0 : i32
    %dma_start3A_146 = arith.constant 0 : i32
    %dma_start3A_147 = tpu.memref_slice %arg4[%add3A_33, %dma_start3A_145, %dma_start3A_146] : memref<64x128x128xf32, #tpu.memory_space<hbm>> -> memref<1x128x128xf32, #tpu.memory_space<hbm>>
    %dma_start3A_148 = tpu.memref_squeeze %dma_start3A_147 : memref<1x128x128xf32, #tpu.memory_space<hbm>> -> memref<128x128xf32, #tpu.memory_space<hbm>>
    %dma_start3A_149 = arith.constant 0 : i32
    %dma_start3A_150 = arith.constant 0 : i32
    %dma_start3A_151 = tpu.memref_slice %arg4[%add3A_33, %dma_start3A_149, %dma_start3A_150] : memref<64x128x128xf32, #tpu.memory_space<hbm>> -> memref<1x128x128xf32, #tpu.memory_space<hbm>>
    %dma_start3A_152 = tpu.memref_squeeze %dma_start3A_151 : memref<1x128x128xf32, #tpu.memory_space<hbm>> -> memref<128x128xf32, #tpu.memory_space<hbm>>
    tpu.enqueue_dma source(%arg9 : memref<128x128xf32, #tpu.memory_space<vmem>>) target(%dma_start3A_152 : memref<128x128xf32, #tpu.memory_space<hbm>>) target_semaphore(%arg20 : memref<!tpu.dma_semaphore, #tpu.memory_space<semaphore_mem>>)
    %dma_wait3A = arith.constant 0 : i32
    %dma_wait3A_153 = arith.constant 0 : i32
    %dma_wait3A_154 = tpu.memref_slice %arg5[%dma_wait3A, %dma_wait3A_153] : memref<128x128xf32, #tpu.memory_space<vmem>> -> memref<16x128xf32, #tpu.memory_space<vmem>>
    %dma_wait3A_155 = arith.constant 0 : i32
    %dma_wait3A_156 = arith.constant 0 : i32
    %dma_wait3A_157 = tpu.memref_slice %arg2[%dma_wait3A_155, %dma_wait3A_156] : memref<32768x128xf32, #tpu.memory_space<hbm>> -> memref<32768x128xf32, #tpu.memory_space<hbm>>
    tpu.wait_indirect_dma semaphore(%arg15 : memref<!tpu.dma_semaphore, #tpu.memory_space<semaphore_mem>>) src(%dma_wait3A_157 : memref<32768x128xf32, #tpu.memory_space<hbm>>) dst(%dma_wait3A_154 : memref<16x128xf32, #tpu.memory_space<vmem>>)
    %while3A = arith.constant 0 : i32
    %while3A_158 = arith.constant 1073741824 : i32
    %while3A_159:2 = scf.while (%while3A_372 = %while3A, %while3A_373 = %while3A_158) : (i32, i32) -> (i32, i32) {
      %lt3A_374 = arith.constant 2 : i32
      %lt3A_375 = arith.cmpi slt, %while3A_372, %lt3A_374 : i32
      %ge3A = arith.constant 1073741824 : i32
      %ge3A_376 = arith.cmpi sge, %while3A_373, %ge3A : i32
      %and3A_377 = arith.andi %lt3A_375, %ge3A_376 : i1
      scf.condition(%and3A_377) %while3A_372, %while3A_373 : i32, i32
    } do {
    ^bb0(%while3A_372: i32, %while3A_373: i32):
      %mul3A_374 = arith.constant 8 : i32
      %mul3A_375 = arith.muli %mul3A_374, %while3A_372 : i32
      %mul3A_376 = arith.constant 8 : i32
      %mul3A_377 = arith.muli %mul3A_376, %while3A_372 : i32
      %add3A_378 = arith.constant 8 : i32
      %add3A_379 = arith.addi %mul3A_377, %add3A_378 : i32
      %while3A_380 = arith.subi %add3A_379, %mul3A_375 : i32
      %while3A_381 = arith.addi %mul3A_375, %while3A_380 : i32
      %while3A_382 = arith.constant 1 : i32
      %while3A_383 = arith.divsi %while3A_380, %while3A_382 : i32
      %while3A_384 = arith.muli %while3A_383, %while3A_382 : i32
      %while3A_385 = arith.addi %mul3A_375, %while3A_384 : i32
      %while3A_386 = arith.constant 1 : i32
      %while3A_387 = scf.for %while3A_399 = %mul3A_375 to %while3A_385 step %while3A_386 iter_args(%while3A_400 = %broadcast_in_dim3A_3) -> (vector<16xi32>)  : i32 {
        %mul3A_401 = arith.constant 128 : i32
        %mul3A_402 = arith.muli %while3A_399, %mul3A_401 : i32
        %broadcast_in_dim3A_403 = vector.broadcast %mul3A_402 : i32 to vector<16xi32>
        %get3A = arith.index_cast %while3A_399 : i32 to index
        %get3A_404 = arith.constant 0 : index
        %get3A_405 = tpu.vector_load %arg5[%get3A, %get3A_404] {strides = array<i32>} : memref<128x128xf32, #tpu.memory_space<vmem>>, vector<16xf32>,
        %eq3A_406 = arith.constant 1.000000e+00 : f32
        %eq3A_407 = vector.broadcast %eq3A_406 : f32 to vector<16xf32>
        %eq3A_408 = arith.cmpf oeq, %get3A_405, %eq3A_407 : vector<16xf32>
        %add3A_409 = arith.addi %broadcast_in_dim3A_403, %add3A_8 : vector<16xi32>
        %jit3A_410 = arith.constant 1073741824 : i32
        %broadcast_in_dim3A_411 = vector.broadcast %jit3A_410 : i32 to vector<16xi32>
        %select_n3A_412 = arith.select %eq3A_408, %add3A_409, %broadcast_in_dim3A_411 : vector<16xi1>, vector<16xi32>
        %min3A_413 = arith.minsi %while3A_400, %select_n3A_412 : vector<16xi32>
        %get3A_414 = arith.index_cast %while3A_399 : i32 to index
        %get3A_415 = arith.constant 16 : index
        %get3A_416 = tpu.vector_load %arg5[%get3A_414, %get3A_415] {strides = array<i32>} : memref<128x128xf32, #tpu.memory_space<vmem>>, vector<16xf32>,
        %eq3A_417 = arith.constant 1.000000e+00 : f32
        %eq3A_418 = vector.broadcast %eq3A_417 : f32 to vector<16xf32>
        %eq3A_419 = arith.cmpf oeq, %get3A_416, %eq3A_418 : vector<16xf32>
        %add3A_420 = arith.addi %broadcast_in_dim3A_403, %add3A_11 : vector<16xi32>
        %jit3A_421 = arith.constant 1073741824 : i32
        %broadcast_in_dim3A_422 = vector.broadcast %jit3A_421 : i32 to vector<16xi32>
        %select_n3A_423 = arith.select %eq3A_419, %add3A_420, %broadcast_in_dim3A_422 : vector<16xi1>, vector<16xi32>
        %min3A_424 = arith.minsi %min3A_413, %select_n3A_423 : vector<16xi32>
        %get3A_425 = arith.index_cast %while3A_399 : i32 to index
        %get3A_426 = arith.constant 32 : index
        %get3A_427 = tpu.vector_load %arg5[%get3A_425, %get3A_426] {strides = array<i32>} : memref<128x128xf32, #tpu.memory_space<vmem>>, vector<16xf32>,
        %eq3A_428 = arith.constant 1.000000e+00 : f32
        %eq3A_429 = vector.broadcast %eq3A_428 : f32 to vector<16xf32>
        %eq3A_430 = arith.cmpf oeq, %get3A_427, %eq3A_429 : vector<16xf32>
        %add3A_431 = arith.addi %broadcast_in_dim3A_403, %add3A_14 : vector<16xi32>
        %jit3A_432 = arith.constant 1073741824 : i32
        %broadcast_in_dim3A_433 = vector.broadcast %jit3A_432 : i32 to vector<16xi32>
        %select_n3A_434 = arith.select %eq3A_430, %add3A_431, %broadcast_in_dim3A_433 : vector<16xi1>, vector<16xi32>
        %min3A_435 = arith.minsi %min3A_424, %select_n3A_434 : vector<16xi32>
        %get3A_436 = arith.index_cast %while3A_399 : i32 to index
        %get3A_437 = arith.constant 48 : index
        %get3A_438 = tpu.vector_load %arg5[%get3A_436, %get3A_437] {strides = array<i32>} : memref<128x128xf32, #tpu.memory_space<vmem>>, vector<16xf32>,
        %eq3A_439 = arith.constant 1.000000e+00 : f32
        %eq3A_440 = vector.broadcast %eq3A_439 : f32 to vector<16xf32>
        %eq3A_441 = arith.cmpf oeq, %get3A_438, %eq3A_440 : vector<16xf32>
        %add3A_442 = arith.addi %broadcast_in_dim3A_403, %add3A_17 : vector<16xi32>
        %jit3A_443 = arith.constant 1073741824 : i32
        %broadcast_in_dim3A_444 = vector.broadcast %jit3A_443 : i32 to vector<16xi32>
        %select_n3A_445 = arith.select %eq3A_441, %add3A_442, %broadcast_in_dim3A_444 : vector<16xi1>, vector<16xi32>
        %min3A_446 = arith.minsi %min3A_435, %select_n3A_445 : vector<16xi32>
        %get3A_447 = arith.index_cast %while3A_399 : i32 to index
        %get3A_448 = arith.constant 64 : index
        %get3A_449 = tpu.vector_load %arg5[%get3A_447, %get3A_448] {strides = array<i32>} : memref<128x128xf32, #tpu.memory_space<vmem>>, vector<16xf32>,
        %eq3A_450 = arith.constant 1.000000e+00 : f32
        %eq3A_451 = vector.broadcast %eq3A_450 : f32 to vector<16xf32>
        %eq3A_452 = arith.cmpf oeq, %get3A_449, %eq3A_451 : vector<16xf32>
        %add3A_453 = arith.addi %broadcast_in_dim3A_403, %add3A_20 : vector<16xi32>
        %jit3A_454 = arith.constant 1073741824 : i32
        %broadcast_in_dim3A_455 = vector.broadcast %jit3A_454 : i32 to vector<16xi32>
        %select_n3A_456 = arith.select %eq3A_452, %add3A_453, %broadcast_in_dim3A_455 : vector<16xi1>, vector<16xi32>
        %min3A_457 = arith.minsi %min3A_446, %select_n3A_456 : vector<16xi32>
        %get3A_458 = arith.index_cast %while3A_399 : i32 to index
        %get3A_459 = arith.constant 80 : index
        %get3A_460 = tpu.vector_load %arg5[%get3A_458, %get3A_459] {strides = array<i32>} : memref<128x128xf32, #tpu.memory_space<vmem>>, vector<16xf32>,
        %eq3A_461 = arith.constant 1.000000e+00 : f32
        %eq3A_462 = vector.broadcast %eq3A_461 : f32 to vector<16xf32>
        %eq3A_463 = arith.cmpf oeq, %get3A_460, %eq3A_462 : vector<16xf32>
        %add3A_464 = arith.addi %broadcast_in_dim3A_403, %add3A_23 : vector<16xi32>
        %jit3A_465 = arith.constant 1073741824 : i32
        %broadcast_in_dim3A_466 = vector.broadcast %jit3A_465 : i32 to vector<16xi32>
        %select_n3A_467 = arith.select %eq3A_463, %add3A_464, %broadcast_in_dim3A_466 : vector<16xi1>, vector<16xi32>
        %min3A_468 = arith.minsi %min3A_457, %select_n3A_467 : vector<16xi32>
        %get3A_469 = arith.index_cast %while3A_399 : i32 to index
        %get3A_470 = arith.constant 96 : index
        %get3A_471 = tpu.vector_load %arg5[%get3A_469, %get3A_470] {strides = array<i32>} : memref<128x128xf32, #tpu.memory_space<vmem>>, vector<16xf32>,
        %eq3A_472 = arith.constant 1.000000e+00 : f32
        %eq3A_473 = vector.broadcast %eq3A_472 : f32 to vector<16xf32>
        %eq3A_474 = arith.cmpf oeq, %get3A_471, %eq3A_473 : vector<16xf32>
        %add3A_475 = arith.addi %broadcast_in_dim3A_403, %add3A_26 : vector<16xi32>
        %jit3A_476 = arith.constant 1073741824 : i32
        %broadcast_in_dim3A_477 = vector.broadcast %jit3A_476 : i32 to vector<16xi32>
        %select_n3A_478 = arith.select %eq3A_474, %add3A_475, %broadcast_in_dim3A_477 : vector<16xi1>, vector<16xi32>
        %min3A_479 = arith.minsi %min3A_468, %select_n3A_478 : vector<16xi32>
        %get3A_480 = arith.index_cast %while3A_399 : i32 to index
        %get3A_481 = arith.constant 112 : index
        %get3A_482 = tpu.vector_load %arg5[%get3A_480, %get3A_481] {strides = array<i32>} : memref<128x128xf32, #tpu.memory_space<vmem>>, vector<16xf32>,
        %eq3A_483 = arith.constant 1.000000e+00 : f32
        %eq3A_484 = vector.broadcast %eq3A_483 : f32 to vector<16xf32>
        %eq3A_485 = arith.cmpf oeq, %get3A_482, %eq3A_484 : vector<16xf32>
        %add3A_486 = arith.addi %broadcast_in_dim3A_403, %add3A_29 : vector<16xi32>
        %jit3A_487 = arith.constant 1073741824 : i32
        %broadcast_in_dim3A_488 = vector.broadcast %jit3A_487 : i32 to vector<16xi32>
        %select_n3A_489 = arith.select %eq3A_485, %add3A_486, %broadcast_in_dim3A_488 : vector<16xi1>, vector<16xi32>
        %min3A_490 = arith.minsi %min3A_479, %select_n3A_489 : vector<16xi32>
        scf.yield %min3A_490 : vector<16xi32>
      }
      %while3A_388 = arith.constant 1 : i32
      %while3A_389 = scf.for %while3A_399 = %while3A_385 to %while3A_381 step %while3A_388 iter_args(%while3A_400 = %while3A_387) -> (vector<16xi32>)  : i32 {
        %mul3A_401 = arith.constant 128 : i32
        %mul3A_402 = arith.muli %while3A_399, %mul3A_401 : i32
        %broadcast_in_dim3A_403 = vector.broadcast %mul3A_402 : i32 to vector<16xi32>
        %get3A = arith.index_cast %while3A_399 : i32 to index
        %get3A_404 = arith.constant 0 : index
        %get3A_405 = tpu.vector_load %arg5[%get3A, %get3A_404] {strides = array<i32>} : memref<128x128xf32, #tpu.memory_space<vmem>>, vector<16xf32>,
        %eq3A_406 = arith.constant 1.000000e+00 : f32
        %eq3A_407 = vector.broadcast %eq3A_406 : f32 to vector<16xf32>
        %eq3A_408 = arith.cmpf oeq, %get3A_405, %eq3A_407 : vector<16xf32>
        %add3A_409 = arith.addi %broadcast_in_dim3A_403, %add3A_8 : vector<16xi32>
        %jit3A_410 = arith.constant 1073741824 : i32
        %broadcast_in_dim3A_411 = vector.broadcast %jit3A_410 : i32 to vector<16xi32>
        %select_n3A_412 = arith.select %eq3A_408, %add3A_409, %broadcast_in_dim3A_411 : vector<16xi1>, vector<16xi32>
        %min3A_413 = arith.minsi %while3A_400, %select_n3A_412 : vector<16xi32>
        %get3A_414 = arith.index_cast %while3A_399 : i32 to index
        %get3A_415 = arith.constant 16 : index
        %get3A_416 = tpu.vector_load %arg5[%get3A_414, %get3A_415] {strides = array<i32>} : memref<128x128xf32, #tpu.memory_space<vmem>>, vector<16xf32>,
        %eq3A_417 = arith.constant 1.000000e+00 : f32
        %eq3A_418 = vector.broadcast %eq3A_417 : f32 to vector<16xf32>
        %eq3A_419 = arith.cmpf oeq, %get3A_416, %eq3A_418 : vector<16xf32>
        %add3A_420 = arith.addi %broadcast_in_dim3A_403, %add3A_11 : vector<16xi32>
        %jit3A_421 = arith.constant 1073741824 : i32
        %broadcast_in_dim3A_422 = vector.broadcast %jit3A_421 : i32 to vector<16xi32>
        %select_n3A_423 = arith.select %eq3A_419, %add3A_420, %broadcast_in_dim3A_422 : vector<16xi1>, vector<16xi32>
        %min3A_424 = arith.minsi %min3A_413, %select_n3A_423 : vector<16xi32>
        %get3A_425 = arith.index_cast %while3A_399 : i32 to index
        %get3A_426 = arith.constant 32 : index
        %get3A_427 = tpu.vector_load %arg5[%get3A_425, %get3A_426] {strides = array<i32>} : memref<128x128xf32, #tpu.memory_space<vmem>>, vector<16xf32>,
        %eq3A_428 = arith.constant 1.000000e+00 : f32
        %eq3A_429 = vector.broadcast %eq3A_428 : f32 to vector<16xf32>
        %eq3A_430 = arith.cmpf oeq, %get3A_427, %eq3A_429 : vector<16xf32>
        %add3A_431 = arith.addi %broadcast_in_dim3A_403, %add3A_14 : vector<16xi32>
        %jit3A_432 = arith.constant 1073741824 : i32
        %broadcast_in_dim3A_433 = vector.broadcast %jit3A_432 : i32 to vector<16xi32>
        %select_n3A_434 = arith.select %eq3A_430, %add3A_431, %broadcast_in_dim3A_433 : vector<16xi1>, vector<16xi32>
        %min3A_435 = arith.minsi %min3A_424, %select_n3A_434 : vector<16xi32>
        %get3A_436 = arith.index_cast %while3A_399 : i32 to index
        %get3A_437 = arith.constant 48 : index
        %get3A_438 = tpu.vector_load %arg5[%get3A_436, %get3A_437] {strides = array<i32>} : memref<128x128xf32, #tpu.memory_space<vmem>>, vector<16xf32>,
        %eq3A_439 = arith.constant 1.000000e+00 : f32
        %eq3A_440 = vector.broadcast %eq3A_439 : f32 to vector<16xf32>
        %eq3A_441 = arith.cmpf oeq, %get3A_438, %eq3A_440 : vector<16xf32>
        %add3A_442 = arith.addi %broadcast_in_dim3A_403, %add3A_17 : vector<16xi32>
        %jit3A_443 = arith.constant 1073741824 : i32
        %broadcast_in_dim3A_444 = vector.broadcast %jit3A_443 : i32 to vector<16xi32>
        %select_n3A_445 = arith.select %eq3A_441, %add3A_442, %broadcast_in_dim3A_444 : vector<16xi1>, vector<16xi32>
        %min3A_446 = arith.minsi %min3A_435, %select_n3A_445 : vector<16xi32>
        %get3A_447 = arith.index_cast %while3A_399 : i32 to index
        %get3A_448 = arith.constant 64 : index
        %get3A_449 = tpu.vector_load %arg5[%get3A_447, %get3A_448] {strides = array<i32>} : memref<128x128xf32, #tpu.memory_space<vmem>>, vector<16xf32>,
        %eq3A_450 = arith.constant 1.000000e+00 : f32
        %eq3A_451 = vector.broadcast %eq3A_450 : f32 to vector<16xf32>
        %eq3A_452 = arith.cmpf oeq, %get3A_449, %eq3A_451 : vector<16xf32>
        %add3A_453 = arith.addi %broadcast_in_dim3A_403, %add3A_20 : vector<16xi32>
        %jit3A_454 = arith.constant 1073741824 : i32
        %broadcast_in_dim3A_455 = vector.broadcast %jit3A_454 : i32 to vector<16xi32>
        %select_n3A_456 = arith.select %eq3A_452, %add3A_453, %broadcast_in_dim3A_455 : vector<16xi1>, vector<16xi32>
        %min3A_457 = arith.minsi %min3A_446, %select_n3A_456 : vector<16xi32>
        %get3A_458 = arith.index_cast %while3A_399 : i32 to index
        %get3A_459 = arith.constant 80 : index
        %get3A_460 = tpu.vector_load %arg5[%get3A_458, %get3A_459] {strides = array<i32>} : memref<128x128xf32, #tpu.memory_space<vmem>>, vector<16xf32>,
        %eq3A_461 = arith.constant 1.000000e+00 : f32
        %eq3A_462 = vector.broadcast %eq3A_461 : f32 to vector<16xf32>
        %eq3A_463 = arith.cmpf oeq, %get3A_460, %eq3A_462 : vector<16xf32>
        %add3A_464 = arith.addi %broadcast_in_dim3A_403, %add3A_23 : vector<16xi32>
        %jit3A_465 = arith.constant 1073741824 : i32
        %broadcast_in_dim3A_466 = vector.broadcast %jit3A_465 : i32 to vector<16xi32>
        %select_n3A_467 = arith.select %eq3A_463, %add3A_464, %broadcast_in_dim3A_466 : vector<16xi1>, vector<16xi32>
        %min3A_468 = arith.minsi %min3A_457, %select_n3A_467 : vector<16xi32>
        %get3A_469 = arith.index_cast %while3A_399 : i32 to index
        %get3A_470 = arith.constant 96 : index
        %get3A_471 = tpu.vector_load %arg5[%get3A_469, %get3A_470] {strides = array<i32>} : memref<128x128xf32, #tpu.memory_space<vmem>>, vector<16xf32>,
        %eq3A_472 = arith.constant 1.000000e+00 : f32
        %eq3A_473 = vector.broadcast %eq3A_472 : f32 to vector<16xf32>
        %eq3A_474 = arith.cmpf oeq, %get3A_471, %eq3A_473 : vector<16xf32>
        %add3A_475 = arith.addi %broadcast_in_dim3A_403, %add3A_26 : vector<16xi32>
        %jit3A_476 = arith.constant 1073741824 : i32
        %broadcast_in_dim3A_477 = vector.broadcast %jit3A_476 : i32 to vector<16xi32>
        %select_n3A_478 = arith.select %eq3A_474, %add3A_475, %broadcast_in_dim3A_477 : vector<16xi1>, vector<16xi32>
        %min3A_479 = arith.minsi %min3A_468, %select_n3A_478 : vector<16xi32>
        %get3A_480 = arith.index_cast %while3A_399 : i32 to index
        %get3A_481 = arith.constant 112 : index
        %get3A_482 = tpu.vector_load %arg5[%get3A_480, %get3A_481] {strides = array<i32>} : memref<128x128xf32, #tpu.memory_space<vmem>>, vector<16xf32>,
        %eq3A_483 = arith.constant 1.000000e+00 : f32
        %eq3A_484 = vector.broadcast %eq3A_483 : f32 to vector<16xf32>
        %eq3A_485 = arith.cmpf oeq, %get3A_482, %eq3A_484 : vector<16xf32>
        %add3A_486 = arith.addi %broadcast_in_dim3A_403, %add3A_29 : vector<16xi32>
        %jit3A_487 = arith.constant 1073741824 : i32
        %broadcast_in_dim3A_488 = vector.broadcast %jit3A_487 : i32 to vector<16xi32>
        %select_n3A_489 = arith.select %eq3A_485, %add3A_486, %broadcast_in_dim3A_488 : vector<16xi1>, vector<16xi32>
        %min3A_490 = arith.minsi %min3A_479, %select_n3A_489 : vector<16xi32>
        scf.yield %min3A_490 : vector<16xi32>
      }
      %add3A_390 = arith.constant 1 : i32
      %add3A_391 = arith.addi %while3A_372, %add3A_390 : i32
      %reduce_min3A = arith.constant true
      %reduce_min3A_392 = vector.broadcast %reduce_min3A : i1 to vector<16xi1>
      %reduce_min3A_393 = arith.constant -2147483648 : i32
      %reduce_min3A_394 = vector.broadcast %reduce_min3A_393 : i32 to vector<16xi32>
      %reduce_min3A_395 = arith.xori %while3A_389, %reduce_min3A_394 : vector<16xi32>
      %reduce_min3A_396 = tpu.scan <min>, %reduce_min3A_395 masked %reduce_min3A_392 : vector<16xi32>, vector<16xi1> -> vector<16xi32>
      %reduce_min3A_397 = arith.xori %reduce_min3A_396, %reduce_min3A_394 : vector<16xi32>
      %reduce_min3A_398 = vector.extract %reduce_min3A_397[15] : i32 from vector<16xi32>
      %min3A = arith.minsi %while3A_373, %reduce_min3A_398 : i32
      scf.yield %add3A_391, %min3A : i32, i32
    }
    %dma_wait3A_160 = arith.constant 0 : i32
    %dma_wait3A_161 = arith.constant 0 : i32
    %dma_wait3A_162 = tpu.memref_slice %arg6[%dma_wait3A_160, %dma_wait3A_161] : memref<128x128xf32, #tpu.memory_space<vmem>> -> memref<32x128xf32, #tpu.memory_space<vmem>>
    %dma_wait3A_163 = arith.constant 0 : i32
    %dma_wait3A_164 = arith.constant 0 : i32
    %dma_wait3A_165 = tpu.memref_slice %arg2[%dma_wait3A_163, %dma_wait3A_164] : memref<32768x128xf32, #tpu.memory_space<hbm>> -> memref<32768x128xf32, #tpu.memory_space<hbm>>
    tpu.wait_indirect_dma semaphore(%arg16 : memref<!tpu.dma_semaphore, #tpu.memory_space<semaphore_mem>>) src(%dma_wait3A_165 : memref<32768x128xf32, #tpu.memory_space<hbm>>) dst(%dma_wait3A_162 : memref<32x128xf32, #tpu.memory_space<vmem>>)
    %lt3A = arith.constant 1073741824 : i32
    %lt3A_166 = arith.cmpi slt, %while3A_159#1, %lt3A : i32
    %jit3A = arith.constant 0 : i32
    %select_n3A = arith.select %lt3A_166, %while3A_159#1, %jit3A : i32
    %shift_right_arithmetic3A = arith.constant 7 : i32
    %shift_right_arithmetic3A_167 = arith.shrsi %select_n3A, %shift_right_arithmetic3A : i32
    %and3A = arith.constant 127 : i32
    %and3A_168 = arith.andi %select_n3A, %and3A : i32
    %broadcast_in_dim3A_169 = vector.broadcast %and3A_168 : i32 to vector<16xi32>
    %sub3A = arith.subi %add3A_8, %broadcast_in_dim3A_169 : vector<16xi32>
    %mul3A_170 = arith.muli %sub3A, %sub3A : vector<16xi32>
    %mul3A_171 = arith.constant 16384 : i32
    %mul3A_172 = vector.broadcast %mul3A_171 : i32 to vector<16xi32>
    %mul3A_173 = arith.muli %mul3A_170, %mul3A_172 : vector<16xi32>
    %add3A_174 = arith.addi %mul3A_173, %add3A_8 : vector<16xi32>
    %sub3A_175 = arith.subi %add3A_11, %broadcast_in_dim3A_169 : vector<16xi32>
    %mul3A_176 = arith.muli %sub3A_175, %sub3A_175 : vector<16xi32>
    %mul3A_177 = arith.constant 16384 : i32
    %mul3A_178 = vector.broadcast %mul3A_177 : i32 to vector<16xi32>
    %mul3A_179 = arith.muli %mul3A_176, %mul3A_178 : vector<16xi32>
    %add3A_180 = arith.addi %mul3A_179, %add3A_11 : vector<16xi32>
    %sub3A_181 = arith.subi %add3A_14, %broadcast_in_dim3A_169 : vector<16xi32>
    %mul3A_182 = arith.muli %sub3A_181, %sub3A_181 : vector<16xi32>
    %mul3A_183 = arith.constant 16384 : i32
    %mul3A_184 = vector.broadcast %mul3A_183 : i32 to vector<16xi32>
    %mul3A_185 = arith.muli %mul3A_182, %mul3A_184 : vector<16xi32>
    %add3A_186 = arith.addi %mul3A_185, %add3A_14 : vector<16xi32>
    %sub3A_187 = arith.subi %add3A_17, %broadcast_in_dim3A_169 : vector<16xi32>
    %mul3A_188 = arith.muli %sub3A_187, %sub3A_187 : vector<16xi32>
    %mul3A_189 = arith.constant 16384 : i32
    %mul3A_190 = vector.broadcast %mul3A_189 : i32 to vector<16xi32>
    %mul3A_191 = arith.muli %mul3A_188, %mul3A_190 : vector<16xi32>
    %add3A_192 = arith.addi %mul3A_191, %add3A_17 : vector<16xi32>
    %sub3A_193 = arith.subi %add3A_20, %broadcast_in_dim3A_169 : vector<16xi32>
    %mul3A_194 = arith.muli %sub3A_193, %sub3A_193 : vector<16xi32>
    %mul3A_195 = arith.constant 16384 : i32
    %mul3A_196 = vector.broadcast %mul3A_195 : i32 to vector<16xi32>
    %mul3A_197 = arith.muli %mul3A_194, %mul3A_196 : vector<16xi32>
    %add3A_198 = arith.addi %mul3A_197, %add3A_20 : vector<16xi32>
    %sub3A_199 = arith.subi %add3A_23, %broadcast_in_dim3A_169 : vector<16xi32>
    %mul3A_200 = arith.muli %sub3A_199, %sub3A_199 : vector<16xi32>
    %mul3A_201 = arith.constant 16384 : i32
    %mul3A_202 = vector.broadcast %mul3A_201 : i32 to vector<16xi32>
    %mul3A_203 = arith.muli %mul3A_200, %mul3A_202 : vector<16xi32>
    %add3A_204 = arith.addi %mul3A_203, %add3A_23 : vector<16xi32>
    %sub3A_205 = arith.subi %add3A_26, %broadcast_in_dim3A_169 : vector<16xi32>
    %mul3A_206 = arith.muli %sub3A_205, %sub3A_205 : vector<16xi32>
    %mul3A_207 = arith.constant 16384 : i32
    %mul3A_208 = vector.broadcast %mul3A_207 : i32 to vector<16xi32>
    %mul3A_209 = arith.muli %mul3A_206, %mul3A_208 : vector<16xi32>
    %add3A_210 = arith.addi %mul3A_209, %add3A_26 : vector<16xi32>
    %sub3A_211 = arith.subi %add3A_29, %broadcast_in_dim3A_169 : vector<16xi32>
    %mul3A_212 = arith.muli %sub3A_211, %sub3A_211 : vector<16xi32>
    %mul3A_213 = arith.constant 16384 : i32
    %mul3A_214 = vector.broadcast %mul3A_213 : i32 to vector<16xi32>
    %mul3A_215 = arith.muli %mul3A_212, %mul3A_214 : vector<16xi32>
    %add3A_216 = arith.addi %mul3A_215, %add3A_29 : vector<16xi32>
    %while3A_217 = arith.constant 0 : i32
    %while3A_218 = arith.constant 1073741824 : i32
    %while3A_219 = arith.constant false
    %while3A_220:3 = scf.while (%while3A_372 = %while3A_217, %while3A_373 = %while3A_218, %while3A_374 = %while3A_219) : (i32, i32, i1) -> (i32, i32, i1) {
      %lt3A_375 = arith.constant 128 : i32
      %lt3A_376 = arith.cmpi slt, %while3A_372, %lt3A_375 : i32
      %mul3A_377 = arith.muli %while3A_372, %while3A_372 : i32
      %mul3A_378 = arith.constant 16384 : i32
      %mul3A_379 = arith.muli %mul3A_377, %mul3A_378 : i32
      %le3A = arith.cmpi sle, %mul3A_379, %while3A_373 : i32
      %and3A_380 = arith.andi %lt3A_376, %le3A : i1
      %not3A_381 = arith.constant true
      %not3A_382 = arith.xori %while3A_374, %not3A_381 : i1
      %and3A_383 = arith.andi %and3A_380, %not3A_382 : i1
      scf.condition(%and3A_383) %while3A_372, %while3A_373, %while3A_374 : i32, i32, i1
    } do {
    ^bb0(%while3A_372: i32, %while3A_373: i32, %while3A_374: i1):
      %mul3A_375 = arith.muli %while3A_372, %while3A_372 : i32
      %mul3A_376 = arith.constant 16384 : i32
      %mul3A_377 = arith.muli %mul3A_375, %mul3A_376 : i32
      %sub3A_378 = arith.subi %shift_right_arithmetic3A_167, %while3A_372 : i32
      %add3A_379 = arith.addi %shift_right_arithmetic3A_167, %while3A_372 : i32
      %lt3A_380 = arith.constant 128 : i32
      %lt3A_381 = arith.cmpi slt, %add3A_379, %lt3A_380 : i32
      %ge3A = arith.constant 32 : i32
      %ge3A_382 = arith.cmpi sge, %add3A_379, %ge3A : i32
      %and3A_383 = arith.andi %lt3A_381, %ge3A_382 : i1
      %or3A = arith.ori %while3A_374, %and3A_383 : i1
      %ge3A_384 = arith.constant 0 : i32
      %ge3A_385 = arith.cmpi sge, %sub3A_378, %ge3A_384 : i32
      %mul3A_386 = arith.constant 128 : i32
      %mul3A_387 = arith.muli %sub3A_378, %mul3A_386 : i32
      %add3A_388 = arith.addi %mul3A_377, %mul3A_387 : i32
      %jit3A_389 = arith.constant 1073741824 : i32
      %select_n3A_390 = arith.select %ge3A_385, %add3A_388, %jit3A_389 : i32
      %lt3A_391 = arith.constant 128 : i32
      %lt3A_392 = arith.cmpi slt, %add3A_379, %lt3A_391 : i32
      %mul3A_393 = arith.constant 128 : i32
      %mul3A_394 = arith.muli %add3A_379, %mul3A_393 : i32
      %add3A_395 = arith.addi %mul3A_377, %mul3A_394 : i32
      %jit3A_396 = arith.constant 1073741824 : i32
      %select_n3A_397 = arith.select %lt3A_392, %add3A_395, %jit3A_396 : i32
      %max3A = arith.constant 0 : i32
      %max3A_398 = arith.maxsi %sub3A_378, %max3A : i32
      %broadcast_in_dim3A_399 = vector.broadcast %select_n3A_390 : i32 to vector<16xi32>
      %get3A = arith.index_cast %max3A_398 : i32 to index
      %get3A_400 = arith.constant 0 : index
      %get3A_401 = tpu.vector_load %arg6[%get3A, %get3A_400] {strides = array<i32>} : memref<128x128xf32, #tpu.memory_space<vmem>>, vector<16xf32>,
      %eq3A_402 = arith.constant 1.000000e+00 : f32
      %eq3A_403 = vector.broadcast %eq3A_402 : f32 to vector<16xf32>
      %eq3A_404 = arith.cmpf oeq, %get3A_401, %eq3A_403 : vector<16xf32>
      %add3A_405 = arith.addi %broadcast_in_dim3A_399, %add3A_174 : vector<16xi32>
      %jit3A_406 = arith.constant 1073741824 : i32
      %broadcast_in_dim3A_407 = vector.broadcast %jit3A_406 : i32 to vector<16xi32>
      %select_n3A_408 = arith.select %eq3A_404, %add3A_405, %broadcast_in_dim3A_407 : vector<16xi1>, vector<16xi32>
      %min3A = arith.minsi %broadcast_in_dim3A_3, %select_n3A_408 : vector<16xi32>
      %get3A_409 = arith.index_cast %max3A_398 : i32 to index
      %get3A_410 = arith.constant 16 : index
      %get3A_411 = tpu.vector_load %arg6[%get3A_409, %get3A_410] {strides = array<i32>} : memref<128x128xf32, #tpu.memory_space<vmem>>, vector<16xf32>,
      %eq3A_412 = arith.constant 1.000000e+00 : f32
      %eq3A_413 = vector.broadcast %eq3A_412 : f32 to vector<16xf32>
      %eq3A_414 = arith.cmpf oeq, %get3A_411, %eq3A_413 : vector<16xf32>
      %add3A_415 = arith.addi %broadcast_in_dim3A_399, %add3A_180 : vector<16xi32>
      %jit3A_416 = arith.constant 1073741824 : i32
      %broadcast_in_dim3A_417 = vector.broadcast %jit3A_416 : i32 to vector<16xi32>
      %select_n3A_418 = arith.select %eq3A_414, %add3A_415, %broadcast_in_dim3A_417 : vector<16xi1>, vector<16xi32>
      %min3A_419 = arith.minsi %min3A, %select_n3A_418 : vector<16xi32>
      %get3A_420 = arith.index_cast %max3A_398 : i32 to index
      %get3A_421 = arith.constant 32 : index
      %get3A_422 = tpu.vector_load %arg6[%get3A_420, %get3A_421] {strides = array<i32>} : memref<128x128xf32, #tpu.memory_space<vmem>>, vector<16xf32>,
      %eq3A_423 = arith.constant 1.000000e+00 : f32
      %eq3A_424 = vector.broadcast %eq3A_423 : f32 to vector<16xf32>
      %eq3A_425 = arith.cmpf oeq, %get3A_422, %eq3A_424 : vector<16xf32>
      %add3A_426 = arith.addi %broadcast_in_dim3A_399, %add3A_186 : vector<16xi32>
      %jit3A_427 = arith.constant 1073741824 : i32
      %broadcast_in_dim3A_428 = vector.broadcast %jit3A_427 : i32 to vector<16xi32>
      %select_n3A_429 = arith.select %eq3A_425, %add3A_426, %broadcast_in_dim3A_428 : vector<16xi1>, vector<16xi32>
      %min3A_430 = arith.minsi %min3A_419, %select_n3A_429 : vector<16xi32>
      %get3A_431 = arith.index_cast %max3A_398 : i32 to index
      %get3A_432 = arith.constant 48 : index
      %get3A_433 = tpu.vector_load %arg6[%get3A_431, %get3A_432] {strides = array<i32>} : memref<128x128xf32, #tpu.memory_space<vmem>>, vector<16xf32>,
      %eq3A_434 = arith.constant 1.000000e+00 : f32
      %eq3A_435 = vector.broadcast %eq3A_434 : f32 to vector<16xf32>
      %eq3A_436 = arith.cmpf oeq, %get3A_433, %eq3A_435 : vector<16xf32>
      %add3A_437 = arith.addi %broadcast_in_dim3A_399, %add3A_192 : vector<16xi32>
      %jit3A_438 = arith.constant 1073741824 : i32
      %broadcast_in_dim3A_439 = vector.broadcast %jit3A_438 : i32 to vector<16xi32>
      %select_n3A_440 = arith.select %eq3A_436, %add3A_437, %broadcast_in_dim3A_439 : vector<16xi1>, vector<16xi32>
      %min3A_441 = arith.minsi %min3A_430, %select_n3A_440 : vector<16xi32>
      %get3A_442 = arith.index_cast %max3A_398 : i32 to index
      %get3A_443 = arith.constant 64 : index
      %get3A_444 = tpu.vector_load %arg6[%get3A_442, %get3A_443] {strides = array<i32>} : memref<128x128xf32, #tpu.memory_space<vmem>>, vector<16xf32>,
      %eq3A_445 = arith.constant 1.000000e+00 : f32
      %eq3A_446 = vector.broadcast %eq3A_445 : f32 to vector<16xf32>
      %eq3A_447 = arith.cmpf oeq, %get3A_444, %eq3A_446 : vector<16xf32>
      %add3A_448 = arith.addi %broadcast_in_dim3A_399, %add3A_198 : vector<16xi32>
      %jit3A_449 = arith.constant 1073741824 : i32
      %broadcast_in_dim3A_450 = vector.broadcast %jit3A_449 : i32 to vector<16xi32>
      %select_n3A_451 = arith.select %eq3A_447, %add3A_448, %broadcast_in_dim3A_450 : vector<16xi1>, vector<16xi32>
      %min3A_452 = arith.minsi %min3A_441, %select_n3A_451 : vector<16xi32>
      %get3A_453 = arith.index_cast %max3A_398 : i32 to index
      %get3A_454 = arith.constant 80 : index
      %get3A_455 = tpu.vector_load %arg6[%get3A_453, %get3A_454] {strides = array<i32>} : memref<128x128xf32, #tpu.memory_space<vmem>>, vector<16xf32>,
      %eq3A_456 = arith.constant 1.000000e+00 : f32
      %eq3A_457 = vector.broadcast %eq3A_456 : f32 to vector<16xf32>
      %eq3A_458 = arith.cmpf oeq, %get3A_455, %eq3A_457 : vector<16xf32>
      %add3A_459 = arith.addi %broadcast_in_dim3A_399, %add3A_204 : vector<16xi32>
      %jit3A_460 = arith.constant 1073741824 : i32
      %broadcast_in_dim3A_461 = vector.broadcast %jit3A_460 : i32 to vector<16xi32>
      %select_n3A_462 = arith.select %eq3A_458, %add3A_459, %broadcast_in_dim3A_461 : vector<16xi1>, vector<16xi32>
      %min3A_463 = arith.minsi %min3A_452, %select_n3A_462 : vector<16xi32>
      %get3A_464 = arith.index_cast %max3A_398 : i32 to index
      %get3A_465 = arith.constant 96 : index
      %get3A_466 = tpu.vector_load %arg6[%get3A_464, %get3A_465] {strides = array<i32>} : memref<128x128xf32, #tpu.memory_space<vmem>>, vector<16xf32>,
      %eq3A_467 = arith.constant 1.000000e+00 : f32
      %eq3A_468 = vector.broadcast %eq3A_467 : f32 to vector<16xf32>
      %eq3A_469 = arith.cmpf oeq, %get3A_466, %eq3A_468 : vector<16xf32>
      %add3A_470 = arith.addi %broadcast_in_dim3A_399, %add3A_210 : vector<16xi32>
      %jit3A_471 = arith.constant 1073741824 : i32
      %broadcast_in_dim3A_472 = vector.broadcast %jit3A_471 : i32 to vector<16xi32>
      %select_n3A_473 = arith.select %eq3A_469, %add3A_470, %broadcast_in_dim3A_472 : vector<16xi1>, vector<16xi32>
      %min3A_474 = arith.minsi %min3A_463, %select_n3A_473 : vector<16xi32>
      %get3A_475 = arith.index_cast %max3A_398 : i32 to index
      %get3A_476 = arith.constant 112 : index
      %get3A_477 = tpu.vector_load %arg6[%get3A_475, %get3A_476] {strides = array<i32>} : memref<128x128xf32, #tpu.memory_space<vmem>>, vector<16xf32>,
      %eq3A_478 = arith.constant 1.000000e+00 : f32
      %eq3A_479 = vector.broadcast %eq3A_478 : f32 to vector<16xf32>
      %eq3A_480 = arith.cmpf oeq, %get3A_477, %eq3A_479 : vector<16xf32>
      %add3A_481 = arith.addi %broadcast_in_dim3A_399, %add3A_216 : vector<16xi32>
      %jit3A_482 = arith.constant 1073741824 : i32
      %broadcast_in_dim3A_483 = vector.broadcast %jit3A_482 : i32 to vector<16xi32>
      %select_n3A_484 = arith.select %eq3A_480, %add3A_481, %broadcast_in_dim3A_483 : vector<16xi1>, vector<16xi32>
      %min3A_485 = arith.minsi %min3A_474, %select_n3A_484 : vector<16xi32>
      %min3A_486 = arith.constant 127 : i32
      %min3A_487 = arith.minsi %add3A_379, %min3A_486 : i32
      %broadcast_in_dim3A_488 = vector.broadcast %select_n3A_397 : i32 to vector<16xi32>
      %get3A_489 = arith.index_cast %min3A_487 : i32 to index
      %get3A_490 = arith.constant 0 : index
      %get3A_491 = tpu.vector_load %arg6[%get3A_489, %get3A_490] {strides = array<i32>} : memref<128x128xf32, #tpu.memory_space<vmem>>, vector<16xf32>,
      %eq3A_492 = arith.constant 1.000000e+00 : f32
      %eq3A_493 = vector.broadcast %eq3A_492 : f32 to vector<16xf32>
      %eq3A_494 = arith.cmpf oeq, %get3A_491, %eq3A_493 : vector<16xf32>
      %add3A_495 = arith.addi %broadcast_in_dim3A_488, %add3A_174 : vector<16xi32>
      %jit3A_496 = arith.constant 1073741824 : i32
      %broadcast_in_dim3A_497 = vector.broadcast %jit3A_496 : i32 to vector<16xi32>
      %select_n3A_498 = arith.select %eq3A_494, %add3A_495, %broadcast_in_dim3A_497 : vector<16xi1>, vector<16xi32>
      %min3A_499 = arith.minsi %min3A_485, %select_n3A_498 : vector<16xi32>
      %get3A_500 = arith.index_cast %min3A_487 : i32 to index
      %get3A_501 = arith.constant 16 : index
      %get3A_502 = tpu.vector_load %arg6[%get3A_500, %get3A_501] {strides = array<i32>} : memref<128x128xf32, #tpu.memory_space<vmem>>, vector<16xf32>,
      %eq3A_503 = arith.constant 1.000000e+00 : f32
      %eq3A_504 = vector.broadcast %eq3A_503 : f32 to vector<16xf32>
      %eq3A_505 = arith.cmpf oeq, %get3A_502, %eq3A_504 : vector<16xf32>
      %add3A_506 = arith.addi %broadcast_in_dim3A_488, %add3A_180 : vector<16xi32>
      %jit3A_507 = arith.constant 1073741824 : i32
      %broadcast_in_dim3A_508 = vector.broadcast %jit3A_507 : i32 to vector<16xi32>
      %select_n3A_509 = arith.select %eq3A_505, %add3A_506, %broadcast_in_dim3A_508 : vector<16xi1>, vector<16xi32>
      %min3A_510 = arith.minsi %min3A_499, %select_n3A_509 : vector<16xi32>
      %get3A_511 = arith.index_cast %min3A_487 : i32 to index
      %get3A_512 = arith.constant 32 : index
      %get3A_513 = tpu.vector_load %arg6[%get3A_511, %get3A_512] {strides = array<i32>} : memref<128x128xf32, #tpu.memory_space<vmem>>, vector<16xf32>,
      %eq3A_514 = arith.constant 1.000000e+00 : f32
      %eq3A_515 = vector.broadcast %eq3A_514 : f32 to vector<16xf32>
      %eq3A_516 = arith.cmpf oeq, %get3A_513, %eq3A_515 : vector<16xf32>
      %add3A_517 = arith.addi %broadcast_in_dim3A_488, %add3A_186 : vector<16xi32>
      %jit3A_518 = arith.constant 1073741824 : i32
      %broadcast_in_dim3A_519 = vector.broadcast %jit3A_518 : i32 to vector<16xi32>
      %select_n3A_520 = arith.select %eq3A_516, %add3A_517, %broadcast_in_dim3A_519 : vector<16xi1>, vector<16xi32>
      %min3A_521 = arith.minsi %min3A_510, %select_n3A_520 : vector<16xi32>
      %get3A_522 = arith.index_cast %min3A_487 : i32 to index
      %get3A_523 = arith.constant 48 : index
      %get3A_524 = tpu.vector_load %arg6[%get3A_522, %get3A_523] {strides = array<i32>} : memref<128x128xf32, #tpu.memory_space<vmem>>, vector<16xf32>,
      %eq3A_525 = arith.constant 1.000000e+00 : f32
      %eq3A_526 = vector.broadcast %eq3A_525 : f32 to vector<16xf32>
      %eq3A_527 = arith.cmpf oeq, %get3A_524, %eq3A_526 : vector<16xf32>
      %add3A_528 = arith.addi %broadcast_in_dim3A_488, %add3A_192 : vector<16xi32>
      %jit3A_529 = arith.constant 1073741824 : i32
      %broadcast_in_dim3A_530 = vector.broadcast %jit3A_529 : i32 to vector<16xi32>
      %select_n3A_531 = arith.select %eq3A_527, %add3A_528, %broadcast_in_dim3A_530 : vector<16xi1>, vector<16xi32>
      %min3A_532 = arith.minsi %min3A_521, %select_n3A_531 : vector<16xi32>
      %get3A_533 = arith.index_cast %min3A_487 : i32 to index
      %get3A_534 = arith.constant 64 : index
      %get3A_535 = tpu.vector_load %arg6[%get3A_533, %get3A_534] {strides = array<i32>} : memref<128x128xf32, #tpu.memory_space<vmem>>, vector<16xf32>,
      %eq3A_536 = arith.constant 1.000000e+00 : f32
      %eq3A_537 = vector.broadcast %eq3A_536 : f32 to vector<16xf32>
      %eq3A_538 = arith.cmpf oeq, %get3A_535, %eq3A_537 : vector<16xf32>
      %add3A_539 = arith.addi %broadcast_in_dim3A_488, %add3A_198 : vector<16xi32>
      %jit3A_540 = arith.constant 1073741824 : i32
      %broadcast_in_dim3A_541 = vector.broadcast %jit3A_540 : i32 to vector<16xi32>
      %select_n3A_542 = arith.select %eq3A_538, %add3A_539, %broadcast_in_dim3A_541 : vector<16xi1>, vector<16xi32>
      %min3A_543 = arith.minsi %min3A_532, %select_n3A_542 : vector<16xi32>
      %get3A_544 = arith.index_cast %min3A_487 : i32 to index
      %get3A_545 = arith.constant 80 : index
      %get3A_546 = tpu.vector_load %arg6[%get3A_544, %get3A_545] {strides = array<i32>} : memref<128x128xf32, #tpu.memory_space<vmem>>, vector<16xf32>,
      %eq3A_547 = arith.constant 1.000000e+00 : f32
      %eq3A_548 = vector.broadcast %eq3A_547 : f32 to vector<16xf32>
      %eq3A_549 = arith.cmpf oeq, %get3A_546, %eq3A_548 : vector<16xf32>
      %add3A_550 = arith.addi %broadcast_in_dim3A_488, %add3A_204 : vector<16xi32>
      %jit3A_551 = arith.constant 1073741824 : i32
      %broadcast_in_dim3A_552 = vector.broadcast %jit3A_551 : i32 to vector<16xi32>
      %select_n3A_553 = arith.select %eq3A_549, %add3A_550, %broadcast_in_dim3A_552 : vector<16xi1>, vector<16xi32>
      %min3A_554 = arith.minsi %min3A_543, %select_n3A_553 : vector<16xi32>
      %get3A_555 = arith.index_cast %min3A_487 : i32 to index
      %get3A_556 = arith.constant 96 : index
      %get3A_557 = tpu.vector_load %arg6[%get3A_555, %get3A_556] {strides = array<i32>} : memref<128x128xf32, #tpu.memory_space<vmem>>, vector<16xf32>,
      %eq3A_558 = arith.constant 1.000000e+00 : f32
      %eq3A_559 = vector.broadcast %eq3A_558 : f32 to vector<16xf32>
      %eq3A_560 = arith.cmpf oeq, %get3A_557, %eq3A_559 : vector<16xf32>
      %add3A_561 = arith.addi %broadcast_in_dim3A_488, %add3A_210 : vector<16xi32>
      %jit3A_562 = arith.constant 1073741824 : i32
      %broadcast_in_dim3A_563 = vector.broadcast %jit3A_562 : i32 to vector<16xi32>
      %select_n3A_564 = arith.select %eq3A_560, %add3A_561, %broadcast_in_dim3A_563 : vector<16xi1>, vector<16xi32>
      %min3A_565 = arith.minsi %min3A_554, %select_n3A_564 : vector<16xi32>
      %get3A_566 = arith.index_cast %min3A_487 : i32 to index
      %get3A_567 = arith.constant 112 : index
      %get3A_568 = tpu.vector_load %arg6[%get3A_566, %get3A_567] {strides = array<i32>} : memref<128x128xf32, #tpu.memory_space<vmem>>, vector<16xf32>,
      %eq3A_569 = arith.constant 1.000000e+00 : f32
      %eq3A_570 = vector.broadcast %eq3A_569 : f32 to vector<16xf32>
      %eq3A_571 = arith.cmpf oeq, %get3A_568, %eq3A_570 : vector<16xf32>
      %add3A_572 = arith.addi %broadcast_in_dim3A_488, %add3A_216 : vector<16xi32>
      %jit3A_573 = arith.constant 1073741824 : i32
      %broadcast_in_dim3A_574 = vector.broadcast %jit3A_573 : i32 to vector<16xi32>
      %select_n3A_575 = arith.select %eq3A_571, %add3A_572, %broadcast_in_dim3A_574 : vector<16xi1>, vector<16xi32>
      %min3A_576 = arith.minsi %min3A_565, %select_n3A_575 : vector<16xi32>
      %add3A_577 = arith.constant 1 : i32
      %add3A_578 = arith.addi %while3A_372, %add3A_577 : i32
      %reduce_min3A = arith.constant true
      %reduce_min3A_579 = vector.broadcast %reduce_min3A : i1 to vector<16xi1>
      %reduce_min3A_580 = arith.constant -2147483648 : i32
      %reduce_min3A_581 = vector.broadcast %reduce_min3A_580 : i32 to vector<16xi32>
      %reduce_min3A_582 = arith.xori %min3A_576, %reduce_min3A_581 : vector<16xi32>
      %reduce_min3A_583 = tpu.scan <min>, %reduce_min3A_582 masked %reduce_min3A_579 : vector<16xi32>, vector<16xi1> -> vector<16xi32>
      %reduce_min3A_584 = arith.xori %reduce_min3A_583, %reduce_min3A_581 : vector<16xi32>
      %reduce_min3A_585 = vector.extract %reduce_min3A_584[15] : i32 from vector<16xi32>
      %min3A_586 = arith.minsi %while3A_373, %reduce_min3A_585 : i32
      scf.yield %add3A_578, %min3A_586, %or3A : i32, i32, i1
    }
    %lt3A_221 = arith.constant 1073741824 : i32
    %lt3A_222 = arith.cmpi slt, %while3A_159#1, %lt3A_221 : i32
    %eq3A_223 = arith.constant 390 : i32
    %eq3A_224 = arith.cmpi eq, %while3A_159#1, %eq3A_223 : i32
    %and3A_225 = arith.andi %lt3A_222, %eq3A_224 : i1
    %not3A = arith.constant true
    %not3A_226 = arith.xori %and3A_225, %not3A : i1
    %and3A_227 = arith.andi %lt3A_222, %not3A_226 : i1
    %not3A_228 = arith.constant true
    %not3A_229 = arith.xori %while3A_220#2, %not3A_228 : i1
    %and3A_230 = arith.andi %and3A_227, %not3A_229 : i1
    %convert_element_type3A = arith.extui %and3A_230 : i1 to i32
    %cond3A = arith.constant 0 : i32
    %cond3A_231 = arith.constant 0 : i32
    %cond3A_232 = arith.cmpi ne, %convert_element_type3A, %cond3A_231 : i32
    %cond3A_233:2 = scf.if %cond3A_232 -> (i32, f32) {
      %lt3A_372 = arith.constant 1073741824 : i32
      %lt3A_373 = arith.cmpi slt, %while3A_220#1, %lt3A_372 : i32
      %and3A_374 = arith.constant 16383 : i32
      %and3A_375 = arith.andi %while3A_220#1, %and3A_374 : i32
      %jit3A_376 = arith.constant 0 : i32
      %select_n3A_377 = arith.select %lt3A_373, %and3A_375, %jit3A_376 : i32
      %jit3A_378 = arith.constant 1.000000e+00 : f32
      %jit3A_379 = arith.constant 0.000000e+00 : f32
      %select_n3A_380 = arith.select %lt3A_373, %jit3A_378, %jit3A_379 : f32
      scf.yield %select_n3A_377, %select_n3A_380 : i32, f32
    } else {
      %mul3A_372 = arith.constant 512 : i32
      %mul3A_373 = arith.muli %mul3A_31, %mul3A_372 : i32
      %add3A_374 = arith.constant 3 : i32
      %add3A_375 = arith.addi %mul3A_373, %add3A_374 : i32
      %add3A_376 = arith.constant 0 : i32
      %add3A_377 = vector.broadcast %add3A_376 : i32 to vector<16xi32>
      %add3A_378 = arith.addi %iota3A, %add3A_377 : vector<16xi32>
      %mul3A_379 = arith.constant 4 : i32
      %mul3A_380 = vector.broadcast %mul3A_379 : i32 to vector<16xi32>
      %mul3A_381 = arith.muli %mul3A_380, %add3A_378 : vector<16xi32>
      %add3A_382 = vector.broadcast %add3A_375 : i32 to vector<16xi32>
      %add3A_383 = arith.addi %add3A_382, %mul3A_381 : vector<16xi32>
      %swap3A_384 = arith.constant 0 : index
      %swap3A_385 = tpu.vector_load %arg14[%swap3A_384] {strides = array<i32>} : memref<128xi32, #tpu.memory_space<vmem>>, vector<16xi32>,
      tpu.vector_store %arg14[%swap3A_384], %add3A_383 {strides = array<i32>} : memref<128xi32, #tpu.memory_space<vmem>>, vector<16xi32>,
      %add3A_386 = arith.constant 16 : i32
      %add3A_387 = vector.broadcast %add3A_386 : i32 to vector<16xi32>
      %add3A_388 = arith.addi %iota3A, %add3A_387 : vector<16xi32>
      %mul3A_389 = arith.constant 4 : i32
      %mul3A_390 = vector.broadcast %mul3A_389 : i32 to vector<16xi32>
      %mul3A_391 = arith.muli %mul3A_390, %add3A_388 : vector<16xi32>
      %add3A_392 = vector.broadcast %add3A_375 : i32 to vector<16xi32>
      %add3A_393 = arith.addi %add3A_392, %mul3A_391 : vector<16xi32>
      %swap3A_394 = arith.constant 16 : index
      %swap3A_395 = tpu.vector_load %arg14[%swap3A_394] {strides = array<i32>} : memref<128xi32, #tpu.memory_space<vmem>>, vector<16xi32>,
      tpu.vector_store %arg14[%swap3A_394], %add3A_393 {strides = array<i32>} : memref<128xi32, #tpu.memory_space<vmem>>, vector<16xi32>,
      %add3A_396 = arith.constant 32 : i32
      %add3A_397 = vector.broadcast %add3A_396 : i32 to vector<16xi32>
      %add3A_398 = arith.addi %iota3A, %add3A_397 : vector<16xi32>
      %mul3A_399 = arith.constant 4 : i32
      %mul3A_400 = vector.broadcast %mul3A_399 : i32 to vector<16xi32>
      %mul3A_401 = arith.muli %mul3A_400, %add3A_398 : vector<16xi32>
      %add3A_402 = vector.broadcast %add3A_375 : i32 to vector<16xi32>
      %add3A_403 = arith.addi %add3A_402, %mul3A_401 : vector<16xi32>
      %swap3A_404 = arith.constant 32 : index
      %swap3A_405 = tpu.vector_load %arg14[%swap3A_404] {strides = array<i32>} : memref<128xi32, #tpu.memory_space<vmem>>, vector<16xi32>,
      tpu.vector_store %arg14[%swap3A_404], %add3A_403 {strides = array<i32>} : memref<128xi32, #tpu.memory_space<vmem>>, vector<16xi32>,
      %add3A_406 = arith.constant 48 : i32
      %add3A_407 = vector.broadcast %add3A_406 : i32 to vector<16xi32>
      %add3A_408 = arith.addi %iota3A, %add3A_407 : vector<16xi32>
      %mul3A_409 = arith.constant 4 : i32
      %mul3A_410 = vector.broadcast %mul3A_409 : i32 to vector<16xi32>
      %mul3A_411 = arith.muli %mul3A_410, %add3A_408 : vector<16xi32>
      %add3A_412 = vector.broadcast %add3A_375 : i32 to vector<16xi32>
      %add3A_413 = arith.addi %add3A_412, %mul3A_411 : vector<16xi32>
      %swap3A_414 = arith.constant 48 : index
      %swap3A_415 = tpu.vector_load %arg14[%swap3A_414] {strides = array<i32>} : memref<128xi32, #tpu.memory_space<vmem>>, vector<16xi32>,
      tpu.vector_store %arg14[%swap3A_414], %add3A_413 {strides = array<i32>} : memref<128xi32, #tpu.memory_space<vmem>>, vector<16xi32>,
      %add3A_416 = arith.constant 64 : i32
      %add3A_417 = vector.broadcast %add3A_416 : i32 to vector<16xi32>
      %add3A_418 = arith.addi %iota3A, %add3A_417 : vector<16xi32>
      %mul3A_419 = arith.constant 4 : i32
      %mul3A_420 = vector.broadcast %mul3A_419 : i32 to vector<16xi32>
      %mul3A_421 = arith.muli %mul3A_420, %add3A_418 : vector<16xi32>
      %add3A_422 = vector.broadcast %add3A_375 : i32 to vector<16xi32>
      %add3A_423 = arith.addi %add3A_422, %mul3A_421 : vector<16xi32>
      %swap3A_424 = arith.constant 64 : index
      %swap3A_425 = tpu.vector_load %arg14[%swap3A_424] {strides = array<i32>} : memref<128xi32, #tpu.memory_space<vmem>>, vector<16xi32>,
      tpu.vector_store %arg14[%swap3A_424], %add3A_423 {strides = array<i32>} : memref<128xi32, #tpu.memory_space<vmem>>, vector<16xi32>,
      %add3A_426 = arith.constant 80 : i32
      %add3A_427 = vector.broadcast %add3A_426 : i32 to vector<16xi32>
      %add3A_428 = arith.addi %iota3A, %add3A_427 : vector<16xi32>
      %mul3A_429 = arith.constant 4 : i32
      %mul3A_430 = vector.broadcast %mul3A_429 : i32 to vector<16xi32>
      %mul3A_431 = arith.muli %mul3A_430, %add3A_428 : vector<16xi32>
      %add3A_432 = vector.broadcast %add3A_375 : i32 to vector<16xi32>
      %add3A_433 = arith.addi %add3A_432, %mul3A_431 : vector<16xi32>
      %swap3A_434 = arith.constant 80 : index
      %swap3A_435 = tpu.vector_load %arg14[%swap3A_434] {strides = array<i32>} : memref<128xi32, #tpu.memory_space<vmem>>, vector<16xi32>,
      tpu.vector_store %arg14[%swap3A_434], %add3A_433 {strides = array<i32>} : memref<128xi32, #tpu.memory_space<vmem>>, vector<16xi32>,
      %add3A_436 = arith.constant 96 : i32
      %add3A_437 = vector.broadcast %add3A_436 : i32 to vector<16xi32>
      %add3A_438 = arith.addi %iota3A, %add3A_437 : vector<16xi32>
      %mul3A_439 = arith.constant 4 : i32
      %mul3A_440 = vector.broadcast %mul3A_439 : i32 to vector<16xi32>
      %mul3A_441 = arith.muli %mul3A_440, %add3A_438 : vector<16xi32>
      %add3A_442 = vector.broadcast %add3A_375 : i32 to vector<16xi32>
      %add3A_443 = arith.addi %add3A_442, %mul3A_441 : vector<16xi32>
      %swap3A_444 = arith.constant 96 : index
      %swap3A_445 = tpu.vector_load %arg14[%swap3A_444] {strides = array<i32>} : memref<128xi32, #tpu.memory_space<vmem>>, vector<16xi32>,
      tpu.vector_store %arg14[%swap3A_444], %add3A_443 {strides = array<i32>} : memref<128xi32, #tpu.memory_space<vmem>>, vector<16xi32>,
      %add3A_446 = arith.constant 112 : i32
      %add3A_447 = vector.broadcast %add3A_446 : i32 to vector<16xi32>
      %add3A_448 = arith.addi %iota3A, %add3A_447 : vector<16xi32>
      %mul3A_449 = arith.constant 4 : i32
      %mul3A_450 = vector.broadcast %mul3A_449 : i32 to vector<16xi32>
      %mul3A_451 = arith.muli %mul3A_450, %add3A_448 : vector<16xi32>
      %add3A_452 = vector.broadcast %add3A_375 : i32 to vector<16xi32>
      %add3A_453 = arith.addi %add3A_452, %mul3A_451 : vector<16xi32>
      %swap3A_454 = arith.constant 112 : index
      %swap3A_455 = tpu.vector_load %arg14[%swap3A_454] {strides = array<i32>} : memref<128xi32, #tpu.memory_space<vmem>>, vector<16xi32>,
      tpu.vector_store %arg14[%swap3A_454], %add3A_453 {strides = array<i32>} : memref<128xi32, #tpu.memory_space<vmem>>, vector<16xi32>,
      %dma_start3A_456 = arith.constant 0 : i32
      %dma_start3A_457 = arith.constant 0 : i32
      %dma_start3A_458 = tpu.memref_slice %arg2[%dma_start3A_456, %dma_start3A_457] : memref<32768x128xf32, #tpu.memory_space<hbm>> -> memref<32768x128xf32, #tpu.memory_space<hbm>>
      tpu.enqueue_indirect_dma source(%dma_start3A_458 : memref<32768x128xf32, #tpu.memory_space<hbm>>) target(%arg5 : memref<128x128xf32, #tpu.memory_space<vmem>>) offsets(%arg14 : memref<128xi32, #tpu.memory_space<vmem>>) semaphore(%arg15 : memref<!tpu.dma_semaphore, #tpu.memory_space<semaphore_mem>>)
      %dma_wait3A_459 = arith.constant 0 : i32
      %dma_wait3A_460 = arith.constant 0 : i32
      %dma_wait3A_461 = tpu.memref_slice %arg2[%dma_wait3A_459, %dma_wait3A_460] : memref<32768x128xf32, #tpu.memory_space<hbm>> -> memref<32768x128xf32, #tpu.memory_space<hbm>>
      tpu.wait_indirect_dma semaphore(%arg15 : memref<!tpu.dma_semaphore, #tpu.memory_space<semaphore_mem>>) src(%dma_wait3A_461 : memref<32768x128xf32, #tpu.memory_space<hbm>>) dst(%arg5 : memref<128x128xf32, #tpu.memory_space<vmem>>)
      %mul3A_462 = arith.constant 512 : i32
      %mul3A_463 = arith.muli %mul3A_31, %mul3A_462 : i32
      %add3A_464 = arith.constant 1 : i32
      %add3A_465 = arith.addi %mul3A_463, %add3A_464 : i32
      %add3A_466 = arith.constant 0 : i32
      %add3A_467 = vector.broadcast %add3A_466 : i32 to vector<16xi32>
      %add3A_468 = arith.addi %iota3A, %add3A_467 : vector<16xi32>
      %mul3A_469 = arith.constant 4 : i32
      %mul3A_470 = vector.broadcast %mul3A_469 : i32 to vector<16xi32>
      %mul3A_471 = arith.muli %mul3A_470, %add3A_468 : vector<16xi32>
      %add3A_472 = vector.broadcast %add3A_465 : i32 to vector<16xi32>
      %add3A_473 = arith.addi %add3A_472, %mul3A_471 : vector<16xi32>
      %swap3A_474 = arith.constant 0 : index
      %swap3A_475 = tpu.vector_load %arg14[%swap3A_474] {strides = array<i32>} : memref<128xi32, #tpu.memory_space<vmem>>, vector<16xi32>,
      tpu.vector_store %arg14[%swap3A_474], %add3A_473 {strides = array<i32>} : memref<128xi32, #tpu.memory_space<vmem>>, vector<16xi32>,
      %add3A_476 = arith.constant 16 : i32
      %add3A_477 = vector.broadcast %add3A_476 : i32 to vector<16xi32>
      %add3A_478 = arith.addi %iota3A, %add3A_477 : vector<16xi32>
      %mul3A_479 = arith.constant 4 : i32
      %mul3A_480 = vector.broadcast %mul3A_479 : i32 to vector<16xi32>
      %mul3A_481 = arith.muli %mul3A_480, %add3A_478 : vector<16xi32>
      %add3A_482 = vector.broadcast %add3A_465 : i32 to vector<16xi32>
      %add3A_483 = arith.addi %add3A_482, %mul3A_481 : vector<16xi32>
      %swap3A_484 = arith.constant 16 : index
      %swap3A_485 = tpu.vector_load %arg14[%swap3A_484] {strides = array<i32>} : memref<128xi32, #tpu.memory_space<vmem>>, vector<16xi32>,
      tpu.vector_store %arg14[%swap3A_484], %add3A_483 {strides = array<i32>} : memref<128xi32, #tpu.memory_space<vmem>>, vector<16xi32>,
      %add3A_486 = arith.constant 32 : i32
      %add3A_487 = vector.broadcast %add3A_486 : i32 to vector<16xi32>
      %add3A_488 = arith.addi %iota3A, %add3A_487 : vector<16xi32>
      %mul3A_489 = arith.constant 4 : i32
      %mul3A_490 = vector.broadcast %mul3A_489 : i32 to vector<16xi32>
      %mul3A_491 = arith.muli %mul3A_490, %add3A_488 : vector<16xi32>
      %add3A_492 = vector.broadcast %add3A_465 : i32 to vector<16xi32>
      %add3A_493 = arith.addi %add3A_492, %mul3A_491 : vector<16xi32>
      %swap3A_494 = arith.constant 32 : index
      %swap3A_495 = tpu.vector_load %arg14[%swap3A_494] {strides = array<i32>} : memref<128xi32, #tpu.memory_space<vmem>>, vector<16xi32>,
      tpu.vector_store %arg14[%swap3A_494], %add3A_493 {strides = array<i32>} : memref<128xi32, #tpu.memory_space<vmem>>, vector<16xi32>,
      %add3A_496 = arith.constant 48 : i32
      %add3A_497 = vector.broadcast %add3A_496 : i32 to vector<16xi32>
      %add3A_498 = arith.addi %iota3A, %add3A_497 : vector<16xi32>
      %mul3A_499 = arith.constant 4 : i32
      %mul3A_500 = vector.broadcast %mul3A_499 : i32 to vector<16xi32>
      %mul3A_501 = arith.muli %mul3A_500, %add3A_498 : vector<16xi32>
      %add3A_502 = vector.broadcast %add3A_465 : i32 to vector<16xi32>
      %add3A_503 = arith.addi %add3A_502, %mul3A_501 : vector<16xi32>
      %swap3A_504 = arith.constant 48 : index
      %swap3A_505 = tpu.vector_load %arg14[%swap3A_504] {strides = array<i32>} : memref<128xi32, #tpu.memory_space<vmem>>, vector<16xi32>,
      tpu.vector_store %arg14[%swap3A_504], %add3A_503 {strides = array<i32>} : memref<128xi32, #tpu.memory_space<vmem>>, vector<16xi32>,
      %add3A_506 = arith.constant 64 : i32
      %add3A_507 = vector.broadcast %add3A_506 : i32 to vector<16xi32>
      %add3A_508 = arith.addi %iota3A, %add3A_507 : vector<16xi32>
      %mul3A_509 = arith.constant 4 : i32
      %mul3A_510 = vector.broadcast %mul3A_509 : i32 to vector<16xi32>
      %mul3A_511 = arith.muli %mul3A_510, %add3A_508 : vector<16xi32>
      %add3A_512 = vector.broadcast %add3A_465 : i32 to vector<16xi32>
      %add3A_513 = arith.addi %add3A_512, %mul3A_511 : vector<16xi32>
      %swap3A_514 = arith.constant 64 : index
      %swap3A_515 = tpu.vector_load %arg14[%swap3A_514] {strides = array<i32>} : memref<128xi32, #tpu.memory_space<vmem>>, vector<16xi32>,
      tpu.vector_store %arg14[%swap3A_514], %add3A_513 {strides = array<i32>} : memref<128xi32, #tpu.memory_space<vmem>>, vector<16xi32>,
      %add3A_516 = arith.constant 80 : i32
      %add3A_517 = vector.broadcast %add3A_516 : i32 to vector<16xi32>
      %add3A_518 = arith.addi %iota3A, %add3A_517 : vector<16xi32>
      %mul3A_519 = arith.constant 4 : i32
      %mul3A_520 = vector.broadcast %mul3A_519 : i32 to vector<16xi32>
      %mul3A_521 = arith.muli %mul3A_520, %add3A_518 : vector<16xi32>
      %add3A_522 = vector.broadcast %add3A_465 : i32 to vector<16xi32>
      %add3A_523 = arith.addi %add3A_522, %mul3A_521 : vector<16xi32>
      %swap3A_524 = arith.constant 80 : index
      %swap3A_525 = tpu.vector_load %arg14[%swap3A_524] {strides = array<i32>} : memref<128xi32, #tpu.memory_space<vmem>>, vector<16xi32>,
      tpu.vector_store %arg14[%swap3A_524], %add3A_523 {strides = array<i32>} : memref<128xi32, #tpu.memory_space<vmem>>, vector<16xi32>,
      %add3A_526 = arith.constant 96 : i32
      %add3A_527 = vector.broadcast %add3A_526 : i32 to vector<16xi32>
      %add3A_528 = arith.addi %iota3A, %add3A_527 : vector<16xi32>
      %mul3A_529 = arith.constant 4 : i32
      %mul3A_530 = vector.broadcast %mul3A_529 : i32 to vector<16xi32>
      %mul3A_531 = arith.muli %mul3A_530, %add3A_528 : vector<16xi32>
      %add3A_532 = vector.broadcast %add3A_465 : i32 to vector<16xi32>
      %add3A_533 = arith.addi %add3A_532, %mul3A_531 : vector<16xi32>
      %swap3A_534 = arith.constant 96 : index
      %swap3A_535 = tpu.vector_load %arg14[%swap3A_534] {strides = array<i32>} : memref<128xi32, #tpu.memory_space<vmem>>, vector<16xi32>,
      tpu.vector_store %arg14[%swap3A_534], %add3A_533 {strides = array<i32>} : memref<128xi32, #tpu.memory_space<vmem>>, vector<16xi32>,
      %add3A_536 = arith.constant 112 : i32
      %add3A_537 = vector.broadcast %add3A_536 : i32 to vector<16xi32>
      %add3A_538 = arith.addi %iota3A, %add3A_537 : vector<16xi32>
      %mul3A_539 = arith.constant 4 : i32
      %mul3A_540 = vector.broadcast %mul3A_539 : i32 to vector<16xi32>
      %mul3A_541 = arith.muli %mul3A_540, %add3A_538 : vector<16xi32>
      %add3A_542 = vector.broadcast %add3A_465 : i32 to vector<16xi32>
      %add3A_543 = arith.addi %add3A_542, %mul3A_541 : vector<16xi32>
      %swap3A_544 = arith.constant 112 : index
      %swap3A_545 = tpu.vector_load %arg14[%swap3A_544] {strides = array<i32>} : memref<128xi32, #tpu.memory_space<vmem>>, vector<16xi32>,
      tpu.vector_store %arg14[%swap3A_544], %add3A_543 {strides = array<i32>} : memref<128xi32, #tpu.memory_space<vmem>>, vector<16xi32>,
      %dma_start3A_546 = arith.constant 0 : i32
      %dma_start3A_547 = arith.constant 0 : i32
      %dma_start3A_548 = tpu.memref_slice %arg2[%dma_start3A_546, %dma_start3A_547] : memref<32768x128xf32, #tpu.memory_space<hbm>> -> memref<32768x128xf32, #tpu.memory_space<hbm>>
      tpu.enqueue_indirect_dma source(%dma_start3A_548 : memref<32768x128xf32, #tpu.memory_space<hbm>>) target(%arg6 : memref<128x128xf32, #tpu.memory_space<vmem>>) offsets(%arg14 : memref<128xi32, #tpu.memory_space<vmem>>) semaphore(%arg16 : memref<!tpu.dma_semaphore, #tpu.memory_space<semaphore_mem>>)
      %dma_wait3A_549 = arith.constant 0 : i32
      %dma_wait3A_550 = arith.constant 0 : i32
      %dma_wait3A_551 = tpu.memref_slice %arg2[%dma_wait3A_549, %dma_wait3A_550] : memref<32768x128xf32, #tpu.memory_space<hbm>> -> memref<32768x128xf32, #tpu.memory_space<hbm>>
      tpu.wait_indirect_dma semaphore(%arg16 : memref<!tpu.dma_semaphore, #tpu.memory_space<semaphore_mem>>) src(%dma_wait3A_551 : memref<32768x128xf32, #tpu.memory_space<hbm>>) dst(%arg6 : memref<128x128xf32, #tpu.memory_space<vmem>>)
      %while3A_552 = arith.constant 0 : i32
      %while3A_553 = arith.constant 1073741824 : i32
      %while3A_554:2 = scf.while (%while3A_649 = %while3A_552, %while3A_650 = %while3A_553) : (i32, i32) -> (i32, i32) {
        %lt3A_651 = arith.constant 16 : i32
        %lt3A_652 = arith.cmpi slt, %while3A_649, %lt3A_651 : i32
        %ge3A = arith.constant 1073741824 : i32
        %ge3A_653 = arith.cmpi sge, %while3A_650, %ge3A : i32
        %and3A_654 = arith.andi %lt3A_652, %ge3A_653 : i1
        scf.condition(%and3A_654) %while3A_649, %while3A_650 : i32, i32
      } do {
      ^bb0(%while3A_649: i32, %while3A_650: i32):
        %mul3A_651 = arith.constant 8 : i32
        %mul3A_652 = arith.muli %mul3A_651, %while3A_649 : i32
        %mul3A_653 = arith.constant 8 : i32
        %mul3A_654 = arith.muli %mul3A_653, %while3A_649 : i32
        %add3A_655 = arith.constant 8 : i32
        %add3A_656 = arith.addi %mul3A_654, %add3A_655 : i32
        %while3A_657 = arith.subi %add3A_656, %mul3A_652 : i32
        %while3A_658 = arith.addi %mul3A_652, %while3A_657 : i32
        %while3A_659 = arith.constant 1 : i32
        %while3A_660 = arith.divsi %while3A_657, %while3A_659 : i32
        %while3A_661 = arith.muli %while3A_660, %while3A_659 : i32
        %while3A_662 = arith.addi %mul3A_652, %while3A_661 : i32
        %while3A_663 = arith.constant 1 : i32
        %while3A_664 = scf.for %while3A_676 = %mul3A_652 to %while3A_662 step %while3A_663 iter_args(%while3A_677 = %broadcast_in_dim3A_3) -> (vector<16xi32>)  : i32 {
          %mul3A_678 = arith.constant 128 : i32
          %mul3A_679 = arith.muli %while3A_676, %mul3A_678 : i32
          %broadcast_in_dim3A_680 = vector.broadcast %mul3A_679 : i32 to vector<16xi32>
          %get3A = arith.index_cast %while3A_676 : i32 to index
          %get3A_681 = arith.constant 0 : index
          %get3A_682 = tpu.vector_load %arg5[%get3A, %get3A_681] {strides = array<i32>} : memref<128x128xf32, #tpu.memory_space<vmem>>, vector<16xf32>,
          %eq3A_683 = arith.constant 1.000000e+00 : f32
          %eq3A_684 = vector.broadcast %eq3A_683 : f32 to vector<16xf32>
          %eq3A_685 = arith.cmpf oeq, %get3A_682, %eq3A_684 : vector<16xf32>
          %add3A_686 = arith.addi %broadcast_in_dim3A_680, %add3A_8 : vector<16xi32>
          %jit3A_687 = arith.constant 1073741824 : i32
          %broadcast_in_dim3A_688 = vector.broadcast %jit3A_687 : i32 to vector<16xi32>
          %select_n3A_689 = arith.select %eq3A_685, %add3A_686, %broadcast_in_dim3A_688 : vector<16xi1>, vector<16xi32>
          %min3A_690 = arith.minsi %while3A_677, %select_n3A_689 : vector<16xi32>
          %get3A_691 = arith.index_cast %while3A_676 : i32 to index
          %get3A_692 = arith.constant 16 : index
          %get3A_693 = tpu.vector_load %arg5[%get3A_691, %get3A_692] {strides = array<i32>} : memref<128x128xf32, #tpu.memory_space<vmem>>, vector<16xf32>,
          %eq3A_694 = arith.constant 1.000000e+00 : f32
          %eq3A_695 = vector.broadcast %eq3A_694 : f32 to vector<16xf32>
          %eq3A_696 = arith.cmpf oeq, %get3A_693, %eq3A_695 : vector<16xf32>
          %add3A_697 = arith.addi %broadcast_in_dim3A_680, %add3A_11 : vector<16xi32>
          %jit3A_698 = arith.constant 1073741824 : i32
          %broadcast_in_dim3A_699 = vector.broadcast %jit3A_698 : i32 to vector<16xi32>
          %select_n3A_700 = arith.select %eq3A_696, %add3A_697, %broadcast_in_dim3A_699 : vector<16xi1>, vector<16xi32>
          %min3A_701 = arith.minsi %min3A_690, %select_n3A_700 : vector<16xi32>
          %get3A_702 = arith.index_cast %while3A_676 : i32 to index
          %get3A_703 = arith.constant 32 : index
          %get3A_704 = tpu.vector_load %arg5[%get3A_702, %get3A_703] {strides = array<i32>} : memref<128x128xf32, #tpu.memory_space<vmem>>, vector<16xf32>,
          %eq3A_705 = arith.constant 1.000000e+00 : f32
          %eq3A_706 = vector.broadcast %eq3A_705 : f32 to vector<16xf32>
          %eq3A_707 = arith.cmpf oeq, %get3A_704, %eq3A_706 : vector<16xf32>
          %add3A_708 = arith.addi %broadcast_in_dim3A_680, %add3A_14 : vector<16xi32>
          %jit3A_709 = arith.constant 1073741824 : i32
          %broadcast_in_dim3A_710 = vector.broadcast %jit3A_709 : i32 to vector<16xi32>
          %select_n3A_711 = arith.select %eq3A_707, %add3A_708, %broadcast_in_dim3A_710 : vector<16xi1>, vector<16xi32>
          %min3A_712 = arith.minsi %min3A_701, %select_n3A_711 : vector<16xi32>
          %get3A_713 = arith.index_cast %while3A_676 : i32 to index
          %get3A_714 = arith.constant 48 : index
          %get3A_715 = tpu.vector_load %arg5[%get3A_713, %get3A_714] {strides = array<i32>} : memref<128x128xf32, #tpu.memory_space<vmem>>, vector<16xf32>,
          %eq3A_716 = arith.constant 1.000000e+00 : f32
          %eq3A_717 = vector.broadcast %eq3A_716 : f32 to vector<16xf32>
          %eq3A_718 = arith.cmpf oeq, %get3A_715, %eq3A_717 : vector<16xf32>
          %add3A_719 = arith.addi %broadcast_in_dim3A_680, %add3A_17 : vector<16xi32>
          %jit3A_720 = arith.constant 1073741824 : i32
          %broadcast_in_dim3A_721 = vector.broadcast %jit3A_720 : i32 to vector<16xi32>
          %select_n3A_722 = arith.select %eq3A_718, %add3A_719, %broadcast_in_dim3A_721 : vector<16xi1>, vector<16xi32>
          %min3A_723 = arith.minsi %min3A_712, %select_n3A_722 : vector<16xi32>
          %get3A_724 = arith.index_cast %while3A_676 : i32 to index
          %get3A_725 = arith.constant 64 : index
          %get3A_726 = tpu.vector_load %arg5[%get3A_724, %get3A_725] {strides = array<i32>} : memref<128x128xf32, #tpu.memory_space<vmem>>, vector<16xf32>,
          %eq3A_727 = arith.constant 1.000000e+00 : f32
          %eq3A_728 = vector.broadcast %eq3A_727 : f32 to vector<16xf32>
          %eq3A_729 = arith.cmpf oeq, %get3A_726, %eq3A_728 : vector<16xf32>
          %add3A_730 = arith.addi %broadcast_in_dim3A_680, %add3A_20 : vector<16xi32>
          %jit3A_731 = arith.constant 1073741824 : i32
          %broadcast_in_dim3A_732 = vector.broadcast %jit3A_731 : i32 to vector<16xi32>
          %select_n3A_733 = arith.select %eq3A_729, %add3A_730, %broadcast_in_dim3A_732 : vector<16xi1>, vector<16xi32>
          %min3A_734 = arith.minsi %min3A_723, %select_n3A_733 : vector<16xi32>
          %get3A_735 = arith.index_cast %while3A_676 : i32 to index
          %get3A_736 = arith.constant 80 : index
          %get3A_737 = tpu.vector_load %arg5[%get3A_735, %get3A_736] {strides = array<i32>} : memref<128x128xf32, #tpu.memory_space<vmem>>, vector<16xf32>,
          %eq3A_738 = arith.constant 1.000000e+00 : f32
          %eq3A_739 = vector.broadcast %eq3A_738 : f32 to vector<16xf32>
          %eq3A_740 = arith.cmpf oeq, %get3A_737, %eq3A_739 : vector<16xf32>
          %add3A_741 = arith.addi %broadcast_in_dim3A_680, %add3A_23 : vector<16xi32>
          %jit3A_742 = arith.constant 1073741824 : i32
          %broadcast_in_dim3A_743 = vector.broadcast %jit3A_742 : i32 to vector<16xi32>
          %select_n3A_744 = arith.select %eq3A_740, %add3A_741, %broadcast_in_dim3A_743 : vector<16xi1>, vector<16xi32>
          %min3A_745 = arith.minsi %min3A_734, %select_n3A_744 : vector<16xi32>
          %get3A_746 = arith.index_cast %while3A_676 : i32 to index
          %get3A_747 = arith.constant 96 : index
          %get3A_748 = tpu.vector_load %arg5[%get3A_746, %get3A_747] {strides = array<i32>} : memref<128x128xf32, #tpu.memory_space<vmem>>, vector<16xf32>,
          %eq3A_749 = arith.constant 1.000000e+00 : f32
          %eq3A_750 = vector.broadcast %eq3A_749 : f32 to vector<16xf32>
          %eq3A_751 = arith.cmpf oeq, %get3A_748, %eq3A_750 : vector<16xf32>
          %add3A_752 = arith.addi %broadcast_in_dim3A_680, %add3A_26 : vector<16xi32>
          %jit3A_753 = arith.constant 1073741824 : i32
          %broadcast_in_dim3A_754 = vector.broadcast %jit3A_753 : i32 to vector<16xi32>
          %select_n3A_755 = arith.select %eq3A_751, %add3A_752, %broadcast_in_dim3A_754 : vector<16xi1>, vector<16xi32>
          %min3A_756 = arith.minsi %min3A_745, %select_n3A_755 : vector<16xi32>
          %get3A_757 = arith.index_cast %while3A_676 : i32 to index
          %get3A_758 = arith.constant 112 : index
          %get3A_759 = tpu.vector_load %arg5[%get3A_757, %get3A_758] {strides = array<i32>} : memref<128x128xf32, #tpu.memory_space<vmem>>, vector<16xf32>,
          %eq3A_760 = arith.constant 1.000000e+00 : f32
          %eq3A_761 = vector.broadcast %eq3A_760 : f32 to vector<16xf32>
          %eq3A_762 = arith.cmpf oeq, %get3A_759, %eq3A_761 : vector<16xf32>
          %add3A_763 = arith.addi %broadcast_in_dim3A_680, %add3A_29 : vector<16xi32>
          %jit3A_764 = arith.constant 1073741824 : i32
          %broadcast_in_dim3A_765 = vector.broadcast %jit3A_764 : i32 to vector<16xi32>
          %select_n3A_766 = arith.select %eq3A_762, %add3A_763, %broadcast_in_dim3A_765 : vector<16xi1>, vector<16xi32>
          %min3A_767 = arith.minsi %min3A_756, %select_n3A_766 : vector<16xi32>
          scf.yield %min3A_767 : vector<16xi32>
        }
        %while3A_665 = arith.constant 1 : i32
        %while3A_666 = scf.for %while3A_676 = %while3A_662 to %while3A_658 step %while3A_665 iter_args(%while3A_677 = %while3A_664) -> (vector<16xi32>)  : i32 {
          %mul3A_678 = arith.constant 128 : i32
          %mul3A_679 = arith.muli %while3A_676, %mul3A_678 : i32
          %broadcast_in_dim3A_680 = vector.broadcast %mul3A_679 : i32 to vector<16xi32>
          %get3A = arith.index_cast %while3A_676 : i32 to index
          %get3A_681 = arith.constant 0 : index
          %get3A_682 = tpu.vector_load %arg5[%get3A, %get3A_681] {strides = array<i32>} : memref<128x128xf32, #tpu.memory_space<vmem>>, vector<16xf32>,
          %eq3A_683 = arith.constant 1.000000e+00 : f32
          %eq3A_684 = vector.broadcast %eq3A_683 : f32 to vector<16xf32>
          %eq3A_685 = arith.cmpf oeq, %get3A_682, %eq3A_684 : vector<16xf32>
          %add3A_686 = arith.addi %broadcast_in_dim3A_680, %add3A_8 : vector<16xi32>
          %jit3A_687 = arith.constant 1073741824 : i32
          %broadcast_in_dim3A_688 = vector.broadcast %jit3A_687 : i32 to vector<16xi32>
          %select_n3A_689 = arith.select %eq3A_685, %add3A_686, %broadcast_in_dim3A_688 : vector<16xi1>, vector<16xi32>
          %min3A_690 = arith.minsi %while3A_677, %select_n3A_689 : vector<16xi32>
          %get3A_691 = arith.index_cast %while3A_676 : i32 to index
          %get3A_692 = arith.constant 16 : index
          %get3A_693 = tpu.vector_load %arg5[%get3A_691, %get3A_692] {strides = array<i32>} : memref<128x128xf32, #tpu.memory_space<vmem>>, vector<16xf32>,
          %eq3A_694 = arith.constant 1.000000e+00 : f32
          %eq3A_695 = vector.broadcast %eq3A_694 : f32 to vector<16xf32>
          %eq3A_696 = arith.cmpf oeq, %get3A_693, %eq3A_695 : vector<16xf32>
          %add3A_697 = arith.addi %broadcast_in_dim3A_680, %add3A_11 : vector<16xi32>
          %jit3A_698 = arith.constant 1073741824 : i32
          %broadcast_in_dim3A_699 = vector.broadcast %jit3A_698 : i32 to vector<16xi32>
          %select_n3A_700 = arith.select %eq3A_696, %add3A_697, %broadcast_in_dim3A_699 : vector<16xi1>, vector<16xi32>
          %min3A_701 = arith.minsi %min3A_690, %select_n3A_700 : vector<16xi32>
          %get3A_702 = arith.index_cast %while3A_676 : i32 to index
          %get3A_703 = arith.constant 32 : index
          %get3A_704 = tpu.vector_load %arg5[%get3A_702, %get3A_703] {strides = array<i32>} : memref<128x128xf32, #tpu.memory_space<vmem>>, vector<16xf32>,
          %eq3A_705 = arith.constant 1.000000e+00 : f32
          %eq3A_706 = vector.broadcast %eq3A_705 : f32 to vector<16xf32>
          %eq3A_707 = arith.cmpf oeq, %get3A_704, %eq3A_706 : vector<16xf32>
          %add3A_708 = arith.addi %broadcast_in_dim3A_680, %add3A_14 : vector<16xi32>
          %jit3A_709 = arith.constant 1073741824 : i32
          %broadcast_in_dim3A_710 = vector.broadcast %jit3A_709 : i32 to vector<16xi32>
          %select_n3A_711 = arith.select %eq3A_707, %add3A_708, %broadcast_in_dim3A_710 : vector<16xi1>, vector<16xi32>
          %min3A_712 = arith.minsi %min3A_701, %select_n3A_711 : vector<16xi32>
          %get3A_713 = arith.index_cast %while3A_676 : i32 to index
          %get3A_714 = arith.constant 48 : index
          %get3A_715 = tpu.vector_load %arg5[%get3A_713, %get3A_714] {strides = array<i32>} : memref<128x128xf32, #tpu.memory_space<vmem>>, vector<16xf32>,
          %eq3A_716 = arith.constant 1.000000e+00 : f32
          %eq3A_717 = vector.broadcast %eq3A_716 : f32 to vector<16xf32>
          %eq3A_718 = arith.cmpf oeq, %get3A_715, %eq3A_717 : vector<16xf32>
          %add3A_719 = arith.addi %broadcast_in_dim3A_680, %add3A_17 : vector<16xi32>
          %jit3A_720 = arith.constant 1073741824 : i32
          %broadcast_in_dim3A_721 = vector.broadcast %jit3A_720 : i32 to vector<16xi32>
          %select_n3A_722 = arith.select %eq3A_718, %add3A_719, %broadcast_in_dim3A_721 : vector<16xi1>, vector<16xi32>
          %min3A_723 = arith.minsi %min3A_712, %select_n3A_722 : vector<16xi32>
          %get3A_724 = arith.index_cast %while3A_676 : i32 to index
          %get3A_725 = arith.constant 64 : index
          %get3A_726 = tpu.vector_load %arg5[%get3A_724, %get3A_725] {strides = array<i32>} : memref<128x128xf32, #tpu.memory_space<vmem>>, vector<16xf32>,
          %eq3A_727 = arith.constant 1.000000e+00 : f32
          %eq3A_728 = vector.broadcast %eq3A_727 : f32 to vector<16xf32>
          %eq3A_729 = arith.cmpf oeq, %get3A_726, %eq3A_728 : vector<16xf32>
          %add3A_730 = arith.addi %broadcast_in_dim3A_680, %add3A_20 : vector<16xi32>
          %jit3A_731 = arith.constant 1073741824 : i32
          %broadcast_in_dim3A_732 = vector.broadcast %jit3A_731 : i32 to vector<16xi32>
          %select_n3A_733 = arith.select %eq3A_729, %add3A_730, %broadcast_in_dim3A_732 : vector<16xi1>, vector<16xi32>
          %min3A_734 = arith.minsi %min3A_723, %select_n3A_733 : vector<16xi32>
          %get3A_735 = arith.index_cast %while3A_676 : i32 to index
          %get3A_736 = arith.constant 80 : index
          %get3A_737 = tpu.vector_load %arg5[%get3A_735, %get3A_736] {strides = array<i32>} : memref<128x128xf32, #tpu.memory_space<vmem>>, vector<16xf32>,
          %eq3A_738 = arith.constant 1.000000e+00 : f32
          %eq3A_739 = vector.broadcast %eq3A_738 : f32 to vector<16xf32>
          %eq3A_740 = arith.cmpf oeq, %get3A_737, %eq3A_739 : vector<16xf32>
          %add3A_741 = arith.addi %broadcast_in_dim3A_680, %add3A_23 : vector<16xi32>
          %jit3A_742 = arith.constant 1073741824 : i32
          %broadcast_in_dim3A_743 = vector.broadcast %jit3A_742 : i32 to vector<16xi32>
          %select_n3A_744 = arith.select %eq3A_740, %add3A_741, %broadcast_in_dim3A_743 : vector<16xi1>, vector<16xi32>
          %min3A_745 = arith.minsi %min3A_734, %select_n3A_744 : vector<16xi32>
          %get3A_746 = arith.index_cast %while3A_676 : i32 to index
          %get3A_747 = arith.constant 96 : index
          %get3A_748 = tpu.vector_load %arg5[%get3A_746, %get3A_747] {strides = array<i32>} : memref<128x128xf32, #tpu.memory_space<vmem>>, vector<16xf32>,
          %eq3A_749 = arith.constant 1.000000e+00 : f32
          %eq3A_750 = vector.broadcast %eq3A_749 : f32 to vector<16xf32>
          %eq3A_751 = arith.cmpf oeq, %get3A_748, %eq3A_750 : vector<16xf32>
          %add3A_752 = arith.addi %broadcast_in_dim3A_680, %add3A_26 : vector<16xi32>
          %jit3A_753 = arith.constant 1073741824 : i32
          %broadcast_in_dim3A_754 = vector.broadcast %jit3A_753 : i32 to vector<16xi32>
          %select_n3A_755 = arith.select %eq3A_751, %add3A_752, %broadcast_in_dim3A_754 : vector<16xi1>, vector<16xi32>
          %min3A_756 = arith.minsi %min3A_745, %select_n3A_755 : vector<16xi32>
          %get3A_757 = arith.index_cast %while3A_676 : i32 to index
          %get3A_758 = arith.constant 112 : index
          %get3A_759 = tpu.vector_load %arg5[%get3A_757, %get3A_758] {strides = array<i32>} : memref<128x128xf32, #tpu.memory_space<vmem>>, vector<16xf32>,
          %eq3A_760 = arith.constant 1.000000e+00 : f32
          %eq3A_761 = vector.broadcast %eq3A_760 : f32 to vector<16xf32>
          %eq3A_762 = arith.cmpf oeq, %get3A_759, %eq3A_761 : vector<16xf32>
          %add3A_763 = arith.addi %broadcast_in_dim3A_680, %add3A_29 : vector<16xi32>
          %jit3A_764 = arith.constant 1073741824 : i32
          %broadcast_in_dim3A_765 = vector.broadcast %jit3A_764 : i32 to vector<16xi32>
          %select_n3A_766 = arith.select %eq3A_762, %add3A_763, %broadcast_in_dim3A_765 : vector<16xi1>, vector<16xi32>
          %min3A_767 = arith.minsi %min3A_756, %select_n3A_766 : vector<16xi32>
          scf.yield %min3A_767 : vector<16xi32>
        }
        %add3A_667 = arith.constant 1 : i32
        %add3A_668 = arith.addi %while3A_649, %add3A_667 : i32
        %reduce_min3A = arith.constant true
        %reduce_min3A_669 = vector.broadcast %reduce_min3A : i1 to vector<16xi1>
        %reduce_min3A_670 = arith.constant -2147483648 : i32
        %reduce_min3A_671 = vector.broadcast %reduce_min3A_670 : i32 to vector<16xi32>
        %reduce_min3A_672 = arith.xori %while3A_666, %reduce_min3A_671 : vector<16xi32>
        %reduce_min3A_673 = tpu.scan <min>, %reduce_min3A_672 masked %reduce_min3A_669 : vector<16xi32>, vector<16xi1> -> vector<16xi32>
        %reduce_min3A_674 = arith.xori %reduce_min3A_673, %reduce_min3A_671 : vector<16xi32>
        %reduce_min3A_675 = vector.extract %reduce_min3A_674[15] : i32 from vector<16xi32>
        %min3A = arith.minsi %while3A_650, %reduce_min3A_675 : i32
        scf.yield %add3A_668, %min3A : i32, i32
      }
      %lt3A_555 = arith.constant 1073741824 : i32
      %lt3A_556 = arith.cmpi slt, %while3A_554#1, %lt3A_555 : i32
      %jit3A_557 = arith.constant 0 : i32
      %select_n3A_558 = arith.select %lt3A_556, %while3A_554#1, %jit3A_557 : i32
      %lt3A_559 = arith.constant 1073741824 : i32
      %lt3A_560 = arith.cmpi slt, %while3A_554#1, %lt3A_559 : i32
      %jit3A_561 = arith.constant 0 : i32
      %select_n3A_562 = arith.select %lt3A_560, %while3A_554#1, %jit3A_561 : i32
      %shift_right_arithmetic3A_563 = arith.constant 7 : i32
      %shift_right_arithmetic3A_564 = arith.shrsi %select_n3A_562, %shift_right_arithmetic3A_563 : i32
      %and3A_565 = arith.constant 127 : i32
      %and3A_566 = arith.andi %select_n3A_562, %and3A_565 : i32
      %broadcast_in_dim3A_567 = vector.broadcast %and3A_566 : i32 to vector<16xi32>
      %sub3A_568 = arith.subi %add3A_8, %broadcast_in_dim3A_567 : vector<16xi32>
      %mul3A_569 = arith.muli %sub3A_568, %sub3A_568 : vector<16xi32>
      %mul3A_570 = arith.constant 16384 : i32
      %mul3A_571 = vector.broadcast %mul3A_570 : i32 to vector<16xi32>
      %mul3A_572 = arith.muli %mul3A_569, %mul3A_571 : vector<16xi32>
      %add3A_573 = arith.addi %mul3A_572, %add3A_8 : vector<16xi32>
      %sub3A_574 = arith.subi %add3A_11, %broadcast_in_dim3A_567 : vector<16xi32>
      %mul3A_575 = arith.muli %sub3A_574, %sub3A_574 : vector<16xi32>
      %mul3A_576 = arith.constant 16384 : i32
      %mul3A_577 = vector.broadcast %mul3A_576 : i32 to vector<16xi32>
      %mul3A_578 = arith.muli %mul3A_575, %mul3A_577 : vector<16xi32>
      %add3A_579 = arith.addi %mul3A_578, %add3A_11 : vector<16xi32>
      %sub3A_580 = arith.subi %add3A_14, %broadcast_in_dim3A_567 : vector<16xi32>
      %mul3A_581 = arith.muli %sub3A_580, %sub3A_580 : vector<16xi32>
      %mul3A_582 = arith.constant 16384 : i32
      %mul3A_583 = vector.broadcast %mul3A_582 : i32 to vector<16xi32>
      %mul3A_584 = arith.muli %mul3A_581, %mul3A_583 : vector<16xi32>
      %add3A_585 = arith.addi %mul3A_584, %add3A_14 : vector<16xi32>
      %sub3A_586 = arith.subi %add3A_17, %broadcast_in_dim3A_567 : vector<16xi32>
      %mul3A_587 = arith.muli %sub3A_586, %sub3A_586 : vector<16xi32>
      %mul3A_588 = arith.constant 16384 : i32
      %mul3A_589 = vector.broadcast %mul3A_588 : i32 to vector<16xi32>
      %mul3A_590 = arith.muli %mul3A_587, %mul3A_589 : vector<16xi32>
      %add3A_591 = arith.addi %mul3A_590, %add3A_17 : vector<16xi32>
      %sub3A_592 = arith.subi %add3A_20, %broadcast_in_dim3A_567 : vector<16xi32>
      %mul3A_593 = arith.muli %sub3A_592, %sub3A_592 : vector<16xi32>
      %mul3A_594 = arith.constant 16384 : i32
      %mul3A_595 = vector.broadcast %mul3A_594 : i32 to vector<16xi32>
      %mul3A_596 = arith.muli %mul3A_593, %mul3A_595 : vector<16xi32>
      %add3A_597 = arith.addi %mul3A_596, %add3A_20 : vector<16xi32>
      %sub3A_598 = arith.subi %add3A_23, %broadcast_in_dim3A_567 : vector<16xi32>
      %mul3A_599 = arith.muli %sub3A_598, %sub3A_598 : vector<16xi32>
      %mul3A_600 = arith.constant 16384 : i32
      %mul3A_601 = vector.broadcast %mul3A_600 : i32 to vector<16xi32>
      %mul3A_602 = arith.muli %mul3A_599, %mul3A_601 : vector<16xi32>
      %add3A_603 = arith.addi %mul3A_602, %add3A_23 : vector<16xi32>
      %sub3A_604 = arith.subi %add3A_26, %broadcast_in_dim3A_567 : vector<16xi32>
      %mul3A_605 = arith.muli %sub3A_604, %sub3A_604 : vector<16xi32>
      %mul3A_606 = arith.constant 16384 : i32
      %mul3A_607 = vector.broadcast %mul3A_606 : i32 to vector<16xi32>
      %mul3A_608 = arith.muli %mul3A_605, %mul3A_607 : vector<16xi32>
      %add3A_609 = arith.addi %mul3A_608, %add3A_26 : vector<16xi32>
      %sub3A_610 = arith.subi %add3A_29, %broadcast_in_dim3A_567 : vector<16xi32>
      %mul3A_611 = arith.muli %sub3A_610, %sub3A_610 : vector<16xi32>
      %mul3A_612 = arith.constant 16384 : i32
      %mul3A_613 = vector.broadcast %mul3A_612 : i32 to vector<16xi32>
      %mul3A_614 = arith.muli %mul3A_611, %mul3A_613 : vector<16xi32>
      %add3A_615 = arith.addi %mul3A_614, %add3A_29 : vector<16xi32>
      %while3A_616 = arith.constant 0 : i32
      %while3A_617 = arith.constant 1073741824 : i32
      %while3A_618 = arith.constant false
      %while3A_619:3 = scf.while (%while3A_649 = %while3A_616, %while3A_650 = %while3A_617, %while3A_651 = %while3A_618) : (i32, i32, i1) -> (i32, i32, i1) {
        %lt3A_652 = arith.constant 128 : i32
        %lt3A_653 = arith.cmpi slt, %while3A_649, %lt3A_652 : i32
        %mul3A_654 = arith.muli %while3A_649, %while3A_649 : i32
        %mul3A_655 = arith.constant 16384 : i32
        %mul3A_656 = arith.muli %mul3A_654, %mul3A_655 : i32
        %le3A = arith.cmpi sle, %mul3A_656, %while3A_650 : i32
        %and3A_657 = arith.andi %lt3A_653, %le3A : i1
        %not3A_658 = arith.constant true
        %not3A_659 = arith.xori %while3A_651, %not3A_658 : i1
        %and3A_660 = arith.andi %and3A_657, %not3A_659 : i1
        scf.condition(%and3A_660) %while3A_649, %while3A_650, %while3A_651 : i32, i32, i1
      } do {
      ^bb0(%while3A_649: i32, %while3A_650: i32, %while3A_651: i1):
        %mul3A_652 = arith.muli %while3A_649, %while3A_649 : i32
        %mul3A_653 = arith.constant 16384 : i32
        %mul3A_654 = arith.muli %mul3A_652, %mul3A_653 : i32
        %sub3A_655 = arith.subi %shift_right_arithmetic3A_564, %while3A_649 : i32
        %add3A_656 = arith.addi %shift_right_arithmetic3A_564, %while3A_649 : i32
        %ge3A = arith.constant 0 : i32
        %ge3A_657 = arith.cmpi sge, %sub3A_655, %ge3A : i32
        %mul3A_658 = arith.constant 128 : i32
        %mul3A_659 = arith.muli %sub3A_655, %mul3A_658 : i32
        %add3A_660 = arith.addi %mul3A_654, %mul3A_659 : i32
        %jit3A_661 = arith.constant 1073741824 : i32
        %select_n3A_662 = arith.select %ge3A_657, %add3A_660, %jit3A_661 : i32
        %lt3A_663 = arith.constant 128 : i32
        %lt3A_664 = arith.cmpi slt, %add3A_656, %lt3A_663 : i32
        %mul3A_665 = arith.constant 128 : i32
        %mul3A_666 = arith.muli %add3A_656, %mul3A_665 : i32
        %add3A_667 = arith.addi %mul3A_654, %mul3A_666 : i32
        %jit3A_668 = arith.constant 1073741824 : i32
        %select_n3A_669 = arith.select %lt3A_664, %add3A_667, %jit3A_668 : i32
        %max3A = arith.constant 0 : i32
        %max3A_670 = arith.maxsi %sub3A_655, %max3A : i32
        %broadcast_in_dim3A_671 = vector.broadcast %select_n3A_662 : i32 to vector<16xi32>
        %get3A = arith.index_cast %max3A_670 : i32 to index
        %get3A_672 = arith.constant 0 : index
        %get3A_673 = tpu.vector_load %arg6[%get3A, %get3A_672] {strides = array<i32>} : memref<128x128xf32, #tpu.memory_space<vmem>>, vector<16xf32>,
        %eq3A_674 = arith.constant 1.000000e+00 : f32
        %eq3A_675 = vector.broadcast %eq3A_674 : f32 to vector<16xf32>
        %eq3A_676 = arith.cmpf oeq, %get3A_673, %eq3A_675 : vector<16xf32>
        %add3A_677 = arith.addi %broadcast_in_dim3A_671, %add3A_573 : vector<16xi32>
        %jit3A_678 = arith.constant 1073741824 : i32
        %broadcast_in_dim3A_679 = vector.broadcast %jit3A_678 : i32 to vector<16xi32>
        %select_n3A_680 = arith.select %eq3A_676, %add3A_677, %broadcast_in_dim3A_679 : vector<16xi1>, vector<16xi32>
        %min3A = arith.minsi %broadcast_in_dim3A_3, %select_n3A_680 : vector<16xi32>
        %get3A_681 = arith.index_cast %max3A_670 : i32 to index
        %get3A_682 = arith.constant 16 : index
        %get3A_683 = tpu.vector_load %arg6[%get3A_681, %get3A_682] {strides = array<i32>} : memref<128x128xf32, #tpu.memory_space<vmem>>, vector<16xf32>,
        %eq3A_684 = arith.constant 1.000000e+00 : f32
        %eq3A_685 = vector.broadcast %eq3A_684 : f32 to vector<16xf32>
        %eq3A_686 = arith.cmpf oeq, %get3A_683, %eq3A_685 : vector<16xf32>
        %add3A_687 = arith.addi %broadcast_in_dim3A_671, %add3A_579 : vector<16xi32>
        %jit3A_688 = arith.constant 1073741824 : i32
        %broadcast_in_dim3A_689 = vector.broadcast %jit3A_688 : i32 to vector<16xi32>
        %select_n3A_690 = arith.select %eq3A_686, %add3A_687, %broadcast_in_dim3A_689 : vector<16xi1>, vector<16xi32>
        %min3A_691 = arith.minsi %min3A, %select_n3A_690 : vector<16xi32>
        %get3A_692 = arith.index_cast %max3A_670 : i32 to index
        %get3A_693 = arith.constant 32 : index
        %get3A_694 = tpu.vector_load %arg6[%get3A_692, %get3A_693] {strides = array<i32>} : memref<128x128xf32, #tpu.memory_space<vmem>>, vector<16xf32>,
        %eq3A_695 = arith.constant 1.000000e+00 : f32
        %eq3A_696 = vector.broadcast %eq3A_695 : f32 to vector<16xf32>
        %eq3A_697 = arith.cmpf oeq, %get3A_694, %eq3A_696 : vector<16xf32>
        %add3A_698 = arith.addi %broadcast_in_dim3A_671, %add3A_585 : vector<16xi32>
        %jit3A_699 = arith.constant 1073741824 : i32
        %broadcast_in_dim3A_700 = vector.broadcast %jit3A_699 : i32 to vector<16xi32>
        %select_n3A_701 = arith.select %eq3A_697, %add3A_698, %broadcast_in_dim3A_700 : vector<16xi1>, vector<16xi32>
        %min3A_702 = arith.minsi %min3A_691, %select_n3A_701 : vector<16xi32>
        %get3A_703 = arith.index_cast %max3A_670 : i32 to index
        %get3A_704 = arith.constant 48 : index
        %get3A_705 = tpu.vector_load %arg6[%get3A_703, %get3A_704] {strides = array<i32>} : memref<128x128xf32, #tpu.memory_space<vmem>>, vector<16xf32>,
        %eq3A_706 = arith.constant 1.000000e+00 : f32
        %eq3A_707 = vector.broadcast %eq3A_706 : f32 to vector<16xf32>
        %eq3A_708 = arith.cmpf oeq, %get3A_705, %eq3A_707 : vector<16xf32>
        %add3A_709 = arith.addi %broadcast_in_dim3A_671, %add3A_591 : vector<16xi32>
        %jit3A_710 = arith.constant 1073741824 : i32
        %broadcast_in_dim3A_711 = vector.broadcast %jit3A_710 : i32 to vector<16xi32>
        %select_n3A_712 = arith.select %eq3A_708, %add3A_709, %broadcast_in_dim3A_711 : vector<16xi1>, vector<16xi32>
        %min3A_713 = arith.minsi %min3A_702, %select_n3A_712 : vector<16xi32>
        %get3A_714 = arith.index_cast %max3A_670 : i32 to index
        %get3A_715 = arith.constant 64 : index
        %get3A_716 = tpu.vector_load %arg6[%get3A_714, %get3A_715] {strides = array<i32>} : memref<128x128xf32, #tpu.memory_space<vmem>>, vector<16xf32>,
        %eq3A_717 = arith.constant 1.000000e+00 : f32
        %eq3A_718 = vector.broadcast %eq3A_717 : f32 to vector<16xf32>
        %eq3A_719 = arith.cmpf oeq, %get3A_716, %eq3A_718 : vector<16xf32>
        %add3A_720 = arith.addi %broadcast_in_dim3A_671, %add3A_597 : vector<16xi32>
        %jit3A_721 = arith.constant 1073741824 : i32
        %broadcast_in_dim3A_722 = vector.broadcast %jit3A_721 : i32 to vector<16xi32>
        %select_n3A_723 = arith.select %eq3A_719, %add3A_720, %broadcast_in_dim3A_722 : vector<16xi1>, vector<16xi32>
        %min3A_724 = arith.minsi %min3A_713, %select_n3A_723 : vector<16xi32>
        %get3A_725 = arith.index_cast %max3A_670 : i32 to index
        %get3A_726 = arith.constant 80 : index
        %get3A_727 = tpu.vector_load %arg6[%get3A_725, %get3A_726] {strides = array<i32>} : memref<128x128xf32, #tpu.memory_space<vmem>>, vector<16xf32>,
        %eq3A_728 = arith.constant 1.000000e+00 : f32
        %eq3A_729 = vector.broadcast %eq3A_728 : f32 to vector<16xf32>
        %eq3A_730 = arith.cmpf oeq, %get3A_727, %eq3A_729 : vector<16xf32>
        %add3A_731 = arith.addi %broadcast_in_dim3A_671, %add3A_603 : vector<16xi32>
        %jit3A_732 = arith.constant 1073741824 : i32
        %broadcast_in_dim3A_733 = vector.broadcast %jit3A_732 : i32 to vector<16xi32>
        %select_n3A_734 = arith.select %eq3A_730, %add3A_731, %broadcast_in_dim3A_733 : vector<16xi1>, vector<16xi32>
        %min3A_735 = arith.minsi %min3A_724, %select_n3A_734 : vector<16xi32>
        %get3A_736 = arith.index_cast %max3A_670 : i32 to index
        %get3A_737 = arith.constant 96 : index
        %get3A_738 = tpu.vector_load %arg6[%get3A_736, %get3A_737] {strides = array<i32>} : memref<128x128xf32, #tpu.memory_space<vmem>>, vector<16xf32>,
        %eq3A_739 = arith.constant 1.000000e+00 : f32
        %eq3A_740 = vector.broadcast %eq3A_739 : f32 to vector<16xf32>
        %eq3A_741 = arith.cmpf oeq, %get3A_738, %eq3A_740 : vector<16xf32>
        %add3A_742 = arith.addi %broadcast_in_dim3A_671, %add3A_609 : vector<16xi32>
        %jit3A_743 = arith.constant 1073741824 : i32
        %broadcast_in_dim3A_744 = vector.broadcast %jit3A_743 : i32 to vector<16xi32>
        %select_n3A_745 = arith.select %eq3A_741, %add3A_742, %broadcast_in_dim3A_744 : vector<16xi1>, vector<16xi32>
        %min3A_746 = arith.minsi %min3A_735, %select_n3A_745 : vector<16xi32>
        %get3A_747 = arith.index_cast %max3A_670 : i32 to index
        %get3A_748 = arith.constant 112 : index
        %get3A_749 = tpu.vector_load %arg6[%get3A_747, %get3A_748] {strides = array<i32>} : memref<128x128xf32, #tpu.memory_space<vmem>>, vector<16xf32>,
        %eq3A_750 = arith.constant 1.000000e+00 : f32
        %eq3A_751 = vector.broadcast %eq3A_750 : f32 to vector<16xf32>
        %eq3A_752 = arith.cmpf oeq, %get3A_749, %eq3A_751 : vector<16xf32>
        %add3A_753 = arith.addi %broadcast_in_dim3A_671, %add3A_615 : vector<16xi32>
        %jit3A_754 = arith.constant 1073741824 : i32
        %broadcast_in_dim3A_755 = vector.broadcast %jit3A_754 : i32 to vector<16xi32>
        %select_n3A_756 = arith.select %eq3A_752, %add3A_753, %broadcast_in_dim3A_755 : vector<16xi1>, vector<16xi32>
        %min3A_757 = arith.minsi %min3A_746, %select_n3A_756 : vector<16xi32>
        %min3A_758 = arith.constant 127 : i32
        %min3A_759 = arith.minsi %add3A_656, %min3A_758 : i32
        %broadcast_in_dim3A_760 = vector.broadcast %select_n3A_669 : i32 to vector<16xi32>
        %get3A_761 = arith.index_cast %min3A_759 : i32 to index
        %get3A_762 = arith.constant 0 : index
        %get3A_763 = tpu.vector_load %arg6[%get3A_761, %get3A_762] {strides = array<i32>} : memref<128x128xf32, #tpu.memory_space<vmem>>, vector<16xf32>,
        %eq3A_764 = arith.constant 1.000000e+00 : f32
        %eq3A_765 = vector.broadcast %eq3A_764 : f32 to vector<16xf32>
        %eq3A_766 = arith.cmpf oeq, %get3A_763, %eq3A_765 : vector<16xf32>
        %add3A_767 = arith.addi %broadcast_in_dim3A_760, %add3A_573 : vector<16xi32>
        %jit3A_768 = arith.constant 1073741824 : i32
        %broadcast_in_dim3A_769 = vector.broadcast %jit3A_768 : i32 to vector<16xi32>
        %select_n3A_770 = arith.select %eq3A_766, %add3A_767, %broadcast_in_dim3A_769 : vector<16xi1>, vector<16xi32>
        %min3A_771 = arith.minsi %min3A_757, %select_n3A_770 : vector<16xi32>
        %get3A_772 = arith.index_cast %min3A_759 : i32 to index
        %get3A_773 = arith.constant 16 : index
        %get3A_774 = tpu.vector_load %arg6[%get3A_772, %get3A_773] {strides = array<i32>} : memref<128x128xf32, #tpu.memory_space<vmem>>, vector<16xf32>,
        %eq3A_775 = arith.constant 1.000000e+00 : f32
        %eq3A_776 = vector.broadcast %eq3A_775 : f32 to vector<16xf32>
        %eq3A_777 = arith.cmpf oeq, %get3A_774, %eq3A_776 : vector<16xf32>
        %add3A_778 = arith.addi %broadcast_in_dim3A_760, %add3A_579 : vector<16xi32>
        %jit3A_779 = arith.constant 1073741824 : i32
        %broadcast_in_dim3A_780 = vector.broadcast %jit3A_779 : i32 to vector<16xi32>
        %select_n3A_781 = arith.select %eq3A_777, %add3A_778, %broadcast_in_dim3A_780 : vector<16xi1>, vector<16xi32>
        %min3A_782 = arith.minsi %min3A_771, %select_n3A_781 : vector<16xi32>
        %get3A_783 = arith.index_cast %min3A_759 : i32 to index
        %get3A_784 = arith.constant 32 : index
        %get3A_785 = tpu.vector_load %arg6[%get3A_783, %get3A_784] {strides = array<i32>} : memref<128x128xf32, #tpu.memory_space<vmem>>, vector<16xf32>,
        %eq3A_786 = arith.constant 1.000000e+00 : f32
        %eq3A_787 = vector.broadcast %eq3A_786 : f32 to vector<16xf32>
        %eq3A_788 = arith.cmpf oeq, %get3A_785, %eq3A_787 : vector<16xf32>
        %add3A_789 = arith.addi %broadcast_in_dim3A_760, %add3A_585 : vector<16xi32>
        %jit3A_790 = arith.constant 1073741824 : i32
        %broadcast_in_dim3A_791 = vector.broadcast %jit3A_790 : i32 to vector<16xi32>
        %select_n3A_792 = arith.select %eq3A_788, %add3A_789, %broadcast_in_dim3A_791 : vector<16xi1>, vector<16xi32>
        %min3A_793 = arith.minsi %min3A_782, %select_n3A_792 : vector<16xi32>
        %get3A_794 = arith.index_cast %min3A_759 : i32 to index
        %get3A_795 = arith.constant 48 : index
        %get3A_796 = tpu.vector_load %arg6[%get3A_794, %get3A_795] {strides = array<i32>} : memref<128x128xf32, #tpu.memory_space<vmem>>, vector<16xf32>,
        %eq3A_797 = arith.constant 1.000000e+00 : f32
        %eq3A_798 = vector.broadcast %eq3A_797 : f32 to vector<16xf32>
        %eq3A_799 = arith.cmpf oeq, %get3A_796, %eq3A_798 : vector<16xf32>
        %add3A_800 = arith.addi %broadcast_in_dim3A_760, %add3A_591 : vector<16xi32>
        %jit3A_801 = arith.constant 1073741824 : i32
        %broadcast_in_dim3A_802 = vector.broadcast %jit3A_801 : i32 to vector<16xi32>
        %select_n3A_803 = arith.select %eq3A_799, %add3A_800, %broadcast_in_dim3A_802 : vector<16xi1>, vector<16xi32>
        %min3A_804 = arith.minsi %min3A_793, %select_n3A_803 : vector<16xi32>
        %get3A_805 = arith.index_cast %min3A_759 : i32 to index
        %get3A_806 = arith.constant 64 : index
        %get3A_807 = tpu.vector_load %arg6[%get3A_805, %get3A_806] {strides = array<i32>} : memref<128x128xf32, #tpu.memory_space<vmem>>, vector<16xf32>,
        %eq3A_808 = arith.constant 1.000000e+00 : f32
        %eq3A_809 = vector.broadcast %eq3A_808 : f32 to vector<16xf32>
        %eq3A_810 = arith.cmpf oeq, %get3A_807, %eq3A_809 : vector<16xf32>
        %add3A_811 = arith.addi %broadcast_in_dim3A_760, %add3A_597 : vector<16xi32>
        %jit3A_812 = arith.constant 1073741824 : i32
        %broadcast_in_dim3A_813 = vector.broadcast %jit3A_812 : i32 to vector<16xi32>
        %select_n3A_814 = arith.select %eq3A_810, %add3A_811, %broadcast_in_dim3A_813 : vector<16xi1>, vector<16xi32>
        %min3A_815 = arith.minsi %min3A_804, %select_n3A_814 : vector<16xi32>
        %get3A_816 = arith.index_cast %min3A_759 : i32 to index
        %get3A_817 = arith.constant 80 : index
        %get3A_818 = tpu.vector_load %arg6[%get3A_816, %get3A_817] {strides = array<i32>} : memref<128x128xf32, #tpu.memory_space<vmem>>, vector<16xf32>,
        %eq3A_819 = arith.constant 1.000000e+00 : f32
        %eq3A_820 = vector.broadcast %eq3A_819 : f32 to vector<16xf32>
        %eq3A_821 = arith.cmpf oeq, %get3A_818, %eq3A_820 : vector<16xf32>
        %add3A_822 = arith.addi %broadcast_in_dim3A_760, %add3A_603 : vector<16xi32>
        %jit3A_823 = arith.constant 1073741824 : i32
        %broadcast_in_dim3A_824 = vector.broadcast %jit3A_823 : i32 to vector<16xi32>
        %select_n3A_825 = arith.select %eq3A_821, %add3A_822, %broadcast_in_dim3A_824 : vector<16xi1>, vector<16xi32>
        %min3A_826 = arith.minsi %min3A_815, %select_n3A_825 : vector<16xi32>
        %get3A_827 = arith.index_cast %min3A_759 : i32 to index
        %get3A_828 = arith.constant 96 : index
        %get3A_829 = tpu.vector_load %arg6[%get3A_827, %get3A_828] {strides = array<i32>} : memref<128x128xf32, #tpu.memory_space<vmem>>, vector<16xf32>,
        %eq3A_830 = arith.constant 1.000000e+00 : f32
        %eq3A_831 = vector.broadcast %eq3A_830 : f32 to vector<16xf32>
        %eq3A_832 = arith.cmpf oeq, %get3A_829, %eq3A_831 : vector<16xf32>
        %add3A_833 = arith.addi %broadcast_in_dim3A_760, %add3A_609 : vector<16xi32>
        %jit3A_834 = arith.constant 1073741824 : i32
        %broadcast_in_dim3A_835 = vector.broadcast %jit3A_834 : i32 to vector<16xi32>
        %select_n3A_836 = arith.select %eq3A_832, %add3A_833, %broadcast_in_dim3A_835 : vector<16xi1>, vector<16xi32>
        %min3A_837 = arith.minsi %min3A_826, %select_n3A_836 : vector<16xi32>
        %get3A_838 = arith.index_cast %min3A_759 : i32 to index
        %get3A_839 = arith.constant 112 : index
        %get3A_840 = tpu.vector_load %arg6[%get3A_838, %get3A_839] {strides = array<i32>} : memref<128x128xf32, #tpu.memory_space<vmem>>, vector<16xf32>,
        %eq3A_841 = arith.constant 1.000000e+00 : f32
        %eq3A_842 = vector.broadcast %eq3A_841 : f32 to vector<16xf32>
        %eq3A_843 = arith.cmpf oeq, %get3A_840, %eq3A_842 : vector<16xf32>
        %add3A_844 = arith.addi %broadcast_in_dim3A_760, %add3A_615 : vector<16xi32>
        %jit3A_845 = arith.constant 1073741824 : i32
        %broadcast_in_dim3A_846 = vector.broadcast %jit3A_845 : i32 to vector<16xi32>
        %select_n3A_847 = arith.select %eq3A_843, %add3A_844, %broadcast_in_dim3A_846 : vector<16xi1>, vector<16xi32>
        %min3A_848 = arith.minsi %min3A_837, %select_n3A_847 : vector<16xi32>
        %add3A_849 = arith.constant 1 : i32
        %add3A_850 = arith.addi %while3A_649, %add3A_849 : i32
        %reduce_min3A = arith.constant true
        %reduce_min3A_851 = vector.broadcast %reduce_min3A : i1 to vector<16xi1>
        %reduce_min3A_852 = arith.constant -2147483648 : i32
        %reduce_min3A_853 = vector.broadcast %reduce_min3A_852 : i32 to vector<16xi32>
        %reduce_min3A_854 = arith.xori %min3A_848, %reduce_min3A_853 : vector<16xi32>
        %reduce_min3A_855 = tpu.scan <min>, %reduce_min3A_854 masked %reduce_min3A_851 : vector<16xi32>, vector<16xi1> -> vector<16xi32>
        %reduce_min3A_856 = arith.xori %reduce_min3A_855, %reduce_min3A_853 : vector<16xi32>
        %reduce_min3A_857 = vector.extract %reduce_min3A_856[15] : i32 from vector<16xi32>
        %min3A_858 = arith.minsi %while3A_650, %reduce_min3A_857 : i32
        scf.yield %add3A_850, %min3A_858, %while3A_651 : i32, i32, i1
      }
      %lt3A_620 = arith.constant 1073741824 : i32
      %lt3A_621 = arith.cmpi slt, %while3A_619#1, %lt3A_620 : i32
      %and3A_622 = arith.constant 16383 : i32
      %and3A_623 = arith.andi %while3A_619#1, %and3A_622 : i32
      %jit3A_624 = arith.constant 0 : i32
      %select_n3A_625 = arith.select %lt3A_621, %and3A_623, %jit3A_624 : i32
      %eq3A_626 = arith.constant 390 : i32
      %eq3A_627 = arith.cmpi eq, %select_n3A_558, %eq3A_626 : i32
      %and3A_628 = arith.andi %lt3A_556, %eq3A_627 : i1
      %not3A_629 = arith.constant true
      %not3A_630 = arith.xori %and3A_628, %not3A_629 : i1
      %and3A_631 = arith.andi %lt3A_556, %not3A_630 : i1
      %convert_element_type3A_632 = arith.extui %and3A_631 : i1 to i32
      %cond3A_633 = arith.constant 0 : i32
      %cond3A_634 = arith.constant 0 : i32
      %cond3A_635 = arith.cmpi ne, %convert_element_type3A_632, %cond3A_634 : i32
      %cond3A_636 = scf.if %cond3A_635 -> (i32) {
        %cond3A_649 = arith.constant 2 : i32
        scf.yield %cond3A_649 : i32
      } else {
        %broadcast_in_dim3A_649 = arith.constant 0 : i32
        %broadcast_in_dim3A_650 = vector.broadcast %broadcast_in_dim3A_649 : i32 to vector<16xi32>
        %scan3A_651 = arith.constant 0 : i32
        %scan3A_652 = arith.constant 128 : i32
        %scan3A_653 = arith.addi %scan3A_651, %scan3A_652 : i32
        %scan3A_654 = arith.constant 1 : i32
        %scan3A_655 = scf.for %scan3A_660 = %scan3A_651 to %scan3A_653 step %scan3A_654 iter_args(%scan3A_661 = %broadcast_in_dim3A_650) -> (vector<16xi32>)  : i32 {
          %get3A = arith.index_cast %scan3A_660 : i32 to index
          %get3A_662 = arith.constant 0 : index
          %get3A_663 = tpu.vector_load %arg6[%get3A, %get3A_662] {strides = array<i32>} : memref<128x128xf32, #tpu.memory_space<vmem>>, vector<16xf32>,
          %eq3A_664 = arith.constant 1.000000e+00 : f32
          %eq3A_665 = vector.broadcast %eq3A_664 : f32 to vector<16xf32>
          %eq3A_666 = arith.cmpf oeq, %get3A_663, %eq3A_665 : vector<16xf32>
          %convert_element_type3A_667 = arith.extui %eq3A_666 : vector<16xi1> to vector<16xi32>
          %add3A_668 = arith.addi %scan3A_661, %convert_element_type3A_667 : vector<16xi32>
          %get3A_669 = arith.index_cast %scan3A_660 : i32 to index
          %get3A_670 = arith.constant 16 : index
          %get3A_671 = tpu.vector_load %arg6[%get3A_669, %get3A_670] {strides = array<i32>} : memref<128x128xf32, #tpu.memory_space<vmem>>, vector<16xf32>,
          %eq3A_672 = arith.constant 1.000000e+00 : f32
          %eq3A_673 = vector.broadcast %eq3A_672 : f32 to vector<16xf32>
          %eq3A_674 = arith.cmpf oeq, %get3A_671, %eq3A_673 : vector<16xf32>
          %convert_element_type3A_675 = arith.extui %eq3A_674 : vector<16xi1> to vector<16xi32>
          %add3A_676 = arith.addi %add3A_668, %convert_element_type3A_675 : vector<16xi32>
          %get3A_677 = arith.index_cast %scan3A_660 : i32 to index
          %get3A_678 = arith.constant 32 : index
          %get3A_679 = tpu.vector_load %arg6[%get3A_677, %get3A_678] {strides = array<i32>} : memref<128x128xf32, #tpu.memory_space<vmem>>, vector<16xf32>,
          %eq3A_680 = arith.constant 1.000000e+00 : f32
          %eq3A_681 = vector.broadcast %eq3A_680 : f32 to vector<16xf32>
          %eq3A_682 = arith.cmpf oeq, %get3A_679, %eq3A_681 : vector<16xf32>
          %convert_element_type3A_683 = arith.extui %eq3A_682 : vector<16xi1> to vector<16xi32>
          %add3A_684 = arith.addi %add3A_676, %convert_element_type3A_683 : vector<16xi32>
          %get3A_685 = arith.index_cast %scan3A_660 : i32 to index
          %get3A_686 = arith.constant 48 : index
          %get3A_687 = tpu.vector_load %arg6[%get3A_685, %get3A_686] {strides = array<i32>} : memref<128x128xf32, #tpu.memory_space<vmem>>, vector<16xf32>,
          %eq3A_688 = arith.constant 1.000000e+00 : f32
          %eq3A_689 = vector.broadcast %eq3A_688 : f32 to vector<16xf32>
          %eq3A_690 = arith.cmpf oeq, %get3A_687, %eq3A_689 : vector<16xf32>
          %convert_element_type3A_691 = arith.extui %eq3A_690 : vector<16xi1> to vector<16xi32>
          %add3A_692 = arith.addi %add3A_684, %convert_element_type3A_691 : vector<16xi32>
          %get3A_693 = arith.index_cast %scan3A_660 : i32 to index
          %get3A_694 = arith.constant 64 : index
          %get3A_695 = tpu.vector_load %arg6[%get3A_693, %get3A_694] {strides = array<i32>} : memref<128x128xf32, #tpu.memory_space<vmem>>, vector<16xf32>,
          %eq3A_696 = arith.constant 1.000000e+00 : f32
          %eq3A_697 = vector.broadcast %eq3A_696 : f32 to vector<16xf32>
          %eq3A_698 = arith.cmpf oeq, %get3A_695, %eq3A_697 : vector<16xf32>
          %convert_element_type3A_699 = arith.extui %eq3A_698 : vector<16xi1> to vector<16xi32>
          %add3A_700 = arith.addi %add3A_692, %convert_element_type3A_699 : vector<16xi32>
          %get3A_701 = arith.index_cast %scan3A_660 : i32 to index
          %get3A_702 = arith.constant 80 : index
          %get3A_703 = tpu.vector_load %arg6[%get3A_701, %get3A_702] {strides = array<i32>} : memref<128x128xf32, #tpu.memory_space<vmem>>, vector<16xf32>,
          %eq3A_704 = arith.constant 1.000000e+00 : f32
          %eq3A_705 = vector.broadcast %eq3A_704 : f32 to vector<16xf32>
          %eq3A_706 = arith.cmpf oeq, %get3A_703, %eq3A_705 : vector<16xf32>
          %convert_element_type3A_707 = arith.extui %eq3A_706 : vector<16xi1> to vector<16xi32>
          %add3A_708 = arith.addi %add3A_700, %convert_element_type3A_707 : vector<16xi32>
          %get3A_709 = arith.index_cast %scan3A_660 : i32 to index
          %get3A_710 = arith.constant 96 : index
          %get3A_711 = tpu.vector_load %arg6[%get3A_709, %get3A_710] {strides = array<i32>} : memref<128x128xf32, #tpu.memory_space<vmem>>, vector<16xf32>,
          %eq3A_712 = arith.constant 1.000000e+00 : f32
          %eq3A_713 = vector.broadcast %eq3A_712 : f32 to vector<16xf32>
          %eq3A_714 = arith.cmpf oeq, %get3A_711, %eq3A_713 : vector<16xf32>
          %convert_element_type3A_715 = arith.extui %eq3A_714 : vector<16xi1> to vector<16xi32>
          %add3A_716 = arith.addi %add3A_708, %convert_element_type3A_715 : vector<16xi32>
          %get3A_717 = arith.index_cast %scan3A_660 : i32 to index
          %get3A_718 = arith.constant 112 : index
          %get3A_719 = tpu.vector_load %arg6[%get3A_717, %get3A_718] {strides = array<i32>} : memref<128x128xf32, #tpu.memory_space<vmem>>, vector<16xf32>,
          %eq3A_720 = arith.constant 1.000000e+00 : f32
          %eq3A_721 = vector.broadcast %eq3A_720 : f32 to vector<16xf32>
          %eq3A_722 = arith.cmpf oeq, %get3A_719, %eq3A_721 : vector<16xf32>
          %convert_element_type3A_723 = arith.extui %eq3A_722 : vector<16xi1> to vector<16xi32>
          %add3A_724 = arith.addi %add3A_716, %convert_element_type3A_723 : vector<16xi32>
          scf.yield %add3A_724 : vector<16xi32>
        }
        %scan3A_656 = arith.constant 128 : i32
        %reduce_sum3A = arith.constant true
        %reduce_sum3A_657 = vector.broadcast %reduce_sum3A : i1 to vector<16xi1>
        %reduce_sum3A_658 = tpu.scan <sum>, %scan3A_655 masked %reduce_sum3A_657 : vector<16xi32>, vector<16xi1> -> vector<16xi32>
        %reduce_sum3A_659 = vector.extract %reduce_sum3A_658[15] : i32 from vector<16xi32>
        scf.yield %reduce_sum3A_659 : i32
      }
      %lt3A_637 = arith.constant 1073741824 : i32
      %lt3A_638 = arith.cmpi slt, %while3A_619#1, %lt3A_637 : i32
      %eq3A_639 = arith.constant 1 : i32
      %eq3A_640 = arith.cmpi eq, %cond3A_636, %eq3A_639 : i32
      %select_n3A_641 = arith.select %and3A_631, %lt3A_638, %eq3A_640 : i1
      %jit3A_642 = arith.constant 0 : i32
      %select_n3A_643 = arith.select %select_n3A_641, %select_n3A_625, %jit3A_642 : i32
      %gt3A = arith.constant 0 : i32
      %gt3A_644 = arith.cmpi sgt, %cond3A_636, %gt3A : i32
      %select_n3A_645 = arith.select %and3A_631, %lt3A_638, %gt3A_644 : i1
      %jit3A_646 = arith.constant 1.000000e+00 : f32
      %jit3A_647 = arith.constant 0.000000e+00 : f32
      %select_n3A_648 = arith.select %select_n3A_645, %jit3A_646, %jit3A_647 : f32
      scf.yield %select_n3A_643, %select_n3A_648 : i32, f32
    }
    %dma_wait3A_234 = arith.constant 0 : i32
    %dma_wait3A_235 = arith.constant 0 : i32
    %dma_wait3A_236 = tpu.memref_slice %arg4[%mul3A_31, %dma_wait3A_234, %dma_wait3A_235] : memref<64x128x128xf32, #tpu.memory_space<hbm>> -> memref<1x128x128xf32, #tpu.memory_space<hbm>>
    %dma_wait3A_237 = tpu.memref_squeeze %dma_wait3A_236 : memref<1x128x128xf32, #tpu.memory_space<hbm>> -> memref<128x128xf32, #tpu.memory_space<hbm>>
    %dma_wait3A_238 = arith.constant 0 : i32
    %dma_wait3A_239 = arith.constant 0 : i32
    %dma_wait3A_240 = tpu.memref_slice %arg4[%mul3A_31, %dma_wait3A_238, %dma_wait3A_239] : memref<64x128x128xf32, #tpu.memory_space<hbm>> -> memref<1x128x128xf32, #tpu.memory_space<hbm>>
    %dma_wait3A_241 = tpu.memref_squeeze %dma_wait3A_240 : memref<1x128x128xf32, #tpu.memory_space<hbm>> -> memref<128x128xf32, #tpu.memory_space<hbm>>
    tpu.wait_dma2 semaphore(%arg19 : memref<!tpu.dma_semaphore, #tpu.memory_space<semaphore_mem>>) src(%arg9 : memref<128x128xf32, #tpu.memory_space<vmem>>) dst(%dma_wait3A_241 : memref<128x128xf32, #tpu.memory_space<hbm>>)
    %dma_wait3A_242 = arith.constant 0 : i32
    %dma_wait3A_243 = arith.constant 0 : i32
    %dma_wait3A_244 = tpu.memref_slice %arg4[%add3A_33, %dma_wait3A_242, %dma_wait3A_243] : memref<64x128x128xf32, #tpu.memory_space<hbm>> -> memref<1x128x128xf32, #tpu.memory_space<hbm>>
    %dma_wait3A_245 = tpu.memref_squeeze %dma_wait3A_244 : memref<1x128x128xf32, #tpu.memory_space<hbm>> -> memref<128x128xf32, #tpu.memory_space<hbm>>
    %dma_wait3A_246 = arith.constant 0 : i32
    %dma_wait3A_247 = arith.constant 0 : i32
    %dma_wait3A_248 = tpu.memref_slice %arg4[%add3A_33, %dma_wait3A_246, %dma_wait3A_247] : memref<64x128x128xf32, #tpu.memory_space<hbm>> -> memref<1x128x128xf32, #tpu.memory_space<hbm>>
    %dma_wait3A_249 = tpu.memref_squeeze %dma_wait3A_248 : memref<1x128x128xf32, #tpu.memory_space<hbm>> -> memref<128x128xf32, #tpu.memory_space<hbm>>
    tpu.wait_dma2 semaphore(%arg20 : memref<!tpu.dma_semaphore, #tpu.memory_space<semaphore_mem>>) src(%arg9 : memref<128x128xf32, #tpu.memory_space<vmem>>) dst(%dma_wait3A_249 : memref<128x128xf32, #tpu.memory_space<hbm>>)
    %shift_right_arithmetic3A_250 = arith.constant 7 : i32
    %shift_right_arithmetic3A_251 = arith.shrsi %cond3A_233#0, %shift_right_arithmetic3A_250 : i32
    %broadcast_in_dim3A_252 = vector.broadcast %shift_right_arithmetic3A_251 : i32 to vector<16xi32>
    %and3A_253 = arith.constant 127 : i32
    %and3A_254 = arith.andi %cond3A_233#0, %and3A_253 : i32
    %broadcast_in_dim3A_255 = vector.broadcast %and3A_254 : i32 to vector<16xi32>
    %broadcast_in_dim3A_256 = vector.broadcast %cond3A_233#1 : f32 to vector<16xf32>
    tpu.vector_store_idx %arg9[%broadcast_in_dim3A_252, %broadcast_in_dim3A_255], %broadcast_in_dim3A_256 masked %eq3A_5 : memref<128x128xf32, #tpu.memory_space<vmem>>[vector<16xi32>, vector<16xi32>], vector<16xf32>, vector<16xi1>
    %dma_start3A_257 = arith.constant 0 : i32
    %dma_start3A_258 = arith.constant 0 : i32
    %dma_start3A_259 = tpu.memref_slice %arg3[%mul3A_31, %dma_start3A_257, %dma_start3A_258] : memref<64x128x128xf32, #tpu.memory_space<hbm>> -> memref<1x128x128xf32, #tpu.memory_space<hbm>>
    %dma_start3A_260 = tpu.memref_squeeze %dma_start3A_259 : memref<1x128x128xf32, #tpu.memory_space<hbm>> -> memref<128x128xf32, #tpu.memory_space<hbm>>
    %dma_start3A_261 = arith.constant 0 : i32
    %dma_start3A_262 = arith.constant 0 : i32
    %dma_start3A_263 = tpu.memref_slice %arg3[%mul3A_31, %dma_start3A_261, %dma_start3A_262] : memref<64x128x128xf32, #tpu.memory_space<hbm>> -> memref<1x128x128xf32, #tpu.memory_space<hbm>>
    %dma_start3A_264 = tpu.memref_squeeze %dma_start3A_263 : memref<1x128x128xf32, #tpu.memory_space<hbm>> -> memref<128x128xf32, #tpu.memory_space<hbm>>
    tpu.enqueue_dma source(%arg9 : memref<128x128xf32, #tpu.memory_space<vmem>>) target(%dma_start3A_264 : memref<128x128xf32, #tpu.memory_space<hbm>>) target_semaphore(%arg21 : memref<!tpu.dma_semaphore, #tpu.memory_space<semaphore_mem>>)
    %dma_wait3A_265 = arith.constant 0 : i32
    %dma_wait3A_266 = arith.constant 0 : i32
    %dma_wait3A_267 = tpu.memref_slice %arg7[%dma_wait3A_265, %dma_wait3A_266] : memref<128x128xf32, #tpu.memory_space<vmem>> -> memref<16x128xf32, #tpu.memory_space<vmem>>
    %dma_wait3A_268 = arith.constant 0 : i32
    %dma_wait3A_269 = arith.constant 0 : i32
    %dma_wait3A_270 = tpu.memref_slice %arg2[%dma_wait3A_268, %dma_wait3A_269] : memref<32768x128xf32, #tpu.memory_space<hbm>> -> memref<32768x128xf32, #tpu.memory_space<hbm>>
    tpu.wait_indirect_dma semaphore(%arg17 : memref<!tpu.dma_semaphore, #tpu.memory_space<semaphore_mem>>) src(%dma_wait3A_270 : memref<32768x128xf32, #tpu.memory_space<hbm>>) dst(%dma_wait3A_267 : memref<16x128xf32, #tpu.memory_space<vmem>>)
    %while3A_271 = arith.constant 0 : i32
    %while3A_272 = arith.constant 1073741824 : i32
    %while3A_273:2 = scf.while (%while3A_372 = %while3A_271, %while3A_373 = %while3A_272) : (i32, i32) -> (i32, i32) {
      %lt3A_374 = arith.constant 2 : i32
      %lt3A_375 = arith.cmpi slt, %while3A_372, %lt3A_374 : i32
      %ge3A = arith.constant 1073741824 : i32
      %ge3A_376 = arith.cmpi sge, %while3A_373, %ge3A : i32
      %and3A_377 = arith.andi %lt3A_375, %ge3A_376 : i1
      scf.condition(%and3A_377) %while3A_372, %while3A_373 : i32, i32
    } do {
    ^bb0(%while3A_372: i32, %while3A_373: i32):
      %mul3A_374 = arith.constant 8 : i32
      %mul3A_375 = arith.muli %mul3A_374, %while3A_372 : i32
      %mul3A_376 = arith.constant 8 : i32
      %mul3A_377 = arith.muli %mul3A_376, %while3A_372 : i32
      %add3A_378 = arith.constant 8 : i32
      %add3A_379 = arith.addi %mul3A_377, %add3A_378 : i32
      %while3A_380 = arith.subi %add3A_379, %mul3A_375 : i32
      %while3A_381 = arith.addi %mul3A_375, %while3A_380 : i32
      %while3A_382 = arith.constant 1 : i32
      %while3A_383 = arith.divsi %while3A_380, %while3A_382 : i32
      %while3A_384 = arith.muli %while3A_383, %while3A_382 : i32
      %while3A_385 = arith.addi %mul3A_375, %while3A_384 : i32
      %while3A_386 = arith.constant 1 : i32
      %while3A_387 = scf.for %while3A_399 = %mul3A_375 to %while3A_385 step %while3A_386 iter_args(%while3A_400 = %broadcast_in_dim3A_3) -> (vector<16xi32>)  : i32 {
        %mul3A_401 = arith.constant 128 : i32
        %mul3A_402 = arith.muli %while3A_399, %mul3A_401 : i32
        %broadcast_in_dim3A_403 = vector.broadcast %mul3A_402 : i32 to vector<16xi32>
        %get3A = arith.index_cast %while3A_399 : i32 to index
        %get3A_404 = arith.constant 0 : index
        %get3A_405 = tpu.vector_load %arg7[%get3A, %get3A_404] {strides = array<i32>} : memref<128x128xf32, #tpu.memory_space<vmem>>, vector<16xf32>,
        %eq3A_406 = arith.constant 1.000000e+00 : f32
        %eq3A_407 = vector.broadcast %eq3A_406 : f32 to vector<16xf32>
        %eq3A_408 = arith.cmpf oeq, %get3A_405, %eq3A_407 : vector<16xf32>
        %add3A_409 = arith.addi %broadcast_in_dim3A_403, %add3A_8 : vector<16xi32>
        %jit3A_410 = arith.constant 1073741824 : i32
        %broadcast_in_dim3A_411 = vector.broadcast %jit3A_410 : i32 to vector<16xi32>
        %select_n3A_412 = arith.select %eq3A_408, %add3A_409, %broadcast_in_dim3A_411 : vector<16xi1>, vector<16xi32>
        %min3A_413 = arith.minsi %while3A_400, %select_n3A_412 : vector<16xi32>
        %get3A_414 = arith.index_cast %while3A_399 : i32 to index
        %get3A_415 = arith.constant 16 : index
        %get3A_416 = tpu.vector_load %arg7[%get3A_414, %get3A_415] {strides = array<i32>} : memref<128x128xf32, #tpu.memory_space<vmem>>, vector<16xf32>,
        %eq3A_417 = arith.constant 1.000000e+00 : f32
        %eq3A_418 = vector.broadcast %eq3A_417 : f32 to vector<16xf32>
        %eq3A_419 = arith.cmpf oeq, %get3A_416, %eq3A_418 : vector<16xf32>
        %add3A_420 = arith.addi %broadcast_in_dim3A_403, %add3A_11 : vector<16xi32>
        %jit3A_421 = arith.constant 1073741824 : i32
        %broadcast_in_dim3A_422 = vector.broadcast %jit3A_421 : i32 to vector<16xi32>
        %select_n3A_423 = arith.select %eq3A_419, %add3A_420, %broadcast_in_dim3A_422 : vector<16xi1>, vector<16xi32>
        %min3A_424 = arith.minsi %min3A_413, %select_n3A_423 : vector<16xi32>
        %get3A_425 = arith.index_cast %while3A_399 : i32 to index
        %get3A_426 = arith.constant 32 : index
        %get3A_427 = tpu.vector_load %arg7[%get3A_425, %get3A_426] {strides = array<i32>} : memref<128x128xf32, #tpu.memory_space<vmem>>, vector<16xf32>,
        %eq3A_428 = arith.constant 1.000000e+00 : f32
        %eq3A_429 = vector.broadcast %eq3A_428 : f32 to vector<16xf32>
        %eq3A_430 = arith.cmpf oeq, %get3A_427, %eq3A_429 : vector<16xf32>
        %add3A_431 = arith.addi %broadcast_in_dim3A_403, %add3A_14 : vector<16xi32>
        %jit3A_432 = arith.constant 1073741824 : i32
        %broadcast_in_dim3A_433 = vector.broadcast %jit3A_432 : i32 to vector<16xi32>
        %select_n3A_434 = arith.select %eq3A_430, %add3A_431, %broadcast_in_dim3A_433 : vector<16xi1>, vector<16xi32>
        %min3A_435 = arith.minsi %min3A_424, %select_n3A_434 : vector<16xi32>
        %get3A_436 = arith.index_cast %while3A_399 : i32 to index
        %get3A_437 = arith.constant 48 : index
        %get3A_438 = tpu.vector_load %arg7[%get3A_436, %get3A_437] {strides = array<i32>} : memref<128x128xf32, #tpu.memory_space<vmem>>, vector<16xf32>,
        %eq3A_439 = arith.constant 1.000000e+00 : f32
        %eq3A_440 = vector.broadcast %eq3A_439 : f32 to vector<16xf32>
        %eq3A_441 = arith.cmpf oeq, %get3A_438, %eq3A_440 : vector<16xf32>
        %add3A_442 = arith.addi %broadcast_in_dim3A_403, %add3A_17 : vector<16xi32>
        %jit3A_443 = arith.constant 1073741824 : i32
        %broadcast_in_dim3A_444 = vector.broadcast %jit3A_443 : i32 to vector<16xi32>
        %select_n3A_445 = arith.select %eq3A_441, %add3A_442, %broadcast_in_dim3A_444 : vector<16xi1>, vector<16xi32>
        %min3A_446 = arith.minsi %min3A_435, %select_n3A_445 : vector<16xi32>
        %get3A_447 = arith.index_cast %while3A_399 : i32 to index
        %get3A_448 = arith.constant 64 : index
        %get3A_449 = tpu.vector_load %arg7[%get3A_447, %get3A_448] {strides = array<i32>} : memref<128x128xf32, #tpu.memory_space<vmem>>, vector<16xf32>,
        %eq3A_450 = arith.constant 1.000000e+00 : f32
        %eq3A_451 = vector.broadcast %eq3A_450 : f32 to vector<16xf32>
        %eq3A_452 = arith.cmpf oeq, %get3A_449, %eq3A_451 : vector<16xf32>
        %add3A_453 = arith.addi %broadcast_in_dim3A_403, %add3A_20 : vector<16xi32>
        %jit3A_454 = arith.constant 1073741824 : i32
        %broadcast_in_dim3A_455 = vector.broadcast %jit3A_454 : i32 to vector<16xi32>
        %select_n3A_456 = arith.select %eq3A_452, %add3A_453, %broadcast_in_dim3A_455 : vector<16xi1>, vector<16xi32>
        %min3A_457 = arith.minsi %min3A_446, %select_n3A_456 : vector<16xi32>
        %get3A_458 = arith.index_cast %while3A_399 : i32 to index
        %get3A_459 = arith.constant 80 : index
        %get3A_460 = tpu.vector_load %arg7[%get3A_458, %get3A_459] {strides = array<i32>} : memref<128x128xf32, #tpu.memory_space<vmem>>, vector<16xf32>,
        %eq3A_461 = arith.constant 1.000000e+00 : f32
        %eq3A_462 = vector.broadcast %eq3A_461 : f32 to vector<16xf32>
        %eq3A_463 = arith.cmpf oeq, %get3A_460, %eq3A_462 : vector<16xf32>
        %add3A_464 = arith.addi %broadcast_in_dim3A_403, %add3A_23 : vector<16xi32>
        %jit3A_465 = arith.constant 1073741824 : i32
        %broadcast_in_dim3A_466 = vector.broadcast %jit3A_465 : i32 to vector<16xi32>
        %select_n3A_467 = arith.select %eq3A_463, %add3A_464, %broadcast_in_dim3A_466 : vector<16xi1>, vector<16xi32>
        %min3A_468 = arith.minsi %min3A_457, %select_n3A_467 : vector<16xi32>
        %get3A_469 = arith.index_cast %while3A_399 : i32 to index
        %get3A_470 = arith.constant 96 : index
        %get3A_471 = tpu.vector_load %arg7[%get3A_469, %get3A_470] {strides = array<i32>} : memref<128x128xf32, #tpu.memory_space<vmem>>, vector<16xf32>,
        %eq3A_472 = arith.constant 1.000000e+00 : f32
        %eq3A_473 = vector.broadcast %eq3A_472 : f32 to vector<16xf32>
        %eq3A_474 = arith.cmpf oeq, %get3A_471, %eq3A_473 : vector<16xf32>
        %add3A_475 = arith.addi %broadcast_in_dim3A_403, %add3A_26 : vector<16xi32>
        %jit3A_476 = arith.constant 1073741824 : i32
        %broadcast_in_dim3A_477 = vector.broadcast %jit3A_476 : i32 to vector<16xi32>
        %select_n3A_478 = arith.select %eq3A_474, %add3A_475, %broadcast_in_dim3A_477 : vector<16xi1>, vector<16xi32>
        %min3A_479 = arith.minsi %min3A_468, %select_n3A_478 : vector<16xi32>
        %get3A_480 = arith.index_cast %while3A_399 : i32 to index
        %get3A_481 = arith.constant 112 : index
        %get3A_482 = tpu.vector_load %arg7[%get3A_480, %get3A_481] {strides = array<i32>} : memref<128x128xf32, #tpu.memory_space<vmem>>, vector<16xf32>,
        %eq3A_483 = arith.constant 1.000000e+00 : f32
        %eq3A_484 = vector.broadcast %eq3A_483 : f32 to vector<16xf32>
        %eq3A_485 = arith.cmpf oeq, %get3A_482, %eq3A_484 : vector<16xf32>
        %add3A_486 = arith.addi %broadcast_in_dim3A_403, %add3A_29 : vector<16xi32>
        %jit3A_487 = arith.constant 1073741824 : i32
        %broadcast_in_dim3A_488 = vector.broadcast %jit3A_487 : i32 to vector<16xi32>
        %select_n3A_489 = arith.select %eq3A_485, %add3A_486, %broadcast_in_dim3A_488 : vector<16xi1>, vector<16xi32>
        %min3A_490 = arith.minsi %min3A_479, %select_n3A_489 : vector<16xi32>
        scf.yield %min3A_490 : vector<16xi32>
      }
      %while3A_388 = arith.constant 1 : i32
      %while3A_389 = scf.for %while3A_399 = %while3A_385 to %while3A_381 step %while3A_388 iter_args(%while3A_400 = %while3A_387) -> (vector<16xi32>)  : i32 {
        %mul3A_401 = arith.constant 128 : i32
        %mul3A_402 = arith.muli %while3A_399, %mul3A_401 : i32
        %broadcast_in_dim3A_403 = vector.broadcast %mul3A_402 : i32 to vector<16xi32>
        %get3A = arith.index_cast %while3A_399 : i32 to index
        %get3A_404 = arith.constant 0 : index
        %get3A_405 = tpu.vector_load %arg7[%get3A, %get3A_404] {strides = array<i32>} : memref<128x128xf32, #tpu.memory_space<vmem>>, vector<16xf32>,
        %eq3A_406 = arith.constant 1.000000e+00 : f32
        %eq3A_407 = vector.broadcast %eq3A_406 : f32 to vector<16xf32>
        %eq3A_408 = arith.cmpf oeq, %get3A_405, %eq3A_407 : vector<16xf32>
        %add3A_409 = arith.addi %broadcast_in_dim3A_403, %add3A_8 : vector<16xi32>
        %jit3A_410 = arith.constant 1073741824 : i32
        %broadcast_in_dim3A_411 = vector.broadcast %jit3A_410 : i32 to vector<16xi32>
        %select_n3A_412 = arith.select %eq3A_408, %add3A_409, %broadcast_in_dim3A_411 : vector<16xi1>, vector<16xi32>
        %min3A_413 = arith.minsi %while3A_400, %select_n3A_412 : vector<16xi32>
        %get3A_414 = arith.index_cast %while3A_399 : i32 to index
        %get3A_415 = arith.constant 16 : index
        %get3A_416 = tpu.vector_load %arg7[%get3A_414, %get3A_415] {strides = array<i32>} : memref<128x128xf32, #tpu.memory_space<vmem>>, vector<16xf32>,
        %eq3A_417 = arith.constant 1.000000e+00 : f32
        %eq3A_418 = vector.broadcast %eq3A_417 : f32 to vector<16xf32>
        %eq3A_419 = arith.cmpf oeq, %get3A_416, %eq3A_418 : vector<16xf32>
        %add3A_420 = arith.addi %broadcast_in_dim3A_403, %add3A_11 : vector<16xi32>
        %jit3A_421 = arith.constant 1073741824 : i32
        %broadcast_in_dim3A_422 = vector.broadcast %jit3A_421 : i32 to vector<16xi32>
        %select_n3A_423 = arith.select %eq3A_419, %add3A_420, %broadcast_in_dim3A_422 : vector<16xi1>, vector<16xi32>
        %min3A_424 = arith.minsi %min3A_413, %select_n3A_423 : vector<16xi32>
        %get3A_425 = arith.index_cast %while3A_399 : i32 to index
        %get3A_426 = arith.constant 32 : index
        %get3A_427 = tpu.vector_load %arg7[%get3A_425, %get3A_426] {strides = array<i32>} : memref<128x128xf32, #tpu.memory_space<vmem>>, vector<16xf32>,
        %eq3A_428 = arith.constant 1.000000e+00 : f32
        %eq3A_429 = vector.broadcast %eq3A_428 : f32 to vector<16xf32>
        %eq3A_430 = arith.cmpf oeq, %get3A_427, %eq3A_429 : vector<16xf32>
        %add3A_431 = arith.addi %broadcast_in_dim3A_403, %add3A_14 : vector<16xi32>
        %jit3A_432 = arith.constant 1073741824 : i32
        %broadcast_in_dim3A_433 = vector.broadcast %jit3A_432 : i32 to vector<16xi32>
        %select_n3A_434 = arith.select %eq3A_430, %add3A_431, %broadcast_in_dim3A_433 : vector<16xi1>, vector<16xi32>
        %min3A_435 = arith.minsi %min3A_424, %select_n3A_434 : vector<16xi32>
        %get3A_436 = arith.index_cast %while3A_399 : i32 to index
        %get3A_437 = arith.constant 48 : index
        %get3A_438 = tpu.vector_load %arg7[%get3A_436, %get3A_437] {strides = array<i32>} : memref<128x128xf32, #tpu.memory_space<vmem>>, vector<16xf32>,
        %eq3A_439 = arith.constant 1.000000e+00 : f32
        %eq3A_440 = vector.broadcast %eq3A_439 : f32 to vector<16xf32>
        %eq3A_441 = arith.cmpf oeq, %get3A_438, %eq3A_440 : vector<16xf32>
        %add3A_442 = arith.addi %broadcast_in_dim3A_403, %add3A_17 : vector<16xi32>
        %jit3A_443 = arith.constant 1073741824 : i32
        %broadcast_in_dim3A_444 = vector.broadcast %jit3A_443 : i32 to vector<16xi32>
        %select_n3A_445 = arith.select %eq3A_441, %add3A_442, %broadcast_in_dim3A_444 : vector<16xi1>, vector<16xi32>
        %min3A_446 = arith.minsi %min3A_435, %select_n3A_445 : vector<16xi32>
        %get3A_447 = arith.index_cast %while3A_399 : i32 to index
        %get3A_448 = arith.constant 64 : index
        %get3A_449 = tpu.vector_load %arg7[%get3A_447, %get3A_448] {strides = array<i32>} : memref<128x128xf32, #tpu.memory_space<vmem>>, vector<16xf32>,
        %eq3A_450 = arith.constant 1.000000e+00 : f32
        %eq3A_451 = vector.broadcast %eq3A_450 : f32 to vector<16xf32>
        %eq3A_452 = arith.cmpf oeq, %get3A_449, %eq3A_451 : vector<16xf32>
        %add3A_453 = arith.addi %broadcast_in_dim3A_403, %add3A_20 : vector<16xi32>
        %jit3A_454 = arith.constant 1073741824 : i32
        %broadcast_in_dim3A_455 = vector.broadcast %jit3A_454 : i32 to vector<16xi32>
        %select_n3A_456 = arith.select %eq3A_452, %add3A_453, %broadcast_in_dim3A_455 : vector<16xi1>, vector<16xi32>
        %min3A_457 = arith.minsi %min3A_446, %select_n3A_456 : vector<16xi32>
        %get3A_458 = arith.index_cast %while3A_399 : i32 to index
        %get3A_459 = arith.constant 80 : index
        %get3A_460 = tpu.vector_load %arg7[%get3A_458, %get3A_459] {strides = array<i32>} : memref<128x128xf32, #tpu.memory_space<vmem>>, vector<16xf32>,
        %eq3A_461 = arith.constant 1.000000e+00 : f32
        %eq3A_462 = vector.broadcast %eq3A_461 : f32 to vector<16xf32>
        %eq3A_463 = arith.cmpf oeq, %get3A_460, %eq3A_462 : vector<16xf32>
        %add3A_464 = arith.addi %broadcast_in_dim3A_403, %add3A_23 : vector<16xi32>
        %jit3A_465 = arith.constant 1073741824 : i32
        %broadcast_in_dim3A_466 = vector.broadcast %jit3A_465 : i32 to vector<16xi32>
        %select_n3A_467 = arith.select %eq3A_463, %add3A_464, %broadcast_in_dim3A_466 : vector<16xi1>, vector<16xi32>
        %min3A_468 = arith.minsi %min3A_457, %select_n3A_467 : vector<16xi32>
        %get3A_469 = arith.index_cast %while3A_399 : i32 to index
        %get3A_470 = arith.constant 96 : index
        %get3A_471 = tpu.vector_load %arg7[%get3A_469, %get3A_470] {strides = array<i32>} : memref<128x128xf32, #tpu.memory_space<vmem>>, vector<16xf32>,
        %eq3A_472 = arith.constant 1.000000e+00 : f32
        %eq3A_473 = vector.broadcast %eq3A_472 : f32 to vector<16xf32>
        %eq3A_474 = arith.cmpf oeq, %get3A_471, %eq3A_473 : vector<16xf32>
        %add3A_475 = arith.addi %broadcast_in_dim3A_403, %add3A_26 : vector<16xi32>
        %jit3A_476 = arith.constant 1073741824 : i32
        %broadcast_in_dim3A_477 = vector.broadcast %jit3A_476 : i32 to vector<16xi32>
        %select_n3A_478 = arith.select %eq3A_474, %add3A_475, %broadcast_in_dim3A_477 : vector<16xi1>, vector<16xi32>
        %min3A_479 = arith.minsi %min3A_468, %select_n3A_478 : vector<16xi32>
        %get3A_480 = arith.index_cast %while3A_399 : i32 to index
        %get3A_481 = arith.constant 112 : index
        %get3A_482 = tpu.vector_load %arg7[%get3A_480, %get3A_481] {strides = array<i32>} : memref<128x128xf32, #tpu.memory_space<vmem>>, vector<16xf32>,
        %eq3A_483 = arith.constant 1.000000e+00 : f32
        %eq3A_484 = vector.broadcast %eq3A_483 : f32 to vector<16xf32>
        %eq3A_485 = arith.cmpf oeq, %get3A_482, %eq3A_484 : vector<16xf32>
        %add3A_486 = arith.addi %broadcast_in_dim3A_403, %add3A_29 : vector<16xi32>
        %jit3A_487 = arith.constant 1073741824 : i32
        %broadcast_in_dim3A_488 = vector.broadcast %jit3A_487 : i32 to vector<16xi32>
        %select_n3A_489 = arith.select %eq3A_485, %add3A_486, %broadcast_in_dim3A_488 : vector<16xi1>, vector<16xi32>
        %min3A_490 = arith.minsi %min3A_479, %select_n3A_489 : vector<16xi32>
        scf.yield %min3A_490 : vector<16xi32>
      }
      %add3A_390 = arith.constant 1 : i32
      %add3A_391 = arith.addi %while3A_372, %add3A_390 : i32
      %reduce_min3A = arith.constant true
      %reduce_min3A_392 = vector.broadcast %reduce_min3A : i1 to vector<16xi1>
      %reduce_min3A_393 = arith.constant -2147483648 : i32
      %reduce_min3A_394 = vector.broadcast %reduce_min3A_393 : i32 to vector<16xi32>
      %reduce_min3A_395 = arith.xori %while3A_389, %reduce_min3A_394 : vector<16xi32>
      %reduce_min3A_396 = tpu.scan <min>, %reduce_min3A_395 masked %reduce_min3A_392 : vector<16xi32>, vector<16xi1> -> vector<16xi32>
      %reduce_min3A_397 = arith.xori %reduce_min3A_396, %reduce_min3A_394 : vector<16xi32>
      %reduce_min3A_398 = vector.extract %reduce_min3A_397[15] : i32 from vector<16xi32>
      %min3A = arith.minsi %while3A_373, %reduce_min3A_398 : i32
      scf.yield %add3A_391, %min3A : i32, i32
    }
    %dma_wait3A_274 = arith.constant 0 : i32
    %dma_wait3A_275 = arith.constant 0 : i32
    %dma_wait3A_276 = tpu.memref_slice %arg8[%dma_wait3A_274, %dma_wait3A_275] : memref<128x128xf32, #tpu.memory_space<vmem>> -> memref<32x128xf32, #tpu.memory_space<vmem>>
    %dma_wait3A_277 = arith.constant 0 : i32
    %dma_wait3A_278 = arith.constant 0 : i32
    %dma_wait3A_279 = tpu.memref_slice %arg2[%dma_wait3A_277, %dma_wait3A_278] : memref<32768x128xf32, #tpu.memory_space<hbm>> -> memref<32768x128xf32, #tpu.memory_space<hbm>>
    tpu.wait_indirect_dma semaphore(%arg18 : memref<!tpu.dma_semaphore, #tpu.memory_space<semaphore_mem>>) src(%dma_wait3A_279 : memref<32768x128xf32, #tpu.memory_space<hbm>>) dst(%dma_wait3A_276 : memref<32x128xf32, #tpu.memory_space<vmem>>)
    %lt3A_280 = arith.constant 1073741824 : i32
    %lt3A_281 = arith.cmpi slt, %while3A_273#1, %lt3A_280 : i32
    %jit3A_282 = arith.constant 0 : i32
    %select_n3A_283 = arith.select %lt3A_281, %while3A_273#1, %jit3A_282 : i32
    %shift_right_arithmetic3A_284 = arith.constant 7 : i32
    %shift_right_arithmetic3A_285 = arith.shrsi %select_n3A_283, %shift_right_arithmetic3A_284 : i32
    %and3A_286 = arith.constant 127 : i32
    %and3A_287 = arith.andi %select_n3A_283, %and3A_286 : i32
    %broadcast_in_dim3A_288 = vector.broadcast %and3A_287 : i32 to vector<16xi32>
    %sub3A_289 = arith.subi %add3A_8, %broadcast_in_dim3A_288 : vector<16xi32>
    %mul3A_290 = arith.muli %sub3A_289, %sub3A_289 : vector<16xi32>
    %mul3A_291 = arith.constant 16384 : i32
    %mul3A_292 = vector.broadcast %mul3A_291 : i32 to vector<16xi32>
    %mul3A_293 = arith.muli %mul3A_290, %mul3A_292 : vector<16xi32>
    %add3A_294 = arith.addi %mul3A_293, %add3A_8 : vector<16xi32>
    %sub3A_295 = arith.subi %add3A_11, %broadcast_in_dim3A_288 : vector<16xi32>
    %mul3A_296 = arith.muli %sub3A_295, %sub3A_295 : vector<16xi32>
    %mul3A_297 = arith.constant 16384 : i32
    %mul3A_298 = vector.broadcast %mul3A_297 : i32 to vector<16xi32>
    %mul3A_299 = arith.muli %mul3A_296, %mul3A_298 : vector<16xi32>
    %add3A_300 = arith.addi %mul3A_299, %add3A_11 : vector<16xi32>
    %sub3A_301 = arith.subi %add3A_14, %broadcast_in_dim3A_288 : vector<16xi32>
    %mul3A_302 = arith.muli %sub3A_301, %sub3A_301 : vector<16xi32>
    %mul3A_303 = arith.constant 16384 : i32
    %mul3A_304 = vector.broadcast %mul3A_303 : i32 to vector<16xi32>
    %mul3A_305 = arith.muli %mul3A_302, %mul3A_304 : vector<16xi32>
    %add3A_306 = arith.addi %mul3A_305, %add3A_14 : vector<16xi32>
    %sub3A_307 = arith.subi %add3A_17, %broadcast_in_dim3A_288 : vector<16xi32>
    %mul3A_308 = arith.muli %sub3A_307, %sub3A_307 : vector<16xi32>
    %mul3A_309 = arith.constant 16384 : i32
    %mul3A_310 = vector.broadcast %mul3A_309 : i32 to vector<16xi32>
    %mul3A_311 = arith.muli %mul3A_308, %mul3A_310 : vector<16xi32>
    %add3A_312 = arith.addi %mul3A_311, %add3A_17 : vector<16xi32>
    %sub3A_313 = arith.subi %add3A_20, %broadcast_in_dim3A_288 : vector<16xi32>
    %mul3A_314 = arith.muli %sub3A_313, %sub3A_313 : vector<16xi32>
    %mul3A_315 = arith.constant 16384 : i32
    %mul3A_316 = vector.broadcast %mul3A_315 : i32 to vector<16xi32>
    %mul3A_317 = arith.muli %mul3A_314, %mul3A_316 : vector<16xi32>
    %add3A_318 = arith.addi %mul3A_317, %add3A_20 : vector<16xi32>
    %sub3A_319 = arith.subi %add3A_23, %broadcast_in_dim3A_288 : vector<16xi32>
    %mul3A_320 = arith.muli %sub3A_319, %sub3A_319 : vector<16xi32>
    %mul3A_321 = arith.constant 16384 : i32
    %mul3A_322 = vector.broadcast %mul3A_321 : i32 to vector<16xi32>
    %mul3A_323 = arith.muli %mul3A_320, %mul3A_322 : vector<16xi32>
    %add3A_324 = arith.addi %mul3A_323, %add3A_23 : vector<16xi32>
    %sub3A_325 = arith.subi %add3A_26, %broadcast_in_dim3A_288 : vector<16xi32>
    %mul3A_326 = arith.muli %sub3A_325, %sub3A_325 : vector<16xi32>
    %mul3A_327 = arith.constant 16384 : i32
    %mul3A_328 = vector.broadcast %mul3A_327 : i32 to vector<16xi32>
    %mul3A_329 = arith.muli %mul3A_326, %mul3A_328 : vector<16xi32>
    %add3A_330 = arith.addi %mul3A_329, %add3A_26 : vector<16xi32>
    %sub3A_331 = arith.subi %add3A_29, %broadcast_in_dim3A_288 : vector<16xi32>
    %mul3A_332 = arith.muli %sub3A_331, %sub3A_331 : vector<16xi32>
    %mul3A_333 = arith.constant 16384 : i32
    %mul3A_334 = vector.broadcast %mul3A_333 : i32 to vector<16xi32>
    %mul3A_335 = arith.muli %mul3A_332, %mul3A_334 : vector<16xi32>
    %add3A_336 = arith.addi %mul3A_335, %add3A_29 : vector<16xi32>
    %while3A_337 = arith.constant 0 : i32
    %while3A_338 = arith.constant 1073741824 : i32
    %while3A_339 = arith.constant false
    %while3A_340:3 = scf.while (%while3A_372 = %while3A_337, %while3A_373 = %while3A_338, %while3A_374 = %while3A_339) : (i32, i32, i1) -> (i32, i32, i1) {
      %lt3A_375 = arith.constant 128 : i32
      %lt3A_376 = arith.cmpi slt, %while3A_372, %lt3A_375 : i32
      %mul3A_377 = arith.muli %while3A_372, %while3A_372 : i32
      %mul3A_378 = arith.constant 16384 : i32
      %mul3A_379 = arith.muli %mul3A_377, %mul3A_378 : i32
      %le3A = arith.cmpi sle, %mul3A_379, %while3A_373 : i32
      %and3A_380 = arith.andi %lt3A_376, %le3A : i1
      %not3A_381 = arith.constant true
      %not3A_382 = arith.xori %while3A_374, %not3A_381 : i1
      %and3A_383 = arith.andi %and3A_380, %not3A_382 : i1
      scf.condition(%and3A_383) %while3A_372, %while3A_373, %while3A_374 : i32, i32, i1
    } do {
    ^bb0(%while3A_372: i32, %while3A_373: i32, %while3A_374: i1):
      %mul3A_375 = arith.muli %while3A_372, %while3A_372 : i32
      %mul3A_376 = arith.constant 16384 : i32
      %mul3A_377 = arith.muli %mul3A_375, %mul3A_376 : i32
      %sub3A_378 = arith.subi %shift_right_arithmetic3A_285, %while3A_372 : i32
      %add3A_379 = arith.addi %shift_right_arithmetic3A_285, %while3A_372 : i32
      %lt3A_380 = arith.constant 128 : i32
      %lt3A_381 = arith.cmpi slt, %add3A_379, %lt3A_380 : i32
      %ge3A = arith.constant 32 : i32
      %ge3A_382 = arith.cmpi sge, %add3A_379, %ge3A : i32
      %and3A_383 = arith.andi %lt3A_381, %ge3A_382 : i1
      %or3A = arith.ori %while3A_374, %and3A_383 : i1
      %ge3A_384 = arith.constant 0 : i32
      %ge3A_385 = arith.cmpi sge, %sub3A_378, %ge3A_384 : i32
      %mul3A_386 = arith.constant 128 : i32
      %mul3A_387 = arith.muli %sub3A_378, %mul3A_386 : i32
      %add3A_388 = arith.addi %mul3A_377, %mul3A_387 : i32
      %jit3A_389 = arith.constant 1073741824 : i32
      %select_n3A_390 = arith.select %ge3A_385, %add3A_388, %jit3A_389 : i32
      %lt3A_391 = arith.constant 128 : i32
      %lt3A_392 = arith.cmpi slt, %add3A_379, %lt3A_391 : i32
      %mul3A_393 = arith.constant 128 : i32
      %mul3A_394 = arith.muli %add3A_379, %mul3A_393 : i32
      %add3A_395 = arith.addi %mul3A_377, %mul3A_394 : i32
      %jit3A_396 = arith.constant 1073741824 : i32
      %select_n3A_397 = arith.select %lt3A_392, %add3A_395, %jit3A_396 : i32
      %max3A = arith.constant 0 : i32
      %max3A_398 = arith.maxsi %sub3A_378, %max3A : i32
      %broadcast_in_dim3A_399 = vector.broadcast %select_n3A_390 : i32 to vector<16xi32>
      %get3A = arith.index_cast %max3A_398 : i32 to index
      %get3A_400 = arith.constant 0 : index
      %get3A_401 = tpu.vector_load %arg8[%get3A, %get3A_400] {strides = array<i32>} : memref<128x128xf32, #tpu.memory_space<vmem>>, vector<16xf32>,
      %eq3A_402 = arith.constant 1.000000e+00 : f32
      %eq3A_403 = vector.broadcast %eq3A_402 : f32 to vector<16xf32>
      %eq3A_404 = arith.cmpf oeq, %get3A_401, %eq3A_403 : vector<16xf32>
      %add3A_405 = arith.addi %broadcast_in_dim3A_399, %add3A_294 : vector<16xi32>
      %jit3A_406 = arith.constant 1073741824 : i32
      %broadcast_in_dim3A_407 = vector.broadcast %jit3A_406 : i32 to vector<16xi32>
      %select_n3A_408 = arith.select %eq3A_404, %add3A_405, %broadcast_in_dim3A_407 : vector<16xi1>, vector<16xi32>
      %min3A = arith.minsi %broadcast_in_dim3A_3, %select_n3A_408 : vector<16xi32>
      %get3A_409 = arith.index_cast %max3A_398 : i32 to index
      %get3A_410 = arith.constant 16 : index
      %get3A_411 = tpu.vector_load %arg8[%get3A_409, %get3A_410] {strides = array<i32>} : memref<128x128xf32, #tpu.memory_space<vmem>>, vector<16xf32>,
      %eq3A_412 = arith.constant 1.000000e+00 : f32
      %eq3A_413 = vector.broadcast %eq3A_412 : f32 to vector<16xf32>
      %eq3A_414 = arith.cmpf oeq, %get3A_411, %eq3A_413 : vector<16xf32>
      %add3A_415 = arith.addi %broadcast_in_dim3A_399, %add3A_300 : vector<16xi32>
      %jit3A_416 = arith.constant 1073741824 : i32
      %broadcast_in_dim3A_417 = vector.broadcast %jit3A_416 : i32 to vector<16xi32>
      %select_n3A_418 = arith.select %eq3A_414, %add3A_415, %broadcast_in_dim3A_417 : vector<16xi1>, vector<16xi32>
      %min3A_419 = arith.minsi %min3A, %select_n3A_418 : vector<16xi32>
      %get3A_420 = arith.index_cast %max3A_398 : i32 to index
      %get3A_421 = arith.constant 32 : index
      %get3A_422 = tpu.vector_load %arg8[%get3A_420, %get3A_421] {strides = array<i32>} : memref<128x128xf32, #tpu.memory_space<vmem>>, vector<16xf32>,
      %eq3A_423 = arith.constant 1.000000e+00 : f32
      %eq3A_424 = vector.broadcast %eq3A_423 : f32 to vector<16xf32>
      %eq3A_425 = arith.cmpf oeq, %get3A_422, %eq3A_424 : vector<16xf32>
      %add3A_426 = arith.addi %broadcast_in_dim3A_399, %add3A_306 : vector<16xi32>
      %jit3A_427 = arith.constant 1073741824 : i32
      %broadcast_in_dim3A_428 = vector.broadcast %jit3A_427 : i32 to vector<16xi32>
      %select_n3A_429 = arith.select %eq3A_425, %add3A_426, %broadcast_in_dim3A_428 : vector<16xi1>, vector<16xi32>
      %min3A_430 = arith.minsi %min3A_419, %select_n3A_429 : vector<16xi32>
      %get3A_431 = arith.index_cast %max3A_398 : i32 to index
      %get3A_432 = arith.constant 48 : index
      %get3A_433 = tpu.vector_load %arg8[%get3A_431, %get3A_432] {strides = array<i32>} : memref<128x128xf32, #tpu.memory_space<vmem>>, vector<16xf32>,
      %eq3A_434 = arith.constant 1.000000e+00 : f32
      %eq3A_435 = vector.broadcast %eq3A_434 : f32 to vector<16xf32>
      %eq3A_436 = arith.cmpf oeq, %get3A_433, %eq3A_435 : vector<16xf32>
      %add3A_437 = arith.addi %broadcast_in_dim3A_399, %add3A_312 : vector<16xi32>
      %jit3A_438 = arith.constant 1073741824 : i32
      %broadcast_in_dim3A_439 = vector.broadcast %jit3A_438 : i32 to vector<16xi32>
      %select_n3A_440 = arith.select %eq3A_436, %add3A_437, %broadcast_in_dim3A_439 : vector<16xi1>, vector<16xi32>
      %min3A_441 = arith.minsi %min3A_430, %select_n3A_440 : vector<16xi32>
      %get3A_442 = arith.index_cast %max3A_398 : i32 to index
      %get3A_443 = arith.constant 64 : index
      %get3A_444 = tpu.vector_load %arg8[%get3A_442, %get3A_443] {strides = array<i32>} : memref<128x128xf32, #tpu.memory_space<vmem>>, vector<16xf32>,
      %eq3A_445 = arith.constant 1.000000e+00 : f32
      %eq3A_446 = vector.broadcast %eq3A_445 : f32 to vector<16xf32>
      %eq3A_447 = arith.cmpf oeq, %get3A_444, %eq3A_446 : vector<16xf32>
      %add3A_448 = arith.addi %broadcast_in_dim3A_399, %add3A_318 : vector<16xi32>
      %jit3A_449 = arith.constant 1073741824 : i32
      %broadcast_in_dim3A_450 = vector.broadcast %jit3A_449 : i32 to vector<16xi32>
      %select_n3A_451 = arith.select %eq3A_447, %add3A_448, %broadcast_in_dim3A_450 : vector<16xi1>, vector<16xi32>
      %min3A_452 = arith.minsi %min3A_441, %select_n3A_451 : vector<16xi32>
      %get3A_453 = arith.index_cast %max3A_398 : i32 to index
      %get3A_454 = arith.constant 80 : index
      %get3A_455 = tpu.vector_load %arg8[%get3A_453, %get3A_454] {strides = array<i32>} : memref<128x128xf32, #tpu.memory_space<vmem>>, vector<16xf32>,
      %eq3A_456 = arith.constant 1.000000e+00 : f32
      %eq3A_457 = vector.broadcast %eq3A_456 : f32 to vector<16xf32>
      %eq3A_458 = arith.cmpf oeq, %get3A_455, %eq3A_457 : vector<16xf32>
      %add3A_459 = arith.addi %broadcast_in_dim3A_399, %add3A_324 : vector<16xi32>
      %jit3A_460 = arith.constant 1073741824 : i32
      %broadcast_in_dim3A_461 = vector.broadcast %jit3A_460 : i32 to vector<16xi32>
      %select_n3A_462 = arith.select %eq3A_458, %add3A_459, %broadcast_in_dim3A_461 : vector<16xi1>, vector<16xi32>
      %min3A_463 = arith.minsi %min3A_452, %select_n3A_462 : vector<16xi32>
      %get3A_464 = arith.index_cast %max3A_398 : i32 to index
      %get3A_465 = arith.constant 96 : index
      %get3A_466 = tpu.vector_load %arg8[%get3A_464, %get3A_465] {strides = array<i32>} : memref<128x128xf32, #tpu.memory_space<vmem>>, vector<16xf32>,
      %eq3A_467 = arith.constant 1.000000e+00 : f32
      %eq3A_468 = vector.broadcast %eq3A_467 : f32 to vector<16xf32>
      %eq3A_469 = arith.cmpf oeq, %get3A_466, %eq3A_468 : vector<16xf32>
      %add3A_470 = arith.addi %broadcast_in_dim3A_399, %add3A_330 : vector<16xi32>
      %jit3A_471 = arith.constant 1073741824 : i32
      %broadcast_in_dim3A_472 = vector.broadcast %jit3A_471 : i32 to vector<16xi32>
      %select_n3A_473 = arith.select %eq3A_469, %add3A_470, %broadcast_in_dim3A_472 : vector<16xi1>, vector<16xi32>
      %min3A_474 = arith.minsi %min3A_463, %select_n3A_473 : vector<16xi32>
      %get3A_475 = arith.index_cast %max3A_398 : i32 to index
      %get3A_476 = arith.constant 112 : index
      %get3A_477 = tpu.vector_load %arg8[%get3A_475, %get3A_476] {strides = array<i32>} : memref<128x128xf32, #tpu.memory_space<vmem>>, vector<16xf32>,
      %eq3A_478 = arith.constant 1.000000e+00 : f32
      %eq3A_479 = vector.broadcast %eq3A_478 : f32 to vector<16xf32>
      %eq3A_480 = arith.cmpf oeq, %get3A_477, %eq3A_479 : vector<16xf32>
      %add3A_481 = arith.addi %broadcast_in_dim3A_399, %add3A_336 : vector<16xi32>
      %jit3A_482 = arith.constant 1073741824 : i32
      %broadcast_in_dim3A_483 = vector.broadcast %jit3A_482 : i32 to vector<16xi32>
      %select_n3A_484 = arith.select %eq3A_480, %add3A_481, %broadcast_in_dim3A_483 : vector<16xi1>, vector<16xi32>
      %min3A_485 = arith.minsi %min3A_474, %select_n3A_484 : vector<16xi32>
      %min3A_486 = arith.constant 127 : i32
      %min3A_487 = arith.minsi %add3A_379, %min3A_486 : i32
      %broadcast_in_dim3A_488 = vector.broadcast %select_n3A_397 : i32 to vector<16xi32>
      %get3A_489 = arith.index_cast %min3A_487 : i32 to index
      %get3A_490 = arith.constant 0 : index
      %get3A_491 = tpu.vector_load %arg8[%get3A_489, %get3A_490] {strides = array<i32>} : memref<128x128xf32, #tpu.memory_space<vmem>>, vector<16xf32>,
      %eq3A_492 = arith.constant 1.000000e+00 : f32
      %eq3A_493 = vector.broadcast %eq3A_492 : f32 to vector<16xf32>
      %eq3A_494 = arith.cmpf oeq, %get3A_491, %eq3A_493 : vector<16xf32>
      %add3A_495 = arith.addi %broadcast_in_dim3A_488, %add3A_294 : vector<16xi32>
      %jit3A_496 = arith.constant 1073741824 : i32
      %broadcast_in_dim3A_497 = vector.broadcast %jit3A_496 : i32 to vector<16xi32>
      %select_n3A_498 = arith.select %eq3A_494, %add3A_495, %broadcast_in_dim3A_497 : vector<16xi1>, vector<16xi32>
      %min3A_499 = arith.minsi %min3A_485, %select_n3A_498 : vector<16xi32>
      %get3A_500 = arith.index_cast %min3A_487 : i32 to index
      %get3A_501 = arith.constant 16 : index
      %get3A_502 = tpu.vector_load %arg8[%get3A_500, %get3A_501] {strides = array<i32>} : memref<128x128xf32, #tpu.memory_space<vmem>>, vector<16xf32>,
      %eq3A_503 = arith.constant 1.000000e+00 : f32
      %eq3A_504 = vector.broadcast %eq3A_503 : f32 to vector<16xf32>
      %eq3A_505 = arith.cmpf oeq, %get3A_502, %eq3A_504 : vector<16xf32>
      %add3A_506 = arith.addi %broadcast_in_dim3A_488, %add3A_300 : vector<16xi32>
      %jit3A_507 = arith.constant 1073741824 : i32
      %broadcast_in_dim3A_508 = vector.broadcast %jit3A_507 : i32 to vector<16xi32>
      %select_n3A_509 = arith.select %eq3A_505, %add3A_506, %broadcast_in_dim3A_508 : vector<16xi1>, vector<16xi32>
      %min3A_510 = arith.minsi %min3A_499, %select_n3A_509 : vector<16xi32>
      %get3A_511 = arith.index_cast %min3A_487 : i32 to index
      %get3A_512 = arith.constant 32 : index
      %get3A_513 = tpu.vector_load %arg8[%get3A_511, %get3A_512] {strides = array<i32>} : memref<128x128xf32, #tpu.memory_space<vmem>>, vector<16xf32>,
      %eq3A_514 = arith.constant 1.000000e+00 : f32
      %eq3A_515 = vector.broadcast %eq3A_514 : f32 to vector<16xf32>
      %eq3A_516 = arith.cmpf oeq, %get3A_513, %eq3A_515 : vector<16xf32>
      %add3A_517 = arith.addi %broadcast_in_dim3A_488, %add3A_306 : vector<16xi32>
      %jit3A_518 = arith.constant 1073741824 : i32
      %broadcast_in_dim3A_519 = vector.broadcast %jit3A_518 : i32 to vector<16xi32>
      %select_n3A_520 = arith.select %eq3A_516, %add3A_517, %broadcast_in_dim3A_519 : vector<16xi1>, vector<16xi32>
      %min3A_521 = arith.minsi %min3A_510, %select_n3A_520 : vector<16xi32>
      %get3A_522 = arith.index_cast %min3A_487 : i32 to index
      %get3A_523 = arith.constant 48 : index
      %get3A_524 = tpu.vector_load %arg8[%get3A_522, %get3A_523] {strides = array<i32>} : memref<128x128xf32, #tpu.memory_space<vmem>>, vector<16xf32>,
      %eq3A_525 = arith.constant 1.000000e+00 : f32
      %eq3A_526 = vector.broadcast %eq3A_525 : f32 to vector<16xf32>
      %eq3A_527 = arith.cmpf oeq, %get3A_524, %eq3A_526 : vector<16xf32>
      %add3A_528 = arith.addi %broadcast_in_dim3A_488, %add3A_312 : vector<16xi32>
      %jit3A_529 = arith.constant 1073741824 : i32
      %broadcast_in_dim3A_530 = vector.broadcast %jit3A_529 : i32 to vector<16xi32>
      %select_n3A_531 = arith.select %eq3A_527, %add3A_528, %broadcast_in_dim3A_530 : vector<16xi1>, vector<16xi32>
      %min3A_532 = arith.minsi %min3A_521, %select_n3A_531 : vector<16xi32>
      %get3A_533 = arith.index_cast %min3A_487 : i32 to index
      %get3A_534 = arith.constant 64 : index
      %get3A_535 = tpu.vector_load %arg8[%get3A_533, %get3A_534] {strides = array<i32>} : memref<128x128xf32, #tpu.memory_space<vmem>>, vector<16xf32>,
      %eq3A_536 = arith.constant 1.000000e+00 : f32
      %eq3A_537 = vector.broadcast %eq3A_536 : f32 to vector<16xf32>
      %eq3A_538 = arith.cmpf oeq, %get3A_535, %eq3A_537 : vector<16xf32>
      %add3A_539 = arith.addi %broadcast_in_dim3A_488, %add3A_318 : vector<16xi32>
      %jit3A_540 = arith.constant 1073741824 : i32
      %broadcast_in_dim3A_541 = vector.broadcast %jit3A_540 : i32 to vector<16xi32>
      %select_n3A_542 = arith.select %eq3A_538, %add3A_539, %broadcast_in_dim3A_541 : vector<16xi1>, vector<16xi32>
      %min3A_543 = arith.minsi %min3A_532, %select_n3A_542 : vector<16xi32>
      %get3A_544 = arith.index_cast %min3A_487 : i32 to index
      %get3A_545 = arith.constant 80 : index
      %get3A_546 = tpu.vector_load %arg8[%get3A_544, %get3A_545] {strides = array<i32>} : memref<128x128xf32, #tpu.memory_space<vmem>>, vector<16xf32>,
      %eq3A_547 = arith.constant 1.000000e+00 : f32
      %eq3A_548 = vector.broadcast %eq3A_547 : f32 to vector<16xf32>
      %eq3A_549 = arith.cmpf oeq, %get3A_546, %eq3A_548 : vector<16xf32>
      %add3A_550 = arith.addi %broadcast_in_dim3A_488, %add3A_324 : vector<16xi32>
      %jit3A_551 = arith.constant 1073741824 : i32
      %broadcast_in_dim3A_552 = vector.broadcast %jit3A_551 : i32 to vector<16xi32>
      %select_n3A_553 = arith.select %eq3A_549, %add3A_550, %broadcast_in_dim3A_552 : vector<16xi1>, vector<16xi32>
      %min3A_554 = arith.minsi %min3A_543, %select_n3A_553 : vector<16xi32>
      %get3A_555 = arith.index_cast %min3A_487 : i32 to index
      %get3A_556 = arith.constant 96 : index
      %get3A_557 = tpu.vector_load %arg8[%get3A_555, %get3A_556] {strides = array<i32>} : memref<128x128xf32, #tpu.memory_space<vmem>>, vector<16xf32>,
      %eq3A_558 = arith.constant 1.000000e+00 : f32
      %eq3A_559 = vector.broadcast %eq3A_558 : f32 to vector<16xf32>
      %eq3A_560 = arith.cmpf oeq, %get3A_557, %eq3A_559 : vector<16xf32>
      %add3A_561 = arith.addi %broadcast_in_dim3A_488, %add3A_330 : vector<16xi32>
      %jit3A_562 = arith.constant 1073741824 : i32
      %broadcast_in_dim3A_563 = vector.broadcast %jit3A_562 : i32 to vector<16xi32>
      %select_n3A_564 = arith.select %eq3A_560, %add3A_561, %broadcast_in_dim3A_563 : vector<16xi1>, vector<16xi32>
      %min3A_565 = arith.minsi %min3A_554, %select_n3A_564 : vector<16xi32>
      %get3A_566 = arith.index_cast %min3A_487 : i32 to index
      %get3A_567 = arith.constant 112 : index
      %get3A_568 = tpu.vector_load %arg8[%get3A_566, %get3A_567] {strides = array<i32>} : memref<128x128xf32, #tpu.memory_space<vmem>>, vector<16xf32>,
      %eq3A_569 = arith.constant 1.000000e+00 : f32
      %eq3A_570 = vector.broadcast %eq3A_569 : f32 to vector<16xf32>
      %eq3A_571 = arith.cmpf oeq, %get3A_568, %eq3A_570 : vector<16xf32>
      %add3A_572 = arith.addi %broadcast_in_dim3A_488, %add3A_336 : vector<16xi32>
      %jit3A_573 = arith.constant 1073741824 : i32
      %broadcast_in_dim3A_574 = vector.broadcast %jit3A_573 : i32 to vector<16xi32>
      %select_n3A_575 = arith.select %eq3A_571, %add3A_572, %broadcast_in_dim3A_574 : vector<16xi1>, vector<16xi32>
      %min3A_576 = arith.minsi %min3A_565, %select_n3A_575 : vector<16xi32>
      %add3A_577 = arith.constant 1 : i32
      %add3A_578 = arith.addi %while3A_372, %add3A_577 : i32
      %reduce_min3A = arith.constant true
      %reduce_min3A_579 = vector.broadcast %reduce_min3A : i1 to vector<16xi1>
      %reduce_min3A_580 = arith.constant -2147483648 : i32
      %reduce_min3A_581 = vector.broadcast %reduce_min3A_580 : i32 to vector<16xi32>
      %reduce_min3A_582 = arith.xori %min3A_576, %reduce_min3A_581 : vector<16xi32>
      %reduce_min3A_583 = tpu.scan <min>, %reduce_min3A_582 masked %reduce_min3A_579 : vector<16xi32>, vector<16xi1> -> vector<16xi32>
      %reduce_min3A_584 = arith.xori %reduce_min3A_583, %reduce_min3A_581 : vector<16xi32>
      %reduce_min3A_585 = vector.extract %reduce_min3A_584[15] : i32 from vector<16xi32>
      %min3A_586 = arith.minsi %while3A_373, %reduce_min3A_585 : i32
      scf.yield %add3A_578, %min3A_586, %or3A : i32, i32, i1
    }
    %lt3A_341 = arith.constant 1073741824 : i32
    %lt3A_342 = arith.cmpi slt, %while3A_273#1, %lt3A_341 : i32
    %eq3A_343 = arith.constant 390 : i32
    %eq3A_344 = arith.cmpi eq, %while3A_273#1, %eq3A_343 : i32
    %and3A_345 = arith.andi %lt3A_342, %eq3A_344 : i1
    %not3A_346 = arith.constant true
    %not3A_347 = arith.xori %and3A_345, %not3A_346 : i1
    %and3A_348 = arith.andi %lt3A_342, %not3A_347 : i1
    %not3A_349 = arith.constant true
    %not3A_350 = arith.xori %while3A_340#2, %not3A_349 : i1
    %and3A_351 = arith.andi %and3A_348, %not3A_350 : i1
    %convert_element_type3A_352 = arith.extui %and3A_351 : i1 to i32
    %cond3A_353 = arith.constant 0 : i32
    %cond3A_354 = arith.constant 0 : i32
    %cond3A_355 = arith.cmpi ne, %convert_element_type3A_352, %cond3A_354 : i32
    %cond3A_356:2 = scf.if %cond3A_355 -> (i32, f32) {
      %lt3A_372 = arith.constant 1073741824 : i32
      %lt3A_373 = arith.cmpi slt, %while3A_340#1, %lt3A_372 : i32
      %and3A_374 = arith.constant 16383 : i32
      %and3A_375 = arith.andi %while3A_340#1, %and3A_374 : i32
      %jit3A_376 = arith.constant 0 : i32
      %select_n3A_377 = arith.select %lt3A_373, %and3A_375, %jit3A_376 : i32
      %jit3A_378 = arith.constant 1.000000e+00 : f32
      %jit3A_379 = arith.constant 0.000000e+00 : f32
      %select_n3A_380 = arith.select %lt3A_373, %jit3A_378, %jit3A_379 : f32
      scf.yield %select_n3A_377, %select_n3A_380 : i32, f32
    } else {
      %mul3A_372 = arith.constant 512 : i32
      %mul3A_373 = arith.muli %add3A_33, %mul3A_372 : i32
      %add3A_374 = arith.constant 3 : i32
      %add3A_375 = arith.addi %mul3A_373, %add3A_374 : i32
      %add3A_376 = arith.constant 0 : i32
      %add3A_377 = vector.broadcast %add3A_376 : i32 to vector<16xi32>
      %add3A_378 = arith.addi %iota3A, %add3A_377 : vector<16xi32>
      %mul3A_379 = arith.constant 4 : i32
      %mul3A_380 = vector.broadcast %mul3A_379 : i32 to vector<16xi32>
      %mul3A_381 = arith.muli %mul3A_380, %add3A_378 : vector<16xi32>
      %add3A_382 = vector.broadcast %add3A_375 : i32 to vector<16xi32>
      %add3A_383 = arith.addi %add3A_382, %mul3A_381 : vector<16xi32>
      %swap3A_384 = arith.constant 0 : index
      %swap3A_385 = tpu.vector_load %arg14[%swap3A_384] {strides = array<i32>} : memref<128xi32, #tpu.memory_space<vmem>>, vector<16xi32>,
      tpu.vector_store %arg14[%swap3A_384], %add3A_383 {strides = array<i32>} : memref<128xi32, #tpu.memory_space<vmem>>, vector<16xi32>,
      %add3A_386 = arith.constant 16 : i32
      %add3A_387 = vector.broadcast %add3A_386 : i32 to vector<16xi32>
      %add3A_388 = arith.addi %iota3A, %add3A_387 : vector<16xi32>
      %mul3A_389 = arith.constant 4 : i32
      %mul3A_390 = vector.broadcast %mul3A_389 : i32 to vector<16xi32>
      %mul3A_391 = arith.muli %mul3A_390, %add3A_388 : vector<16xi32>
      %add3A_392 = vector.broadcast %add3A_375 : i32 to vector<16xi32>
      %add3A_393 = arith.addi %add3A_392, %mul3A_391 : vector<16xi32>
      %swap3A_394 = arith.constant 16 : index
      %swap3A_395 = tpu.vector_load %arg14[%swap3A_394] {strides = array<i32>} : memref<128xi32, #tpu.memory_space<vmem>>, vector<16xi32>,
      tpu.vector_store %arg14[%swap3A_394], %add3A_393 {strides = array<i32>} : memref<128xi32, #tpu.memory_space<vmem>>, vector<16xi32>,
      %add3A_396 = arith.constant 32 : i32
      %add3A_397 = vector.broadcast %add3A_396 : i32 to vector<16xi32>
      %add3A_398 = arith.addi %iota3A, %add3A_397 : vector<16xi32>
      %mul3A_399 = arith.constant 4 : i32
      %mul3A_400 = vector.broadcast %mul3A_399 : i32 to vector<16xi32>
      %mul3A_401 = arith.muli %mul3A_400, %add3A_398 : vector<16xi32>
      %add3A_402 = vector.broadcast %add3A_375 : i32 to vector<16xi32>
      %add3A_403 = arith.addi %add3A_402, %mul3A_401 : vector<16xi32>
      %swap3A_404 = arith.constant 32 : index
      %swap3A_405 = tpu.vector_load %arg14[%swap3A_404] {strides = array<i32>} : memref<128xi32, #tpu.memory_space<vmem>>, vector<16xi32>,
      tpu.vector_store %arg14[%swap3A_404], %add3A_403 {strides = array<i32>} : memref<128xi32, #tpu.memory_space<vmem>>, vector<16xi32>,
      %add3A_406 = arith.constant 48 : i32
      %add3A_407 = vector.broadcast %add3A_406 : i32 to vector<16xi32>
      %add3A_408 = arith.addi %iota3A, %add3A_407 : vector<16xi32>
      %mul3A_409 = arith.constant 4 : i32
      %mul3A_410 = vector.broadcast %mul3A_409 : i32 to vector<16xi32>
      %mul3A_411 = arith.muli %mul3A_410, %add3A_408 : vector<16xi32>
      %add3A_412 = vector.broadcast %add3A_375 : i32 to vector<16xi32>
      %add3A_413 = arith.addi %add3A_412, %mul3A_411 : vector<16xi32>
      %swap3A_414 = arith.constant 48 : index
      %swap3A_415 = tpu.vector_load %arg14[%swap3A_414] {strides = array<i32>} : memref<128xi32, #tpu.memory_space<vmem>>, vector<16xi32>,
      tpu.vector_store %arg14[%swap3A_414], %add3A_413 {strides = array<i32>} : memref<128xi32, #tpu.memory_space<vmem>>, vector<16xi32>,
      %add3A_416 = arith.constant 64 : i32
      %add3A_417 = vector.broadcast %add3A_416 : i32 to vector<16xi32>
      %add3A_418 = arith.addi %iota3A, %add3A_417 : vector<16xi32>
      %mul3A_419 = arith.constant 4 : i32
      %mul3A_420 = vector.broadcast %mul3A_419 : i32 to vector<16xi32>
      %mul3A_421 = arith.muli %mul3A_420, %add3A_418 : vector<16xi32>
      %add3A_422 = vector.broadcast %add3A_375 : i32 to vector<16xi32>
      %add3A_423 = arith.addi %add3A_422, %mul3A_421 : vector<16xi32>
      %swap3A_424 = arith.constant 64 : index
      %swap3A_425 = tpu.vector_load %arg14[%swap3A_424] {strides = array<i32>} : memref<128xi32, #tpu.memory_space<vmem>>, vector<16xi32>,
      tpu.vector_store %arg14[%swap3A_424], %add3A_423 {strides = array<i32>} : memref<128xi32, #tpu.memory_space<vmem>>, vector<16xi32>,
      %add3A_426 = arith.constant 80 : i32
      %add3A_427 = vector.broadcast %add3A_426 : i32 to vector<16xi32>
      %add3A_428 = arith.addi %iota3A, %add3A_427 : vector<16xi32>
      %mul3A_429 = arith.constant 4 : i32
      %mul3A_430 = vector.broadcast %mul3A_429 : i32 to vector<16xi32>
      %mul3A_431 = arith.muli %mul3A_430, %add3A_428 : vector<16xi32>
      %add3A_432 = vector.broadcast %add3A_375 : i32 to vector<16xi32>
      %add3A_433 = arith.addi %add3A_432, %mul3A_431 : vector<16xi32>
      %swap3A_434 = arith.constant 80 : index
      %swap3A_435 = tpu.vector_load %arg14[%swap3A_434] {strides = array<i32>} : memref<128xi32, #tpu.memory_space<vmem>>, vector<16xi32>,
      tpu.vector_store %arg14[%swap3A_434], %add3A_433 {strides = array<i32>} : memref<128xi32, #tpu.memory_space<vmem>>, vector<16xi32>,
      %add3A_436 = arith.constant 96 : i32
      %add3A_437 = vector.broadcast %add3A_436 : i32 to vector<16xi32>
      %add3A_438 = arith.addi %iota3A, %add3A_437 : vector<16xi32>
      %mul3A_439 = arith.constant 4 : i32
      %mul3A_440 = vector.broadcast %mul3A_439 : i32 to vector<16xi32>
      %mul3A_441 = arith.muli %mul3A_440, %add3A_438 : vector<16xi32>
      %add3A_442 = vector.broadcast %add3A_375 : i32 to vector<16xi32>
      %add3A_443 = arith.addi %add3A_442, %mul3A_441 : vector<16xi32>
      %swap3A_444 = arith.constant 96 : index
      %swap3A_445 = tpu.vector_load %arg14[%swap3A_444] {strides = array<i32>} : memref<128xi32, #tpu.memory_space<vmem>>, vector<16xi32>,
      tpu.vector_store %arg14[%swap3A_444], %add3A_443 {strides = array<i32>} : memref<128xi32, #tpu.memory_space<vmem>>, vector<16xi32>,
      %add3A_446 = arith.constant 112 : i32
      %add3A_447 = vector.broadcast %add3A_446 : i32 to vector<16xi32>
      %add3A_448 = arith.addi %iota3A, %add3A_447 : vector<16xi32>
      %mul3A_449 = arith.constant 4 : i32
      %mul3A_450 = vector.broadcast %mul3A_449 : i32 to vector<16xi32>
      %mul3A_451 = arith.muli %mul3A_450, %add3A_448 : vector<16xi32>
      %add3A_452 = vector.broadcast %add3A_375 : i32 to vector<16xi32>
      %add3A_453 = arith.addi %add3A_452, %mul3A_451 : vector<16xi32>
      %swap3A_454 = arith.constant 112 : index
      %swap3A_455 = tpu.vector_load %arg14[%swap3A_454] {strides = array<i32>} : memref<128xi32, #tpu.memory_space<vmem>>, vector<16xi32>,
      tpu.vector_store %arg14[%swap3A_454], %add3A_453 {strides = array<i32>} : memref<128xi32, #tpu.memory_space<vmem>>, vector<16xi32>,
      %dma_start3A_456 = arith.constant 0 : i32
      %dma_start3A_457 = arith.constant 0 : i32
      %dma_start3A_458 = tpu.memref_slice %arg2[%dma_start3A_456, %dma_start3A_457] : memref<32768x128xf32, #tpu.memory_space<hbm>> -> memref<32768x128xf32, #tpu.memory_space<hbm>>
      tpu.enqueue_indirect_dma source(%dma_start3A_458 : memref<32768x128xf32, #tpu.memory_space<hbm>>) target(%arg7 : memref<128x128xf32, #tpu.memory_space<vmem>>) offsets(%arg14 : memref<128xi32, #tpu.memory_space<vmem>>) semaphore(%arg17 : memref<!tpu.dma_semaphore, #tpu.memory_space<semaphore_mem>>)
      %dma_wait3A_459 = arith.constant 0 : i32
      %dma_wait3A_460 = arith.constant 0 : i32
      %dma_wait3A_461 = tpu.memref_slice %arg2[%dma_wait3A_459, %dma_wait3A_460] : memref<32768x128xf32, #tpu.memory_space<hbm>> -> memref<32768x128xf32, #tpu.memory_space<hbm>>
      tpu.wait_indirect_dma semaphore(%arg17 : memref<!tpu.dma_semaphore, #tpu.memory_space<semaphore_mem>>) src(%dma_wait3A_461 : memref<32768x128xf32, #tpu.memory_space<hbm>>) dst(%arg7 : memref<128x128xf32, #tpu.memory_space<vmem>>)
      %mul3A_462 = arith.constant 512 : i32
      %mul3A_463 = arith.muli %add3A_33, %mul3A_462 : i32
      %add3A_464 = arith.constant 1 : i32
      %add3A_465 = arith.addi %mul3A_463, %add3A_464 : i32
      %add3A_466 = arith.constant 0 : i32
      %add3A_467 = vector.broadcast %add3A_466 : i32 to vector<16xi32>
      %add3A_468 = arith.addi %iota3A, %add3A_467 : vector<16xi32>
      %mul3A_469 = arith.constant 4 : i32
      %mul3A_470 = vector.broadcast %mul3A_469 : i32 to vector<16xi32>
      %mul3A_471 = arith.muli %mul3A_470, %add3A_468 : vector<16xi32>
      %add3A_472 = vector.broadcast %add3A_465 : i32 to vector<16xi32>
      %add3A_473 = arith.addi %add3A_472, %mul3A_471 : vector<16xi32>
      %swap3A_474 = arith.constant 0 : index
      %swap3A_475 = tpu.vector_load %arg14[%swap3A_474] {strides = array<i32>} : memref<128xi32, #tpu.memory_space<vmem>>, vector<16xi32>,
      tpu.vector_store %arg14[%swap3A_474], %add3A_473 {strides = array<i32>} : memref<128xi32, #tpu.memory_space<vmem>>, vector<16xi32>,
      %add3A_476 = arith.constant 16 : i32
      %add3A_477 = vector.broadcast %add3A_476 : i32 to vector<16xi32>
      %add3A_478 = arith.addi %iota3A, %add3A_477 : vector<16xi32>
      %mul3A_479 = arith.constant 4 : i32
      %mul3A_480 = vector.broadcast %mul3A_479 : i32 to vector<16xi32>
      %mul3A_481 = arith.muli %mul3A_480, %add3A_478 : vector<16xi32>
      %add3A_482 = vector.broadcast %add3A_465 : i32 to vector<16xi32>
      %add3A_483 = arith.addi %add3A_482, %mul3A_481 : vector<16xi32>
      %swap3A_484 = arith.constant 16 : index
      %swap3A_485 = tpu.vector_load %arg14[%swap3A_484] {strides = array<i32>} : memref<128xi32, #tpu.memory_space<vmem>>, vector<16xi32>,
      tpu.vector_store %arg14[%swap3A_484], %add3A_483 {strides = array<i32>} : memref<128xi32, #tpu.memory_space<vmem>>, vector<16xi32>,
      %add3A_486 = arith.constant 32 : i32
      %add3A_487 = vector.broadcast %add3A_486 : i32 to vector<16xi32>
      %add3A_488 = arith.addi %iota3A, %add3A_487 : vector<16xi32>
      %mul3A_489 = arith.constant 4 : i32
      %mul3A_490 = vector.broadcast %mul3A_489 : i32 to vector<16xi32>
      %mul3A_491 = arith.muli %mul3A_490, %add3A_488 : vector<16xi32>
      %add3A_492 = vector.broadcast %add3A_465 : i32 to vector<16xi32>
      %add3A_493 = arith.addi %add3A_492, %mul3A_491 : vector<16xi32>
      %swap3A_494 = arith.constant 32 : index
      %swap3A_495 = tpu.vector_load %arg14[%swap3A_494] {strides = array<i32>} : memref<128xi32, #tpu.memory_space<vmem>>, vector<16xi32>,
      tpu.vector_store %arg14[%swap3A_494], %add3A_493 {strides = array<i32>} : memref<128xi32, #tpu.memory_space<vmem>>, vector<16xi32>,
      %add3A_496 = arith.constant 48 : i32
      %add3A_497 = vector.broadcast %add3A_496 : i32 to vector<16xi32>
      %add3A_498 = arith.addi %iota3A, %add3A_497 : vector<16xi32>
      %mul3A_499 = arith.constant 4 : i32
      %mul3A_500 = vector.broadcast %mul3A_499 : i32 to vector<16xi32>
      %mul3A_501 = arith.muli %mul3A_500, %add3A_498 : vector<16xi32>
      %add3A_502 = vector.broadcast %add3A_465 : i32 to vector<16xi32>
      %add3A_503 = arith.addi %add3A_502, %mul3A_501 : vector<16xi32>
      %swap3A_504 = arith.constant 48 : index
      %swap3A_505 = tpu.vector_load %arg14[%swap3A_504] {strides = array<i32>} : memref<128xi32, #tpu.memory_space<vmem>>, vector<16xi32>,
      tpu.vector_store %arg14[%swap3A_504], %add3A_503 {strides = array<i32>} : memref<128xi32, #tpu.memory_space<vmem>>, vector<16xi32>,
      %add3A_506 = arith.constant 64 : i32
      %add3A_507 = vector.broadcast %add3A_506 : i32 to vector<16xi32>
      %add3A_508 = arith.addi %iota3A, %add3A_507 : vector<16xi32>
      %mul3A_509 = arith.constant 4 : i32
      %mul3A_510 = vector.broadcast %mul3A_509 : i32 to vector<16xi32>
      %mul3A_511 = arith.muli %mul3A_510, %add3A_508 : vector<16xi32>
      %add3A_512 = vector.broadcast %add3A_465 : i32 to vector<16xi32>
      %add3A_513 = arith.addi %add3A_512, %mul3A_511 : vector<16xi32>
      %swap3A_514 = arith.constant 64 : index
      %swap3A_515 = tpu.vector_load %arg14[%swap3A_514] {strides = array<i32>} : memref<128xi32, #tpu.memory_space<vmem>>, vector<16xi32>,
      tpu.vector_store %arg14[%swap3A_514], %add3A_513 {strides = array<i32>} : memref<128xi32, #tpu.memory_space<vmem>>, vector<16xi32>,
      %add3A_516 = arith.constant 80 : i32
      %add3A_517 = vector.broadcast %add3A_516 : i32 to vector<16xi32>
      %add3A_518 = arith.addi %iota3A, %add3A_517 : vector<16xi32>
      %mul3A_519 = arith.constant 4 : i32
      %mul3A_520 = vector.broadcast %mul3A_519 : i32 to vector<16xi32>
      %mul3A_521 = arith.muli %mul3A_520, %add3A_518 : vector<16xi32>
      %add3A_522 = vector.broadcast %add3A_465 : i32 to vector<16xi32>
      %add3A_523 = arith.addi %add3A_522, %mul3A_521 : vector<16xi32>
      %swap3A_524 = arith.constant 80 : index
      %swap3A_525 = tpu.vector_load %arg14[%swap3A_524] {strides = array<i32>} : memref<128xi32, #tpu.memory_space<vmem>>, vector<16xi32>,
      tpu.vector_store %arg14[%swap3A_524], %add3A_523 {strides = array<i32>} : memref<128xi32, #tpu.memory_space<vmem>>, vector<16xi32>,
      %add3A_526 = arith.constant 96 : i32
      %add3A_527 = vector.broadcast %add3A_526 : i32 to vector<16xi32>
      %add3A_528 = arith.addi %iota3A, %add3A_527 : vector<16xi32>
      %mul3A_529 = arith.constant 4 : i32
      %mul3A_530 = vector.broadcast %mul3A_529 : i32 to vector<16xi32>
      %mul3A_531 = arith.muli %mul3A_530, %add3A_528 : vector<16xi32>
      %add3A_532 = vector.broadcast %add3A_465 : i32 to vector<16xi32>
      %add3A_533 = arith.addi %add3A_532, %mul3A_531 : vector<16xi32>
      %swap3A_534 = arith.constant 96 : index
      %swap3A_535 = tpu.vector_load %arg14[%swap3A_534] {strides = array<i32>} : memref<128xi32, #tpu.memory_space<vmem>>, vector<16xi32>,
      tpu.vector_store %arg14[%swap3A_534], %add3A_533 {strides = array<i32>} : memref<128xi32, #tpu.memory_space<vmem>>, vector<16xi32>,
      %add3A_536 = arith.constant 112 : i32
      %add3A_537 = vector.broadcast %add3A_536 : i32 to vector<16xi32>
      %add3A_538 = arith.addi %iota3A, %add3A_537 : vector<16xi32>
      %mul3A_539 = arith.constant 4 : i32
      %mul3A_540 = vector.broadcast %mul3A_539 : i32 to vector<16xi32>
      %mul3A_541 = arith.muli %mul3A_540, %add3A_538 : vector<16xi32>
      %add3A_542 = vector.broadcast %add3A_465 : i32 to vector<16xi32>
      %add3A_543 = arith.addi %add3A_542, %mul3A_541 : vector<16xi32>
      %swap3A_544 = arith.constant 112 : index
      %swap3A_545 = tpu.vector_load %arg14[%swap3A_544] {strides = array<i32>} : memref<128xi32, #tpu.memory_space<vmem>>, vector<16xi32>,
      tpu.vector_store %arg14[%swap3A_544], %add3A_543 {strides = array<i32>} : memref<128xi32, #tpu.memory_space<vmem>>, vector<16xi32>,
      %dma_start3A_546 = arith.constant 0 : i32
      %dma_start3A_547 = arith.constant 0 : i32
      %dma_start3A_548 = tpu.memref_slice %arg2[%dma_start3A_546, %dma_start3A_547] : memref<32768x128xf32, #tpu.memory_space<hbm>> -> memref<32768x128xf32, #tpu.memory_space<hbm>>
      tpu.enqueue_indirect_dma source(%dma_start3A_548 : memref<32768x128xf32, #tpu.memory_space<hbm>>) target(%arg8 : memref<128x128xf32, #tpu.memory_space<vmem>>) offsets(%arg14 : memref<128xi32, #tpu.memory_space<vmem>>) semaphore(%arg18 : memref<!tpu.dma_semaphore, #tpu.memory_space<semaphore_mem>>)
      %dma_wait3A_549 = arith.constant 0 : i32
      %dma_wait3A_550 = arith.constant 0 : i32
      %dma_wait3A_551 = tpu.memref_slice %arg2[%dma_wait3A_549, %dma_wait3A_550] : memref<32768x128xf32, #tpu.memory_space<hbm>> -> memref<32768x128xf32, #tpu.memory_space<hbm>>
      tpu.wait_indirect_dma semaphore(%arg18 : memref<!tpu.dma_semaphore, #tpu.memory_space<semaphore_mem>>) src(%dma_wait3A_551 : memref<32768x128xf32, #tpu.memory_space<hbm>>) dst(%arg8 : memref<128x128xf32, #tpu.memory_space<vmem>>)
      %while3A_552 = arith.constant 0 : i32
      %while3A_553 = arith.constant 1073741824 : i32
      %while3A_554:2 = scf.while (%while3A_649 = %while3A_552, %while3A_650 = %while3A_553) : (i32, i32) -> (i32, i32) {
        %lt3A_651 = arith.constant 16 : i32
        %lt3A_652 = arith.cmpi slt, %while3A_649, %lt3A_651 : i32
        %ge3A = arith.constant 1073741824 : i32
        %ge3A_653 = arith.cmpi sge, %while3A_650, %ge3A : i32
        %and3A_654 = arith.andi %lt3A_652, %ge3A_653 : i1
        scf.condition(%and3A_654) %while3A_649, %while3A_650 : i32, i32
      } do {
      ^bb0(%while3A_649: i32, %while3A_650: i32):
        %mul3A_651 = arith.constant 8 : i32
        %mul3A_652 = arith.muli %mul3A_651, %while3A_649 : i32
        %mul3A_653 = arith.constant 8 : i32
        %mul3A_654 = arith.muli %mul3A_653, %while3A_649 : i32
        %add3A_655 = arith.constant 8 : i32
        %add3A_656 = arith.addi %mul3A_654, %add3A_655 : i32
        %while3A_657 = arith.subi %add3A_656, %mul3A_652 : i32
        %while3A_658 = arith.addi %mul3A_652, %while3A_657 : i32
        %while3A_659 = arith.constant 1 : i32
        %while3A_660 = arith.divsi %while3A_657, %while3A_659 : i32
        %while3A_661 = arith.muli %while3A_660, %while3A_659 : i32
        %while3A_662 = arith.addi %mul3A_652, %while3A_661 : i32
        %while3A_663 = arith.constant 1 : i32
        %while3A_664 = scf.for %while3A_676 = %mul3A_652 to %while3A_662 step %while3A_663 iter_args(%while3A_677 = %broadcast_in_dim3A_3) -> (vector<16xi32>)  : i32 {
          %mul3A_678 = arith.constant 128 : i32
          %mul3A_679 = arith.muli %while3A_676, %mul3A_678 : i32
          %broadcast_in_dim3A_680 = vector.broadcast %mul3A_679 : i32 to vector<16xi32>
          %get3A = arith.index_cast %while3A_676 : i32 to index
          %get3A_681 = arith.constant 0 : index
          %get3A_682 = tpu.vector_load %arg7[%get3A, %get3A_681] {strides = array<i32>} : memref<128x128xf32, #tpu.memory_space<vmem>>, vector<16xf32>,
          %eq3A_683 = arith.constant 1.000000e+00 : f32
          %eq3A_684 = vector.broadcast %eq3A_683 : f32 to vector<16xf32>
          %eq3A_685 = arith.cmpf oeq, %get3A_682, %eq3A_684 : vector<16xf32>
          %add3A_686 = arith.addi %broadcast_in_dim3A_680, %add3A_8 : vector<16xi32>
          %jit3A_687 = arith.constant 1073741824 : i32
          %broadcast_in_dim3A_688 = vector.broadcast %jit3A_687 : i32 to vector<16xi32>
          %select_n3A_689 = arith.select %eq3A_685, %add3A_686, %broadcast_in_dim3A_688 : vector<16xi1>, vector<16xi32>
          %min3A_690 = arith.minsi %while3A_677, %select_n3A_689 : vector<16xi32>
          %get3A_691 = arith.index_cast %while3A_676 : i32 to index
          %get3A_692 = arith.constant 16 : index
          %get3A_693 = tpu.vector_load %arg7[%get3A_691, %get3A_692] {strides = array<i32>} : memref<128x128xf32, #tpu.memory_space<vmem>>, vector<16xf32>,
          %eq3A_694 = arith.constant 1.000000e+00 : f32
          %eq3A_695 = vector.broadcast %eq3A_694 : f32 to vector<16xf32>
          %eq3A_696 = arith.cmpf oeq, %get3A_693, %eq3A_695 : vector<16xf32>
          %add3A_697 = arith.addi %broadcast_in_dim3A_680, %add3A_11 : vector<16xi32>
          %jit3A_698 = arith.constant 1073741824 : i32
          %broadcast_in_dim3A_699 = vector.broadcast %jit3A_698 : i32 to vector<16xi32>
          %select_n3A_700 = arith.select %eq3A_696, %add3A_697, %broadcast_in_dim3A_699 : vector<16xi1>, vector<16xi32>
          %min3A_701 = arith.minsi %min3A_690, %select_n3A_700 : vector<16xi32>
          %get3A_702 = arith.index_cast %while3A_676 : i32 to index
          %get3A_703 = arith.constant 32 : index
          %get3A_704 = tpu.vector_load %arg7[%get3A_702, %get3A_703] {strides = array<i32>} : memref<128x128xf32, #tpu.memory_space<vmem>>, vector<16xf32>,
          %eq3A_705 = arith.constant 1.000000e+00 : f32
          %eq3A_706 = vector.broadcast %eq3A_705 : f32 to vector<16xf32>
          %eq3A_707 = arith.cmpf oeq, %get3A_704, %eq3A_706 : vector<16xf32>
          %add3A_708 = arith.addi %broadcast_in_dim3A_680, %add3A_14 : vector<16xi32>
          %jit3A_709 = arith.constant 1073741824 : i32
          %broadcast_in_dim3A_710 = vector.broadcast %jit3A_709 : i32 to vector<16xi32>
          %select_n3A_711 = arith.select %eq3A_707, %add3A_708, %broadcast_in_dim3A_710 : vector<16xi1>, vector<16xi32>
          %min3A_712 = arith.minsi %min3A_701, %select_n3A_711 : vector<16xi32>
          %get3A_713 = arith.index_cast %while3A_676 : i32 to index
          %get3A_714 = arith.constant 48 : index
          %get3A_715 = tpu.vector_load %arg7[%get3A_713, %get3A_714] {strides = array<i32>} : memref<128x128xf32, #tpu.memory_space<vmem>>, vector<16xf32>,
          %eq3A_716 = arith.constant 1.000000e+00 : f32
          %eq3A_717 = vector.broadcast %eq3A_716 : f32 to vector<16xf32>
          %eq3A_718 = arith.cmpf oeq, %get3A_715, %eq3A_717 : vector<16xf32>
          %add3A_719 = arith.addi %broadcast_in_dim3A_680, %add3A_17 : vector<16xi32>
          %jit3A_720 = arith.constant 1073741824 : i32
          %broadcast_in_dim3A_721 = vector.broadcast %jit3A_720 : i32 to vector<16xi32>
          %select_n3A_722 = arith.select %eq3A_718, %add3A_719, %broadcast_in_dim3A_721 : vector<16xi1>, vector<16xi32>
          %min3A_723 = arith.minsi %min3A_712, %select_n3A_722 : vector<16xi32>
          %get3A_724 = arith.index_cast %while3A_676 : i32 to index
          %get3A_725 = arith.constant 64 : index
          %get3A_726 = tpu.vector_load %arg7[%get3A_724, %get3A_725] {strides = array<i32>} : memref<128x128xf32, #tpu.memory_space<vmem>>, vector<16xf32>,
          %eq3A_727 = arith.constant 1.000000e+00 : f32
          %eq3A_728 = vector.broadcast %eq3A_727 : f32 to vector<16xf32>
          %eq3A_729 = arith.cmpf oeq, %get3A_726, %eq3A_728 : vector<16xf32>
          %add3A_730 = arith.addi %broadcast_in_dim3A_680, %add3A_20 : vector<16xi32>
          %jit3A_731 = arith.constant 1073741824 : i32
          %broadcast_in_dim3A_732 = vector.broadcast %jit3A_731 : i32 to vector<16xi32>
          %select_n3A_733 = arith.select %eq3A_729, %add3A_730, %broadcast_in_dim3A_732 : vector<16xi1>, vector<16xi32>
          %min3A_734 = arith.minsi %min3A_723, %select_n3A_733 : vector<16xi32>
          %get3A_735 = arith.index_cast %while3A_676 : i32 to index
          %get3A_736 = arith.constant 80 : index
          %get3A_737 = tpu.vector_load %arg7[%get3A_735, %get3A_736] {strides = array<i32>} : memref<128x128xf32, #tpu.memory_space<vmem>>, vector<16xf32>,
          %eq3A_738 = arith.constant 1.000000e+00 : f32
          %eq3A_739 = vector.broadcast %eq3A_738 : f32 to vector<16xf32>
          %eq3A_740 = arith.cmpf oeq, %get3A_737, %eq3A_739 : vector<16xf32>
          %add3A_741 = arith.addi %broadcast_in_dim3A_680, %add3A_23 : vector<16xi32>
          %jit3A_742 = arith.constant 1073741824 : i32
          %broadcast_in_dim3A_743 = vector.broadcast %jit3A_742 : i32 to vector<16xi32>
          %select_n3A_744 = arith.select %eq3A_740, %add3A_741, %broadcast_in_dim3A_743 : vector<16xi1>, vector<16xi32>
          %min3A_745 = arith.minsi %min3A_734, %select_n3A_744 : vector<16xi32>
          %get3A_746 = arith.index_cast %while3A_676 : i32 to index
          %get3A_747 = arith.constant 96 : index
          %get3A_748 = tpu.vector_load %arg7[%get3A_746, %get3A_747] {strides = array<i32>} : memref<128x128xf32, #tpu.memory_space<vmem>>, vector<16xf32>,
          %eq3A_749 = arith.constant 1.000000e+00 : f32
          %eq3A_750 = vector.broadcast %eq3A_749 : f32 to vector<16xf32>
          %eq3A_751 = arith.cmpf oeq, %get3A_748, %eq3A_750 : vector<16xf32>
          %add3A_752 = arith.addi %broadcast_in_dim3A_680, %add3A_26 : vector<16xi32>
          %jit3A_753 = arith.constant 1073741824 : i32
          %broadcast_in_dim3A_754 = vector.broadcast %jit3A_753 : i32 to vector<16xi32>
          %select_n3A_755 = arith.select %eq3A_751, %add3A_752, %broadcast_in_dim3A_754 : vector<16xi1>, vector<16xi32>
          %min3A_756 = arith.minsi %min3A_745, %select_n3A_755 : vector<16xi32>
          %get3A_757 = arith.index_cast %while3A_676 : i32 to index
          %get3A_758 = arith.constant 112 : index
          %get3A_759 = tpu.vector_load %arg7[%get3A_757, %get3A_758] {strides = array<i32>} : memref<128x128xf32, #tpu.memory_space<vmem>>, vector<16xf32>,
          %eq3A_760 = arith.constant 1.000000e+00 : f32
          %eq3A_761 = vector.broadcast %eq3A_760 : f32 to vector<16xf32>
          %eq3A_762 = arith.cmpf oeq, %get3A_759, %eq3A_761 : vector<16xf32>
          %add3A_763 = arith.addi %broadcast_in_dim3A_680, %add3A_29 : vector<16xi32>
          %jit3A_764 = arith.constant 1073741824 : i32
          %broadcast_in_dim3A_765 = vector.broadcast %jit3A_764 : i32 to vector<16xi32>
          %select_n3A_766 = arith.select %eq3A_762, %add3A_763, %broadcast_in_dim3A_765 : vector<16xi1>, vector<16xi32>
          %min3A_767 = arith.minsi %min3A_756, %select_n3A_766 : vector<16xi32>
          scf.yield %min3A_767 : vector<16xi32>
        }
        %while3A_665 = arith.constant 1 : i32
        %while3A_666 = scf.for %while3A_676 = %while3A_662 to %while3A_658 step %while3A_665 iter_args(%while3A_677 = %while3A_664) -> (vector<16xi32>)  : i32 {
          %mul3A_678 = arith.constant 128 : i32
          %mul3A_679 = arith.muli %while3A_676, %mul3A_678 : i32
          %broadcast_in_dim3A_680 = vector.broadcast %mul3A_679 : i32 to vector<16xi32>
          %get3A = arith.index_cast %while3A_676 : i32 to index
          %get3A_681 = arith.constant 0 : index
          %get3A_682 = tpu.vector_load %arg7[%get3A, %get3A_681] {strides = array<i32>} : memref<128x128xf32, #tpu.memory_space<vmem>>, vector<16xf32>,
          %eq3A_683 = arith.constant 1.000000e+00 : f32
          %eq3A_684 = vector.broadcast %eq3A_683 : f32 to vector<16xf32>
          %eq3A_685 = arith.cmpf oeq, %get3A_682, %eq3A_684 : vector<16xf32>
          %add3A_686 = arith.addi %broadcast_in_dim3A_680, %add3A_8 : vector<16xi32>
          %jit3A_687 = arith.constant 1073741824 : i32
          %broadcast_in_dim3A_688 = vector.broadcast %jit3A_687 : i32 to vector<16xi32>
          %select_n3A_689 = arith.select %eq3A_685, %add3A_686, %broadcast_in_dim3A_688 : vector<16xi1>, vector<16xi32>
          %min3A_690 = arith.minsi %while3A_677, %select_n3A_689 : vector<16xi32>
          %get3A_691 = arith.index_cast %while3A_676 : i32 to index
          %get3A_692 = arith.constant 16 : index
          %get3A_693 = tpu.vector_load %arg7[%get3A_691, %get3A_692] {strides = array<i32>} : memref<128x128xf32, #tpu.memory_space<vmem>>, vector<16xf32>,
          %eq3A_694 = arith.constant 1.000000e+00 : f32
          %eq3A_695 = vector.broadcast %eq3A_694 : f32 to vector<16xf32>
          %eq3A_696 = arith.cmpf oeq, %get3A_693, %eq3A_695 : vector<16xf32>
          %add3A_697 = arith.addi %broadcast_in_dim3A_680, %add3A_11 : vector<16xi32>
          %jit3A_698 = arith.constant 1073741824 : i32
          %broadcast_in_dim3A_699 = vector.broadcast %jit3A_698 : i32 to vector<16xi32>
          %select_n3A_700 = arith.select %eq3A_696, %add3A_697, %broadcast_in_dim3A_699 : vector<16xi1>, vector<16xi32>
          %min3A_701 = arith.minsi %min3A_690, %select_n3A_700 : vector<16xi32>
          %get3A_702 = arith.index_cast %while3A_676 : i32 to index
          %get3A_703 = arith.constant 32 : index
          %get3A_704 = tpu.vector_load %arg7[%get3A_702, %get3A_703] {strides = array<i32>} : memref<128x128xf32, #tpu.memory_space<vmem>>, vector<16xf32>,
          %eq3A_705 = arith.constant 1.000000e+00 : f32
          %eq3A_706 = vector.broadcast %eq3A_705 : f32 to vector<16xf32>
          %eq3A_707 = arith.cmpf oeq, %get3A_704, %eq3A_706 : vector<16xf32>
          %add3A_708 = arith.addi %broadcast_in_dim3A_680, %add3A_14 : vector<16xi32>
          %jit3A_709 = arith.constant 1073741824 : i32
          %broadcast_in_dim3A_710 = vector.broadcast %jit3A_709 : i32 to vector<16xi32>
          %select_n3A_711 = arith.select %eq3A_707, %add3A_708, %broadcast_in_dim3A_710 : vector<16xi1>, vector<16xi32>
          %min3A_712 = arith.minsi %min3A_701, %select_n3A_711 : vector<16xi32>
          %get3A_713 = arith.index_cast %while3A_676 : i32 to index
          %get3A_714 = arith.constant 48 : index
          %get3A_715 = tpu.vector_load %arg7[%get3A_713, %get3A_714] {strides = array<i32>} : memref<128x128xf32, #tpu.memory_space<vmem>>, vector<16xf32>,
          %eq3A_716 = arith.constant 1.000000e+00 : f32
          %eq3A_717 = vector.broadcast %eq3A_716 : f32 to vector<16xf32>
          %eq3A_718 = arith.cmpf oeq, %get3A_715, %eq3A_717 : vector<16xf32>
          %add3A_719 = arith.addi %broadcast_in_dim3A_680, %add3A_17 : vector<16xi32>
          %jit3A_720 = arith.constant 1073741824 : i32
          %broadcast_in_dim3A_721 = vector.broadcast %jit3A_720 : i32 to vector<16xi32>
          %select_n3A_722 = arith.select %eq3A_718, %add3A_719, %broadcast_in_dim3A_721 : vector<16xi1>, vector<16xi32>
          %min3A_723 = arith.minsi %min3A_712, %select_n3A_722 : vector<16xi32>
          %get3A_724 = arith.index_cast %while3A_676 : i32 to index
          %get3A_725 = arith.constant 64 : index
          %get3A_726 = tpu.vector_load %arg7[%get3A_724, %get3A_725] {strides = array<i32>} : memref<128x128xf32, #tpu.memory_space<vmem>>, vector<16xf32>,
          %eq3A_727 = arith.constant 1.000000e+00 : f32
          %eq3A_728 = vector.broadcast %eq3A_727 : f32 to vector<16xf32>
          %eq3A_729 = arith.cmpf oeq, %get3A_726, %eq3A_728 : vector<16xf32>
          %add3A_730 = arith.addi %broadcast_in_dim3A_680, %add3A_20 : vector<16xi32>
          %jit3A_731 = arith.constant 1073741824 : i32
          %broadcast_in_dim3A_732 = vector.broadcast %jit3A_731 : i32 to vector<16xi32>
          %select_n3A_733 = arith.select %eq3A_729, %add3A_730, %broadcast_in_dim3A_732 : vector<16xi1>, vector<16xi32>
          %min3A_734 = arith.minsi %min3A_723, %select_n3A_733 : vector<16xi32>
          %get3A_735 = arith.index_cast %while3A_676 : i32 to index
          %get3A_736 = arith.constant 80 : index
          %get3A_737 = tpu.vector_load %arg7[%get3A_735, %get3A_736] {strides = array<i32>} : memref<128x128xf32, #tpu.memory_space<vmem>>, vector<16xf32>,
          %eq3A_738 = arith.constant 1.000000e+00 : f32
          %eq3A_739 = vector.broadcast %eq3A_738 : f32 to vector<16xf32>
          %eq3A_740 = arith.cmpf oeq, %get3A_737, %eq3A_739 : vector<16xf32>
          %add3A_741 = arith.addi %broadcast_in_dim3A_680, %add3A_23 : vector<16xi32>
          %jit3A_742 = arith.constant 1073741824 : i32
          %broadcast_in_dim3A_743 = vector.broadcast %jit3A_742 : i32 to vector<16xi32>
          %select_n3A_744 = arith.select %eq3A_740, %add3A_741, %broadcast_in_dim3A_743 : vector<16xi1>, vector<16xi32>
          %min3A_745 = arith.minsi %min3A_734, %select_n3A_744 : vector<16xi32>
          %get3A_746 = arith.index_cast %while3A_676 : i32 to index
          %get3A_747 = arith.constant 96 : index
          %get3A_748 = tpu.vector_load %arg7[%get3A_746, %get3A_747] {strides = array<i32>} : memref<128x128xf32, #tpu.memory_space<vmem>>, vector<16xf32>,
          %eq3A_749 = arith.constant 1.000000e+00 : f32
          %eq3A_750 = vector.broadcast %eq3A_749 : f32 to vector<16xf32>
          %eq3A_751 = arith.cmpf oeq, %get3A_748, %eq3A_750 : vector<16xf32>
          %add3A_752 = arith.addi %broadcast_in_dim3A_680, %add3A_26 : vector<16xi32>
          %jit3A_753 = arith.constant 1073741824 : i32
          %broadcast_in_dim3A_754 = vector.broadcast %jit3A_753 : i32 to vector<16xi32>
          %select_n3A_755 = arith.select %eq3A_751, %add3A_752, %broadcast_in_dim3A_754 : vector<16xi1>, vector<16xi32>
          %min3A_756 = arith.minsi %min3A_745, %select_n3A_755 : vector<16xi32>
          %get3A_757 = arith.index_cast %while3A_676 : i32 to index
          %get3A_758 = arith.constant 112 : index
          %get3A_759 = tpu.vector_load %arg7[%get3A_757, %get3A_758] {strides = array<i32>} : memref<128x128xf32, #tpu.memory_space<vmem>>, vector<16xf32>,
          %eq3A_760 = arith.constant 1.000000e+00 : f32
          %eq3A_761 = vector.broadcast %eq3A_760 : f32 to vector<16xf32>
          %eq3A_762 = arith.cmpf oeq, %get3A_759, %eq3A_761 : vector<16xf32>
          %add3A_763 = arith.addi %broadcast_in_dim3A_680, %add3A_29 : vector<16xi32>
          %jit3A_764 = arith.constant 1073741824 : i32
          %broadcast_in_dim3A_765 = vector.broadcast %jit3A_764 : i32 to vector<16xi32>
          %select_n3A_766 = arith.select %eq3A_762, %add3A_763, %broadcast_in_dim3A_765 : vector<16xi1>, vector<16xi32>
          %min3A_767 = arith.minsi %min3A_756, %select_n3A_766 : vector<16xi32>
          scf.yield %min3A_767 : vector<16xi32>
        }
        %add3A_667 = arith.constant 1 : i32
        %add3A_668 = arith.addi %while3A_649, %add3A_667 : i32
        %reduce_min3A = arith.constant true
        %reduce_min3A_669 = vector.broadcast %reduce_min3A : i1 to vector<16xi1>
        %reduce_min3A_670 = arith.constant -2147483648 : i32
        %reduce_min3A_671 = vector.broadcast %reduce_min3A_670 : i32 to vector<16xi32>
        %reduce_min3A_672 = arith.xori %while3A_666, %reduce_min3A_671 : vector<16xi32>
        %reduce_min3A_673 = tpu.scan <min>, %reduce_min3A_672 masked %reduce_min3A_669 : vector<16xi32>, vector<16xi1> -> vector<16xi32>
        %reduce_min3A_674 = arith.xori %reduce_min3A_673, %reduce_min3A_671 : vector<16xi32>
        %reduce_min3A_675 = vector.extract %reduce_min3A_674[15] : i32 from vector<16xi32>
        %min3A = arith.minsi %while3A_650, %reduce_min3A_675 : i32
        scf.yield %add3A_668, %min3A : i32, i32
      }
      %lt3A_555 = arith.constant 1073741824 : i32
      %lt3A_556 = arith.cmpi slt, %while3A_554#1, %lt3A_555 : i32
      %jit3A_557 = arith.constant 0 : i32
      %select_n3A_558 = arith.select %lt3A_556, %while3A_554#1, %jit3A_557 : i32
      %lt3A_559 = arith.constant 1073741824 : i32
      %lt3A_560 = arith.cmpi slt, %while3A_554#1, %lt3A_559 : i32
      %jit3A_561 = arith.constant 0 : i32
      %select_n3A_562 = arith.select %lt3A_560, %while3A_554#1, %jit3A_561 : i32
      %shift_right_arithmetic3A_563 = arith.constant 7 : i32
      %shift_right_arithmetic3A_564 = arith.shrsi %select_n3A_562, %shift_right_arithmetic3A_563 : i32
      %and3A_565 = arith.constant 127 : i32
      %and3A_566 = arith.andi %select_n3A_562, %and3A_565 : i32
      %broadcast_in_dim3A_567 = vector.broadcast %and3A_566 : i32 to vector<16xi32>
      %sub3A_568 = arith.subi %add3A_8, %broadcast_in_dim3A_567 : vector<16xi32>
      %mul3A_569 = arith.muli %sub3A_568, %sub3A_568 : vector<16xi32>
      %mul3A_570 = arith.constant 16384 : i32
      %mul3A_571 = vector.broadcast %mul3A_570 : i32 to vector<16xi32>
      %mul3A_572 = arith.muli %mul3A_569, %mul3A_571 : vector<16xi32>
      %add3A_573 = arith.addi %mul3A_572, %add3A_8 : vector<16xi32>
      %sub3A_574 = arith.subi %add3A_11, %broadcast_in_dim3A_567 : vector<16xi32>
      %mul3A_575 = arith.muli %sub3A_574, %sub3A_574 : vector<16xi32>
      %mul3A_576 = arith.constant 16384 : i32
      %mul3A_577 = vector.broadcast %mul3A_576 : i32 to vector<16xi32>
      %mul3A_578 = arith.muli %mul3A_575, %mul3A_577 : vector<16xi32>
      %add3A_579 = arith.addi %mul3A_578, %add3A_11 : vector<16xi32>
      %sub3A_580 = arith.subi %add3A_14, %broadcast_in_dim3A_567 : vector<16xi32>
      %mul3A_581 = arith.muli %sub3A_580, %sub3A_580 : vector<16xi32>
      %mul3A_582 = arith.constant 16384 : i32
      %mul3A_583 = vector.broadcast %mul3A_582 : i32 to vector<16xi32>
      %mul3A_584 = arith.muli %mul3A_581, %mul3A_583 : vector<16xi32>
      %add3A_585 = arith.addi %mul3A_584, %add3A_14 : vector<16xi32>
      %sub3A_586 = arith.subi %add3A_17, %broadcast_in_dim3A_567 : vector<16xi32>
      %mul3A_587 = arith.muli %sub3A_586, %sub3A_586 : vector<16xi32>
      %mul3A_588 = arith.constant 16384 : i32
      %mul3A_589 = vector.broadcast %mul3A_588 : i32 to vector<16xi32>
      %mul3A_590 = arith.muli %mul3A_587, %mul3A_589 : vector<16xi32>
      %add3A_591 = arith.addi %mul3A_590, %add3A_17 : vector<16xi32>
      %sub3A_592 = arith.subi %add3A_20, %broadcast_in_dim3A_567 : vector<16xi32>
      %mul3A_593 = arith.muli %sub3A_592, %sub3A_592 : vector<16xi32>
      %mul3A_594 = arith.constant 16384 : i32
      %mul3A_595 = vector.broadcast %mul3A_594 : i32 to vector<16xi32>
      %mul3A_596 = arith.muli %mul3A_593, %mul3A_595 : vector<16xi32>
      %add3A_597 = arith.addi %mul3A_596, %add3A_20 : vector<16xi32>
      %sub3A_598 = arith.subi %add3A_23, %broadcast_in_dim3A_567 : vector<16xi32>
      %mul3A_599 = arith.muli %sub3A_598, %sub3A_598 : vector<16xi32>
      %mul3A_600 = arith.constant 16384 : i32
      %mul3A_601 = vector.broadcast %mul3A_600 : i32 to vector<16xi32>
      %mul3A_602 = arith.muli %mul3A_599, %mul3A_601 : vector<16xi32>
      %add3A_603 = arith.addi %mul3A_602, %add3A_23 : vector<16xi32>
      %sub3A_604 = arith.subi %add3A_26, %broadcast_in_dim3A_567 : vector<16xi32>
      %mul3A_605 = arith.muli %sub3A_604, %sub3A_604 : vector<16xi32>
      %mul3A_606 = arith.constant 16384 : i32
      %mul3A_607 = vector.broadcast %mul3A_606 : i32 to vector<16xi32>
      %mul3A_608 = arith.muli %mul3A_605, %mul3A_607 : vector<16xi32>
      %add3A_609 = arith.addi %mul3A_608, %add3A_26 : vector<16xi32>
      %sub3A_610 = arith.subi %add3A_29, %broadcast_in_dim3A_567 : vector<16xi32>
      %mul3A_611 = arith.muli %sub3A_610, %sub3A_610 : vector<16xi32>
      %mul3A_612 = arith.constant 16384 : i32
      %mul3A_613 = vector.broadcast %mul3A_612 : i32 to vector<16xi32>
      %mul3A_614 = arith.muli %mul3A_611, %mul3A_613 : vector<16xi32>
      %add3A_615 = arith.addi %mul3A_614, %add3A_29 : vector<16xi32>
      %while3A_616 = arith.constant 0 : i32
      %while3A_617 = arith.constant 1073741824 : i32
      %while3A_618 = arith.constant false
      %while3A_619:3 = scf.while (%while3A_649 = %while3A_616, %while3A_650 = %while3A_617, %while3A_651 = %while3A_618) : (i32, i32, i1) -> (i32, i32, i1) {
        %lt3A_652 = arith.constant 128 : i32
        %lt3A_653 = arith.cmpi slt, %while3A_649, %lt3A_652 : i32
        %mul3A_654 = arith.muli %while3A_649, %while3A_649 : i32
        %mul3A_655 = arith.constant 16384 : i32
        %mul3A_656 = arith.muli %mul3A_654, %mul3A_655 : i32
        %le3A = arith.cmpi sle, %mul3A_656, %while3A_650 : i32
        %and3A_657 = arith.andi %lt3A_653, %le3A : i1
        %not3A_658 = arith.constant true
        %not3A_659 = arith.xori %while3A_651, %not3A_658 : i1
        %and3A_660 = arith.andi %and3A_657, %not3A_659 : i1
        scf.condition(%and3A_660) %while3A_649, %while3A_650, %while3A_651 : i32, i32, i1
      } do {
      ^bb0(%while3A_649: i32, %while3A_650: i32, %while3A_651: i1):
        %mul3A_652 = arith.muli %while3A_649, %while3A_649 : i32
        %mul3A_653 = arith.constant 16384 : i32
        %mul3A_654 = arith.muli %mul3A_652, %mul3A_653 : i32
        %sub3A_655 = arith.subi %shift_right_arithmetic3A_564, %while3A_649 : i32
        %add3A_656 = arith.addi %shift_right_arithmetic3A_564, %while3A_649 : i32
        %ge3A = arith.constant 0 : i32
        %ge3A_657 = arith.cmpi sge, %sub3A_655, %ge3A : i32
        %mul3A_658 = arith.constant 128 : i32
        %mul3A_659 = arith.muli %sub3A_655, %mul3A_658 : i32
        %add3A_660 = arith.addi %mul3A_654, %mul3A_659 : i32
        %jit3A_661 = arith.constant 1073741824 : i32
        %select_n3A_662 = arith.select %ge3A_657, %add3A_660, %jit3A_661 : i32
        %lt3A_663 = arith.constant 128 : i32
        %lt3A_664 = arith.cmpi slt, %add3A_656, %lt3A_663 : i32
        %mul3A_665 = arith.constant 128 : i32
        %mul3A_666 = arith.muli %add3A_656, %mul3A_665 : i32
        %add3A_667 = arith.addi %mul3A_654, %mul3A_666 : i32
        %jit3A_668 = arith.constant 1073741824 : i32
        %select_n3A_669 = arith.select %lt3A_664, %add3A_667, %jit3A_668 : i32
        %max3A = arith.constant 0 : i32
        %max3A_670 = arith.maxsi %sub3A_655, %max3A : i32
        %broadcast_in_dim3A_671 = vector.broadcast %select_n3A_662 : i32 to vector<16xi32>
        %get3A = arith.index_cast %max3A_670 : i32 to index
        %get3A_672 = arith.constant 0 : index
        %get3A_673 = tpu.vector_load %arg8[%get3A, %get3A_672] {strides = array<i32>} : memref<128x128xf32, #tpu.memory_space<vmem>>, vector<16xf32>,
        %eq3A_674 = arith.constant 1.000000e+00 : f32
        %eq3A_675 = vector.broadcast %eq3A_674 : f32 to vector<16xf32>
        %eq3A_676 = arith.cmpf oeq, %get3A_673, %eq3A_675 : vector<16xf32>
        %add3A_677 = arith.addi %broadcast_in_dim3A_671, %add3A_573 : vector<16xi32>
        %jit3A_678 = arith.constant 1073741824 : i32
        %broadcast_in_dim3A_679 = vector.broadcast %jit3A_678 : i32 to vector<16xi32>
        %select_n3A_680 = arith.select %eq3A_676, %add3A_677, %broadcast_in_dim3A_679 : vector<16xi1>, vector<16xi32>
        %min3A = arith.minsi %broadcast_in_dim3A_3, %select_n3A_680 : vector<16xi32>
        %get3A_681 = arith.index_cast %max3A_670 : i32 to index
        %get3A_682 = arith.constant 16 : index
        %get3A_683 = tpu.vector_load %arg8[%get3A_681, %get3A_682] {strides = array<i32>} : memref<128x128xf32, #tpu.memory_space<vmem>>, vector<16xf32>,
        %eq3A_684 = arith.constant 1.000000e+00 : f32
        %eq3A_685 = vector.broadcast %eq3A_684 : f32 to vector<16xf32>
        %eq3A_686 = arith.cmpf oeq, %get3A_683, %eq3A_685 : vector<16xf32>
        %add3A_687 = arith.addi %broadcast_in_dim3A_671, %add3A_579 : vector<16xi32>
        %jit3A_688 = arith.constant 1073741824 : i32
        %broadcast_in_dim3A_689 = vector.broadcast %jit3A_688 : i32 to vector<16xi32>
        %select_n3A_690 = arith.select %eq3A_686, %add3A_687, %broadcast_in_dim3A_689 : vector<16xi1>, vector<16xi32>
        %min3A_691 = arith.minsi %min3A, %select_n3A_690 : vector<16xi32>
        %get3A_692 = arith.index_cast %max3A_670 : i32 to index
        %get3A_693 = arith.constant 32 : index
        %get3A_694 = tpu.vector_load %arg8[%get3A_692, %get3A_693] {strides = array<i32>} : memref<128x128xf32, #tpu.memory_space<vmem>>, vector<16xf32>,
        %eq3A_695 = arith.constant 1.000000e+00 : f32
        %eq3A_696 = vector.broadcast %eq3A_695 : f32 to vector<16xf32>
        %eq3A_697 = arith.cmpf oeq, %get3A_694, %eq3A_696 : vector<16xf32>
        %add3A_698 = arith.addi %broadcast_in_dim3A_671, %add3A_585 : vector<16xi32>
        %jit3A_699 = arith.constant 1073741824 : i32
        %broadcast_in_dim3A_700 = vector.broadcast %jit3A_699 : i32 to vector<16xi32>
        %select_n3A_701 = arith.select %eq3A_697, %add3A_698, %broadcast_in_dim3A_700 : vector<16xi1>, vector<16xi32>
        %min3A_702 = arith.minsi %min3A_691, %select_n3A_701 : vector<16xi32>
        %get3A_703 = arith.index_cast %max3A_670 : i32 to index
        %get3A_704 = arith.constant 48 : index
        %get3A_705 = tpu.vector_load %arg8[%get3A_703, %get3A_704] {strides = array<i32>} : memref<128x128xf32, #tpu.memory_space<vmem>>, vector<16xf32>,
        %eq3A_706 = arith.constant 1.000000e+00 : f32
        %eq3A_707 = vector.broadcast %eq3A_706 : f32 to vector<16xf32>
        %eq3A_708 = arith.cmpf oeq, %get3A_705, %eq3A_707 : vector<16xf32>
        %add3A_709 = arith.addi %broadcast_in_dim3A_671, %add3A_591 : vector<16xi32>
        %jit3A_710 = arith.constant 1073741824 : i32
        %broadcast_in_dim3A_711 = vector.broadcast %jit3A_710 : i32 to vector<16xi32>
        %select_n3A_712 = arith.select %eq3A_708, %add3A_709, %broadcast_in_dim3A_711 : vector<16xi1>, vector<16xi32>
        %min3A_713 = arith.minsi %min3A_702, %select_n3A_712 : vector<16xi32>
        %get3A_714 = arith.index_cast %max3A_670 : i32 to index
        %get3A_715 = arith.constant 64 : index
        %get3A_716 = tpu.vector_load %arg8[%get3A_714, %get3A_715] {strides = array<i32>} : memref<128x128xf32, #tpu.memory_space<vmem>>, vector<16xf32>,
        %eq3A_717 = arith.constant 1.000000e+00 : f32
        %eq3A_718 = vector.broadcast %eq3A_717 : f32 to vector<16xf32>
        %eq3A_719 = arith.cmpf oeq, %get3A_716, %eq3A_718 : vector<16xf32>
        %add3A_720 = arith.addi %broadcast_in_dim3A_671, %add3A_597 : vector<16xi32>
        %jit3A_721 = arith.constant 1073741824 : i32
        %broadcast_in_dim3A_722 = vector.broadcast %jit3A_721 : i32 to vector<16xi32>
        %select_n3A_723 = arith.select %eq3A_719, %add3A_720, %broadcast_in_dim3A_722 : vector<16xi1>, vector<16xi32>
        %min3A_724 = arith.minsi %min3A_713, %select_n3A_723 : vector<16xi32>
        %get3A_725 = arith.index_cast %max3A_670 : i32 to index
        %get3A_726 = arith.constant 80 : index
        %get3A_727 = tpu.vector_load %arg8[%get3A_725, %get3A_726] {strides = array<i32>} : memref<128x128xf32, #tpu.memory_space<vmem>>, vector<16xf32>,
        %eq3A_728 = arith.constant 1.000000e+00 : f32
        %eq3A_729 = vector.broadcast %eq3A_728 : f32 to vector<16xf32>
        %eq3A_730 = arith.cmpf oeq, %get3A_727, %eq3A_729 : vector<16xf32>
        %add3A_731 = arith.addi %broadcast_in_dim3A_671, %add3A_603 : vector<16xi32>
        %jit3A_732 = arith.constant 1073741824 : i32
        %broadcast_in_dim3A_733 = vector.broadcast %jit3A_732 : i32 to vector<16xi32>
        %select_n3A_734 = arith.select %eq3A_730, %add3A_731, %broadcast_in_dim3A_733 : vector<16xi1>, vector<16xi32>
        %min3A_735 = arith.minsi %min3A_724, %select_n3A_734 : vector<16xi32>
        %get3A_736 = arith.index_cast %max3A_670 : i32 to index
        %get3A_737 = arith.constant 96 : index
        %get3A_738 = tpu.vector_load %arg8[%get3A_736, %get3A_737] {strides = array<i32>} : memref<128x128xf32, #tpu.memory_space<vmem>>, vector<16xf32>,
        %eq3A_739 = arith.constant 1.000000e+00 : f32
        %eq3A_740 = vector.broadcast %eq3A_739 : f32 to vector<16xf32>
        %eq3A_741 = arith.cmpf oeq, %get3A_738, %eq3A_740 : vector<16xf32>
        %add3A_742 = arith.addi %broadcast_in_dim3A_671, %add3A_609 : vector<16xi32>
        %jit3A_743 = arith.constant 1073741824 : i32
        %broadcast_in_dim3A_744 = vector.broadcast %jit3A_743 : i32 to vector<16xi32>
        %select_n3A_745 = arith.select %eq3A_741, %add3A_742, %broadcast_in_dim3A_744 : vector<16xi1>, vector<16xi32>
        %min3A_746 = arith.minsi %min3A_735, %select_n3A_745 : vector<16xi32>
        %get3A_747 = arith.index_cast %max3A_670 : i32 to index
        %get3A_748 = arith.constant 112 : index
        %get3A_749 = tpu.vector_load %arg8[%get3A_747, %get3A_748] {strides = array<i32>} : memref<128x128xf32, #tpu.memory_space<vmem>>, vector<16xf32>,
        %eq3A_750 = arith.constant 1.000000e+00 : f32
        %eq3A_751 = vector.broadcast %eq3A_750 : f32 to vector<16xf32>
        %eq3A_752 = arith.cmpf oeq, %get3A_749, %eq3A_751 : vector<16xf32>
        %add3A_753 = arith.addi %broadcast_in_dim3A_671, %add3A_615 : vector<16xi32>
        %jit3A_754 = arith.constant 1073741824 : i32
        %broadcast_in_dim3A_755 = vector.broadcast %jit3A_754 : i32 to vector<16xi32>
        %select_n3A_756 = arith.select %eq3A_752, %add3A_753, %broadcast_in_dim3A_755 : vector<16xi1>, vector<16xi32>
        %min3A_757 = arith.minsi %min3A_746, %select_n3A_756 : vector<16xi32>
        %min3A_758 = arith.constant 127 : i32
        %min3A_759 = arith.minsi %add3A_656, %min3A_758 : i32
        %broadcast_in_dim3A_760 = vector.broadcast %select_n3A_669 : i32 to vector<16xi32>
        %get3A_761 = arith.index_cast %min3A_759 : i32 to index
        %get3A_762 = arith.constant 0 : index
        %get3A_763 = tpu.vector_load %arg8[%get3A_761, %get3A_762] {strides = array<i32>} : memref<128x128xf32, #tpu.memory_space<vmem>>, vector<16xf32>,
        %eq3A_764 = arith.constant 1.000000e+00 : f32
        %eq3A_765 = vector.broadcast %eq3A_764 : f32 to vector<16xf32>
        %eq3A_766 = arith.cmpf oeq, %get3A_763, %eq3A_765 : vector<16xf32>
        %add3A_767 = arith.addi %broadcast_in_dim3A_760, %add3A_573 : vector<16xi32>
        %jit3A_768 = arith.constant 1073741824 : i32
        %broadcast_in_dim3A_769 = vector.broadcast %jit3A_768 : i32 to vector<16xi32>
        %select_n3A_770 = arith.select %eq3A_766, %add3A_767, %broadcast_in_dim3A_769 : vector<16xi1>, vector<16xi32>
        %min3A_771 = arith.minsi %min3A_757, %select_n3A_770 : vector<16xi32>
        %get3A_772 = arith.index_cast %min3A_759 : i32 to index
        %get3A_773 = arith.constant 16 : index
        %get3A_774 = tpu.vector_load %arg8[%get3A_772, %get3A_773] {strides = array<i32>} : memref<128x128xf32, #tpu.memory_space<vmem>>, vector<16xf32>,
        %eq3A_775 = arith.constant 1.000000e+00 : f32
        %eq3A_776 = vector.broadcast %eq3A_775 : f32 to vector<16xf32>
        %eq3A_777 = arith.cmpf oeq, %get3A_774, %eq3A_776 : vector<16xf32>
        %add3A_778 = arith.addi %broadcast_in_dim3A_760, %add3A_579 : vector<16xi32>
        %jit3A_779 = arith.constant 1073741824 : i32
        %broadcast_in_dim3A_780 = vector.broadcast %jit3A_779 : i32 to vector<16xi32>
        %select_n3A_781 = arith.select %eq3A_777, %add3A_778, %broadcast_in_dim3A_780 : vector<16xi1>, vector<16xi32>
        %min3A_782 = arith.minsi %min3A_771, %select_n3A_781 : vector<16xi32>
        %get3A_783 = arith.index_cast %min3A_759 : i32 to index
        %get3A_784 = arith.constant 32 : index
        %get3A_785 = tpu.vector_load %arg8[%get3A_783, %get3A_784] {strides = array<i32>} : memref<128x128xf32, #tpu.memory_space<vmem>>, vector<16xf32>,
        %eq3A_786 = arith.constant 1.000000e+00 : f32
        %eq3A_787 = vector.broadcast %eq3A_786 : f32 to vector<16xf32>
        %eq3A_788 = arith.cmpf oeq, %get3A_785, %eq3A_787 : vector<16xf32>
        %add3A_789 = arith.addi %broadcast_in_dim3A_760, %add3A_585 : vector<16xi32>
        %jit3A_790 = arith.constant 1073741824 : i32
        %broadcast_in_dim3A_791 = vector.broadcast %jit3A_790 : i32 to vector<16xi32>
        %select_n3A_792 = arith.select %eq3A_788, %add3A_789, %broadcast_in_dim3A_791 : vector<16xi1>, vector<16xi32>
        %min3A_793 = arith.minsi %min3A_782, %select_n3A_792 : vector<16xi32>
        %get3A_794 = arith.index_cast %min3A_759 : i32 to index
        %get3A_795 = arith.constant 48 : index
        %get3A_796 = tpu.vector_load %arg8[%get3A_794, %get3A_795] {strides = array<i32>} : memref<128x128xf32, #tpu.memory_space<vmem>>, vector<16xf32>,
        %eq3A_797 = arith.constant 1.000000e+00 : f32
        %eq3A_798 = vector.broadcast %eq3A_797 : f32 to vector<16xf32>
        %eq3A_799 = arith.cmpf oeq, %get3A_796, %eq3A_798 : vector<16xf32>
        %add3A_800 = arith.addi %broadcast_in_dim3A_760, %add3A_591 : vector<16xi32>
        %jit3A_801 = arith.constant 1073741824 : i32
        %broadcast_in_dim3A_802 = vector.broadcast %jit3A_801 : i32 to vector<16xi32>
        %select_n3A_803 = arith.select %eq3A_799, %add3A_800, %broadcast_in_dim3A_802 : vector<16xi1>, vector<16xi32>
        %min3A_804 = arith.minsi %min3A_793, %select_n3A_803 : vector<16xi32>
        %get3A_805 = arith.index_cast %min3A_759 : i32 to index
        %get3A_806 = arith.constant 64 : index
        %get3A_807 = tpu.vector_load %arg8[%get3A_805, %get3A_806] {strides = array<i32>} : memref<128x128xf32, #tpu.memory_space<vmem>>, vector<16xf32>,
        %eq3A_808 = arith.constant 1.000000e+00 : f32
        %eq3A_809 = vector.broadcast %eq3A_808 : f32 to vector<16xf32>
        %eq3A_810 = arith.cmpf oeq, %get3A_807, %eq3A_809 : vector<16xf32>
        %add3A_811 = arith.addi %broadcast_in_dim3A_760, %add3A_597 : vector<16xi32>
        %jit3A_812 = arith.constant 1073741824 : i32
        %broadcast_in_dim3A_813 = vector.broadcast %jit3A_812 : i32 to vector<16xi32>
        %select_n3A_814 = arith.select %eq3A_810, %add3A_811, %broadcast_in_dim3A_813 : vector<16xi1>, vector<16xi32>
        %min3A_815 = arith.minsi %min3A_804, %select_n3A_814 : vector<16xi32>
        %get3A_816 = arith.index_cast %min3A_759 : i32 to index
        %get3A_817 = arith.constant 80 : index
        %get3A_818 = tpu.vector_load %arg8[%get3A_816, %get3A_817] {strides = array<i32>} : memref<128x128xf32, #tpu.memory_space<vmem>>, vector<16xf32>,
        %eq3A_819 = arith.constant 1.000000e+00 : f32
        %eq3A_820 = vector.broadcast %eq3A_819 : f32 to vector<16xf32>
        %eq3A_821 = arith.cmpf oeq, %get3A_818, %eq3A_820 : vector<16xf32>
        %add3A_822 = arith.addi %broadcast_in_dim3A_760, %add3A_603 : vector<16xi32>
        %jit3A_823 = arith.constant 1073741824 : i32
        %broadcast_in_dim3A_824 = vector.broadcast %jit3A_823 : i32 to vector<16xi32>
        %select_n3A_825 = arith.select %eq3A_821, %add3A_822, %broadcast_in_dim3A_824 : vector<16xi1>, vector<16xi32>
        %min3A_826 = arith.minsi %min3A_815, %select_n3A_825 : vector<16xi32>
        %get3A_827 = arith.index_cast %min3A_759 : i32 to index
        %get3A_828 = arith.constant 96 : index
        %get3A_829 = tpu.vector_load %arg8[%get3A_827, %get3A_828] {strides = array<i32>} : memref<128x128xf32, #tpu.memory_space<vmem>>, vector<16xf32>,
        %eq3A_830 = arith.constant 1.000000e+00 : f32
        %eq3A_831 = vector.broadcast %eq3A_830 : f32 to vector<16xf32>
        %eq3A_832 = arith.cmpf oeq, %get3A_829, %eq3A_831 : vector<16xf32>
        %add3A_833 = arith.addi %broadcast_in_dim3A_760, %add3A_609 : vector<16xi32>
        %jit3A_834 = arith.constant 1073741824 : i32
        %broadcast_in_dim3A_835 = vector.broadcast %jit3A_834 : i32 to vector<16xi32>
        %select_n3A_836 = arith.select %eq3A_832, %add3A_833, %broadcast_in_dim3A_835 : vector<16xi1>, vector<16xi32>
        %min3A_837 = arith.minsi %min3A_826, %select_n3A_836 : vector<16xi32>
        %get3A_838 = arith.index_cast %min3A_759 : i32 to index
        %get3A_839 = arith.constant 112 : index
        %get3A_840 = tpu.vector_load %arg8[%get3A_838, %get3A_839] {strides = array<i32>} : memref<128x128xf32, #tpu.memory_space<vmem>>, vector<16xf32>,
        %eq3A_841 = arith.constant 1.000000e+00 : f32
        %eq3A_842 = vector.broadcast %eq3A_841 : f32 to vector<16xf32>
        %eq3A_843 = arith.cmpf oeq, %get3A_840, %eq3A_842 : vector<16xf32>
        %add3A_844 = arith.addi %broadcast_in_dim3A_760, %add3A_615 : vector<16xi32>
        %jit3A_845 = arith.constant 1073741824 : i32
        %broadcast_in_dim3A_846 = vector.broadcast %jit3A_845 : i32 to vector<16xi32>
        %select_n3A_847 = arith.select %eq3A_843, %add3A_844, %broadcast_in_dim3A_846 : vector<16xi1>, vector<16xi32>
        %min3A_848 = arith.minsi %min3A_837, %select_n3A_847 : vector<16xi32>
        %add3A_849 = arith.constant 1 : i32
        %add3A_850 = arith.addi %while3A_649, %add3A_849 : i32
        %reduce_min3A = arith.constant true
        %reduce_min3A_851 = vector.broadcast %reduce_min3A : i1 to vector<16xi1>
        %reduce_min3A_852 = arith.constant -2147483648 : i32
        %reduce_min3A_853 = vector.broadcast %reduce_min3A_852 : i32 to vector<16xi32>
        %reduce_min3A_854 = arith.xori %min3A_848, %reduce_min3A_853 : vector<16xi32>
        %reduce_min3A_855 = tpu.scan <min>, %reduce_min3A_854 masked %reduce_min3A_851 : vector<16xi32>, vector<16xi1> -> vector<16xi32>
        %reduce_min3A_856 = arith.xori %reduce_min3A_855, %reduce_min3A_853 : vector<16xi32>
        %reduce_min3A_857 = vector.extract %reduce_min3A_856[15] : i32 from vector<16xi32>
        %min3A_858 = arith.minsi %while3A_650, %reduce_min3A_857 : i32
        scf.yield %add3A_850, %min3A_858, %while3A_651 : i32, i32, i1
      }
      %lt3A_620 = arith.constant 1073741824 : i32
      %lt3A_621 = arith.cmpi slt, %while3A_619#1, %lt3A_620 : i32
      %and3A_622 = arith.constant 16383 : i32
      %and3A_623 = arith.andi %while3A_619#1, %and3A_622 : i32
      %jit3A_624 = arith.constant 0 : i32
      %select_n3A_625 = arith.select %lt3A_621, %and3A_623, %jit3A_624 : i32
      %eq3A_626 = arith.constant 390 : i32
      %eq3A_627 = arith.cmpi eq, %select_n3A_558, %eq3A_626 : i32
      %and3A_628 = arith.andi %lt3A_556, %eq3A_627 : i1
      %not3A_629 = arith.constant true
      %not3A_630 = arith.xori %and3A_628, %not3A_629 : i1
      %and3A_631 = arith.andi %lt3A_556, %not3A_630 : i1
      %convert_element_type3A_632 = arith.extui %and3A_631 : i1 to i32
      %cond3A_633 = arith.constant 0 : i32
      %cond3A_634 = arith.constant 0 : i32
      %cond3A_635 = arith.cmpi ne, %convert_element_type3A_632, %cond3A_634 : i32
      %cond3A_636 = scf.if %cond3A_635 -> (i32) {
        %cond3A_649 = arith.constant 2 : i32
        scf.yield %cond3A_649 : i32
      } else {
        %broadcast_in_dim3A_649 = arith.constant 0 : i32
        %broadcast_in_dim3A_650 = vector.broadcast %broadcast_in_dim3A_649 : i32 to vector<16xi32>
        %scan3A_651 = arith.constant 0 : i32
        %scan3A_652 = arith.constant 128 : i32
        %scan3A_653 = arith.addi %scan3A_651, %scan3A_652 : i32
        %scan3A_654 = arith.constant 1 : i32
        %scan3A_655 = scf.for %scan3A_660 = %scan3A_651 to %scan3A_653 step %scan3A_654 iter_args(%scan3A_661 = %broadcast_in_dim3A_650) -> (vector<16xi32>)  : i32 {
          %get3A = arith.index_cast %scan3A_660 : i32 to index
          %get3A_662 = arith.constant 0 : index
          %get3A_663 = tpu.vector_load %arg8[%get3A, %get3A_662] {strides = array<i32>} : memref<128x128xf32, #tpu.memory_space<vmem>>, vector<16xf32>,
          %eq3A_664 = arith.constant 1.000000e+00 : f32
          %eq3A_665 = vector.broadcast %eq3A_664 : f32 to vector<16xf32>
          %eq3A_666 = arith.cmpf oeq, %get3A_663, %eq3A_665 : vector<16xf32>
          %convert_element_type3A_667 = arith.extui %eq3A_666 : vector<16xi1> to vector<16xi32>
          %add3A_668 = arith.addi %scan3A_661, %convert_element_type3A_667 : vector<16xi32>
          %get3A_669 = arith.index_cast %scan3A_660 : i32 to index
          %get3A_670 = arith.constant 16 : index
          %get3A_671 = tpu.vector_load %arg8[%get3A_669, %get3A_670] {strides = array<i32>} : memref<128x128xf32, #tpu.memory_space<vmem>>, vector<16xf32>,
          %eq3A_672 = arith.constant 1.000000e+00 : f32
          %eq3A_673 = vector.broadcast %eq3A_672 : f32 to vector<16xf32>
          %eq3A_674 = arith.cmpf oeq, %get3A_671, %eq3A_673 : vector<16xf32>
          %convert_element_type3A_675 = arith.extui %eq3A_674 : vector<16xi1> to vector<16xi32>
          %add3A_676 = arith.addi %add3A_668, %convert_element_type3A_675 : vector<16xi32>
          %get3A_677 = arith.index_cast %scan3A_660 : i32 to index
          %get3A_678 = arith.constant 32 : index
          %get3A_679 = tpu.vector_load %arg8[%get3A_677, %get3A_678] {strides = array<i32>} : memref<128x128xf32, #tpu.memory_space<vmem>>, vector<16xf32>,
          %eq3A_680 = arith.constant 1.000000e+00 : f32
          %eq3A_681 = vector.broadcast %eq3A_680 : f32 to vector<16xf32>
          %eq3A_682 = arith.cmpf oeq, %get3A_679, %eq3A_681 : vector<16xf32>
          %convert_element_type3A_683 = arith.extui %eq3A_682 : vector<16xi1> to vector<16xi32>
          %add3A_684 = arith.addi %add3A_676, %convert_element_type3A_683 : vector<16xi32>
          %get3A_685 = arith.index_cast %scan3A_660 : i32 to index
          %get3A_686 = arith.constant 48 : index
          %get3A_687 = tpu.vector_load %arg8[%get3A_685, %get3A_686] {strides = array<i32>} : memref<128x128xf32, #tpu.memory_space<vmem>>, vector<16xf32>,
          %eq3A_688 = arith.constant 1.000000e+00 : f32
          %eq3A_689 = vector.broadcast %eq3A_688 : f32 to vector<16xf32>
          %eq3A_690 = arith.cmpf oeq, %get3A_687, %eq3A_689 : vector<16xf32>
          %convert_element_type3A_691 = arith.extui %eq3A_690 : vector<16xi1> to vector<16xi32>
          %add3A_692 = arith.addi %add3A_684, %convert_element_type3A_691 : vector<16xi32>
          %get3A_693 = arith.index_cast %scan3A_660 : i32 to index
          %get3A_694 = arith.constant 64 : index
          %get3A_695 = tpu.vector_load %arg8[%get3A_693, %get3A_694] {strides = array<i32>} : memref<128x128xf32, #tpu.memory_space<vmem>>, vector<16xf32>,
          %eq3A_696 = arith.constant 1.000000e+00 : f32
          %eq3A_697 = vector.broadcast %eq3A_696 : f32 to vector<16xf32>
          %eq3A_698 = arith.cmpf oeq, %get3A_695, %eq3A_697 : vector<16xf32>
          %convert_element_type3A_699 = arith.extui %eq3A_698 : vector<16xi1> to vector<16xi32>
          %add3A_700 = arith.addi %add3A_692, %convert_element_type3A_699 : vector<16xi32>
          %get3A_701 = arith.index_cast %scan3A_660 : i32 to index
          %get3A_702 = arith.constant 80 : index
          %get3A_703 = tpu.vector_load %arg8[%get3A_701, %get3A_702] {strides = array<i32>} : memref<128x128xf32, #tpu.memory_space<vmem>>, vector<16xf32>,
          %eq3A_704 = arith.constant 1.000000e+00 : f32
          %eq3A_705 = vector.broadcast %eq3A_704 : f32 to vector<16xf32>
          %eq3A_706 = arith.cmpf oeq, %get3A_703, %eq3A_705 : vector<16xf32>
          %convert_element_type3A_707 = arith.extui %eq3A_706 : vector<16xi1> to vector<16xi32>
          %add3A_708 = arith.addi %add3A_700, %convert_element_type3A_707 : vector<16xi32>
          %get3A_709 = arith.index_cast %scan3A_660 : i32 to index
          %get3A_710 = arith.constant 96 : index
          %get3A_711 = tpu.vector_load %arg8[%get3A_709, %get3A_710] {strides = array<i32>} : memref<128x128xf32, #tpu.memory_space<vmem>>, vector<16xf32>,
          %eq3A_712 = arith.constant 1.000000e+00 : f32
          %eq3A_713 = vector.broadcast %eq3A_712 : f32 to vector<16xf32>
          %eq3A_714 = arith.cmpf oeq, %get3A_711, %eq3A_713 : vector<16xf32>
          %convert_element_type3A_715 = arith.extui %eq3A_714 : vector<16xi1> to vector<16xi32>
          %add3A_716 = arith.addi %add3A_708, %convert_element_type3A_715 : vector<16xi32>
          %get3A_717 = arith.index_cast %scan3A_660 : i32 to index
          %get3A_718 = arith.constant 112 : index
          %get3A_719 = tpu.vector_load %arg8[%get3A_717, %get3A_718] {strides = array<i32>} : memref<128x128xf32, #tpu.memory_space<vmem>>, vector<16xf32>,
          %eq3A_720 = arith.constant 1.000000e+00 : f32
          %eq3A_721 = vector.broadcast %eq3A_720 : f32 to vector<16xf32>
          %eq3A_722 = arith.cmpf oeq, %get3A_719, %eq3A_721 : vector<16xf32>
          %convert_element_type3A_723 = arith.extui %eq3A_722 : vector<16xi1> to vector<16xi32>
          %add3A_724 = arith.addi %add3A_716, %convert_element_type3A_723 : vector<16xi32>
          scf.yield %add3A_724 : vector<16xi32>
        }
        %scan3A_656 = arith.constant 128 : i32
        %reduce_sum3A = arith.constant true
        %reduce_sum3A_657 = vector.broadcast %reduce_sum3A : i1 to vector<16xi1>
        %reduce_sum3A_658 = tpu.scan <sum>, %scan3A_655 masked %reduce_sum3A_657 : vector<16xi32>, vector<16xi1> -> vector<16xi32>
        %reduce_sum3A_659 = vector.extract %reduce_sum3A_658[15] : i32 from vector<16xi32>
        scf.yield %reduce_sum3A_659 : i32
      }
      %lt3A_637 = arith.constant 1073741824 : i32
      %lt3A_638 = arith.cmpi slt, %while3A_619#1, %lt3A_637 : i32
      %eq3A_639 = arith.constant 1 : i32
      %eq3A_640 = arith.cmpi eq, %cond3A_636, %eq3A_639 : i32
      %select_n3A_641 = arith.select %and3A_631, %lt3A_638, %eq3A_640 : i1
      %jit3A_642 = arith.constant 0 : i32
      %select_n3A_643 = arith.select %select_n3A_641, %select_n3A_625, %jit3A_642 : i32
      %gt3A = arith.constant 0 : i32
      %gt3A_644 = arith.cmpi sgt, %cond3A_636, %gt3A : i32
      %select_n3A_645 = arith.select %and3A_631, %lt3A_638, %gt3A_644 : i1
      %jit3A_646 = arith.constant 1.000000e+00 : f32
      %jit3A_647 = arith.constant 0.000000e+00 : f32
      %select_n3A_648 = arith.select %select_n3A_645, %jit3A_646, %jit3A_647 : f32
      scf.yield %select_n3A_643, %select_n3A_648 : i32, f32
    }
    %dma_wait3A_357 = arith.constant 0 : i32
    %dma_wait3A_358 = arith.constant 0 : i32
    %dma_wait3A_359 = tpu.memref_slice %arg3[%mul3A_31, %dma_wait3A_357, %dma_wait3A_358] : memref<64x128x128xf32, #tpu.memory_space<hbm>> -> memref<1x128x128xf32, #tpu.memory_space<hbm>>
    %dma_wait3A_360 = tpu.memref_squeeze %dma_wait3A_359 : memref<1x128x128xf32, #tpu.memory_space<hbm>> -> memref<128x128xf32, #tpu.memory_space<hbm>>
    %dma_wait3A_361 = arith.constant 0 : i32
    %dma_wait3A_362 = arith.constant 0 : i32
    %dma_wait3A_363 = tpu.memref_slice %arg3[%mul3A_31, %dma_wait3A_361, %dma_wait3A_362] : memref<64x128x128xf32, #tpu.memory_space<hbm>> -> memref<1x128x128xf32, #tpu.memory_space<hbm>>
    %dma_wait3A_364 = tpu.memref_squeeze %dma_wait3A_363 : memref<1x128x128xf32, #tpu.memory_space<hbm>> -> memref<128x128xf32, #tpu.memory_space<hbm>>
    tpu.wait_dma2 semaphore(%arg21 : memref<!tpu.dma_semaphore, #tpu.memory_space<semaphore_mem>>) src(%arg9 : memref<128x128xf32, #tpu.memory_space<vmem>>) dst(%dma_wait3A_364 : memref<128x128xf32, #tpu.memory_space<hbm>>)
    tpu.vector_store_idx %arg9[%broadcast_in_dim3A_252, %broadcast_in_dim3A_255], %broadcast_in_dim3A_1 masked %eq3A_5 : memref<128x128xf32, #tpu.memory_space<vmem>>[vector<16xi32>, vector<16xi32>], vector<16xf32>, vector<16xi1>
    %shift_right_arithmetic3A_365 = arith.constant 7 : i32
    %shift_right_arithmetic3A_366 = arith.shrsi %cond3A_356#0, %shift_right_arithmetic3A_365 : i32
    %broadcast_in_dim3A_367 = vector.broadcast %shift_right_arithmetic3A_366 : i32 to vector<16xi32>
    %and3A_368 = arith.constant 127 : i32
    %and3A_369 = arith.andi %cond3A_356#0, %and3A_368 : i32
    %broadcast_in_dim3A_370 = vector.broadcast %and3A_369 : i32 to vector<16xi32>
    %broadcast_in_dim3A_371 = vector.broadcast %cond3A_356#1 : f32 to vector<16xf32>
    tpu.vector_store_idx %arg9[%broadcast_in_dim3A_367, %broadcast_in_dim3A_370], %broadcast_in_dim3A_371 masked %eq3A_5 : memref<128x128xf32, #tpu.memory_space<vmem>>[vector<16xi32>, vector<16xi32>], vector<16xf32>, vector<16xi1>
    "tpu.region"() ({
      %run_scoped3A = tpu.sem_alloc : memref<!tpu.dma_semaphore, #tpu.memory_space<semaphore_mem>>
      %dma_start3A_372 = arith.constant 0 : i32
      %dma_start3A_373 = arith.constant 0 : i32
      %dma_start3A_374 = tpu.memref_slice %arg3[%add3A_33, %dma_start3A_372, %dma_start3A_373] : memref<64x128x128xf32, #tpu.memory_space<hbm>> -> memref<1x128x128xf32, #tpu.memory_space<hbm>>
      %dma_start3A_375 = tpu.memref_squeeze %dma_start3A_374 : memref<1x128x128xf32, #tpu.memory_space<hbm>> -> memref<128x128xf32, #tpu.memory_space<hbm>>
      %dma_start3A_376 = arith.constant 0 : i32
      %dma_start3A_377 = arith.constant 0 : i32
      %dma_start3A_378 = tpu.memref_slice %arg3[%add3A_33, %dma_start3A_376, %dma_start3A_377] : memref<64x128x128xf32, #tpu.memory_space<hbm>> -> memref<1x128x128xf32, #tpu.memory_space<hbm>>
      %dma_start3A_379 = tpu.memref_squeeze %dma_start3A_378 : memref<1x128x128xf32, #tpu.memory_space<hbm>> -> memref<128x128xf32, #tpu.memory_space<hbm>>
      tpu.enqueue_dma source(%arg9 : memref<128x128xf32, #tpu.memory_space<vmem>>) target(%dma_start3A_379 : memref<128x128xf32, #tpu.memory_space<hbm>>) target_semaphore(%run_scoped3A : memref<!tpu.dma_semaphore, #tpu.memory_space<semaphore_mem>>)
      %dma_wait3A_380 = arith.constant 0 : i32
      %dma_wait3A_381 = arith.constant 0 : i32
      %dma_wait3A_382 = tpu.memref_slice %arg3[%add3A_33, %dma_wait3A_380, %dma_wait3A_381] : memref<64x128x128xf32, #tpu.memory_space<hbm>> -> memref<1x128x128xf32, #tpu.memory_space<hbm>>
      %dma_wait3A_383 = tpu.memref_squeeze %dma_wait3A_382 : memref<1x128x128xf32, #tpu.memory_space<hbm>> -> memref<128x128xf32, #tpu.memory_space<hbm>>
      %dma_wait3A_384 = arith.constant 0 : i32
      %dma_wait3A_385 = arith.constant 0 : i32
      %dma_wait3A_386 = tpu.memref_slice %arg3[%add3A_33, %dma_wait3A_384, %dma_wait3A_385] : memref<64x128x128xf32, #tpu.memory_space<hbm>> -> memref<1x128x128xf32, #tpu.memory_space<hbm>>
      %dma_wait3A_387 = tpu.memref_squeeze %dma_wait3A_386 : memref<1x128x128xf32, #tpu.memory_space<hbm>> -> memref<128x128xf32, #tpu.memory_space<hbm>>
      tpu.wait_dma2 semaphore(%run_scoped3A : memref<!tpu.dma_semaphore, #tpu.memory_space<semaphore_mem>>) src(%arg9 : memref<128x128xf32, #tpu.memory_space<vmem>>) dst(%dma_wait3A_387 : memref<128x128xf32, #tpu.memory_space<hbm>>)
      tpu.yield
    }) : () -> ()
    return
  }
}

</mosaic_0001>

<sc_bundles>
// kernel: kernel.3.cloned.1.call-start
scs
__scs_entry_jumppad:
0x0: {  	(pc) =	sbr.rel $0x88, $3  }
0x1: {  	(tag) =	ssettag $0x0;
	lr =	simm.s32 $0x1  }
0x2: {  	[smem:$0x3FA0] =	sst lr;
	_ =	strace $0xD0000000  }
0x3: {  	_ = 	snop  }
0x4: {  	_ = 	snop  }
0x5: {  	_ = 	snop  }
0x6: {  	_ = 	snop  }
0x7: {  	_ = 	snop  }
__scs_overlays_trampoline_lowered:
0x8: {  	[smem:$0x3FAF] =	sst s0  }
0x9: {  	[smem:$0x3FB0] =	sst s1  }
0xa: {  	[smem:$0x3FB1] =	sst s2  }
0xb: {  	[smem:$0x3FB2] =	sst s3  }
0xc: {  	[smem:$0x3FB3] =	sst s4  }
0xd: {  	[smem:$0x3FB4] =	sst s5  }
0xe: {  	[smem:$0x3FB5] =	sst s6  }
0xf: {  	[smem:$0x3FB6] =	sst s7  }
0x10: {  	[smem:$0x3FB7] =	sst s8  }
0x11: {  	[smem:$0x3FB8] =	sst s9;
	s0 =	simm.s32 @!p0 $0x0  }
0x12: {  	s1 =	sld [smem:$0x3F9E];
	s0 =	simm.s32 @p0 $0x1  }
0x13: {  	[smem:$0x3FB9] =	sst s0;
	s0 =	simm.s32 @!p1 $0x0  }
0x14: {  	s2 =	sld [smem:$0x3F9D];
	s0 =	simm.s32 @p1 $0x1  }
0x15: {  	[smem:$0x3FBA] =	sst s0;
	s0 =	simm.s32 @!p2 $0x0  }
0x16: {  	s3 =	sld [smem:$0x3FDB];
	s0 =	simm.s32 @p2 $0x1  }
0x17: {  	s4 =	simm.s32 $0x1BF5;
	[smem:$0x3FBC] =	sst s0  }
0x18: {  	s0 =	sld [smem:$0x3F9F];
	_ =	swait.ge [sflag:s4], $0x0  }
0x19: {  	s7 =	sld [smem:$0x3FA0]  }
0x1a: {  	s8 =	sadd.s32 $0xFFFFE003, lr  }
0x1b: {  	s9 =	sadd.s32 $0xFFFFFEF7, lr;
	s5 =	simm.s32 $0xFFFFFFFF;
	p2 =	slt.u32 s8, $0xFFFFF086  }
0x1c: {  	p1 =	slt.u32 s9, $0xF7A;
	s5 =	simm.s32 @!p2 $0x0  }
0x1d: {  	s5 =	simm.s32 @p1 $0x1;
	p0 =	seq.s32 s7, s2  }
0x1e: {  	s7 =	smul.u32 @!p0 $0xF7A, s2;
	p2 =	seq.s32 @!p0 s5, $0x0  }
0x1f: {  	s9 =	smul.u32 $0xF7A, s1;
	s8 =	simm.s32 @!p0 $0x1BF5;
	p2 =	por !p2, p0  }
0x20: {  	[sflag:s8] =	ssyncset.s32 @!p0 $0xFFFFF086;
	s6 =	sadd.s32 @!p0 s3, s7;
	s7 =	simm.s32 @!p0 $0x108  }
0x21: {  	s3 =	sadd.s32 s3, s9;
	s6 =	sadd.s32 @!p0 $0x88, s6;
	s7 =	simm.s32 @p2 $0x1082  }
0x22: {  	[simem:s7], [sflag:s8] =	dma.local @!p0 [hbm:s6], $0xF7A  }
0x23: {  	s9 =	sor.u32 $0xD0000000, s2;
	s6 =	simm.s32 $0x108;
	_ =	swait.ge @!p0 [sflag:s8], $0x0  }
0x24: {  	s3 =	sadd.s32 $0x88, s3;
	s6 =	simm.s32 @!p1 $0x1082;
	[sflag:s4] =	ssyncset.s32 $0xFFFFF086  }
0x25: {  	[simem:s6], [sflag:s4] =	dma.local [hbm:s3], $0xF7A  }
0x26: {  	[smem:$0x3FA0] =	sst s1;
	(tag) =	ssettag s2;
	_ =	strace s9  }
0x27: {  	s1 =	sld [smem:$0x3FB0]  }
0x28: {  	s2 =	sld [smem:$0x3FB1]  }
0x29: {  	s4 =	sld [smem:$0x3FB3]  }
0x2a: {  	p0 =	seq.s32 s5, $0x0;
	s5 =	sld [smem:$0x3FB4]  }
0x2b: {  	s6 =	sld [smem:$0x3FB5]  }
0x2c: {  	s7 =	sld [smem:$0x3FB6]  }
0x2d: {  	s3 =	simm.s32 $0x108;
	s8 =	sld [smem:$0x3FB7]  }
0x2e: {  	s3 =	simm.s32 @!p0 $0x1082;
	s9 =	sld [smem:$0x3FB8]  }
0x2f: {  	lr =	sadd.s32 s0, s3;
	s0 =	sld [smem:$0x3FAF]  }
0x30: {  	s3 =	sld [smem:$0x3FB2]  }
0x31: {  	[smem:$0x3FBB] =	sst s10  }
0x32: {  	s10 =	sld [smem:$0x3FB9];
	_ =	sdelay $0x3  }
0x33: {  	p0 =	seq.s32 s10, $0x1;
	s10 =	sld [smem:$0x3FBB];
	_ =	sdelay $0x3  }
0x34: {  	[smem:$0x3FBB] =	sst s10  }
0x35: {  	s10 =	sld [smem:$0x3FBA];
	_ =	sdelay $0x3  }
0x36: {  	p1 =	seq.s32 s10, $0x1;
	s10 =	sld [smem:$0x3FBB];
	_ =	sdelay $0x3  }
0x37: {  	[smem:$0x3FBB] =	sst s10  }
0x38: {  	s10 =	sld [smem:$0x3FBC]  }
0x39: {  	_ = 	snop;
	(pc) =	sbr.ind lr, $3  }
0x3a: {  	_ = 	snop  }
0x3b: {  	_ = 	snop  }
0x3c: {  	p2 =	seq.s32 s10, $0x1;
	s10 =	sld [smem:$0x3FBB]  }
0x3d: {  	_ =	shalt  }
0x3e: {  	_ =	shalt  }
0x3f: {  	_ =	shalt  }
0x40: {  	_ =	shalt  }
0x41: {  	_ =	shalt  }
0x42: {  	_ =	shalt  }
0x43: {  	_ =	shalt  }
0x44: {  	_ =	shalt  }
0x45: {  	_ =	shalt  }
0x46: {  	_ =	shalt  }
0x47: {  	_ =	shalt  }
0x48: {  	_ =	shalt  }
0x49: {  	_ =	shalt  }
0x4a: {  	_ =	shalt  }
0x4b: {  	_ =	shalt  }
0x4c: {  	_ =	shalt  }
0x4d: {  	_ =	shalt  }
0x4e: {  	_ =	shalt  }
0x4f: {  	_ =	shalt  }
0x50: {  	_ =	shalt  }
0x51: {  	_ =	shalt  }
0x52: {  	_ =	shalt  }
0x53: {  	_ =	shalt  }
0x54: {  	_ =	shalt  }
0x55: {  	_ =	shalt  }
0x56: {  	_ =	shalt  }
0x57: {  	_ =	shalt  }
0x58: {  	_ =	shalt  }
0x59: {  	_ =	shalt  }
0x5a: {  	_ =	shalt  }
0x5b: {  	_ =	shalt  }
0x5c: {  	_ =	shalt  }
0x5d: {  	_ =	shalt  }
0x5e: {  	_ =	shalt  }
0x5f: {  	_ =	shalt  }
0x60: {  	_ =	shalt  }
0x61: {  	_ =	shalt  }
0x62: {  	_ =	shalt  }
0x63: {  	_ =	shalt  }
0x64: {  	_ =	shalt  }
0x65: {  	_ =	shalt  }
0x66: {  	_ =	shalt  }
0x67: {  	_ =	shalt  }
0x68: {  	_ =	shalt  }
0x69: {  	_ =	shalt  }
0x6a: {  	_ =	shalt  }
0x6b: {  	_ =	shalt  }
0x6c: {  	_ =	shalt  }
0x6d: {  	_ =	shalt  }
0x6e: {  	_ =	shalt  }
0x6f: {  	_ =	shalt  }
0x70: {  	_ =	shalt  }
0x71: {  	_ =	shalt  }
0x72: {  	_ =	shalt  }
0x73: {  	_ =	shalt  }
0x74: {  	_ =	shalt  }
0x75: {  	_ =	shalt  }
0x76: {  	_ =	shalt  }
0x77: {  	_ =	shalt  }
0x78: {  	_ =	shalt  }
0x79: {  	_ =	shalt  }
0x7a: {  	_ =	shalt  }
0x7b: {  	_ =	shalt  }
0x7c: {  	_ =	shalt  }
0x7d: {  	_ =	shalt  }
0x7e: {  	_ =	shalt  }
0x7f: {  	_ =	shalt  }
0x80: {  	_ =	shalt  }
0x81: {  	_ =	shalt  }
0x82: {  	_ =	shalt  }
0x83: {  	_ =	shalt  }
0x84: {  	_ =	shalt  }
0x85: {  	_ =	shalt  }
0x86: {  	_ =	shalt  }
0x87: {  	_ =	shalt  }
.Lfunc_end0:
.L_simem_size_0:
called_computation_lowered:
.L_overlay_start_0:
0x88: {  	s2 =	sld [smem:$0x3FD9]  }
0x89: {  	s3 =	sld [smem:$0x3FFE];
	_ =	sdelay $0x1  }
0x8a: {  	s1 =	srdreg.scid  }
0x8b: {  	s0 =	sand.u32 $0x1, s1  }
0x8c: {  	s15 =	sshll.u32 s0, $0xA;
	s2 =	sadd.s32 s3, s2  }
0x8d: {  	s2 =	sadd.s32 s2, s15  }
0x8e: {  	[smem:$0x3FC7] =	sst s2  }
0x8f: {  	_ = 	snop  }
0x90: {  	s2 =	sld [smem:$0x3FD0];
	_ =	sdelay $0x2  }
0x91: {  	s4 =	simm.s32 $0xA;
	s5 =	simm.s32 $0x10;
	s16 =	sld [smem:$0x3FC9]  }
0x92: {  	[smem:s5], [sflag:s4] =	dma.local [hbm:s2], $0x1  }
0x93: {  	_ =	swait.eq [sflag:s4], $0x1  }
0x94: {  	[sflag:s4] =	ssyncset.done $0x0  }
0x95: {  	s17 =	sld [smem:$0x10];
	[sflag:s4] =	ssyncadd.s32 $0xFFFFFFFF  }
0x96: {  	s18 =	sld [smem:$0x11];
	(tm) =	ssettm $0x1  }
0x97: {  	s19 =	sld [smem:$0x3FFB];
	_ =	sdelay $0x3  }
0x98: {  	_ =	strace s19  }
0x99: {  	s5 =	sld [smem:$0x3FFC];
	_ =	sdelay $0x3  }
0x9a: {  	_ =	strace s5  }
0x9b: {  	s5 =	sld [smem:$0x3FFD];
	_ =	sdelay $0x3  }
0x9c: {  	_ =	strace s5  }
0x9d: {  	_ =	strace $0x8FFFFFFF  }
0x9e: {  	s20 =	sld [smem:$0x3FDB];
	_ =	sdelay $0x1  }
0x9f: {  	s6 =	simm.s32 $_scs_section_size  }
0xa0: {  	s7 =	simm.s32 $_size__tile_overlayer_lowered;
	s8 =	simm.s32 $_tile_overlayer_lowered  }
0xa1: {  	s23 =	simm.s32 $0x1BFF;
	s22 =	sshll.u32 s8, $0x1;
	s5 =	sadd.s32 s6, s20  }
0xa2: {  	s9 =	simm.s32 $0x0;
	s21 =	sshll.u32 s7, $0x1;
	s7 =	sadd.s32 s22, s5  }
0xa3: {  	[timem:s9], [sflag:s23] =	dma.local [hbm:s7], s21  }
0xa4: {  	_ =	swait.ge [sflag:s23], s21  }
0xa5: {  	s6 =	ssub.s32 $0x0, s21;
	[sflag:s23] =	ssyncset.done $0x0  }
0xa6: {  	[sflag:s23] =	ssyncadd.s32 s6;
	_ =	sdelay $0x1  }
0xa7: {  	s24 =	simm.s32 $0x1B8B  }
0xa8: {  	_ =	swait.ge [sflag:s24], $0x1  }
0xa9: {  	[sflag:s24] =	ssyncset.done $0x0  }
0xaa: {  	s25 =	simm.s32 $0x1B8E;
	[sflag:s24] =	ssyncadd.s32 $0xFFFFFFFF  }
0xab: {  	s26 =	simm.s32 $execute0_lowered;
	[smem:$0x3FD2] =	sst s25  }
0xac: {  	s6 =	sshll.u32 s26, $0x1;
	_ =	strace $0x80000046;
	[dreg:$0x1] =	wrdreg $0xFFFFFFFF  }
0xad: {  	s28 =	simm.s32 $_size_execute0_lowered;
	s5 =	sadd.s32 s5, s6;
	[dreg:$0x0] =	wrdreg $0x0  }
0xae: {  	s6 =	sshll.u32 s28, $0x1;
	[dreg:$0x2] =	wrdreg s5  }
0xaf: {  	[dreg:$0x3] =	wrdreg s6  }
0xb0: {  	[dreg:$0x4] =	wrdreg $0xC0  }
0xb1: {  	_ =	task [dreg:s9], $0x5FFFF  }
0xb2: {  	[dreg:$0x1] =	wrdreg $0xFFFFFFFF  }
0xb3: {  	[dreg:$0x0] =	wrdreg $0x60  }
0xb4: {  	[dreg:$0x2] =	wrdreg s16  }
0xb5: {  	[dreg:$0x3] =	wrdreg s17  }
0xb6: {  	[dreg:$0x4] =	wrdreg s18  }
0xb7: {  	[dreg:$0x5] =	wrdreg $0x9  }
0xb8: {  	_ =	task.clear_ibuf [dreg:s9], $0x6FFFF;
	_ =	strace $0x90000046  }
0xb9: {  	s29 =	simm.s32 $0x9;
	_ =	strace $0x80000048  }
0xba: {  	_ =	swait.ge [sflag:s29], $0x1  }
0xbb: {  	[sflag:s29] =	ssyncadd.s32 $0xFFFFFFFF  }
0xbc: {  	_ =	strace $0x90000048  }
0xbd: {  	_ =	sfence  }
0xbe: {  	s30 =	sld [smem:$0x0];
	_ =	sdelay $0x2  }
0xbf: {  	s31 =	sshll.u32 s1, $0xD;
	s1 =	sshrl.u32 s1, $0x2  }
0xc0: {  	s3 =	sand.u32 $0x4000, s31;
	s1 =	sadd.s32 s1, s30  }
0xc1: {  	s0 =	sor.u32 s3, s0;
	s1 =	sshll.u32 s1, $0x11  }
0xc2: {  	s0 =	sor.u32 s1, s0  }
0xc3: {  	s0 =	sadd.s32 $0x8F2B, s0  }
0xc4: {  	[sflag:s0] =	ssyncadd.remote.s32 $0x1  }
0xc5: {  	_ =	sfence.sel $0xFFFF  }
0xc6: {  	[dreg:$0x0] =	wrdreg $0xFFFFFFFF;
	(pc) =	sbr.abs _section_cstart, $3  }
0xc7: {  	[dreg:$0x1] =	wrdreg $0xFFFFFFFF  }
0xc8: {  	_ =	task.clear_ibuf [dreg:s9], $0x2FFFF;
	_ =	strace $0x9FFFFFFF  }
0xc9: {  	(tm) =	ssettm $0x7FFFFFFF  }
tec
execute0_lowered:
.L_overlay_start_1:
0x0: {  	(tag) =	ssettag $0x1  }
0x1: {  	v0 =	vlaneseq.u32;
	v33 =	vimm.f32 $0.0e+00  }
0x2: {  	s0 =	srdreg.scid;
	s1 =	stileid.u32;
	v41 =	vimm.s32 $0x0;
	v12 =	vmul.u32 $0x4, v0;
	v34 =	vor.u32 $0x10, v0  }
0x3: {  	s0 =	sand.u32 $0x1, s0;
	s1 =	sshll.u32 s1, $0x1;
	v35 =	vor.u32 $0x20, v0;
	v36 =	vor.u32 $0x30, v0;
	v37 =	vor.u32 $0x40, v0  }
0x4: {  	v38 =	vor.u32 $0x50, v0;
	v39 =	vor.u32 $0x60, v0;
	v40 =	vor.u32 $0x70, v0;
	s2 =	sor.u32 s0, s1  }
0x5: {  	s1 =	sshll.u32 s2, $0xA;
	v20 =	vor.u32 $0x40, v12;
	v27 =	vor.u32 $0x80, v12;
	v28 =	vor.u32 $0xC0, v12  }
0x6: {  	s7 =	rddreg [dreg:$0x1];
	v29 =	vor.u32 $0x100, v12;
	v30 =	vor.u32 $0x140, v12;
	v31 =	vor.u32 $0x180, v12;
	s5 =	sor.u32 $0x3, s1;
	s6 =	sor.u32 $0x1, s1  }
0x7: {  	s8 =	rddreg [dreg:$0x2];
	s18 =	simm.s32 $0x10000;
	v32 =	vor.u32 $0x1C0, v12;
	v1 =	vor.u32 s5, v12;
	v2 =	vor.u32 s6, v12  }
0x8: {  	s19 =	simm.s32 $0x1;
	s20 =	simm.s32 $0x2;
	s21 =	simm.s32 $0x5;
	v3 =	vor.u32 s6, v20;
	v7 =	vor.u32 s5, v20;
	v8 =	vor.u32 s5, v27  }
0x9: {  	s22 =	simm.s32 $0x6;
	s23 =	simm.s32 $0x3;
	s4 =	sshllo.u32 s2, $0x1;
	v9 =	vor.u32 s5, v28;
	v10 =	vor.u32 s5, v29;
	v11 =	vor.u32 s5, v30  }
0xa: {  	s24 =	simm.s32 $0x4;
	s25 =	simm.s32 $0x7;
	s3 =	sshll.u32 s4, $0x9;
	v13 =	vor.u32 s5, v32;
	v14 =	vor.u32 s6, v27;
	v15 =	vor.u32 s6, v28  }
0xb: {  	s0 =	ssub.s32 $0x2, s0;
	s10 =	sor.u32 $0x3, s3;
	s12 =	sor.u32 $0x1, s3;
	v16 =	vor.u32 s6, v29;
	v17 =	vor.u32 s6, v30;
	v18 =	vor.u32 s6, v31  }
0xc: {  	s26 =	simm.s32 $0x8;
	s30 =	simm.s32 $0x0;
	s9 =	sshrl.u32 s0, $0x1;
	v19 =	vor.u32 s6, v32;
	v4 =	vor.u32 s10, v12;
	v5 =	vor.u32 s12, v12  }
.Ltmp0:
0xd: {  	s2 =	sshll.u32 s2, $0xC;
	s1 =	rddreg [dreg:$0x0];
	v6 =	vor.u32 s12, v20;
	v12 =	vor.u32 s5, v31;
	v20 =	vor.u32 s10, v20;
	(pc) =	sbr.rel .LBB2_1-.Ltmp0, $4  }
0xe: {  	s11 =	sshll.u32 s4, $0xB;
	s0 =	ssub.s32 s0, s9;
	s4 =	sadd.s32 s8, s2;
	v21 =	vor.u32 s10, v27;
	v22 =	vor.u32 s10, v28;
	v23 =	vor.u32 s10, v29  }
0xf: {  	s9 =	simm.s32 $0x10;
	s3 =	simm.s32 $0x0;
	s6 =	sadd.s32 s7, s2;
	v24 =	vor.u32 s10, v30;
	v25 =	vor.u32 s10, v31;
	v26 =	vor.u32 s10, v32  }
0x10: {  	s7 =	sadd.s32 s7, s11;
	[smem:$0x7FF] =	sst s3;
	s5 =	sadd.s32 s8, s11;
	v27 =	vor.u32 s12, v27;
	v28 =	vor.u32 s12, v28;
	v29 =	vor.u32 s12, v29  }
0x11: {  	s8 =	smax.u32 s0, $0x1;
	s11 =	simm.s32 $0x20;
	v30 =	vor.u32 s12, v30;
	v31 =	vor.u32 s12, v31;
	v32 =	vor.u32 s12, v32;
	_ =	strace $0x80000047  }
.LBB2_46:
0x12: {  	p1 =	slt.s32 s31, $0x40000000  }
0x13: {  	p2 =	seq.s32 s0, $0x1;
	s31 =	simm.s32 @!p1 $0x40000000;
	p3 =	por p1, p1  }
0x14: {  	s2 =	sand.u32 $0x3FFF, s31;
	p3 =	por @!p0 p2, p2;
	p2 =	sgt.s32 s0, $0x0  }
0x15: {  	s3 =	simm.s32 $0x0;
	s2 =	simm.s32 @!p3 $0x0;
	p1 =	por @!p0 p2, p2  }
.LBB2_47:
0x16: {  	v43 =	vmov s2  }
0x17: {  	_ =	swait.ge [sflag:s25], $0x4000  }
0x18: {  	s0 =	simm.f32 $1.000000000e+00;
	[sflag:s25] =	ssyncset.done $0x0  }
0x19: {  	s30 =	sadd.s32 $0x1, s30;
	s0 =	simm.s32 @!p1 $0x0;
	[sflag:s25] =	ssyncadd.s32 $0xFFFFC000  }
0x1a: {  	p0 =	sne.s32 s30, s8;
	v63 =	vmov s0;
	[tilespmem:v42+s18+$0x0] =	vst.idx.msk $0x1, v33  }
.Ltmp1:
0x1b: {  	[tilespmem:v43+s18+$0x0] =	vst.idx.msk $0x1, v63;
	(pc) =	sbr.rel @!p0 .LBB2_48-.Ltmp1, $4  }
0x1c: {  	[hbm4b:s7+s3] =	stream.linear.scatter [tilespmem:s18], [sflag:$0x8], $0x4000, $0x38;
	[tilespmem:$0x14280] =	vst v63  }
0x1d: {  	_ =	swait.ge [sflag:s26], $0x4000  }
0x1e: {  	[sflag:s26] =	ssyncset.done $0x0  }
0x1f: {  	[sflag:s26] =	ssyncadd.s32 $0xFFFFC000  }
.LBB2_1:
0x20: {  	[tilespmem:$0x14000] =	vst v1  }
0x21: {  	[tilespmem:$0x14080] =	vst v2  }
0x22: {  	[tilespmem:$0x14090] =	vst v3  }
0x23: {  	[tilespmem:$0x14100] =	vst v4  }
0x24: {  	[tilespmem:$0x14180] =	vst v5  }
0x25: {  	[tilespmem:$0x14190] =	vst v6;
	s0 =	simm.s32 $0x14000  }
0x26: {  	[tilespmem:s3], [sflag:$0x1] =	stream.indirect.gather [hbm4b:s1+s9], $0x80, s0, s9, $0xb8;
	[tilespmem:$0x14280] =	vst v63  }
0x27: {  	s16 =	simm.s32 $0x14080;
	s2 =	simm.s32 $0x4000  }
0x28: {  	[tilespmem:s2], [sflag:$0x2] =	stream.indirect.gather [hbm4b:s1+s11], $0x80, s16, s11, $0xb8;
	[tilespmem:$0x14280] =	vst v63  }
0x29: {  	s17 =	simm.s32 $0x14100;
	s28 =	simm.s32 $0x8000;
	s29 =	simm.s32 $0x14180  }
0x2a: {  	[tilespmem:s28], [sflag:$0x3] =	stream.indirect.gather [hbm4b:s1+s9], $0x80, s17, s9, $0xb8;
	[tilespmem:$0x14280] =	vst v63  }
0x2b: {  	s31 =	simm.s32 $0xC000;
	s0 =	simm.s32 $0x0;
	s2 =	simm.s32 $0x200  }
0x2c: {  	[tilespmem:s31], [sflag:$0x4] =	stream.indirect.gather [hbm4b:s1+s11], $0x80, s29, s11, $0xb8;
	[tilespmem:$0x14280] =	vst v63  }
.LBB2_2:
0x2d: {  	p0 =	sne.s32 s2, $0xFE00;
	[tilespmem:s0+$0x10070] =	vst v33  }
0x2e: {  	[tilespmem:s0+$0x10000] =	vst v33  }
0x2f: {  	[tilespmem:s0+$0x10010] =	vst v33  }
.Ltmp2:
0x30: {  	[tilespmem:s0+$0x10020] =	vst v33;
	(pc) =	sbr.rel @p0 .LBB2_2-.Ltmp2, $4  }
0x31: {  	[tilespmem:s0+$0x10030] =	vst v33  }
0x32: {  	[tilespmem:s0+$0x10040] =	vst v33  }
0x33: {  	[tilespmem:s0+$0x10050] =	vst v33  }
0x34: {  	[tilespmem:s0+$0x10060] =	vst v33;
	s0 =	sshra.s32 s2, $0x2;
	s2 =	sadd.s32 $0x200, s2  }
0x35: {  	[tilespmem:s0+$0x10070] =	vst v33  }
0x36: {  	[tilespmem:s0+$0x10000] =	vst v33  }
0x37: {  	[tilespmem:s0+$0x10010] =	vst v33  }
0x38: {  	[tilespmem:s0+$0x10020] =	vst v33  }
0x39: {  	[tilespmem:s0+$0x10030] =	vst v33  }
0x3a: {  	[tilespmem:s0+$0x10040] =	vst v33  }
0x3b: {  	[tilespmem:s0+$0x10050] =	vst v33  }
0x3c: {  	[tilespmem:s0+$0x10060] =	vst v33;
	s0 =	simm.s32 $0x0  }
0x3d: {  	[hbm4b:s4+s0] =	stream.linear.scatter [tilespmem:s18], [sflag:$0x5], $0x4000, $0x38;
	[tilespmem:$0x14280] =	vst v63  }
0x3e: {  	_ = 	snop  }
0x3f: {  	[hbm4b:s5+s0] =	stream.linear.scatter [tilespmem:s18], [sflag:$0x6], $0x4000, $0x38;
	[tilespmem:$0x14280] =	vst v63  }
0x40: {  	_ =	swait.ge [sflag:s19], $0x800  }
0x41: {  	[sflag:s19] =	ssyncset.done $0x0  }
0x42: {  	p0 =	por $0x1, $0x1;
	s31 =	simm.s32 $0x8;
	[sflag:s19] =	ssyncadd.s32 $0xFFFFF800  }
.LBB2_4:
0x43: {  	s10 =	ssub.s32 s31, s0  }
0x44: {  	p2 =	sne.s32 s10, $0x1  }
.Ltmp3:
0x45: {  	_ = 	snop;
	(pc) =	sbr.rel @!p2 .LBB2_5-.Ltmp3, $4  }
0x46: {  	s2 =	sshll.u32 s0, $0x7  }
0x47: {  	s29 =	sand.u32 $0x3FFFFF80, s2  }
0x48: {  	s0 =	sor.u32 $0x40, s29  }
0x49: {  	p1 =	por p0, p0;
	v42 =	vimm.s32 $0x40000000;
	p0 =	por $0x0, $0x0;
	s10 =	sadd.s32 $0xFFFFFFFF, s10;
	v43 =	vld [tilespmem:s0+$0xFFFFFFC0]  }
0x4a: {  	_ = 	snop  }
0x4b: {  	v44 =	vld [tilespmem:s0+$0xFFFFFFD0];
	_ =	sdelay $0x1  }
0x4c: {  	v45 =	vld [tilespmem:s0+$0xFFFFFFE0]  }
0x4d: {  	v56 =	vor.u32 s2, v0;
	vm0 =	veq.f32 v43, $1.000000000e+00  }
0x4e: {  	v46 =	vld [tilespmem:s0+$0xFFFFFFF0];
	v43 =	vnsel vm0, $0x40000000, v56  }
0x4f: {  	v57 =	vor.u32 s2, v34;
	vm1 =	veq.f32 v44, $1.000000000e+00;
	vm0 =	vlt.s32 v42, v43  }
0x50: {  	v47 =	vld [tilespmem:s0+$0x0];
	v44 =	vnsel vm1, $0x40000000, v57;
	v43 =	vsel vm0, v42, v43  }
0x51: {  	v58 =	vor.u32 s2, v35;
	vm12 =	veq.f32 v45, $1.000000000e+00;
	vm0 =	vlt.s32 v43, v44  }
0x52: {  	v48 =	vld [tilespmem:s0+$0x10];
	v59 =	vnsel vm12, $0x40000000, v58;
	v43 =	vsel vm0, v43, v44  }
0x53: {  	v60 =	vor.u32 s2, v36;
	p3 =	sne.s32 s10, $0x1;
	vm13 =	veq.f32 v46, $1.000000000e+00;
	vm0 =	vlt.s32 v43, v59  }
.Ltmp4:
0x54: {  	v45 =	vnsel vm13, $0x40000000, v60;
	v44 =	vld [tilespmem:s0+$0x20];
	v43 =	vsel vm0, v43, v59;
	(pc) =	sbr.rel @!p3 .LBB2_7-.Ltmp4, $4  }
0x55: {  	v61 =	vor.u32 s2, v37;
	vm14 =	veq.f32 v47, $1.000000000e+00;
	vm0 =	vlt.s32 v43, v45  }
0x56: {  	v46 =	vnsel vm14, $0x40000000, v61;
	v62 =	vsel vm0, v43, v45;
	v45 =	vld [tilespmem:s0+$0x30]  }
0x57: {  	v63 =	vor.u32 s2, v38;
	vm15 =	veq.f32 v48, $1.000000000e+00;
	s0 =	sadd.s32 $0x80, s0;
	vm0 =	vlt.s32 v62, v46  }
0x58: {  	s12 =	sadd.s32 $0xFFFFFFFF, s10;
	p2 =	por $0x1, $0x1;
	s10 =	smov.u32 s2;
	v47 =	vnsel vm15, $0x40000000, v63;
	v43 =	vld [tilespmem:s0+$0xFFFFFFC0];
	v46 =	vsel vm0, v62, v46  }
.LBB2_8:
0x59: {  	p3 =	sne.s32 s12, $0x1;
	vm0 =	vlt.s32 v46, v47;
	vm1 =	veq.f32 v44, $1.000000000e+00;
	v44 =	vor.u32 s10, v39  }
0x5a: {  	v48 =	vld [tilespmem:s0+$0xFFFFFFD0];
	v46 =	vsel vm0, v46, v47;
	v44 =	vnsel vm1, $0x40000000, v44  }
0x5b: {  	vm0 =	vlt.s32 v46, v44;
	vm1 =	veq.f32 v45, $1.000000000e+00;
	v45 =	vor.u32 s10, v40  }
0x5c: {  	s10 =	sadd.s32 $0x80, s10;
	v47 =	vld [tilespmem:s0+$0xFFFFFFE0];
	v44 =	vsel vm0, v46, v44;
	v45 =	vnsel vm1, $0x40000000, v45  }
0x5d: {  	vm0 =	veq.f32 v43, $1.000000000e+00;
	v43 =	vor.u32 s10, v0;
	vm1 =	vlt.s32 v44, v45  }
0x5e: {  	v43 =	vnsel vm0, $0x40000000, v43;
	v46 =	vld [tilespmem:s0+$0xFFFFFFF0];
	v44 =	vsel vm1, v44, v45  }
0x5f: {  	v45 =	vor.u32 s10, v34;
	vm0 =	vlt.s32 v44, v43;
	vm1 =	veq.f32 v48, $1.000000000e+00  }
0x60: {  	v43 =	vsel vm0, v44, v43;
	v44 =	vnsel vm1, $0x40000000, v45;
	v45 =	vld [tilespmem:s0+$0x0]  }
0x61: {  	vm0 =	vlt.s32 v43, v44;
	vm1 =	veq.f32 v47, $1.000000000e+00;
	v47 =	vor.u32 s10, v35  }
0x62: {  	v43 =	vsel vm0, v43, v44;
	v44 =	vnsel vm1, $0x40000000, v47;
	v47 =	vld [tilespmem:s0+$0x10]  }
0x63: {  	vm0 =	vlt.s32 v43, v44;
	vm1 =	veq.f32 v46, $1.000000000e+00;
	v46 =	vor.u32 s10, v36  }
.Ltmp5:
0x64: {  	v43 =	vsel vm0, v43, v44;
	v46 =	vnsel vm1, $0x40000000, v46;
	v44 =	vld [tilespmem:s0+$0x20];
	(pc) =	sbr.rel @p3 .LBB2_8-.Ltmp5, $4  }
0x65: {  	vm0 =	vlt.s32 v43, v46;
	vm1 =	veq.f32 v45, $1.000000000e+00;
	v45 =	vor.u32 s10, v37  }
0x66: {  	v46 =	vsel vm0, v43, v46;
	v48 =	vnsel vm1, $0x40000000, v45;
	v45 =	vld [tilespmem:s0+$0x30]  }
0x67: {  	s0 =	sadd.s32 $0x80, s0;
	vm0 =	vlt.s32 v46, v48;
	vm1 =	veq.f32 v47, $1.000000000e+00;
	v47 =	vor.u32 s10, v38  }
0x68: {  	s12 =	sadd.s32 $0xFFFFFFFF, s12;
	v43 =	vld [tilespmem:s0+$0xFFFFFFC0];
	v46 =	vsel vm0, v46, v48;
	v47 =	vnsel vm1, $0x40000000, v47  }
.LBB2_9:
0x69: {  	vm0 =	vlt.s32 @p2 v46, v47;
	vm1 =	veq.f32 @p2 v44, $1.000000000e+00;
	v44 =	vor.u32 @p2 s10, v39  }
0x6a: {  	v46 =	vsel @p2 vm0, v46, v47;
	v44 =	vnsel @p2 vm1, $0x40000000, v44  }
0x6b: {  	v58 =	vld [tilespmem:s0+$0xFFFFFFD0];
	vm0 =	vlt.s32 @p2 v46, v44;
	vm1 =	veq.f32 @p2 v45, $1.000000000e+00;
	v45 =	vor.u32 @p2 s10, v40  }
0x6c: {  	s10 =	sadd.s32 @p2 $0x80, s10;
	v44 =	vsel @p2 vm0, v46, v44;
	v45 =	vnsel @p2 vm1, $0x40000000, v45  }
0x6d: {  	v59 =	vld [tilespmem:s0+$0xFFFFFFE0];
	s2 =	smov.u32 @p2 s10;
	vm0 =	vlt.s32 @p2 v44, v45  }
0x6e: {  	vm7 =	veq.f32 v43, $1.000000000e+00;
	v60 =	vor.u32 s2, v0;
	v44 =	vsel @p2 vm0, v44, v45  }
0x6f: {  	v61 =	vld [tilespmem:s0+$0xFFFFFFF0];
	v43 =	vnsel vm7, $0x40000000, v60;
	v42 =	vpsel p2, v44, v42  }
0x70: {  	v62 =	vor.u32 s2, v34;
	vm9 =	veq.f32 v58, $1.000000000e+00;
	vm8 =	vlt.s32 v42, v43  }
0x71: {  	v48 =	vld [tilespmem:s0+$0x0];
	v63 =	vnsel vm9, $0x40000000, v62;
	v42 =	vsel vm8, v42, v43  }
0x72: {  	v49 =	vor.u32 s2, v35;
	vm10 =	veq.f32 v59, $1.000000000e+00;
	vm0 =	vlt.s32 v42, v63  }
0x73: {  	v51 =	vld [tilespmem:s0+$0x10];
	v50 =	vnsel vm10, $0x40000000, v49;
	v42 =	vsel vm0, v42, v63  }
0x74: {  	v52 =	vor.u32 s2, v36;
	vm11 =	veq.f32 v61, $1.000000000e+00;
	vm0 =	vlt.s32 v42, v50  }
0x75: {  	v54 =	vld [tilespmem:s0+$0x20];
	v53 =	vnsel vm11, $0x40000000, v52;
	v42 =	vsel vm0, v42, v50  }
0x76: {  	v55 =	vor.u32 s2, v37;
	vm12 =	veq.f32 v48, $1.000000000e+00;
	vm0 =	vlt.s32 v42, v53  }
0x77: {  	v57 =	vld [tilespmem:s0+$0x30];
	v56 =	vnsel vm12, $0x40000000, v55;
	v42 =	vsel vm0, v42, v53  }
0x78: {  	vm13 =	veq.f32 v51, $1.000000000e+00;
	v58 =	vor.u32 s2, v38;
	vm0 =	vlt.s32 v42, v56  }
0x79: {  	v59 =	vnsel vm13, $0x40000000, v58;
	v42 =	vsel vm0, v42, v56  }
0x7a: {  	vm14 =	veq.f32 v54, $1.000000000e+00;
	v60 =	vor.u32 s2, v39;
	vm0 =	vlt.s32 v42, v59  }
0x7b: {  	v61 =	vnsel vm14, $0x40000000, v60;
	v42 =	vsel vm0, v42, v59  }
0x7c: {  	vm15 =	veq.f32 v57, $1.000000000e+00;
	v62 =	vor.u32 s2, v40;
	vm0 =	vlt.s32 v42, v61  }
0x7d: {  	v63 =	vnsel vm15, $0x40000000, v62;
	v42 =	vsel vm0, v42, v61  }
0x7e: {  	vm0 =	vlt.s32 v42, v63  }
0x7f: {  	v42 =	vsel vm0, v42, v63  }
0x80: {  	v42 =	vxor.u32 $0x80000000, v42  }
0x81: {  	(xrf0) =	vmin.scan.msk.u32 $0xffff, v42;
	_ =	sdelay $0x5  }
0x82: {  	v42, _, _ =	vpop (xrf0)  }
0x83: {  	(v2sf) =	vpush v42, $0xF;
	_ =	sdelay $0xe  }
0x84: {  	s2 =	spop (v2sf)  }
0x85: {  	s10 =	sxor.u32 $0x80000000, s2  }
0x86: {  	p2 =	sgt.s32 s10, $0x3FFFFFFF  }
0x87: {  	p1 =	por !p1, !p2  }
0x88: {  	p1 =	por !p1, !p1  }
.Ltmp6:
0x89: {  	_ = 	snop;
	(pc) =	sbr.rel @p1 .LBB2_4-.Ltmp6, $4  }
.Ltmp7:
0x8a: {  	_ = 	snop;
	(pc) =	sbr.rel @!p1 .LBB2_10-.Ltmp7, $4  }
0x8b: {  	_ = 	snop  }
0x8c: {  	_ = 	snop  }
0x8d: {  	s31 =	sadd.s32 $0x8, s31;
	s0 =	simm.s32 $0x8  }
0x8e: {  	_ = 	snop  }
.LBB2_5:
.Ltmp8:
0x8f: {  	(pc) =	sbr.rel .LBB2_9-.Ltmp8, $2  }
0x90: {  	_ =	sdelay $0x2  }
0x91: {  	s10 =	smov.u32 s2;
	p2 =	por $0x0, $0x0  }
.LBB2_7:
.Ltmp9:
0x92: {  	(pc) =	sbr.rel .LBB2_9-.Ltmp9, $2  }
0x93: {  	_ =	sdelay $0x2  }
0x94: {  	s10 =	smov.u32 s2  }
.LBB2_10:
0x95: {  	p0 =	slt.s32 s10, $0x40000000  }
0x96: {  	s10 =	simm.s32 @!p0 $0x40000000  }
0x97: {  	s10 =	simm.s32 @!p0 $0x0  }
0x98: {  	s0 =	sand.u32 $0x7F, s10  }
0x99: {  	v44 =	vmov s0  }
0x9a: {  	v42 =	vsub.s32 v0, v44;
	v43 =	vsub.s32 v34, v44  }
0x9b: {  	v45 =	vsub.s32 v35, v44;
	v46 =	vsub.s32 v36, v44;
	v47 =	vsub.s32 v37, v44  }
0x9c: {  	v48 =	vsub.s32 v38, v44;
	v49 =	vsub.s32 v39, v44;
	v44 =	vsub.s32 v40, v44  }
0x9d: {  	v42 =	vmul.u32 v42, v42;
	v43 =	vmul.u32 v43, v43;
	v45 =	vmul.u32 v45, v45  }
0x9e: {  	v46 =	vmul.u32 v46, v46;
	v47 =	vmul.u32 v47, v47;
	v48 =	vmul.u32 v48, v48  }
0x9f: {  	v49 =	vmul.u32 v49, v49;
	v50 =	vmul.u32 v44, v44;
	v42 =	vshll.u32 v42, $0xE  }
0xa0: {  	v43 =	vshll.u32 v43, $0xE;
	v45 =	vshll.u32 v45, $0xE;
	v46 =	vshll.u32 v46, $0xE  }
0xa1: {  	_ =	swait.ge [sflag:s20], $0x1000;
	s28 =	simm.s32 $0x40000000;
	v47 =	vshll.u32 v47, $0xE;
	v61 =	vshll.u32 v48, $0xE;
	v62 =	vshll.u32 v49, $0xE  }
0xa2: {  	s29 =	simm.s32 $0x4000;
	s14 =	simm.s32 $0x0;
	[sflag:s20] =	ssyncset.done $0x0;
	v63 =	vshll.u32 v50, $0xE;
	v42 =	vor.u32 v0, v42;
	v43 =	vor.u32 v34, v43  }
0xa3: {  	s13 =	simm.s32 $0x0;
	[sflag:s20] =	ssyncadd.s32 $0xFFFFF000;
	s12 =	sand.u32 $0xFFFFFF80, s10;
	v44 =	vor.u32 v35, v45;
	v45 =	vor.u32 v36, v46;
	v46 =	vor.u32 v37, v47  }
0xa4: {  	s0 =	sshra.s32 s10, $0x7;
	s10 =	simm.s32 $0x0;
	s31 =	smov.u32 s12;
	v47 =	vor.u32 v38, v61;
	v48 =	vor.u32 v39, v62;
	v49 =	vor.u32 v40, v63  }
.LBB2_11:
0xa5: {  	s16 =	sadd.s32 s10, s0  }
0xa6: {  	p1 =	sgt.s32 s16, $0x0  }
0xa7: {  	p0 =	sgt.s32 s16, $0xFFFFFFFF;
	s16 =	simm.s32 @!p1 $0x0  }
0xa8: {  	s16 =	sshll.u32 s16, $0x9  }
0xa9: {  	s15 =	sshra.s32 s16, $0x2  }
0xaa: {  	v50 =	vld [tilespmem:s15+$0x4000]  }
0xab: {  	s17 =	sadd.s32 s13, s12  }
0xac: {  	s17 =	simm.s32 @!p0 $0x40000000;
	v51 =	vld [tilespmem:s15+$0x4010]  }
0xad: {  	v52 =	vadd.s32 s17, v42;
	v53 =	vld [tilespmem:s15+$0x4020]  }
0xae: {  	vm0 =	vlt.s32 v52, $0x40000000  }
0xaf: {  	v61 =	vnsel vm0, $0x40000000, v52;
	v62 =	vld [tilespmem:s15+$0x4030];
	vm1 =	veq.f32 v50, $1.000000000e+00  }
0xb0: {  	v54 =	vadd.s32 s17, v43;
	v50 =	vnsel vm1, $0x40000000, v61  }
0xb1: {  	v57 =	vadd.s32 s17, v44;
	v63 =	vld [tilespmem:s15+$0x4040];
	vm1 =	vlt.s32 v50, v54  }
0xb2: {  	vm13 =	veq.f32 v51, $1.000000000e+00;
	vm14 =	veq.f32 v53, $1.000000000e+00;
	v54 =	vsel vm1, v50, v54  }
0xb3: {  	v58 =	vld [tilespmem:s15+$0x4050];
	v53 =	vnsel vm14, $0x40000000, v57;
	v50 =	vsel vm13, v54, v50  }
0xb4: {  	s3 =	sadd.s32 s14, s0;
	v59 =	vadd.s32 s17, v45;
	vm15 =	veq.f32 v62, $1.000000000e+00;
	vm0 =	vlt.s32 v50, v53  }
0xb5: {  	p1 =	slt.s32 s3, $0x7F;
	v60 =	vld [tilespmem:s15+$0x4060];
	v52 =	vnsel vm15, $0x40000000, v59;
	v50 =	vsel vm0, v50, v53  }
0xb6: {  	p0 =	slt.s32 s3, $0x80;
	s16 =	sadd.s32 $0xFFFFFFE0, s3;
	s3 =	simm.s32 @!p1 $0x7F;
	vm4 =	veq.f32 v63, $1.000000000e+00;
	v61 =	vadd.s32 s17, v46;
	vm0 =	vlt.s32 v50, v52  }
0xb7: {  	s3 =	sshll.u32 s3, $0x9;
	v62 =	vld [tilespmem:s15+$0x4070];
	v51 =	vnsel vm4, $0x40000000, v61;
	v50 =	vsel vm0, v50, v52  }
0xb8: {  	s3 =	sshra.s32 s3, $0x2;
	vm5 =	veq.f32 v58, $1.000000000e+00;
	v63 =	vadd.s32 s17, v47;
	vm0 =	vlt.s32 v50, v51  }
0xb9: {  	v58 =	vld [tilespmem:s3+$0x4000];
	v57 =	vnsel vm5, $0x40000000, v63;
	v50 =	vsel vm0, v50, v51  }
0xba: {  	vm6 =	veq.f32 v60, $1.000000000e+00;
	v59 =	vadd.s32 s17, v48;
	vm0 =	vlt.s32 v50, v57  }
0xbb: {  	v60 =	vnsel vm6, $0x40000000, v59;
	v61 =	vld [tilespmem:s3+$0x4010];
	v50 =	vsel vm0, v50, v57  }
0xbc: {  	s13 =	sadd.s32 s13, s31;
	vm7 =	veq.f32 v62, $1.000000000e+00;
	v62 =	vadd.s32 s17, v49;
	vm0 =	vlt.s32 v50, v60  }
0xbd: {  	s13 =	simm.s32 @!p0 $0x40000000;
	v63 =	vnsel vm7, $0x40000000, v62;
	v57 =	vld [tilespmem:s3+$0x4020];
	v50 =	vsel vm0, v50, v60  }
0xbe: {  	vm8 =	veq.f32 v58, $1.000000000e+00;
	v58 =	vadd.s32 s13, v42;
	vm0 =	vlt.s32 v50, v63  }
0xbf: {  	v59 =	vnsel vm8, $0x40000000, v58;
	v60 =	vld [tilespmem:s3+$0x4030];
	v50 =	vsel vm0, v50, v63  }
0xc0: {  	vm9 =	veq.f32 v61, $1.000000000e+00;
	v61 =	vadd.s32 s13, v43;
	vm0 =	vlt.s32 v50, v59  }
0xc1: {  	v62 =	vnsel vm9, $0x40000000, v61;
	v63 =	vld [tilespmem:s3+$0x4040];
	v50 =	vsel vm0, v50, v59  }
0xc2: {  	vm10 =	veq.f32 v57, $1.000000000e+00;
	v57 =	vadd.s32 s13, v44;
	vm0 =	vlt.s32 v50, v62  }
0xc3: {  	v58 =	vnsel vm10, $0x40000000, v57;
	v59 =	vld [tilespmem:s3+$0x4050];
	v50 =	vsel vm0, v50, v62  }
0xc4: {  	vm11 =	veq.f32 v60, $1.000000000e+00;
	v60 =	vadd.s32 s13, v45;
	vm0 =	vlt.s32 v50, v58  }
0xc5: {  	v61 =	vnsel vm11, $0x40000000, v60;
	v62 =	vld [tilespmem:s3+$0x4060];
	v50 =	vsel vm0, v50, v58  }
0xc6: {  	vm12 =	veq.f32 v63, $1.000000000e+00;
	v63 =	vadd.s32 s13, v46;
	vm0 =	vlt.s32 v50, v61  }
0xc7: {  	v57 =	vld [tilespmem:s3+$0x4070];
	v56 =	vnsel vm12, $0x40000000, v63;
	v50 =	vsel vm0, v50, v61  }
0xc8: {  	v58 =	vadd.s32 s13, v47;
	vm13 =	veq.f32 v59, $1.000000000e+00;
	vm0 =	vlt.s32 v50, v56  }
0xc9: {  	v59 =	vnsel vm13, $0x40000000, v58;
	v50 =	vsel vm0, v50, v56  }
0xca: {  	v60 =	vadd.s32 s13, v48;
	vm14 =	veq.f32 v62, $1.000000000e+00;
	vm0 =	vlt.s32 v50, v59  }
0xcb: {  	v61 =	vnsel vm14, $0x40000000, v60;
	v50 =	vsel vm0, v50, v59  }
0xcc: {  	vm15 =	veq.f32 v57, $1.000000000e+00;
	v62 =	vadd.s32 s13, v49;
	vm0 =	vlt.s32 v50, v61  }
0xcd: {  	v63 =	vnsel vm15, $0x40000000, v62;
	v50 =	vsel vm0, v50, v61  }
0xce: {  	vm0 =	vlt.s32 v50, v63  }
0xcf: {  	v50 =	vsel vm0, v50, v63  }
0xd0: {  	v50 =	vxor.u32 $0x80000000, v50  }
0xd1: {  	(xrf0) =	vmin.scan.msk.u32 $0xffff, v50;
	_ =	sdelay $0x5  }
0xd2: {  	v50, _, _ =	vpop (xrf0)  }
0xd3: {  	(v2sf) =	vpush v50, $0xF;
	_ =	sdelay $0xe  }
0xd4: {  	p0 =	slt.u32 s16, $0x60;
	s15 =	spop (v2sf)  }
0xd5: {  	s17 =	sadd.s32 $0x1, s14;
	s3 =	smov.u32 s28;
	s28 =	sxor.u32 $0x80000000, s15  }
0xd6: {  	p3 =	sgt.u32 @!p0 s14, $0x7E;
	s13 =	smul.u32 s17, s29;
	p1 =	slt.s32 s3, s28  }
0xd7: {  	p0 =	por p0, p3;
	s28 =	smov.u32 @p1 s3  }
0xd8: {  	p1 =	sle.s32 @!p0 s13, s28  }
0xd9: {  	p0 =	por p0, !p1  }
.Ltmp10:
0xda: {  	_ = 	snop;
	(pc) =	sbr.rel @!p0 .LBB2_11-.Ltmp10, $3  }
0xdb: {  	_ =	sdelay $0x1  }
0xdc: {  	s31 =	sadd.s32 $0x80, s31;
	s12 =	sadd.s32 $0xFFFFFF80, s12  }
0xdd: {  	s10 =	sadd.s32 $0xFFFFFFFF, s10;
	s14 =	smov.u32 s17;
	s29 =	sadd.s32 $0x4000, s29  }
0xde: {  	p0 =	seq.s32 @!p2 s2, $0x80000186  }
0xdf: {  	p0 =	por p2, p0  }
0xe0: {  	p1 =	slt.u32 @!p0 s16, $0x60  }
0xe1: {  	p0 =	por p0, p1  }
.Ltmp11:
0xe2: {  	_ = 	snop;
	(pc) =	sbr.rel @p0 .LBB2_14-.Ltmp11, $1  }
0xe3: {  	_ =	sdelay $0x3  }
0xe4: {  	p1 =	slt.s32 s28, $0x40000000  }
0xe5: {  	s28 =	simm.s32 @!p1 $0x40000000  }
0xe6: {  	s2 =	sand.u32 $0x3FFF, s28  }
.LBB2_25:
0xe7: {  	_ =	swait.ge [sflag:s21], $0x4000  }
0xe8: {  	v42 =	vmov s2;
	[sflag:s21] =	ssyncset.done $0x0  }
0xe9: {  	[sflag:s21] =	ssyncadd.s32 $0xFFFFC000  }
0xea: {  	s0 =	simm.f32 $1.000000000e+00;
	_ =	swait.ge [sflag:s22], $0x4000  }
0xeb: {  	s0 =	simm.s32 @!p1 $0x0;
	[sflag:s22] =	ssyncset.done $0x0  }
0xec: {  	v43 =	vmov s0;
	[sflag:s22] =	ssyncadd.s32 $0xFFFFC000  }
0xed: {  	s0 =	simm.s32 $0x0;
	[tilespmem:v42+s18+$0x0] =	vst.idx.msk $0x1, v43  }
0xee: {  	[hbm4b:s6+s0] =	stream.linear.scatter [tilespmem:s18], [sflag:$0x7], $0x4000, $0x38;
	[tilespmem:$0x14280] =	vst v63  }
0xef: {  	_ =	swait.ge [sflag:s23], $0x800  }
0xf0: {  	[sflag:s23] =	ssyncset.done $0x0  }
0xf1: {  	p0 =	por $0x1, $0x1;
	s31 =	simm.s32 $0x8;
	[sflag:s23] =	ssyncadd.s32 $0xFFFFF800  }
.LBB2_26:
0xf2: {  	s3 =	ssub.s32 s31, s0  }
0xf3: {  	p2 =	sne.s32 s3, $0x1  }
.Ltmp12:
0xf4: {  	_ = 	snop;
	(pc) =	sbr.rel @!p2 .LBB2_27-.Ltmp12, $4  }
0xf5: {  	s2 =	sshll.u32 s0, $0x7  }
0xf6: {  	s29 =	sand.u32 $0x3FFFFF80, s2  }
0xf7: {  	s0 =	sadd.s32 $0x8040, s29  }
0xf8: {  	p1 =	por p0, p0;
	v43 =	vimm.s32 $0x40000000;
	p0 =	por $0x0, $0x0;
	s10 =	sadd.s32 $0xFFFFFFFF, s3;
	v44 =	vld [tilespmem:s0+$0xFFFFFFC0]  }
0xf9: {  	_ = 	snop  }
0xfa: {  	v45 =	vld [tilespmem:s0+$0xFFFFFFD0];
	_ =	sdelay $0x1  }
0xfb: {  	v46 =	vld [tilespmem:s0+$0xFFFFFFE0]  }
0xfc: {  	v56 =	vor.u32 s2, v0;
	vm0 =	veq.f32 v44, $1.000000000e+00  }
0xfd: {  	v47 =	vld [tilespmem:s0+$0xFFFFFFF0];
	v44 =	vnsel vm0, $0x40000000, v56  }
0xfe: {  	v57 =	vor.u32 s2, v34;
	vm1 =	veq.f32 v45, $1.000000000e+00;
	vm0 =	vlt.s32 v43, v44  }
0xff: {  	v48 =	vld [tilespmem:s0+$0x0];
	v45 =	vnsel vm1, $0x40000000, v57;
	v44 =	vsel vm0, v43, v44  }
0x100: {  	v58 =	vor.u32 s2, v35;
	vm12 =	veq.f32 v46, $1.000000000e+00;
	vm0 =	vlt.s32 v44, v45  }
0x101: {  	v49 =	vld [tilespmem:s0+$0x10];
	v59 =	vnsel vm12, $0x40000000, v58;
	v44 =	vsel vm0, v44, v45  }
0x102: {  	v60 =	vor.u32 s2, v36;
	p3 =	sne.s32 s10, $0x1;
	vm13 =	veq.f32 v47, $1.000000000e+00;
	vm0 =	vlt.s32 v44, v59  }
.Ltmp13:
0x103: {  	v46 =	vnsel vm13, $0x40000000, v60;
	v45 =	vld [tilespmem:s0+$0x20];
	v44 =	vsel vm0, v44, v59;
	(pc) =	sbr.rel @!p3 .LBB2_29-.Ltmp13, $4  }
0x104: {  	v61 =	vor.u32 s2, v37;
	vm14 =	veq.f32 v48, $1.000000000e+00;
	vm0 =	vlt.s32 v44, v46  }
0x105: {  	v47 =	vnsel vm14, $0x40000000, v61;
	v62 =	vsel vm0, v44, v46;
	v46 =	vld [tilespmem:s0+$0x30]  }
0x106: {  	v63 =	vor.u32 s2, v38;
	vm15 =	veq.f32 v49, $1.000000000e+00;
	s0 =	sadd.s32 $0x80, s0;
	vm0 =	vlt.s32 v62, v47  }
0x107: {  	s12 =	sadd.s32 $0xFFFFFFFF, s10;
	p2 =	por $0x1, $0x1;
	s10 =	smov.u32 s2;
	v48 =	vnsel vm15, $0x40000000, v63;
	v44 =	vld [tilespmem:s0+$0xFFFFFFC0];
	v47 =	vsel vm0, v62, v47  }
.LBB2_30:
0x108: {  	p3 =	sne.s32 s12, $0x1;
	vm0 =	vlt.s32 v47, v48;
	vm1 =	veq.f32 v45, $1.000000000e+00;
	v45 =	vor.u32 s10, v39  }
0x109: {  	v49 =	vld [tilespmem:s0+$0xFFFFFFD0];
	v47 =	vsel vm0, v47, v48;
	v45 =	vnsel vm1, $0x40000000, v45  }
0x10a: {  	vm0 =	vlt.s32 v47, v45;
	vm1 =	veq.f32 v46, $1.000000000e+00;
	v46 =	vor.u32 s10, v40  }
0x10b: {  	s10 =	sadd.s32 $0x80, s10;
	v48 =	vld [tilespmem:s0+$0xFFFFFFE0];
	v45 =	vsel vm0, v47, v45;
	v46 =	vnsel vm1, $0x40000000, v46  }
0x10c: {  	vm0 =	veq.f32 v44, $1.000000000e+00;
	v44 =	vor.u32 s10, v0;
	vm1 =	vlt.s32 v45, v46  }
0x10d: {  	v44 =	vnsel vm0, $0x40000000, v44;
	v47 =	vld [tilespmem:s0+$0xFFFFFFF0];
	v45 =	vsel vm1, v45, v46  }
0x10e: {  	v46 =	vor.u32 s10, v34;
	vm0 =	vlt.s32 v45, v44;
	vm1 =	veq.f32 v49, $1.000000000e+00  }
0x10f: {  	v44 =	vsel vm0, v45, v44;
	v45 =	vnsel vm1, $0x40000000, v46;
	v46 =	vld [tilespmem:s0+$0x0]  }
0x110: {  	vm0 =	vlt.s32 v44, v45;
	vm1 =	veq.f32 v48, $1.000000000e+00;
	v48 =	vor.u32 s10, v35  }
0x111: {  	v44 =	vsel vm0, v44, v45;
	v45 =	vnsel vm1, $0x40000000, v48;
	v48 =	vld [tilespmem:s0+$0x10]  }
0x112: {  	vm0 =	vlt.s32 v44, v45;
	vm1 =	veq.f32 v47, $1.000000000e+00;
	v47 =	vor.u32 s10, v36  }
.Ltmp14:
0x113: {  	v44 =	vsel vm0, v44, v45;
	v47 =	vnsel vm1, $0x40000000, v47;
	v45 =	vld [tilespmem:s0+$0x20];
	(pc) =	sbr.rel @p3 .LBB2_30-.Ltmp14, $4  }
0x114: {  	vm0 =	vlt.s32 v44, v47;
	vm1 =	veq.f32 v46, $1.000000000e+00;
	v46 =	vor.u32 s10, v37  }
0x115: {  	v47 =	vsel vm0, v44, v47;
	v49 =	vnsel vm1, $0x40000000, v46;
	v46 =	vld [tilespmem:s0+$0x30]  }
0x116: {  	s0 =	sadd.s32 $0x80, s0;
	vm0 =	vlt.s32 v47, v49;
	vm1 =	veq.f32 v48, $1.000000000e+00;
	v48 =	vor.u32 s10, v38  }
0x117: {  	s12 =	sadd.s32 $0xFFFFFFFF, s12;
	v44 =	vld [tilespmem:s0+$0xFFFFFFC0];
	v47 =	vsel vm0, v47, v49;
	v48 =	vnsel vm1, $0x40000000, v48  }
.LBB2_31:
0x118: {  	vm0 =	vlt.s32 @p2 v47, v48;
	vm1 =	veq.f32 @p2 v45, $1.000000000e+00;
	v45 =	vor.u32 @p2 s10, v39  }
0x119: {  	v47 =	vsel @p2 vm0, v47, v48;
	v45 =	vnsel @p2 vm1, $0x40000000, v45  }
0x11a: {  	v58 =	vld [tilespmem:s0+$0xFFFFFFD0];
	vm0 =	vlt.s32 @p2 v47, v45;
	vm1 =	veq.f32 @p2 v46, $1.000000000e+00;
	v46 =	vor.u32 @p2 s10, v40  }
0x11b: {  	s3 =	sadd.s32 @p2 $0x80, s10;
	v45 =	vsel @p2 vm0, v47, v45;
	v46 =	vnsel @p2 vm1, $0x40000000, v46  }
0x11c: {  	v59 =	vld [tilespmem:s0+$0xFFFFFFE0];
	s2 =	smov.u32 @p2 s3;
	vm0 =	vlt.s32 @p2 v45, v46  }
0x11d: {  	v60 =	vor.u32 s2, v0;
	vm7 =	veq.f32 v44, $1.000000000e+00;
	v45 =	vsel @p2 vm0, v45, v46  }
0x11e: {  	v61 =	vld [tilespmem:s0+$0xFFFFFFF0];
	v44 =	vnsel vm7, $0x40000000, v60;
	v43 =	vpsel p2, v45, v43  }
0x11f: {  	v62 =	vor.u32 s2, v34;
	vm9 =	veq.f32 v58, $1.000000000e+00;
	vm8 =	vlt.s32 v43, v44  }
0x120: {  	v48 =	vld [tilespmem:s0+$0x0];
	v63 =	vnsel vm9, $0x40000000, v62;
	v43 =	vsel vm8, v43, v44  }
0x121: {  	v49 =	vor.u32 s2, v35;
	vm10 =	veq.f32 v59, $1.000000000e+00;
	vm0 =	vlt.s32 v43, v63  }
0x122: {  	v51 =	vld [tilespmem:s0+$0x10];
	v50 =	vnsel vm10, $0x40000000, v49;
	v43 =	vsel vm0, v43, v63  }
0x123: {  	v52 =	vor.u32 s2, v36;
	vm11 =	veq.f32 v61, $1.000000000e+00;
	vm0 =	vlt.s32 v43, v50  }
0x124: {  	v54 =	vld [tilespmem:s0+$0x20];
	v53 =	vnsel vm11, $0x40000000, v52;
	v43 =	vsel vm0, v43, v50  }
0x125: {  	v55 =	vor.u32 s2, v37;
	vm12 =	veq.f32 v48, $1.000000000e+00;
	vm0 =	vlt.s32 v43, v53  }
0x126: {  	v57 =	vld [tilespmem:s0+$0x30];
	v56 =	vnsel vm12, $0x40000000, v55;
	v43 =	vsel vm0, v43, v53  }
0x127: {  	vm13 =	veq.f32 v51, $1.000000000e+00;
	v58 =	vor.u32 s2, v38;
	vm0 =	vlt.s32 v43, v56  }
0x128: {  	v59 =	vnsel vm13, $0x40000000, v58;
	v43 =	vsel vm0, v43, v56  }
0x129: {  	vm14 =	veq.f32 v54, $1.000000000e+00;
	v60 =	vor.u32 s2, v39;
	vm0 =	vlt.s32 v43, v59  }
0x12a: {  	v61 =	vnsel vm14, $0x40000000, v60;
	v43 =	vsel vm0, v43, v59  }
0x12b: {  	vm15 =	veq.f32 v57, $1.000000000e+00;
	v62 =	vor.u32 s2, v40;
	vm0 =	vlt.s32 v43, v61  }
0x12c: {  	v63 =	vnsel vm15, $0x40000000, v62;
	v43 =	vsel vm0, v43, v61  }
0x12d: {  	vm0 =	vlt.s32 v43, v63  }
0x12e: {  	v43 =	vsel vm0, v43, v63  }
0x12f: {  	v43 =	vxor.u32 $0x80000000, v43  }
0x130: {  	(xrf0) =	vmin.scan.msk.u32 $0xffff, v43;
	_ =	sdelay $0x5  }
0x131: {  	v43, _, _ =	vpop (xrf0)  }
0x132: {  	(v2sf) =	vpush v43, $0xF;
	_ =	sdelay $0xe  }
0x133: {  	s2 =	spop (v2sf)  }
0x134: {  	s10 =	sxor.u32 $0x80000000, s2  }
0x135: {  	p2 =	sgt.s32 s10, $0x3FFFFFFF  }
0x136: {  	p1 =	por !p1, !p2  }
0x137: {  	p1 =	por !p1, !p1  }
.Ltmp15:
0x138: {  	_ = 	snop;
	(pc) =	sbr.rel @p1 .LBB2_26-.Ltmp15, $4  }
.Ltmp16:
0x139: {  	_ = 	snop;
	(pc) =	sbr.rel @!p1 .LBB2_32-.Ltmp16, $4  }
0x13a: {  	_ = 	snop  }
0x13b: {  	_ = 	snop  }
0x13c: {  	s31 =	sadd.s32 $0x8, s31;
	s0 =	simm.s32 $0x8  }
0x13d: {  	_ = 	snop  }
.LBB2_27:
.Ltmp17:
0x13e: {  	(pc) =	sbr.rel .LBB2_31-.Ltmp17, $2  }
0x13f: {  	_ =	sdelay $0x2  }
0x140: {  	s10 =	smov.u32 s2;
	p2 =	por $0x0, $0x0  }
.LBB2_29:
.Ltmp18:
0x141: {  	(pc) =	sbr.rel .LBB2_31-.Ltmp18, $2  }
0x142: {  	_ =	sdelay $0x2  }
0x143: {  	s10 =	smov.u32 s2  }
.LBB2_32:
0x144: {  	p0 =	slt.s32 s10, $0x40000000  }
0x145: {  	s10 =	simm.s32 @!p0 $0x40000000  }
0x146: {  	s10 =	simm.s32 @!p0 $0x0  }
0x147: {  	s0 =	sand.u32 $0x7F, s10  }
0x148: {  	v45 =	vmov s0  }
0x149: {  	v43 =	vsub.s32 v0, v45;
	v44 =	vsub.s32 v34, v45  }
0x14a: {  	v46 =	vsub.s32 v35, v45;
	v47 =	vsub.s32 v36, v45;
	v48 =	vsub.s32 v37, v45  }
0x14b: {  	v49 =	vsub.s32 v38, v45;
	v50 =	vsub.s32 v39, v45;
	v45 =	vsub.s32 v40, v45  }
0x14c: {  	v43 =	vmul.u32 v43, v43;
	v44 =	vmul.u32 v44, v44;
	v46 =	vmul.u32 v46, v46  }
0x14d: {  	v47 =	vmul.u32 v47, v47;
	v48 =	vmul.u32 v48, v48;
	v49 =	vmul.u32 v49, v49  }
0x14e: {  	v50 =	vmul.u32 v50, v50;
	v51 =	vmul.u32 v45, v45;
	v43 =	vshll.u32 v43, $0xE  }
0x14f: {  	v44 =	vshll.u32 v44, $0xE;
	v46 =	vshll.u32 v46, $0xE;
	v47 =	vshll.u32 v47, $0xE  }
0x150: {  	_ =	swait.ge [sflag:s24], $0x1000;
	s28 =	simm.s32 $0x40000000;
	v48 =	vshll.u32 v48, $0xE;
	v61 =	vshll.u32 v49, $0xE;
	v62 =	vshll.u32 v50, $0xE  }
0x151: {  	s29 =	simm.s32 $0x4000;
	s14 =	simm.s32 $0x0;
	[sflag:s24] =	ssyncset.done $0x0;
	v63 =	vshll.u32 v51, $0xE;
	v43 =	vor.u32 v0, v43;
	v44 =	vor.u32 v34, v44  }
0x152: {  	s13 =	simm.s32 $0x0;
	[sflag:s24] =	ssyncadd.s32 $0xFFFFF000;
	s31 =	sand.u32 $0xFFFFFF80, s10;
	v45 =	vor.u32 v35, v46;
	v46 =	vor.u32 v36, v47;
	v47 =	vor.u32 v37, v48  }
0x153: {  	s0 =	sshra.s32 s10, $0x7;
	s10 =	simm.s32 $0x0;
	s12 =	smov.u32 s31;
	v48 =	vor.u32 v38, v61;
	v49 =	vor.u32 v39, v62;
	v50 =	vor.u32 v40, v63  }
.LBB2_33:
0x154: {  	s3 =	sadd.s32 s10, s0  }
0x155: {  	p1 =	sgt.s32 s3, $0x0  }
0x156: {  	p0 =	sgt.s32 s3, $0xFFFFFFFF;
	s3 =	simm.s32 @!p1 $0x0  }
0x157: {  	s3 =	sshll.u32 s3, $0x9  }
0x158: {  	s3 =	sshra.s32 s3, $0x2  }
0x159: {  	v51 =	vld [tilespmem:s3+$0xC000]  }
0x15a: {  	s15 =	sadd.s32 s13, s31  }
0x15b: {  	s15 =	simm.s32 @!p0 $0x40000000;
	v52 =	vld [tilespmem:s3+$0xC010]  }
0x15c: {  	v53 =	vadd.s32 s15, v43;
	v54 =	vld [tilespmem:s3+$0xC020]  }
0x15d: {  	vm0 =	vlt.s32 v53, $0x40000000  }
0x15e: {  	v61 =	vnsel vm0, $0x40000000, v53;
	v62 =	vld [tilespmem:s3+$0xC030];
	vm1 =	veq.f32 v51, $1.000000000e+00  }
0x15f: {  	v55 =	vadd.s32 s15, v44;
	v51 =	vnsel vm1, $0x40000000, v61  }
0x160: {  	v57 =	vadd.s32 s15, v45;
	v63 =	vld [tilespmem:s3+$0xC040];
	vm1 =	vlt.s32 v51, v55  }
0x161: {  	vm13 =	veq.f32 v52, $1.000000000e+00;
	vm14 =	veq.f32 v54, $1.000000000e+00;
	v55 =	vsel vm1, v51, v55  }
0x162: {  	v58 =	vld [tilespmem:s3+$0xC050];
	v54 =	vnsel vm14, $0x40000000, v57;
	v51 =	vsel vm13, v55, v51  }
0x163: {  	s17 =	sadd.s32 s14, s0;
	v59 =	vadd.s32 s15, v46;
	vm15 =	veq.f32 v62, $1.000000000e+00;
	vm0 =	vlt.s32 v51, v54  }
0x164: {  	p1 =	slt.s32 s17, $0x7F;
	v60 =	vld [tilespmem:s3+$0xC060];
	v53 =	vnsel vm15, $0x40000000, v59;
	v51 =	vsel vm0, v51, v54  }
0x165: {  	s16 =	sadd.s32 $0xFFFFFFE0, s17;
	p0 =	slt.s32 s17, $0x80;
	s17 =	simm.s32 @!p1 $0x7F;
	vm4 =	veq.f32 v63, $1.000000000e+00;
	v61 =	vadd.s32 s15, v47;
	vm0 =	vlt.s32 v51, v53  }
0x166: {  	s17 =	sshll.u32 s17, $0x9;
	v62 =	vld [tilespmem:s3+$0xC070];
	v52 =	vnsel vm4, $0x40000000, v61;
	v51 =	vsel vm0, v51, v53  }
0x167: {  	vm5 =	veq.f32 v58, $1.000000000e+00;
	v63 =	vadd.s32 s15, v48;
	s3 =	sshra.s32 s17, $0x2;
	vm0 =	vlt.s32 v51, v52  }
0x168: {  	v57 =	vnsel vm5, $0x40000000, v63;
	v58 =	vld [tilespmem:s3+$0xC000];
	v51 =	vsel vm0, v51, v52  }
0x169: {  	vm6 =	veq.f32 v60, $1.000000000e+00;
	v59 =	vadd.s32 s15, v49;
	vm0 =	vlt.s32 v51, v57  }
0x16a: {  	v60 =	vnsel vm6, $0x40000000, v59;
	v61 =	vld [tilespmem:s3+$0xC010];
	v51 =	vsel vm0, v51, v57  }
0x16b: {  	s13 =	sadd.s32 s13, s12;
	vm7 =	veq.f32 v62, $1.000000000e+00;
	v62 =	vadd.s32 s15, v50;
	vm0 =	vlt.s32 v51, v60  }
0x16c: {  	s13 =	simm.s32 @!p0 $0x40000000;
	v63 =	vnsel vm7, $0x40000000, v62;
	v57 =	vld [tilespmem:s3+$0xC020];
	v51 =	vsel vm0, v51, v60  }
0x16d: {  	vm8 =	veq.f32 v58, $1.000000000e+00;
	v58 =	vadd.s32 s13, v43;
	vm0 =	vlt.s32 v51, v63  }
0x16e: {  	v59 =	vnsel vm8, $0x40000000, v58;
	v60 =	vld [tilespmem:s3+$0xC030];
	v51 =	vsel vm0, v51, v63  }
0x16f: {  	vm9 =	veq.f32 v61, $1.000000000e+00;
	v61 =	vadd.s32 s13, v44;
	vm0 =	vlt.s32 v51, v59  }
0x170: {  	v62 =	vnsel vm9, $0x40000000, v61;
	v63 =	vld [tilespmem:s3+$0xC040];
	v51 =	vsel vm0, v51, v59  }
0x171: {  	v56 =	vadd.s32 s13, v45;
	vm10 =	veq.f32 v57, $1.000000000e+00;
	vm0 =	vlt.s32 v51, v62  }
0x172: {  	v58 =	vld [tilespmem:s3+$0xC050];
	v57 =	vnsel vm10, $0x40000000, v56;
	v51 =	vsel vm0, v51, v62  }
0x173: {  	v59 =	vadd.s32 s13, v46;
	vm11 =	veq.f32 v60, $1.000000000e+00;
	vm0 =	vlt.s32 v51, v57  }
0x174: {  	v61 =	vld [tilespmem:s3+$0xC060];
	v60 =	vnsel vm11, $0x40000000, v59;
	v51 =	vsel vm0, v51, v57  }
0x175: {  	v62 =	vadd.s32 s13, v47;
	vm12 =	veq.f32 v63, $1.000000000e+00;
	vm0 =	vlt.s32 v51, v60  }
0x176: {  	v63 =	vnsel vm12, $0x40000000, v62;
	v57 =	vld [tilespmem:s3+$0xC070];
	v51 =	vsel vm0, v51, v60  }
0x177: {  	vm13 =	veq.f32 v58, $1.000000000e+00;
	v58 =	vadd.s32 s13, v48;
	vm0 =	vlt.s32 v51, v63  }
0x178: {  	v59 =	vnsel vm13, $0x40000000, v58;
	v51 =	vsel vm0, v51, v63  }
0x179: {  	vm14 =	veq.f32 v61, $1.000000000e+00;
	v60 =	vadd.s32 s13, v49;
	vm0 =	vlt.s32 v51, v59  }
0x17a: {  	v61 =	vnsel vm14, $0x40000000, v60;
	v51 =	vsel vm0, v51, v59  }
0x17b: {  	v62 =	vadd.s32 s13, v50;
	vm15 =	veq.f32 v57, $1.000000000e+00;
	vm0 =	vlt.s32 v51, v61  }
0x17c: {  	v63 =	vnsel vm15, $0x40000000, v62;
	v51 =	vsel vm0, v51, v61  }
0x17d: {  	vm0 =	vlt.s32 v51, v63  }
0x17e: {  	v51 =	vsel vm0, v51, v63  }
0x17f: {  	v51 =	vxor.u32 $0x80000000, v51  }
0x180: {  	(xrf0) =	vmin.scan.msk.u32 $0xffff, v51;
	_ =	sdelay $0x5  }
0x181: {  	v51, _, _ =	vpop (xrf0)  }
0x182: {  	(v2sf) =	vpush v51, $0xF;
	_ =	sdelay $0xe  }
0x183: {  	p0 =	slt.u32 s16, $0x60;
	s15 =	spop (v2sf)  }
0x184: {  	s17 =	sadd.s32 $0x1, s14;
	s3 =	smov.u32 s28;
	s28 =	sxor.u32 $0x80000000, s15  }
0x185: {  	p3 =	sgt.u32 @!p0 s14, $0x7E;
	s13 =	smul.u32 s17, s29;
	p1 =	slt.s32 s3, s28  }
0x186: {  	p0 =	por p0, p3;
	s28 =	smov.u32 @p1 s3  }
0x187: {  	p1 =	sle.s32 @!p0 s13, s28  }
0x188: {  	p0 =	por p0, !p1  }
.Ltmp19:
0x189: {  	_ = 	snop;
	(pc) =	sbr.rel @!p0 .LBB2_33-.Ltmp19, $3  }
0x18a: {  	_ =	sdelay $0x1  }
0x18b: {  	s12 =	sadd.s32 $0x80, s12;
	s31 =	sadd.s32 $0xFFFFFF80, s31  }
0x18c: {  	s10 =	sadd.s32 $0xFFFFFFFF, s10;
	s14 =	smov.u32 s17;
	s29 =	sadd.s32 $0x4000, s29  }
0x18d: {  	p0 =	seq.s32 @!p2 s2, $0x80000186  }
0x18e: {  	p0 =	por p2, p0  }
0x18f: {  	p1 =	slt.u32 @!p0 s16, $0x60  }
0x190: {  	p0 =	por p0, p1  }
.Ltmp20:
0x191: {  	_ = 	snop;
	(pc) =	sbr.rel @p0 .LBB2_36-.Ltmp20, $1  }
0x192: {  	_ =	sdelay $0x3  }
.Ltmp21:
0x193: {  	(pc) =	sbr.rel .LBB2_47-.Ltmp21, $4  }
0x194: {  	_ = 	snop  }
0x195: {  	p1 =	slt.s32 s28, $0x40000000  }
0x196: {  	s28 =	simm.s32 @!p1 $0x40000000  }
0x197: {  	s3 =	simm.s32 $0x0;
	s2 =	sand.u32 $0x3FFF, s28  }
.LBB2_14:
0x198: {  	[tilespmem:$0x14200] =	vst v1  }
0x199: {  	[tilespmem:$0x14210] =	vst v7  }
0x19a: {  	[tilespmem:$0x14220] =	vst v8  }
0x19b: {  	[tilespmem:$0x14230] =	vst v9  }
0x19c: {  	[tilespmem:$0x14240] =	vst v10  }
0x19d: {  	[tilespmem:$0x14250] =	vst v11  }
0x19e: {  	[tilespmem:$0x14260] =	vst v12  }
0x19f: {  	[tilespmem:$0x14270] =	vst v13;
	s31 =	simm.s32 $0x0;
	s2 =	simm.s32 $0x80;
	s3 =	simm.s32 $0x14200  }
0x1a0: {  	[tilespmem:s31], [sflag:$0x1] =	stream.indirect.gather [hbm4b:s1+s2], $0x80, s3, s2, $0xb8;
	[tilespmem:$0x14280] =	vst v63  }
0x1a1: {  	_ =	swait.ge [sflag:s19], $0x4000  }
0x1a2: {  	[sflag:s19] =	ssyncset.done $0x0  }
0x1a3: {  	[sflag:s19] =	ssyncadd.s32 $0xFFFFC000  }
0x1a4: {  	[tilespmem:$0x14200] =	vst v2  }
0x1a5: {  	[tilespmem:$0x14210] =	vst v3  }
0x1a6: {  	[tilespmem:$0x14220] =	vst v14  }
0x1a7: {  	[tilespmem:$0x14230] =	vst v15  }
0x1a8: {  	[tilespmem:$0x14240] =	vst v16  }
0x1a9: {  	[tilespmem:$0x14250] =	vst v17  }
0x1aa: {  	[tilespmem:$0x14260] =	vst v18  }
0x1ab: {  	s0 =	simm.s32 $0x4000;
	[tilespmem:$0x14270] =	vst v19  }
0x1ac: {  	[tilespmem:s0], [sflag:$0x2] =	stream.indirect.gather [hbm4b:s1+s2], $0x80, s3, s2, $0xb8;
	[tilespmem:$0x14280] =	vst v63  }
0x1ad: {  	_ =	swait.ge [sflag:s20], $0x4000  }
0x1ae: {  	[sflag:s20] =	ssyncset.done $0x0  }
0x1af: {  	s2 =	simm.s32 $0x40;
	s0 =	simm.s32 $0x0;
	[sflag:s20] =	ssyncadd.s32 $0xFFFFC000  }
.LBB2_15:
0x1b0: {  	v42 =	vld [tilespmem:s2+$0xFFFFFFC0];
	_ =	sdelay $0x1  }
0x1b1: {  	v43 =	vld [tilespmem:s2+$0xFFFFFFD0];
	_ =	sdelay $0x1  }
0x1b2: {  	s12 =	sadd.s32 $0x0, s0;
	v44 =	vld [tilespmem:s2+$0xFFFFFFE0]  }
0x1b3: {  	v54 =	vor.u32 s12, v0;
	vm0 =	veq.f32 v42, $1.000000000e+00  }
0x1b4: {  	v45 =	vimm.s32 $0x40000000;
	v46 =	vld [tilespmem:s2+$0xFFFFFFF0];
	v42 =	vnsel vm0, $0x40000000, v54  }
0x1b5: {  	v55 =	vor.u32 s12, v34;
	vm1 =	veq.f32 v43, $1.000000000e+00;
	vm0 =	vlt.s32 v45, v42  }
0x1b6: {  	v56 =	vld [tilespmem:s2+$0x0];
	v43 =	vnsel vm1, $0x40000000, v55;
	v42 =	vsel vm0, v45, v42  }
0x1b7: {  	v57 =	vor.u32 s12, v35;
	vm12 =	veq.f32 v44, $1.000000000e+00;
	vm0 =	vlt.s32 v42, v43  }
0x1b8: {  	v47 =	vld [tilespmem:s2+$0x10];
	v58 =	vnsel vm12, $0x40000000, v57;
	v42 =	vsel vm0, v42, v43  }
0x1b9: {  	v59 =	vor.u32 s12, v36;
	vm13 =	veq.f32 v46, $1.000000000e+00;
	vm0 =	vlt.s32 v42, v58  }
0x1ba: {  	v44 =	vld [tilespmem:s2+$0x20];
	v60 =	vnsel vm13, $0x40000000, v59;
	v42 =	vsel vm0, v42, v58  }
0x1bb: {  	v61 =	vor.u32 s12, v37;
	vm14 =	veq.f32 v56, $1.000000000e+00;
	vm0 =	vlt.s32 v42, v60  }
0x1bc: {  	v45 =	vnsel vm14, $0x40000000, v61;
	v43 =	vld [tilespmem:s2+$0x30];
	v62 =	vsel vm0, v42, v60  }
0x1bd: {  	s10 =	sadd.s32 $0x80, s2;
	v63 =	vor.u32 s12, v38;
	vm15 =	veq.f32 v47, $1.000000000e+00;
	vm0 =	vlt.s32 v62, v45  }
0x1be: {  	s14 =	simm.s32 $0x80;
	s16 =	simm.s32 $0x100;
	v46 =	vnsel vm15, $0x40000000, v63;
	v42 =	vld [tilespmem:s10+$0xFFFFFFC0];
	v45 =	vsel vm0, v62, v45  }
.LBB2_16:
0x1bf: {  	p0 =	sne.s32 s16, $0x380;
	vm0 =	vlt.s32 v45, v46;
	vm1 =	veq.f32 v44, $1.000000000e+00;
	v44 =	vor.u32 s12, v39  }
0x1c0: {  	v47 =	vld [tilespmem:s10+$0xFFFFFFD0];
	v45 =	vsel vm0, v45, v46;
	v44 =	vnsel vm1, $0x40000000, v44  }
0x1c1: {  	vm0 =	vlt.s32 v45, v44;
	vm1 =	veq.f32 v43, $1.000000000e+00;
	v43 =	vor.u32 s12, v40  }
0x1c2: {  	s12 =	sadd.s32 s14, s0;
	s14 =	smov.u32 s16;
	v46 =	vld [tilespmem:s10+$0xFFFFFFE0];
	v44 =	vsel vm0, v45, v44;
	v43 =	vnsel vm1, $0x40000000, v43  }
0x1c3: {  	vm0 =	veq.f32 v42, $1.000000000e+00;
	v42 =	vor.u32 s12, v0;
	vm1 =	vlt.s32 v44, v43  }
0x1c4: {  	v42 =	vnsel vm0, $0x40000000, v42;
	v45 =	vld [tilespmem:s10+$0xFFFFFFF0];
	v43 =	vsel vm1, v44, v43  }
0x1c5: {  	v44 =	vor.u32 s12, v34;
	vm0 =	vlt.s32 v43, v42;
	vm1 =	veq.f32 v47, $1.000000000e+00  }
0x1c6: {  	v42 =	vsel vm0, v43, v42;
	v43 =	vnsel vm1, $0x40000000, v44;
	v47 =	vld [tilespmem:s10+$0x0]  }
0x1c7: {  	v44 =	vor.u32 s12, v35;
	vm0 =	vlt.s32 v42, v43;
	vm1 =	veq.f32 v46, $1.000000000e+00  }
0x1c8: {  	v42 =	vsel vm0, v42, v43;
	v43 =	vnsel vm1, $0x40000000, v44;
	v46 =	vld [tilespmem:s10+$0x10]  }
0x1c9: {  	v44 =	vor.u32 s12, v36;
	vm0 =	vlt.s32 v42, v43;
	vm1 =	veq.f32 v45, $1.000000000e+00  }
.Ltmp22:
0x1ca: {  	v42 =	vsel vm0, v42, v43;
	v43 =	vnsel vm1, $0x40000000, v44;
	v44 =	vld [tilespmem:s10+$0x20];
	(pc) =	sbr.rel @p0 .LBB2_16-.Ltmp22, $4  }
0x1cb: {  	v45 =	vor.u32 s12, v37;
	vm0 =	vlt.s32 v42, v43;
	vm1 =	veq.f32 v47, $1.000000000e+00  }
0x1cc: {  	v47 =	vsel vm0, v42, v43;
	v45 =	vnsel vm1, $0x40000000, v45;
	v43 =	vld [tilespmem:s10+$0x30]  }
0x1cd: {  	s10 =	sadd.s32 $0x80, s10;
	vm0 =	vlt.s32 v47, v45;
	vm1 =	veq.f32 v46, $1.000000000e+00;
	v46 =	vor.u32 s12, v38  }
0x1ce: {  	s16 =	sadd.s32 $0x80, s16;
	v42 =	vld [tilespmem:s10+$0xFFFFFFC0];
	v45 =	vsel vm0, v47, v45;
	v46 =	vnsel vm1, $0x40000000, v46  }
0x1cf: {  	vm0 =	vlt.s32 v45, v46;
	vm1 =	veq.f32 v44, $1.000000000e+00;
	v57 =	vor.u32 s12, v39  }
0x1d0: {  	v47 =	vld [tilespmem:s10+$0xFFFFFFD0];
	v45 =	vsel vm0, v45, v46;
	v44 =	vnsel vm1, $0x40000000, v57  }
0x1d1: {  	v58 =	vor.u32 s12, v40;
	vm0 =	vlt.s32 v45, v44;
	vm7 =	veq.f32 v43, $1.000000000e+00  }
0x1d2: {  	s3 =	sadd.s32 s14, s0;
	v59 =	vld [tilespmem:s10+$0xFFFFFFE0];
	v44 =	vsel vm0, v45, v44;
	v43 =	vnsel vm7, $0x40000000, v58  }
0x1d3: {  	v60 =	vor.u32 s3, v0;
	vm8 =	veq.f32 v42, $1.000000000e+00;
	vm1 =	vlt.s32 v44, v43  }
0x1d4: {  	v61 =	vld [tilespmem:s10+$0xFFFFFFF0];
	v42 =	vnsel vm8, $0x40000000, v60;
	v43 =	vsel vm1, v44, v43  }
0x1d5: {  	v62 =	vor.u32 s3, v34;
	vm9 =	veq.f32 v47, $1.000000000e+00;
	vm0 =	vlt.s32 v43, v42  }
0x1d6: {  	v48 =	vld [tilespmem:s10+$0x0];
	v63 =	vnsel vm9, $0x40000000, v62;
	v42 =	vsel vm0, v43, v42  }
0x1d7: {  	v49 =	vor.u32 s3, v35;
	vm10 =	veq.f32 v59, $1.000000000e+00;
	vm0 =	vlt.s32 v42, v63  }
0x1d8: {  	v51 =	vld [tilespmem:s10+$0x10];
	v50 =	vnsel vm10, $0x40000000, v49;
	v42 =	vsel vm0, v42, v63  }
0x1d9: {  	v52 =	vor.u32 s3, v36;
	vm11 =	veq.f32 v61, $1.000000000e+00;
	vm0 =	vlt.s32 v42, v50  }
0x1da: {  	v54 =	vld [tilespmem:s10+$0x20];
	v53 =	vnsel vm11, $0x40000000, v52;
	v42 =	vsel vm0, v42, v50  }
0x1db: {  	v55 =	vor.u32 s3, v37;
	vm12 =	veq.f32 v48, $1.000000000e+00;
	vm0 =	vlt.s32 v42, v53  }
0x1dc: {  	v57 =	vld [tilespmem:s10+$0x30];
	v56 =	vnsel vm12, $0x40000000, v55;
	v42 =	vsel vm0, v42, v53  }
0x1dd: {  	v58 =	vor.u32 s3, v38;
	vm13 =	veq.f32 v51, $1.000000000e+00;
	vm0 =	vlt.s32 v42, v56  }
0x1de: {  	v59 =	vnsel vm13, $0x40000000, v58;
	v42 =	vsel vm0, v42, v56  }
0x1df: {  	vm14 =	veq.f32 v54, $1.000000000e+00;
	v60 =	vor.u32 s3, v39;
	vm0 =	vlt.s32 v42, v59  }
0x1e0: {  	v61 =	vnsel vm14, $0x40000000, v60;
	v42 =	vsel vm0, v42, v59  }
0x1e1: {  	vm15 =	veq.f32 v57, $1.000000000e+00;
	v62 =	vor.u32 s3, v40;
	vm0 =	vlt.s32 v42, v61  }
0x1e2: {  	v63 =	vnsel vm15, $0x40000000, v62;
	v42 =	vsel vm0, v42, v61  }
0x1e3: {  	vm0 =	vlt.s32 v42, v63  }
0x1e4: {  	v42 =	vsel vm0, v42, v63  }
0x1e5: {  	v42 =	vxor.u32 $0x80000000, v42  }
0x1e6: {  	(xrf0) =	vmin.scan.msk.u32 $0xffff, v42;
	_ =	sdelay $0x5  }
0x1e7: {  	v42, _, _ =	vpop (xrf0)  }
0x1e8: {  	(v2sf) =	vpush v42, $0xF;
	_ =	sdelay $0xe  }
0x1e9: {  	s29 =	spop (v2sf)  }
0x1ea: {  	p0 =	sgt.u32 s31, $0xE;
	s28 =	sxor.u32 $0x80000000, s29  }
0x1eb: {  	p1 =	sgt.s32 @!p0 s28, $0x3FFFFFFF  }
0x1ec: {  	p0 =	por p0, !p1  }
.Ltmp23:
0x1ed: {  	_ = 	snop;
	(pc) =	sbr.rel @!p0 .LBB2_15-.Ltmp23, $2  }
0x1ee: {  	_ =	sdelay $0x2  }
0x1ef: {  	s31 =	sadd.s32 $0x1, s31;
	s0 =	sadd.s32 $0x400, s0;
	s2 =	sadd.s32 $0x400, s2  }
0x1f0: {  	p0 =	slt.s32 s28, $0x40000000  }
0x1f1: {  	s28 =	simm.s32 @!p0 $0x40000000  }
0x1f2: {  	s28 =	simm.s32 @!p0 $0x0  }
0x1f3: {  	s0 =	sand.u32 $0x7F, s28  }
0x1f4: {  	v44 =	vmov s0  }
0x1f5: {  	v42 =	vsub.s32 v0, v44;
	v43 =	vsub.s32 v34, v44  }
0x1f6: {  	v45 =	vsub.s32 v35, v44;
	v46 =	vsub.s32 v36, v44;
	v47 =	vsub.s32 v37, v44  }
0x1f7: {  	v48 =	vsub.s32 v38, v44;
	v49 =	vsub.s32 v39, v44;
	v44 =	vsub.s32 v40, v44  }
0x1f8: {  	v42 =	vmul.u32 v42, v42;
	v43 =	vmul.u32 v43, v43;
	v45 =	vmul.u32 v45, v45  }
0x1f9: {  	v46 =	vmul.u32 v46, v46;
	v47 =	vmul.u32 v47, v47;
	v48 =	vmul.u32 v48, v48  }
0x1fa: {  	v49 =	vmul.u32 v49, v49;
	v50 =	vmul.u32 v44, v44;
	v42 =	vshll.u32 v42, $0xE  }
0x1fb: {  	v43 =	vshll.u32 v43, $0xE;
	v45 =	vshll.u32 v45, $0xE;
	v46 =	vshll.u32 v46, $0xE  }
0x1fc: {  	v47 =	vshll.u32 v47, $0xE;
	v61 =	vshll.u32 v48, $0xE;
	v62 =	vshll.u32 v49, $0xE  }
0x1fd: {  	s31 =	simm.s32 $0x40000000;
	s29 =	simm.s32 $0x4000;
	v63 =	vshll.u32 v50, $0xE;
	v42 =	vor.u32 v0, v42;
	v43 =	vor.u32 v34, v43  }
0x1fe: {  	s14 =	simm.s32 $0x0;
	s10 =	simm.s32 $0x0;
	s2 =	sand.u32 $0xFFFFFF80, s28;
	v44 =	vor.u32 v35, v45;
	v45 =	vor.u32 v36, v46;
	v46 =	vor.u32 v37, v47  }
0x1ff: {  	s13 =	simm.s32 $0x0;
	s0 =	sshra.s32 s28, $0x7;
	s12 =	smov.u32 s2;
	v47 =	vor.u32 v38, v61;
	v48 =	vor.u32 v39, v62;
	v49 =	vor.u32 v40, v63  }
.LBB2_19:
0x200: {  	s3 =	sadd.s32 s10, s0  }
0x201: {  	p2 =	sgt.s32 s3, $0x0  }
0x202: {  	p1 =	sgt.s32 s3, $0xFFFFFFFF;
	s3 =	simm.s32 @!p2 $0x0  }
0x203: {  	s3 =	sshll.u32 s3, $0x9  }
0x204: {  	s3 =	sshra.s32 s3, $0x2  }
0x205: {  	v50 =	vld [tilespmem:s3+$0x4000]  }
0x206: {  	s15 =	sadd.s32 s13, s2  }
0x207: {  	s15 =	simm.s32 @!p1 $0x40000000;
	v51 =	vld [tilespmem:s3+$0x4010]  }
0x208: {  	v52 =	vadd.s32 s15, v42;
	v53 =	vld [tilespmem:s3+$0x4020]  }
0x209: {  	vm0 =	vlt.s32 v52, $0x40000000  }
0x20a: {  	v61 =	vnsel vm0, $0x40000000, v52;
	v62 =	vld [tilespmem:s3+$0x4030];
	vm1 =	veq.f32 v50, $1.000000000e+00  }
0x20b: {  	v54 =	vadd.s32 s15, v43;
	v50 =	vnsel vm1, $0x40000000, v61  }
0x20c: {  	v57 =	vadd.s32 s15, v44;
	v63 =	vld [tilespmem:s3+$0x4040];
	vm1 =	vlt.s32 v50, v54  }
0x20d: {  	vm13 =	veq.f32 v51, $1.000000000e+00;
	vm14 =	veq.f32 v53, $1.000000000e+00;
	v54 =	vsel vm1, v50, v54  }
0x20e: {  	v58 =	vld [tilespmem:s3+$0x4050];
	v53 =	vnsel vm14, $0x40000000, v57;
	v50 =	vsel vm13, v54, v50  }
0x20f: {  	s16 =	sadd.s32 s14, s0;
	v59 =	vadd.s32 s15, v45;
	vm15 =	veq.f32 v62, $1.000000000e+00;
	vm0 =	vlt.s32 v50, v53  }
0x210: {  	p2 =	slt.s32 s16, $0x7F;
	v60 =	vld [tilespmem:s3+$0x4060];
	v52 =	vnsel vm15, $0x40000000, v59;
	v50 =	vsel vm0, v50, v53  }
0x211: {  	p1 =	slt.s32 s16, $0x80;
	s16 =	simm.s32 @!p2 $0x7F;
	vm4 =	veq.f32 v63, $1.000000000e+00;
	v61 =	vadd.s32 s15, v46;
	vm0 =	vlt.s32 v50, v52  }
0x212: {  	s17 =	sshll.u32 s16, $0x9;
	v62 =	vld [tilespmem:s3+$0x4070];
	v51 =	vnsel vm4, $0x40000000, v61;
	v50 =	vsel vm0, v50, v52  }
0x213: {  	vm5 =	veq.f32 v58, $1.000000000e+00;
	v63 =	vadd.s32 s15, v47;
	s3 =	sshra.s32 s17, $0x2;
	vm0 =	vlt.s32 v50, v51  }
0x214: {  	v57 =	vnsel vm5, $0x40000000, v63;
	v58 =	vld [tilespmem:s3+$0x4000];
	v50 =	vsel vm0, v50, v51  }
0x215: {  	vm6 =	veq.f32 v60, $1.000000000e+00;
	v59 =	vadd.s32 s15, v48;
	vm0 =	vlt.s32 v50, v57  }
0x216: {  	v60 =	vnsel vm6, $0x40000000, v59;
	v61 =	vld [tilespmem:s3+$0x4010];
	v50 =	vsel vm0, v50, v57  }
0x217: {  	s13 =	sadd.s32 s13, s12;
	vm7 =	veq.f32 v62, $1.000000000e+00;
	v62 =	vadd.s32 s15, v49;
	vm0 =	vlt.s32 v50, v60  }
0x218: {  	s13 =	simm.s32 @!p1 $0x40000000;
	v63 =	vnsel vm7, $0x40000000, v62;
	v57 =	vld [tilespmem:s3+$0x4020];
	v50 =	vsel vm0, v50, v60  }
0x219: {  	vm8 =	veq.f32 v58, $1.000000000e+00;
	v58 =	vadd.s32 s13, v42;
	vm0 =	vlt.s32 v50, v63  }
0x21a: {  	v59 =	vnsel vm8, $0x40000000, v58;
	v60 =	vld [tilespmem:s3+$0x4030];
	v50 =	vsel vm0, v50, v63  }
0x21b: {  	vm9 =	veq.f32 v61, $1.000000000e+00;
	v61 =	vadd.s32 s13, v43;
	vm0 =	vlt.s32 v50, v59  }
0x21c: {  	v62 =	vnsel vm9, $0x40000000, v61;
	v63 =	vld [tilespmem:s3+$0x4040];
	v50 =	vsel vm0, v50, v59  }
0x21d: {  	vm10 =	veq.f32 v57, $1.000000000e+00;
	v57 =	vadd.s32 s13, v44;
	vm0 =	vlt.s32 v50, v62  }
0x21e: {  	v58 =	vnsel vm10, $0x40000000, v57;
	v59 =	vld [tilespmem:s3+$0x4050];
	v50 =	vsel vm0, v50, v62  }
0x21f: {  	vm11 =	veq.f32 v60, $1.000000000e+00;
	v60 =	vadd.s32 s13, v45;
	vm0 =	vlt.s32 v50, v58  }
0x220: {  	v61 =	vnsel vm11, $0x40000000, v60;
	v62 =	vld [tilespmem:s3+$0x4060];
	v50 =	vsel vm0, v50, v58  }
0x221: {  	vm12 =	veq.f32 v63, $1.000000000e+00;
	v63 =	vadd.s32 s13, v46;
	vm0 =	vlt.s32 v50, v61  }
0x222: {  	v57 =	vld [tilespmem:s3+$0x4070];
	v56 =	vnsel vm12, $0x40000000, v63;
	v50 =	vsel vm0, v50, v61  }
0x223: {  	v58 =	vadd.s32 s13, v47;
	vm13 =	veq.f32 v59, $1.000000000e+00;
	vm0 =	vlt.s32 v50, v56  }
0x224: {  	v59 =	vnsel vm13, $0x40000000, v58;
	v50 =	vsel vm0, v50, v56  }
0x225: {  	v60 =	vadd.s32 s13, v48;
	vm14 =	veq.f32 v62, $1.000000000e+00;
	vm0 =	vlt.s32 v50, v59  }
0x226: {  	v61 =	vnsel vm14, $0x40000000, v60;
	v50 =	vsel vm0, v50, v59  }
0x227: {  	vm15 =	veq.f32 v57, $1.000000000e+00;
	v62 =	vadd.s32 s13, v49;
	vm0 =	vlt.s32 v50, v61  }
0x228: {  	v63 =	vnsel vm15, $0x40000000, v62;
	v50 =	vsel vm0, v50, v61  }
0x229: {  	vm0 =	vlt.s32 v50, v63  }
0x22a: {  	v50 =	vsel vm0, v50, v63  }
0x22b: {  	v50 =	vxor.u32 $0x80000000, v50  }
0x22c: {  	(xrf0) =	vmin.scan.msk.u32 $0xffff, v50;
	_ =	sdelay $0x5  }
0x22d: {  	v50, _, _ =	vpop (xrf0)  }
0x22e: {  	(v2sf) =	vpush v50, $0xF;
	_ =	sdelay $0xe  }
0x22f: {  	s16 =	spop (v2sf)  }
0x230: {  	s17 =	sadd.s32 $0x1, s14;
	s3 =	smov.u32 s31;
	s31 =	sxor.u32 $0x80000000, s16  }
0x231: {  	s13 =	smul.u32 s17, s29;
	p1 =	slt.s32 s3, s31  }
0x232: {  	s31 =	smov.u32 @p1 s3;
	p1 =	sgt.u32 s14, $0x7E  }
0x233: {  	p2 =	sle.s32 @!p1 s13, s31  }
0x234: {  	p1 =	por p1, !p2  }
.Ltmp24:
0x235: {  	_ = 	snop;
	(pc) =	sbr.rel @!p1 .LBB2_19-.Ltmp24, $3  }
0x236: {  	_ =	sdelay $0x1  }
0x237: {  	s12 =	sadd.s32 $0x80, s12;
	s2 =	sadd.s32 $0xFFFFFF80, s2  }
0x238: {  	s10 =	sadd.s32 $0xFFFFFFFF, s10;
	s29 =	sadd.s32 $0x4000, s29;
	s14 =	smov.u32 s17  }
0x239: {  	p1 =	sne.s32 s28, $0x186  }
0x23a: {  	p0 =	por !p0, !p1  }
0x23b: {  	p0 =	por !p0, !p0  }
.Ltmp25:
0x23c: {  	_ = 	snop;
	(pc) =	sbr.rel @p0 .LBB2_24-.Ltmp25, $2  }
0x23d: {  	_ =	sdelay $0x2  }
0x23e: {  	s0 =	simm.s32 $0x2  }
0x23f: {  	s3 =	simm.s32 $0x0  }
0x240: {  	v42 =	vld [tilespmem:s3+$0x4000]  }
0x241: {  	v44 =	vld [tilespmem:s3+$0x4010]  }
0x242: {  	v46 =	vld [tilespmem:s3+$0x4020]  }
0x243: {  	v45 =	vld [tilespmem:s3+$0x4030]  }
0x244: {  	v43 =	vld [tilespmem:s3+$0x4040]  }
0x245: {  	vm0 =	veq.f32 v42, $1.000000000e+00;
	v42 =	vld [tilespmem:s3+$0x4050]  }
0x246: {  	v47 =	vimm.s32 $0x0;
	v48 =	vsel vm0, $0x1, v41;
	vm0 =	veq.f32 v44, $1.000000000e+00;
	v44 =	vld [tilespmem:s3+$0x4060]  }
0x247: {  	s0 =	simm.s32 $0x80;
	s2 =	simm.s32 $0x400;
	v47 =	vadd.s32 v48, v47;
	v48 =	vsel vm0, $0x1, v41;
	vm0 =	veq.f32 v46, $1.000000000e+00;
	v46 =	vld [tilespmem:s3+$0x4070]  }
.LBB2_22:
0x248: {  	p1 =	sne.s32 s2, $0xFE00;
	v49 =	vld [tilespmem:s0+$0x4000];
	v47 =	vadd.s32 v48, v47;
	v48 =	vsel vm0, $0x1, v41;
	vm0 =	veq.f32 v45, $1.000000000e+00  }
0x249: {  	v50 =	vld [tilespmem:s0+$0x4010];
	v45 =	vadd.s32 v48, v47;
	v47 =	vsel vm0, $0x1, v41;
	vm0 =	veq.f32 v43, $1.000000000e+00  }
0x24a: {  	v51 =	vld [tilespmem:s0+$0x4020];
	v43 =	vadd.s32 v47, v45;
	v47 =	vsel vm0, $0x1, v41;
	vm0 =	veq.f32 v42, $1.000000000e+00  }
.Ltmp26:
0x24b: {  	v45 =	vld [tilespmem:s0+$0x4030];
	v42 =	vadd.s32 v47, v43;
	v47 =	vsel vm0, $0x1, v41;
	vm0 =	veq.f32 v44, $1.000000000e+00;
	(pc) =	sbr.rel @p1 .LBB2_22-.Ltmp26, $4  }
0x24c: {  	v43 =	vld [tilespmem:s0+$0x4040];
	v44 =	vadd.s32 v47, v42;
	v47 =	vsel vm0, $0x1, v41;
	vm0 =	veq.f32 v46, $1.000000000e+00  }
0x24d: {  	vm1 =	veq.f32 v49, $1.000000000e+00;
	v42 =	vld [tilespmem:s0+$0x4050];
	v46 =	vadd.s32 v47, v44;
	v47 =	vsel vm0, $0x1, v41  }
0x24e: {  	v48 =	vsel vm1, $0x1, v41;
	vm0 =	veq.f32 v50, $1.000000000e+00;
	v44 =	vld [tilespmem:s0+$0x4060];
	v46 =	vadd.s32 v47, v46  }
0x24f: {  	v47 =	vadd.s32 v48, v46;
	v48 =	vsel vm0, $0x1, v41;
	vm0 =	veq.f32 v51, $1.000000000e+00;
	v46 =	vld [tilespmem:s0+$0x4070];
	s0 =	sshra.s32 s2, $0x2;
	s2 =	sadd.s32 $0x200, s2  }
0x250: {  	v49 =	vld [tilespmem:s0+$0x4000];
	v47 =	vadd.s32 v48, v47;
	v57 =	vsel vm0, $0x1, v41;
	vm4 =	veq.f32 v45, $1.000000000e+00  }
0x251: {  	v58 =	vld [tilespmem:s0+$0x4010];
	v47 =	vadd.s32 v57, v47;
	v59 =	vsel vm4, $0x1, v41;
	vm5 =	veq.f32 v43, $1.000000000e+00  }
0x252: {  	v60 =	vld [tilespmem:s0+$0x4020];
	v47 =	vadd.s32 v59, v47;
	v61 =	vsel vm5, $0x1, v41;
	vm6 =	veq.f32 v42, $1.000000000e+00  }
0x253: {  	v62 =	vld [tilespmem:s0+$0x4030];
	v47 =	vadd.s32 v61, v47;
	v63 =	vsel vm6, $0x1, v41;
	vm7 =	veq.f32 v44, $1.000000000e+00  }
0x254: {  	v52 =	vld [tilespmem:s0+$0x4040];
	v47 =	vadd.s32 v63, v47;
	v53 =	vsel vm7, $0x1, v41;
	vm8 =	veq.f32 v46, $1.000000000e+00  }
0x255: {  	v54 =	vld [tilespmem:s0+$0x4050];
	vm1 =	veq.f32 v49, $1.000000000e+00;
	v47 =	vadd.s32 v53, v47;
	v55 =	vsel vm8, $0x1, v41  }
0x256: {  	v56 =	vld [tilespmem:s0+$0x4060];
	vm9 =	veq.f32 v58, $1.000000000e+00;
	v49 =	vsel vm1, $0x1, v41;
	v47 =	vadd.s32 v55, v47  }
0x257: {  	vm10 =	veq.f32 v60, $1.000000000e+00;
	v58 =	vld [tilespmem:s0+$0x4070];
	v57 =	vsel vm9, $0x1, v41;
	v47 =	vadd.s32 v49, v47  }
0x258: {  	vm11 =	veq.f32 v62, $1.000000000e+00;
	v59 =	vsel vm10, $0x1, v41;
	v47 =	vadd.s32 v57, v47  }
0x259: {  	vm12 =	veq.f32 v52, $1.000000000e+00;
	v61 =	vsel vm11, $0x1, v41;
	v60 =	vadd.s32 v59, v47  }
0x25a: {  	vm13 =	veq.f32 v54, $1.000000000e+00;
	v44 =	vsel vm12, $0x1, v41;
	v42 =	vadd.s32 v61, v60  }
0x25b: {  	vm14 =	veq.f32 v56, $1.000000000e+00;
	v62 =	vsel vm13, $0x1, v41;
	v42 =	vadd.s32 v44, v42  }
0x25c: {  	v63 =	vsel vm14, $0x1, v41;
	vm15 =	veq.f32 v58, $1.000000000e+00;
	v42 =	vadd.s32 v62, v42  }
0x25d: {  	v43 =	vsel vm15, $0x1, v41;
	v42 =	vadd.s32 v63, v42  }
0x25e: {  	v42 =	vadd.s32 v43, v42  }
0x25f: {  	(xrf0) =	vadd.scan.msk.s32 $0xffff, v42;
	_ =	sdelay $0x5  }
0x260: {  	v42, _, _ =	vpop (xrf0)  }
0x261: {  	(v2sf) =	vpush v42, $0xF;
	_ =	sdelay $0xe  }
0x262: {  	s0 =	spop (v2sf)  }
.LBB2_24:
.Ltmp27:
0x263: {  	(pc) =	sbr.rel .LBB2_25-.Ltmp27, $4  }
0x264: {  	p1 =	slt.s32 s31, $0x40000000  }
0x265: {  	p2 =	seq.s32 s0, $0x1;
	s31 =	simm.s32 @!p1 $0x40000000;
	p3 =	por p1, p1  }
0x266: {  	s2 =	sand.u32 $0x3FFF, s31;
	p3 =	por @!p0 p2, p2;
	p2 =	sgt.s32 s0, $0x0  }
0x267: {  	s2 =	simm.s32 @!p3 $0x0;
	p1 =	por @!p0 p2, p2  }
.LBB2_36:
0x268: {  	[tilespmem:$0x14200] =	vst v4  }
0x269: {  	[tilespmem:$0x14210] =	vst v20  }
0x26a: {  	[tilespmem:$0x14220] =	vst v21  }
0x26b: {  	[tilespmem:$0x14230] =	vst v22  }
0x26c: {  	[tilespmem:$0x14240] =	vst v23  }
0x26d: {  	[tilespmem:$0x14250] =	vst v24  }
0x26e: {  	[tilespmem:$0x14260] =	vst v25  }
0x26f: {  	[tilespmem:$0x14270] =	vst v26;
	s0 =	simm.s32 $0x8000;
	s2 =	simm.s32 $0x80;
	s3 =	simm.s32 $0x14200  }
0x270: {  	[tilespmem:s0], [sflag:$0x3] =	stream.indirect.gather [hbm4b:s1+s2], $0x80, s3, s2, $0xb8;
	[tilespmem:$0x14280] =	vst v63  }
0x271: {  	_ =	swait.ge [sflag:s23], $0x4000  }
0x272: {  	[sflag:s23] =	ssyncset.done $0x0  }
0x273: {  	[sflag:s23] =	ssyncadd.s32 $0xFFFFC000  }
0x274: {  	[tilespmem:$0x14200] =	vst v5  }
0x275: {  	[tilespmem:$0x14210] =	vst v6  }
0x276: {  	[tilespmem:$0x14220] =	vst v27  }
0x277: {  	[tilespmem:$0x14230] =	vst v28  }
0x278: {  	[tilespmem:$0x14240] =	vst v29  }
0x279: {  	[tilespmem:$0x14250] =	vst v30  }
0x27a: {  	[tilespmem:$0x14260] =	vst v31  }
0x27b: {  	s29 =	simm.s32 $0xC000;
	[tilespmem:$0x14270] =	vst v32  }
0x27c: {  	[tilespmem:s29], [sflag:$0x4] =	stream.indirect.gather [hbm4b:s1+s2], $0x80, s3, s2, $0xb8;
	[tilespmem:$0x14280] =	vst v63  }
0x27d: {  	_ =	swait.ge [sflag:s24], $0x4000  }
0x27e: {  	s31 =	simm.s32 $0x0;
	[sflag:s24] =	ssyncset.done $0x0  }
0x27f: {  	s0 =	simm.s32 $0x0;
	s2 =	simm.s32 $0x8040;
	[sflag:s24] =	ssyncadd.s32 $0xFFFFC000  }
.LBB2_37:
0x280: {  	v43 =	vld [tilespmem:s2+$0xFFFFFFC0];
	_ =	sdelay $0x1  }
0x281: {  	v44 =	vld [tilespmem:s2+$0xFFFFFFD0];
	_ =	sdelay $0x1  }
0x282: {  	s12 =	sadd.s32 $0x0, s0;
	v45 =	vld [tilespmem:s2+$0xFFFFFFE0]  }
0x283: {  	v54 =	vor.u32 s12, v0;
	vm0 =	veq.f32 v43, $1.000000000e+00  }
0x284: {  	v46 =	vimm.s32 $0x40000000;
	v47 =	vld [tilespmem:s2+$0xFFFFFFF0];
	v43 =	vnsel vm0, $0x40000000, v54  }
0x285: {  	v55 =	vor.u32 s12, v34;
	vm1 =	veq.f32 v44, $1.000000000e+00;
	vm0 =	vlt.s32 v46, v43  }
0x286: {  	v56 =	vld [tilespmem:s2+$0x0];
	v44 =	vnsel vm1, $0x40000000, v55;
	v43 =	vsel vm0, v46, v43  }
0x287: {  	v57 =	vor.u32 s12, v35;
	vm12 =	veq.f32 v45, $1.000000000e+00;
	vm0 =	vlt.s32 v43, v44  }
0x288: {  	v48 =	vld [tilespmem:s2+$0x10];
	v58 =	vnsel vm12, $0x40000000, v57;
	v43 =	vsel vm0, v43, v44  }
0x289: {  	v59 =	vor.u32 s12, v36;
	vm13 =	veq.f32 v47, $1.000000000e+00;
	vm0 =	vlt.s32 v43, v58  }
0x28a: {  	v45 =	vld [tilespmem:s2+$0x20];
	v60 =	vnsel vm13, $0x40000000, v59;
	v43 =	vsel vm0, v43, v58  }
0x28b: {  	v61 =	vor.u32 s12, v37;
	vm14 =	veq.f32 v56, $1.000000000e+00;
	vm0 =	vlt.s32 v43, v60  }
0x28c: {  	v46 =	vnsel vm14, $0x40000000, v61;
	v44 =	vld [tilespmem:s2+$0x30];
	v62 =	vsel vm0, v43, v60  }
0x28d: {  	s10 =	sadd.s32 $0x80, s2;
	v63 =	vor.u32 s12, v38;
	vm15 =	veq.f32 v48, $1.000000000e+00;
	vm0 =	vlt.s32 v62, v46  }
0x28e: {  	s14 =	simm.s32 $0x80;
	s16 =	simm.s32 $0x100;
	v47 =	vnsel vm15, $0x40000000, v63;
	v43 =	vld [tilespmem:s10+$0xFFFFFFC0];
	v46 =	vsel vm0, v62, v46  }
.LBB2_38:
0x28f: {  	p0 =	sne.s32 s16, $0x380;
	vm0 =	vlt.s32 v46, v47;
	vm1 =	veq.f32 v45, $1.000000000e+00;
	v45 =	vor.u32 s12, v39  }
0x290: {  	v48 =	vld [tilespmem:s10+$0xFFFFFFD0];
	v46 =	vsel vm0, v46, v47;
	v45 =	vnsel vm1, $0x40000000, v45  }
0x291: {  	vm0 =	vlt.s32 v46, v45;
	vm1 =	veq.f32 v44, $1.000000000e+00;
	v44 =	vor.u32 s12, v40  }
0x292: {  	s12 =	sadd.s32 s14, s0;
	s14 =	smov.u32 s16;
	v47 =	vld [tilespmem:s10+$0xFFFFFFE0];
	v45 =	vsel vm0, v46, v45;
	v44 =	vnsel vm1, $0x40000000, v44  }
0x293: {  	vm0 =	veq.f32 v43, $1.000000000e+00;
	v43 =	vor.u32 s12, v0;
	vm1 =	vlt.s32 v45, v44  }
0x294: {  	v43 =	vnsel vm0, $0x40000000, v43;
	v46 =	vld [tilespmem:s10+$0xFFFFFFF0];
	v44 =	vsel vm1, v45, v44  }
0x295: {  	v45 =	vor.u32 s12, v34;
	vm0 =	vlt.s32 v44, v43;
	vm1 =	veq.f32 v48, $1.000000000e+00  }
0x296: {  	v43 =	vsel vm0, v44, v43;
	v44 =	vnsel vm1, $0x40000000, v45;
	v48 =	vld [tilespmem:s10+$0x0]  }
0x297: {  	v45 =	vor.u32 s12, v35;
	vm0 =	vlt.s32 v43, v44;
	vm1 =	veq.f32 v47, $1.000000000e+00  }
0x298: {  	v43 =	vsel vm0, v43, v44;
	v44 =	vnsel vm1, $0x40000000, v45;
	v47 =	vld [tilespmem:s10+$0x10]  }
0x299: {  	v45 =	vor.u32 s12, v36;
	vm0 =	vlt.s32 v43, v44;
	vm1 =	veq.f32 v46, $1.000000000e+00  }
.Ltmp28:
0x29a: {  	v43 =	vsel vm0, v43, v44;
	v44 =	vnsel vm1, $0x40000000, v45;
	v45 =	vld [tilespmem:s10+$0x20];
	(pc) =	sbr.rel @p0 .LBB2_38-.Ltmp28, $4  }
0x29b: {  	v46 =	vor.u32 s12, v37;
	vm0 =	vlt.s32 v43, v44;
	vm1 =	veq.f32 v48, $1.000000000e+00  }
0x29c: {  	v48 =	vsel vm0, v43, v44;
	v46 =	vnsel vm1, $0x40000000, v46;
	v44 =	vld [tilespmem:s10+$0x30]  }
0x29d: {  	s10 =	sadd.s32 $0x80, s10;
	vm0 =	vlt.s32 v48, v46;
	vm1 =	veq.f32 v47, $1.000000000e+00;
	v47 =	vor.u32 s12, v38  }
0x29e: {  	s16 =	sadd.s32 $0x80, s16;
	v43 =	vld [tilespmem:s10+$0xFFFFFFC0];
	v46 =	vsel vm0, v48, v46;
	v47 =	vnsel vm1, $0x40000000, v47  }
0x29f: {  	vm0 =	vlt.s32 v46, v47;
	vm1 =	veq.f32 v45, $1.000000000e+00;
	v57 =	vor.u32 s12, v39  }
0x2a0: {  	v48 =	vld [tilespmem:s10+$0xFFFFFFD0];
	v46 =	vsel vm0, v46, v47;
	v45 =	vnsel vm1, $0x40000000, v57  }
0x2a1: {  	v58 =	vor.u32 s12, v40;
	vm0 =	vlt.s32 v46, v45;
	vm7 =	veq.f32 v44, $1.000000000e+00  }
0x2a2: {  	s3 =	sadd.s32 s14, s0;
	v59 =	vld [tilespmem:s10+$0xFFFFFFE0];
	v45 =	vsel vm0, v46, v45;
	v44 =	vnsel vm7, $0x40000000, v58  }
0x2a3: {  	v60 =	vor.u32 s3, v0;
	vm8 =	veq.f32 v43, $1.000000000e+00;
	vm1 =	vlt.s32 v45, v44  }
0x2a4: {  	v61 =	vld [tilespmem:s10+$0xFFFFFFF0];
	v43 =	vnsel vm8, $0x40000000, v60;
	v44 =	vsel vm1, v45, v44  }
0x2a5: {  	v62 =	vor.u32 s3, v34;
	vm9 =	veq.f32 v48, $1.000000000e+00;
	vm0 =	vlt.s32 v44, v43  }
0x2a6: {  	v48 =	vld [tilespmem:s10+$0x0];
	v63 =	vnsel vm9, $0x40000000, v62;
	v43 =	vsel vm0, v44, v43  }
0x2a7: {  	v49 =	vor.u32 s3, v35;
	vm10 =	veq.f32 v59, $1.000000000e+00;
	vm0 =	vlt.s32 v43, v63  }
0x2a8: {  	v51 =	vld [tilespmem:s10+$0x10];
	v50 =	vnsel vm10, $0x40000000, v49;
	v43 =	vsel vm0, v43, v63  }
0x2a9: {  	v52 =	vor.u32 s3, v36;
	vm11 =	veq.f32 v61, $1.000000000e+00;
	vm0 =	vlt.s32 v43, v50  }
0x2aa: {  	v54 =	vld [tilespmem:s10+$0x20];
	v53 =	vnsel vm11, $0x40000000, v52;
	v43 =	vsel vm0, v43, v50  }
0x2ab: {  	v55 =	vor.u32 s3, v37;
	vm12 =	veq.f32 v48, $1.000000000e+00;
	vm0 =	vlt.s32 v43, v53  }
0x2ac: {  	v57 =	vld [tilespmem:s10+$0x30];
	v56 =	vnsel vm12, $0x40000000, v55;
	v43 =	vsel vm0, v43, v53  }
0x2ad: {  	v58 =	vor.u32 s3, v38;
	vm13 =	veq.f32 v51, $1.000000000e+00;
	vm0 =	vlt.s32 v43, v56  }
0x2ae: {  	v59 =	vnsel vm13, $0x40000000, v58;
	v43 =	vsel vm0, v43, v56  }
0x2af: {  	vm14 =	veq.f32 v54, $1.000000000e+00;
	v60 =	vor.u32 s3, v39;
	vm0 =	vlt.s32 v43, v59  }
0x2b0: {  	v61 =	vnsel vm14, $0x40000000, v60;
	v43 =	vsel vm0, v43, v59  }
0x2b1: {  	vm15 =	veq.f32 v57, $1.000000000e+00;
	v62 =	vor.u32 s3, v40;
	vm0 =	vlt.s32 v43, v61  }
0x2b2: {  	v63 =	vnsel vm15, $0x40000000, v62;
	v43 =	vsel vm0, v43, v61  }
0x2b3: {  	vm0 =	vlt.s32 v43, v63  }
0x2b4: {  	v43 =	vsel vm0, v43, v63  }
0x2b5: {  	v43 =	vxor.u32 $0x80000000, v43  }
0x2b6: {  	(xrf0) =	vmin.scan.msk.u32 $0xffff, v43;
	_ =	sdelay $0x5  }
0x2b7: {  	v43, _, _ =	vpop (xrf0)  }
0x2b8: {  	(v2sf) =	vpush v43, $0xF;
	_ =	sdelay $0xe  }
0x2b9: {  	s29 =	spop (v2sf)  }
0x2ba: {  	p0 =	sgt.u32 s31, $0xE;
	s28 =	sxor.u32 $0x80000000, s29  }
0x2bb: {  	p1 =	sgt.s32 @!p0 s28, $0x3FFFFFFF  }
0x2bc: {  	p0 =	por p0, !p1  }
.Ltmp29:
0x2bd: {  	_ = 	snop;
	(pc) =	sbr.rel @!p0 .LBB2_37-.Ltmp29, $2  }
0x2be: {  	_ =	sdelay $0x2  }
0x2bf: {  	s31 =	sadd.s32 $0x1, s31;
	s0 =	sadd.s32 $0x400, s0;
	s2 =	sadd.s32 $0x400, s2  }
0x2c0: {  	p0 =	slt.s32 s28, $0x40000000  }
0x2c1: {  	s28 =	simm.s32 @!p0 $0x40000000  }
0x2c2: {  	s28 =	simm.s32 @!p0 $0x0  }
0x2c3: {  	s0 =	sand.u32 $0x7F, s28  }
0x2c4: {  	v45 =	vmov s0  }
0x2c5: {  	v43 =	vsub.s32 v0, v45;
	v44 =	vsub.s32 v34, v45  }
0x2c6: {  	v46 =	vsub.s32 v35, v45;
	v47 =	vsub.s32 v36, v45;
	v48 =	vsub.s32 v37, v45  }
0x2c7: {  	v49 =	vsub.s32 v38, v45;
	v50 =	vsub.s32 v39, v45;
	v45 =	vsub.s32 v40, v45  }
0x2c8: {  	v43 =	vmul.u32 v43, v43;
	v44 =	vmul.u32 v44, v44;
	v46 =	vmul.u32 v46, v46  }
0x2c9: {  	v47 =	vmul.u32 v47, v47;
	v48 =	vmul.u32 v48, v48;
	v49 =	vmul.u32 v49, v49  }
0x2ca: {  	v50 =	vmul.u32 v50, v50;
	v51 =	vmul.u32 v45, v45;
	v43 =	vshll.u32 v43, $0xE  }
0x2cb: {  	v44 =	vshll.u32 v44, $0xE;
	v46 =	vshll.u32 v46, $0xE;
	v47 =	vshll.u32 v47, $0xE  }
0x2cc: {  	v48 =	vshll.u32 v48, $0xE;
	v61 =	vshll.u32 v49, $0xE;
	v62 =	vshll.u32 v50, $0xE  }
0x2cd: {  	s31 =	simm.s32 $0x40000000;
	s29 =	simm.s32 $0x4000;
	v63 =	vshll.u32 v51, $0xE;
	v43 =	vor.u32 v0, v43;
	v44 =	vor.u32 v34, v44  }
0x2ce: {  	s14 =	simm.s32 $0x0;
	s10 =	simm.s32 $0x0;
	s2 =	sand.u32 $0xFFFFFF80, s28;
	v45 =	vor.u32 v35, v46;
	v46 =	vor.u32 v36, v47;
	v47 =	vor.u32 v37, v48  }
0x2cf: {  	s13 =	simm.s32 $0x0;
	s0 =	sshra.s32 s28, $0x7;
	s12 =	smov.u32 s2;
	v48 =	vor.u32 v38, v61;
	v49 =	vor.u32 v39, v62;
	v50 =	vor.u32 v40, v63  }
.LBB2_41:
0x2d0: {  	s3 =	sadd.s32 s10, s0  }
0x2d1: {  	p2 =	sgt.s32 s3, $0x0  }
0x2d2: {  	p1 =	sgt.s32 s3, $0xFFFFFFFF;
	s3 =	simm.s32 @!p2 $0x0  }
0x2d3: {  	s3 =	sshll.u32 s3, $0x9  }
0x2d4: {  	s3 =	sshra.s32 s3, $0x2  }
0x2d5: {  	v51 =	vld [tilespmem:s3+$0xC000]  }
0x2d6: {  	s15 =	sadd.s32 s13, s2  }
0x2d7: {  	s15 =	simm.s32 @!p1 $0x40000000;
	v52 =	vld [tilespmem:s3+$0xC010]  }
0x2d8: {  	v53 =	vadd.s32 s15, v43;
	v54 =	vld [tilespmem:s3+$0xC020]  }
0x2d9: {  	vm0 =	vlt.s32 v53, $0x40000000  }
0x2da: {  	v61 =	vnsel vm0, $0x40000000, v53;
	v62 =	vld [tilespmem:s3+$0xC030];
	vm1 =	veq.f32 v51, $1.000000000e+00  }
0x2db: {  	v55 =	vadd.s32 s15, v44;
	v51 =	vnsel vm1, $0x40000000, v61  }
0x2dc: {  	v57 =	vadd.s32 s15, v45;
	v63 =	vld [tilespmem:s3+$0xC040];
	vm1 =	vlt.s32 v51, v55  }
0x2dd: {  	vm13 =	veq.f32 v52, $1.000000000e+00;
	vm14 =	veq.f32 v54, $1.000000000e+00;
	v55 =	vsel vm1, v51, v55  }
0x2de: {  	v58 =	vld [tilespmem:s3+$0xC050];
	v54 =	vnsel vm14, $0x40000000, v57;
	v51 =	vsel vm13, v55, v51  }
0x2df: {  	s16 =	sadd.s32 s14, s0;
	v59 =	vadd.s32 s15, v46;
	vm15 =	veq.f32 v62, $1.000000000e+00;
	vm0 =	vlt.s32 v51, v54  }
0x2e0: {  	p2 =	slt.s32 s16, $0x7F;
	v60 =	vld [tilespmem:s3+$0xC060];
	v53 =	vnsel vm15, $0x40000000, v59;
	v51 =	vsel vm0, v51, v54  }
0x2e1: {  	p1 =	slt.s32 s16, $0x80;
	s16 =	simm.s32 @!p2 $0x7F;
	vm4 =	veq.f32 v63, $1.000000000e+00;
	v61 =	vadd.s32 s15, v47;
	vm0 =	vlt.s32 v51, v53  }
0x2e2: {  	s17 =	sshll.u32 s16, $0x9;
	v62 =	vld [tilespmem:s3+$0xC070];
	v52 =	vnsel vm4, $0x40000000, v61;
	v51 =	vsel vm0, v51, v53  }
0x2e3: {  	vm5 =	veq.f32 v58, $1.000000000e+00;
	v63 =	vadd.s32 s15, v48;
	s3 =	sshra.s32 s17, $0x2;
	vm0 =	vlt.s32 v51, v52  }
0x2e4: {  	v57 =	vnsel vm5, $0x40000000, v63;
	v58 =	vld [tilespmem:s3+$0xC000];
	v51 =	vsel vm0, v51, v52  }
0x2e5: {  	vm6 =	veq.f32 v60, $1.000000000e+00;
	v59 =	vadd.s32 s15, v49;
	vm0 =	vlt.s32 v51, v57  }
0x2e6: {  	v60 =	vnsel vm6, $0x40000000, v59;
	v61 =	vld [tilespmem:s3+$0xC010];
	v51 =	vsel vm0, v51, v57  }
0x2e7: {  	s13 =	sadd.s32 s13, s12;
	vm7 =	veq.f32 v62, $1.000000000e+00;
	v62 =	vadd.s32 s15, v50;
	vm0 =	vlt.s32 v51, v60  }
0x2e8: {  	s13 =	simm.s32 @!p1 $0x40000000;
	v63 =	vnsel vm7, $0x40000000, v62;
	v57 =	vld [tilespmem:s3+$0xC020];
	v51 =	vsel vm0, v51, v60  }
0x2e9: {  	vm8 =	veq.f32 v58, $1.000000000e+00;
	v58 =	vadd.s32 s13, v43;
	vm0 =	vlt.s32 v51, v63  }
0x2ea: {  	v59 =	vnsel vm8, $0x40000000, v58;
	v60 =	vld [tilespmem:s3+$0xC030];
	v51 =	vsel vm0, v51, v63  }
0x2eb: {  	vm9 =	veq.f32 v61, $1.000000000e+00;
	v61 =	vadd.s32 s13, v44;
	vm0 =	vlt.s32 v51, v59  }
0x2ec: {  	v62 =	vnsel vm9, $0x40000000, v61;
	v63 =	vld [tilespmem:s3+$0xC040];
	v51 =	vsel vm0, v51, v59  }
0x2ed: {  	v56 =	vadd.s32 s13, v45;
	vm10 =	veq.f32 v57, $1.000000000e+00;
	vm0 =	vlt.s32 v51, v62  }
0x2ee: {  	v58 =	vld [tilespmem:s3+$0xC050];
	v57 =	vnsel vm10, $0x40000000, v56;
	v51 =	vsel vm0, v51, v62  }
0x2ef: {  	v59 =	vadd.s32 s13, v46;
	vm11 =	veq.f32 v60, $1.000000000e+00;
	vm0 =	vlt.s32 v51, v57  }
0x2f0: {  	v61 =	vld [tilespmem:s3+$0xC060];
	v60 =	vnsel vm11, $0x40000000, v59;
	v51 =	vsel vm0, v51, v57  }
0x2f1: {  	v62 =	vadd.s32 s13, v47;
	vm12 =	veq.f32 v63, $1.000000000e+00;
	vm0 =	vlt.s32 v51, v60  }
0x2f2: {  	v63 =	vnsel vm12, $0x40000000, v62;
	v57 =	vld [tilespmem:s3+$0xC070];
	v51 =	vsel vm0, v51, v60  }
0x2f3: {  	vm13 =	veq.f32 v58, $1.000000000e+00;
	v58 =	vadd.s32 s13, v48;
	vm0 =	vlt.s32 v51, v63  }
0x2f4: {  	v59 =	vnsel vm13, $0x40000000, v58;
	v51 =	vsel vm0, v51, v63  }
0x2f5: {  	vm14 =	veq.f32 v61, $1.000000000e+00;
	v60 =	vadd.s32 s13, v49;
	vm0 =	vlt.s32 v51, v59  }
0x2f6: {  	v61 =	vnsel vm14, $0x40000000, v60;
	v51 =	vsel vm0, v51, v59  }
0x2f7: {  	v62 =	vadd.s32 s13, v50;
	vm15 =	veq.f32 v57, $1.000000000e+00;
	vm0 =	vlt.s32 v51, v61  }
0x2f8: {  	v63 =	vnsel vm15, $0x40000000, v62;
	v51 =	vsel vm0, v51, v61  }
0x2f9: {  	vm0 =	vlt.s32 v51, v63  }
0x2fa: {  	v51 =	vsel vm0, v51, v63  }
0x2fb: {  	v51 =	vxor.u32 $0x80000000, v51  }
0x2fc: {  	(xrf0) =	vmin.scan.msk.u32 $0xffff, v51;
	_ =	sdelay $0x5  }
0x2fd: {  	v51, _, _ =	vpop (xrf0)  }
0x2fe: {  	(v2sf) =	vpush v51, $0xF;
	_ =	sdelay $0xe  }
0x2ff: {  	s16 =	spop (v2sf)  }
0x300: {  	s17 =	sadd.s32 $0x1, s14;
	s3 =	smov.u32 s31;
	s31 =	sxor.u32 $0x80000000, s16  }
0x301: {  	s13 =	smul.u32 s17, s29;
	p1 =	slt.s32 s3, s31  }
0x302: {  	s31 =	smov.u32 @p1 s3;
	p1 =	sgt.u32 s14, $0x7E  }
0x303: {  	p2 =	sle.s32 @!p1 s13, s31  }
0x304: {  	p1 =	por p1, !p2  }
.Ltmp30:
0x305: {  	_ = 	snop;
	(pc) =	sbr.rel @!p1 .LBB2_41-.Ltmp30, $3  }
0x306: {  	_ =	sdelay $0x1  }
0x307: {  	s12 =	sadd.s32 $0x80, s12;
	s2 =	sadd.s32 $0xFFFFFF80, s2  }
0x308: {  	s10 =	sadd.s32 $0xFFFFFFFF, s10;
	s29 =	sadd.s32 $0x4000, s29;
	s14 =	smov.u32 s17  }
0x309: {  	p1 =	sne.s32 s28, $0x186  }
0x30a: {  	p0 =	por !p0, !p1  }
0x30b: {  	p0 =	por !p0, !p0  }
.Ltmp31:
0x30c: {  	_ = 	snop;
	(pc) =	sbr.rel @p0 .LBB2_46-.Ltmp31, $2  }
0x30d: {  	_ =	sdelay $0x2  }
0x30e: {  	s0 =	simm.s32 $0x2  }
0x30f: {  	s3 =	simm.s32 $0x0  }
0x310: {  	v43 =	vld [tilespmem:s3+$0xC000]  }
0x311: {  	v45 =	vld [tilespmem:s3+$0xC010]  }
0x312: {  	v47 =	vld [tilespmem:s3+$0xC020]  }
0x313: {  	v46 =	vld [tilespmem:s3+$0xC030]  }
0x314: {  	v44 =	vld [tilespmem:s3+$0xC040]  }
0x315: {  	vm0 =	veq.f32 v43, $1.000000000e+00;
	v43 =	vld [tilespmem:s3+$0xC050]  }
0x316: {  	v48 =	vimm.s32 $0x0;
	v49 =	vsel vm0, $0x1, v41;
	vm0 =	veq.f32 v45, $1.000000000e+00;
	v45 =	vld [tilespmem:s3+$0xC060]  }
0x317: {  	s0 =	simm.s32 $0x80;
	s2 =	simm.s32 $0x400;
	v48 =	vadd.s32 v49, v48;
	v49 =	vsel vm0, $0x1, v41;
	vm0 =	veq.f32 v47, $1.000000000e+00;
	v47 =	vld [tilespmem:s3+$0xC070]  }
.LBB2_44:
0x318: {  	p1 =	sne.s32 s2, $0xFE00;
	v50 =	vld [tilespmem:s0+$0xC000];
	v48 =	vadd.s32 v49, v48;
	v49 =	vsel vm0, $0x1, v41;
	vm0 =	veq.f32 v46, $1.000000000e+00  }
0x319: {  	v51 =	vld [tilespmem:s0+$0xC010];
	v46 =	vadd.s32 v49, v48;
	v48 =	vsel vm0, $0x1, v41;
	vm0 =	veq.f32 v44, $1.000000000e+00  }
0x31a: {  	v52 =	vld [tilespmem:s0+$0xC020];
	v44 =	vadd.s32 v48, v46;
	v48 =	vsel vm0, $0x1, v41;
	vm0 =	veq.f32 v43, $1.000000000e+00  }
.Ltmp32:
0x31b: {  	v46 =	vld [tilespmem:s0+$0xC030];
	v43 =	vadd.s32 v48, v44;
	v48 =	vsel vm0, $0x1, v41;
	vm0 =	veq.f32 v45, $1.000000000e+00;
	(pc) =	sbr.rel @p1 .LBB2_44-.Ltmp32, $4  }
0x31c: {  	v44 =	vld [tilespmem:s0+$0xC040];
	v45 =	vadd.s32 v48, v43;
	v48 =	vsel vm0, $0x1, v41;
	vm0 =	veq.f32 v47, $1.000000000e+00  }
0x31d: {  	vm1 =	veq.f32 v50, $1.000000000e+00;
	v43 =	vld [tilespmem:s0+$0xC050];
	v47 =	vadd.s32 v48, v45;
	v48 =	vsel vm0, $0x1, v41  }
0x31e: {  	v49 =	vsel vm1, $0x1, v41;
	vm0 =	veq.f32 v51, $1.000000000e+00;
	v45 =	vld [tilespmem:s0+$0xC060];
	v47 =	vadd.s32 v48, v47  }
0x31f: {  	v48 =	vadd.s32 v49, v47;
	v49 =	vsel vm0, $0x1, v41;
	vm0 =	veq.f32 v52, $1.000000000e+00;
	v47 =	vld [tilespmem:s0+$0xC070];
	s0 =	sshra.s32 s2, $0x2;
	s2 =	sadd.s32 $0x200, s2  }
0x320: {  	v50 =	vld [tilespmem:s0+$0xC000];
	v48 =	vadd.s32 v49, v48;
	v57 =	vsel vm0, $0x1, v41;
	vm4 =	veq.f32 v46, $1.000000000e+00  }
0x321: {  	v58 =	vld [tilespmem:s0+$0xC010];
	v48 =	vadd.s32 v57, v48;
	v59 =	vsel vm4, $0x1, v41;
	vm5 =	veq.f32 v44, $1.000000000e+00  }
0x322: {  	v60 =	vld [tilespmem:s0+$0xC020];
	v48 =	vadd.s32 v59, v48;
	v61 =	vsel vm5, $0x1, v41;
	vm6 =	veq.f32 v43, $1.000000000e+00  }
0x323: {  	v62 =	vld [tilespmem:s0+$0xC030];
	v48 =	vadd.s32 v61, v48;
	v63 =	vsel vm6, $0x1, v41;
	vm7 =	veq.f32 v45, $1.000000000e+00  }
0x324: {  	v52 =	vld [tilespmem:s0+$0xC040];
	v48 =	vadd.s32 v63, v48;
	v53 =	vsel vm7, $0x1, v41;
	vm8 =	veq.f32 v47, $1.000000000e+00  }
0x325: {  	v54 =	vld [tilespmem:s0+$0xC050];
	vm1 =	veq.f32 v50, $1.000000000e+00;
	v48 =	vadd.s32 v53, v48;
	v55 =	vsel vm8, $0x1, v41  }
0x326: {  	v56 =	vld [tilespmem:s0+$0xC060];
	vm9 =	veq.f32 v58, $1.000000000e+00;
	v50 =	vsel vm1, $0x1, v41;
	v48 =	vadd.s32 v55, v48  }
0x327: {  	vm10 =	veq.f32 v60, $1.000000000e+00;
	v58 =	vld [tilespmem:s0+$0xC070];
	v57 =	vsel vm9, $0x1, v41;
	v48 =	vadd.s32 v50, v48  }
0x328: {  	vm11 =	veq.f32 v62, $1.000000000e+00;
	v59 =	vsel vm10, $0x1, v41;
	v48 =	vadd.s32 v57, v48  }
0x329: {  	vm12 =	veq.f32 v52, $1.000000000e+00;
	v61 =	vsel vm11, $0x1, v41;
	v60 =	vadd.s32 v59, v48  }
0x32a: {  	vm13 =	veq.f32 v54, $1.000000000e+00;
	v45 =	vsel vm12, $0x1, v41;
	v43 =	vadd.s32 v61, v60  }
0x32b: {  	vm14 =	veq.f32 v56, $1.000000000e+00;
	v62 =	vsel vm13, $0x1, v41;
	v43 =	vadd.s32 v45, v43  }
0x32c: {  	v63 =	vsel vm14, $0x1, v41;
	vm15 =	veq.f32 v58, $1.000000000e+00;
	v43 =	vadd.s32 v62, v43  }
0x32d: {  	v44 =	vsel vm15, $0x1, v41;
	v43 =	vadd.s32 v63, v43  }
0x32e: {  	v43 =	vadd.s32 v44, v43  }
0x32f: {  	(xrf0) =	vadd.scan.msk.s32 $0xffff, v43;
	_ =	sdelay $0x5  }
0x330: {  	v43, _, _ =	vpop (xrf0)  }
0x331: {  	(v2sf) =	vpush v43, $0xF;
	_ =	sdelay $0xa  }
.Ltmp33:
0x332: {  	_ = 	snop;
	(pc) =	sbr.rel .LBB2_46-.Ltmp33, $2  }
0x333: {  	_ =	sdelay $0x2  }
0x334: {  	s0 =	spop (v2sf)  }
.LBB2_48:
0x335: {  	_ =	sfence.sel $0x180000  }
0x336: {  	[bflag:$0x0] =	sbarrier.arrive $0xFFFF  }
0x337: {  	_ =	strace $0x90000047  }
0x338: {  	s0 =	stileid.u32;
	[bflag:$0x2] =	sbarrier.arrive $0xFFFF  }
0x339: {  	p0 =	sne.s32 s0, $0x0;
	s0 =	rddreg [dreg:$0x3]  }
0x33a: {  	s0 =	sadd.s32 @!p0 $0x100000, s0  }
0x33b: {  	[sflag:s0] =	ssyncadd.tile.s32 @!p0 $0x1;
	_ =	shalt  }
.Lfunc_end2:
_tile_overlayer_lowered:
.L_overlay_start_2:
0x33c: {  	(tag) =	ssettag $0x2  }
0x33d: {  	s0 =	rddreg [dreg:$0x0];
	s2 =	stileid.u32  }
0x33e: {  	s1 =	rddreg [dreg:$0x1];
	p0 =	sne.s32 s2, $0x0  }
0x33f: {  	s3 =	rddreg [dreg:$0x2];
	[bflag:$0x3] =	sbarrier.arrive $0xFFFF;
	s2 =	simm.s32 @!p0 $0x1C08  }
0x340: {  	[timem:s3], [sflag:s2] =	dma.local @!p0 [hbm:s0], s1  }
0x341: {  	s0 =	simm.s32 @!p0 $0x8  }
0x342: {  	_ =	swait.ge @!p0 [sflag:s0], s1  }
0x343: {  	s1 =	ssub.s32 @!p0 $0x0, s1;
	[sflag:s0] =	ssyncset.done @!p0 $0x0  }
0x344: {  	[sflag:s0] =	ssyncadd.s32 @!p0 s1  }
0x345: {  	[bflag:$0x3] =	sbarrier.arrive $0xFFFF  }
0x346: {  	_ =	shalt  }

</sc_bundles>
